<compile_context>
chip_gen: v7x
topology: tpu7x:2x2x1
jax: 0.10.2.dev20260603
libtpu: 0.0.44.dev20260713+nightly
codegen_flags: <defaults>
</compile_context>

<pallas_src>
import functools

import jax
import jax.numpy as jnp
from jax import lax
from jax.experimental import pallas as pl
from jax.experimental.pallas import tpu as pltpu
from jax.experimental.pallas import tpu_sc as plsc

N = 10000
E = 320000
HID = 32
NEG = 0.2
NP = 10240
NV = 320
NWK = 32
EMAX = 16512
NCH_MAX = EMAX // 128



def _tc_first(x_ref, w0_ref, b0_ref, w1_ref, al_ref, ar_ref,
              hw_o, s_o, t_o, af_o):
    h = jnp.dot(x_ref[...], w0_ref[...]) + b0_ref[...]
    hw = jnp.dot(h, w1_ref[...])
    s = jnp.dot(hw, al_ref[...])
    t = jnp.dot(hw, ar_ref[...])
    ss = jnp.sum(hw * hw, axis=1, keepdims=True)
    af = (s + t) * jax.nn.sigmoid(ss)
    af = jnp.where(af >= 0, af, NEG * af)
    hw_o[...] = hw
    s_o[...] = s
    t_o[...] = t
    af_o[...] = af


def _tc_mid(acc_ref, den_ref, bp_ref, w_ref, al_ref, ar_ref,
            hw_o, s_o, t_o, af_o):
    h = acc_ref[...] / (den_ref[...] + 1e-16) + bp_ref[...]
    h = jnp.maximum(h, 0.0)
    hw = jnp.dot(h, w_ref[...])
    s = jnp.dot(hw, al_ref[...])
    t = jnp.dot(hw, ar_ref[...])
    ss = jnp.sum(hw * hw, axis=1, keepdims=True)
    af = (s + t) * jax.nn.sigmoid(ss)
    af = jnp.where(af >= 0, af, NEG * af)
    hw_o[...] = hw
    s_o[...] = s
    t_o[...] = t
    af_o[...] = af


def _tc_out(acc_ref, den_ref, bp_ref, w16_ref, b16_ref, o_ref):
    h = acc_ref[...] / (den_ref[...] + 1e-16) + bp_ref[...]
    h = jnp.maximum(h, 0.0)
    o_ref[...] = jnp.dot(h, w16_ref[...]) + b16_ref[...]


_DENSE_OUT = (
    jax.ShapeDtypeStruct((NP, HID), jnp.float32),
    jax.ShapeDtypeStruct((NP, 1), jnp.float32),
    jax.ShapeDtypeStruct((NP, 1), jnp.float32),
    jax.ShapeDtypeStruct((NP, 1), jnp.float32),
)

_tc_first_call = pl.pallas_call(_tc_first, out_shape=_DENSE_OUT)
_tc_mid_call = pl.pallas_call(_tc_mid, out_shape=_DENSE_OUT)
_tc_out_call = pl.pallas_call(
    _tc_out, out_shape=jax.ShapeDtypeStruct((NP, 128), jnp.float32))



def _sc_edge(hw, s, t, af, srcp, dstp, offs, acc_o, den_o,
             hloc, sloc, tloc, aloc, olc, srcbuf, dstbuf, abuf,
             ebtab, dgtab, mtab, dentab, acctab, gidx, rowsA, rowsB,
             semA, semB):
    cid = lax.axis_index("c")
    sid = lax.axis_index("s")
    wid = sid * 2 + cid
    v0 = pl.multiple_of(wid * NV, NV)
    iota = lax.iota(jnp.int32, 16)

    pltpu.sync_copy(offs.at[pl.ds(v0, 344)], olc.at[pl.ds(0, 344)])
    pltpu.sync_copy(hw.at[pl.ds(v0, NV)], hloc.at[pl.ds(0, NV)])
    pltpu.sync_copy(s, sloc)
    pltpu.sync_copy(t.at[pl.ds(v0, NV)], tloc.at[pl.ds(0, NV)])
    pltpu.sync_copy(af.at[pl.ds(v0, NV)], aloc.at[pl.ds(0, NV)])

    e0 = jnp.min(olc[pl.ds(0, 16)])
    e1 = jnp.min(olc[pl.ds(NV, 16)])
    e0a = pl.multiple_of((e0 // 128) * 128, 128)
    nch = jnp.minimum((e1 - e0a + 127) // 128, NCH_MAX)

    pltpu.sync_copy(srcp.at[pl.ds(e0a, EMAX)], srcbuf)
    pltpu.sync_copy(dstp.at[pl.ds(e0a, EMAX)], dstbuf)

    @pl.when(nch > 0)
    def _():
        pltpu.async_copy(hw.at[srcbuf.at[pl.ds(0, 128)]], rowsA.at[0],
                         semA.at[0])

    def pa_body(i, carry):
        ring = lax.rem(i, 2)
        pltpu.make_async_copy(hw.at[srcbuf.at[pl.ds(i * 128, 128)]],
                              rowsA.at[ring], semA.at[ring]).wait()

        @pl.when(i + 1 < nch)
        def _():
            rn = lax.rem(i + 1, 2)
            pltpu.async_copy(hw.at[srcbuf.at[pl.ds((i + 1) * 128, 128)]],
                             rowsA.at[rn], semA.at[rn])

        ringv = jnp.full((16,), ring, jnp.int32)

        def pg(g, c2):
            base = i * 128 + g * 16
            srcv = srcbuf[pl.ds(base, 16)]
            dstv = dstbuf[pl.ds(base, 16)]
            ev = e0a + base + iota
            valid = (ev >= e0) & (ev < e1)
            dl = jnp.where(valid, dstv - v0, NV)
            sv = plsc.load_gather(sloc, [srcv])
            tv = plsc.load_gather(tloc, [dl])
            rowv = g * 16 + iota

            def pc(c, lg):
                cv = jnp.full((16,), c, jnp.int32)
                xj = plsc.load_gather(rowsA, [ringv, rowv, cv])
                xi = plsc.load_gather(hloc, [dl, cv])
                return lg + xj * xi

            logit = lax.fori_loop(0, HID, pc, jnp.zeros((16,), jnp.float32))
            sig = 1.0 / (1.0 + jnp.exp(-logit))
            a = (sv + tv) * sig
            a = jnp.where(a >= 0, a, NEG * a)
            a = jnp.where(valid, a, -1e30)
            abuf[pl.ds(base, 16)] = a
            return c2

        lax.fori_loop(0, 8, pg, 0)
        return carry

    lax.fori_loop(0, nch, pa_body, 0)

    def tb(j, km):
        ol = olc[pl.ds(j * 16, 16)]
        oh = olc[pl.ds(j * 16 + 1, 16)]
        dg = oh - ol
        ebtab[pl.ds(j * 16, 16)] = ol - e0a
        dgtab[pl.ds(j * 16, 16)] = dg
        mtab[pl.ds(j * 16, 16)] = aloc[pl.ds(j * 16, 16)]
        return jnp.maximum(km, dg)

    km = lax.fori_loop(0, 20, tb, jnp.zeros((16,), jnp.int32))
    kmax = jnp.minimum(jnp.max(km), EMAX)

    def m_body(k, carry):
        def mj(j, c2):
            eb = ebtab[pl.ds(j * 16, 16)]
            dg = dgtab[pl.ds(j * 16, 16)]
            msk = k < dg
            ei = jnp.minimum(jnp.where(msk, eb + k, EMAX - 1), EMAX - 1)
            av = plsc.load_gather(abuf, [ei])
            mv = mtab[pl.ds(j * 16, 16)]
            mtab[pl.ds(j * 16, 16)] = jnp.maximum(
                mv, jnp.where(msk, av, -1e30))
            return c2
        return lax.fori_loop(0, 20, mj, carry)

    lax.fori_loop(0, kmax, m_body, 0)

    def init_j(j, carry):
        a0 = jnp.exp(aloc[pl.ds(j * 16, 16)] - mtab[pl.ds(j * 16, 16)])
        dentab[pl.ds(j * 16, 16)] = a0
        rowv = j * 16 + iota

        def ic(c, c2):
            cv = jnp.full((16,), c, jnp.int32)
            xi = plsc.load_gather(hloc, [rowv, cv])
            plsc.store_scatter(acctab, [rowv, cv], a0 * xi)
            return c2

        lax.fori_loop(0, HID, ic, 0)
        return carry

    lax.fori_loop(0, 20, init_j, 0)

    def build(k, ring):
        def bj(j, c2):
            eb = ebtab[pl.ds(j * 16, 16)]
            dg = dgtab[pl.ds(j * 16, 16)]
            msk = k < dg
            ei = jnp.minimum(jnp.where(msk, eb + k, EMAX - 1), EMAX - 1)
            srcv = plsc.load_gather(srcbuf, [ei])
            gidx[pl.ds(ring * NV + j * 16, 16)] = jnp.where(msk, srcv, 0)
            return c2
        lax.fori_loop(0, 20, bj, 0)

    def issue(ring):
        for sub in range(4):
            pltpu.async_copy(
                hw.at[gidx.at[pl.ds(ring * NV + sub * 80, 80)]],
                rowsB.at[ring, pl.ds(sub * 80, 80)], semB.at[ring])

    def waitb(ring):
        for sub in range(4):
            pltpu.make_async_copy(
                hw.at[gidx.at[pl.ds(ring * NV + sub * 80, 80)]],
                rowsB.at[ring, pl.ds(sub * 80, 80)], semB.at[ring]).wait()

    @pl.when(kmax > 0)
    def _():
        build(0, 0)
        issue(0)

    def pb_body(k, carry):
        ring = lax.rem(k, 2)
        waitb(ring)

        @pl.when(k + 1 < kmax)
        def _():
            rn = lax.rem(k + 1, 2)
            build(k + 1, rn)
            issue(rn)

        ringv = jnp.full((16,), ring, jnp.int32)

        def cj(j, c2):
            eb = ebtab[pl.ds(j * 16, 16)]
            dg = dgtab[pl.ds(j * 16, 16)]
            msk = k < dg
            ei = jnp.minimum(jnp.where(msk, eb + k, EMAX - 1), EMAX - 1)
            av = plsc.load_gather(abuf, [ei])
            mv = mtab[pl.ds(j * 16, 16)]
            a = jnp.where(msk, jnp.exp(av - mv), 0.0)
            dentab[pl.ds(j * 16, 16)] = dentab[pl.ds(j * 16, 16)] + a
            rowv = j * 16 + iota

            def cc(c, c3):
                cv = jnp.full((16,), c, jnp.int32)
                xj = plsc.load_gather(rowsB, [ringv, rowv, cv])
                accv = plsc.load_gather(acctab, [rowv, cv])
                plsc.store_scatter(acctab, [rowv, cv], accv + a * xj)
                return c3

            lax.fori_loop(0, HID, cc, 0)
            return c2

        lax.fori_loop(0, 20, cj, 0)
        return carry

    lax.fori_loop(0, kmax, pb_body, 0)

    pltpu.sync_copy(acctab, acc_o.at[pl.ds(v0, NV)])
    pltpu.sync_copy(dentab.at[pl.ds(0, NV)], den_o.at[pl.ds(v0, NV)])


_sc_edge_call = pl.kernel(
    _sc_edge,
    out_type=(
        jax.ShapeDtypeStruct((NP, HID), jnp.float32),
        jax.ShapeDtypeStruct((NP,), jnp.float32),
    ),
    mesh=plsc.VectorSubcoreMesh(
        core_axis_name="c", subcore_axis_name="s",
        num_cores=2, num_subcores=16),
    compiler_params=pltpu.CompilerParams(
        needs_layout_passes=False, use_tc_tiling_on_sc=False),
    scratch_types=[
        pltpu.VMEM((NV + 8, HID), jnp.float32),
        pltpu.VMEM((NP,), jnp.float32),
        pltpu.VMEM((NV + 16, ), jnp.float32),
        pltpu.VMEM((NV + 16, ), jnp.float32),
        pltpu.VMEM((352,), jnp.int32),
        pltpu.VMEM((EMAX,), jnp.int32),
        pltpu.VMEM((EMAX,), jnp.int32),
        pltpu.VMEM((EMAX,), jnp.float32),
        pltpu.VMEM((336,), jnp.int32),
        pltpu.VMEM((336,), jnp.int32),
        pltpu.VMEM((336,), jnp.float32),
        pltpu.VMEM((336,), jnp.float32),
        pltpu.VMEM((NV, HID), jnp.float32),
        pltpu.VMEM((2 * NV,), jnp.int32),
        pltpu.VMEM((2, 128, HID), jnp.float32),
        pltpu.VMEM((2, NV, HID), jnp.float32),
        pltpu.SemaphoreType.DMA((2,)),
        pltpu.SemaphoreType.DMA((2,)),
    ],
)



def kernel(x, edge_index, params):
    src0 = edge_index[0]
    dst0 = edge_index[1]
    keep = src0 != dst0
    dsts = jnp.where(keep, dst0, N)
    dst_s, src_s = lax.sort([dsts, src0], num_keys=1)
    offs = jnp.searchsorted(
        dst_s, jnp.arange(NP + 24, dtype=jnp.int32)).astype(jnp.int32)
    zpad = jnp.zeros((EMAX,), jnp.int32)
    srcp = jnp.concatenate([src_s, zpad])
    dstp = jnp.concatenate([dst_s, zpad])

    x_pad = jnp.pad(x, ((0, NP - N), (0, 0)))
    b0 = params['b0'].reshape(1, HID)
    b16 = params['b16'].reshape(1, 128)

    hw, s, t, af = _tc_first_call(
        x_pad, params['W0'], b0, params['W1'],
        params['al1'].reshape(HID, 1), params['ar1'].reshape(HID, 1))
    acc, den = _sc_edge_call(
        hw, s.reshape(NP), t.reshape(NP), af.reshape(NP), srcp, dstp, offs)

    ws = jnp.stack([params['W%d' % i] for i in range(2, 16)])
    als = jnp.stack([params['al%d' % i].reshape(HID, 1)
                     for i in range(2, 16)])
    ars = jnp.stack([params['ar%d' % i].reshape(HID, 1)
                     for i in range(2, 16)])
    bps = jnp.stack([params['b%d' % i].reshape(1, HID)
                     for i in range(1, 15)])

    def step(carry, ps):
        acc_c, den_c = carry
        w, al, ar, bp = ps
        hw_c, s_c, t_c, af_c = _tc_mid_call(
            acc_c, den_c.reshape(NP, 1), bp, w, al, ar)
        acc_n, den_n = _sc_edge_call(
            hw_c, s_c.reshape(NP), t_c.reshape(NP), af_c.reshape(NP),
            srcp, dstp, offs)
        return (acc_n, den_n), None

    (acc, den), _ = lax.scan(step, (acc, den), (ws, als, ars, bps))

    out = _tc_out_call(acc, den.reshape(NP, 1),
                       params['b15'].reshape(1, HID),
                       params['W16'], b16)
    return out[:N]

# --- scband reference (transcript-rebuilt; emitter-appended) ---
"""Pipeline reference for scband-sgat16-3496103379554 (READ-ONLY COPY).

The authoritative reference and input builder live on the scoring server;
editing this copy changes nothing except your own understanding.
"""

import jax, jax.numpy as jnp
import numpy as np

N = 10000
E = 320000
D_IN = 128
HID = 32
D_OUT = 128
NEG = 0.2

def glorot(key, shape):
    fan_in, fan_out = shape[0], shape[-1]
    lim = np.sqrt(6.0 / (fan_in + fan_out))
    return jax.random.uniform(key, shape, minval=-lim, maxval=lim, dtype=jnp.float32)

def setup_inputs(seed: int = 0):
    key = jax.random.key(seed)
    kx, ke, kp = jax.random.split(key, 3)
    x = jax.random.normal(kx, (N, D_IN), dtype=jnp.float32)
    edge_index = jax.random.randint(ke, (2, E), 0, N, dtype=jnp.int32)
    params = {}
    k = kp
    k, s = jax.random.split(k); params['W0'] = glorot(s, (D_IN, HID))
    params['b0'] = jnp.zeros((HID,), jnp.float32)
    for i in range(1, 16):
        k, s1 = jax.random.split(k); params['W%d' % i] = glorot(s1, (HID, HID))
        k, s2 = jax.random.split(k); params['al%d' % i] = glorot(s2, (1, HID))[0]
        k, s3 = jax.random.split(k); params['ar%d' % i] = glorot(s3, (1, HID))[0]
        params['b%d' % i] = jnp.zeros((HID,), jnp.float32)
    k, s = jax.random.split(k); params['W16'] = glorot(s, (HID, D_OUT))
    params['b16'] = jnp.zeros((D_OUT,), jnp.float32)
    return {'x': x, 'edge_index': edge_index, 'params': params}

def segment_softmax(alpha, dst, num_nodes):
    amax = jax.ops.segment_max(alpha, dst, num_segments=num_nodes)
    amax = jnp.where(jnp.isfinite(amax), amax, 0.0)
    a = jnp.exp(alpha - amax[dst])
    denom = jax.ops.segment_sum(a, dst, num_segments=num_nodes)
    return a / (denom[dst] + 1e-16)

def supergat_layer(h_in, W, al, ar, b, src, dst, num_nodes):
    # SuperGATConv, heads=1, attention_type='MX', eval mode (no aux sampling)
    h = h_in @ W
    xj = h[src]
    xi = h[dst]
    logits = jnp.sum(xi * xj, axis=-1)
    alpha = jnp.sum(xj * al, axis=-1) + jnp.sum(xi * ar, axis=-1)
    alpha = alpha * jax.nn.sigmoid(logits)
    alpha = jax.nn.leaky_relu(alpha, NEG)
    alpha = segment_softmax(alpha, dst, num_nodes)
    out = jax.ops.segment_sum(xj * alpha[:, None], dst, num_segments=num_nodes)
    return out + b

def forward(x, params, src, dst):
    h = x @ params['W0'] + params['b0']
    for i in range(1, 16):
        h = supergat_layer(h, params['W%d' % i], params['al%d' % i], params['ar%d' % i], params['b%d' % i], src, dst, x.shape[0])
        h = jax.nn.relu(h)
    return h @ params['W16'] + params['b16']

def reference(x, edge_index, params):
    # remove existing self loops, then add self loops (PyG SuperGATConv default)
    src0 = edge_index[0]
    dst0 = edge_index[1]
    keep = src0 != dst0
    dst0 = jnp.where(keep, dst0, N)
    loop = jnp.arange(N, dtype=edge_index.dtype)
    src = jnp.concatenate([src0, loop])
    dst = jnp.concatenate([dst0, loop])
    return forward(x, params, src, dst)

if __name__ == "__main__":
    import jax
    _d = setup_inputs()
    print(jax.jit(kernel)(*tuple(_d.values())))

</pallas_src>

<mosaic_0001>
#map = affine_map<(d0, d1) -> (0, 0)>
#map1 = affine_map<(d0, d1) -> (0)>
module attributes {stable_mosaic.version = 14 : i64} {
  func.func @_sc_edge(%arg0: i32, %arg1: i32, %arg2: memref<10240x32xf32, #tpu.memory_space<hbm>>, %arg3: memref<10240xf32, #tpu.memory_space<hbm>>, %arg4: memref<10240xf32, #tpu.memory_space<hbm>>, %arg5: memref<10240xf32, #tpu.memory_space<hbm>>, %arg6: memref<336512xi32, #tpu.memory_space<hbm>>, %arg7: memref<336512xi32, #tpu.memory_space<hbm>>, %arg8: memref<10264xi32, #tpu.memory_space<hbm>>, %arg9: memref<10240x32xf32, #tpu.memory_space<hbm>>, %arg10: memref<10240xf32, #tpu.memory_space<hbm>>, %arg11: memref<328x32xf32, #tpu.memory_space<vmem>>, %arg12: memref<10240xf32, #tpu.memory_space<vmem>>, %arg13: memref<336xf32, #tpu.memory_space<vmem>>, %arg14: memref<336xf32, #tpu.memory_space<vmem>>, %arg15: memref<352xi32, #tpu.memory_space<vmem>>, %arg16: memref<16512xi32, #tpu.memory_space<vmem>>, %arg17: memref<16512xi32, #tpu.memory_space<vmem>>, %arg18: memref<16512xf32, #tpu.memory_space<vmem>>, %arg19: memref<336xi32, #tpu.memory_space<vmem>>, %arg20: memref<336xi32, #tpu.memory_space<vmem>>, %arg21: memref<336xf32, #tpu.memory_space<vmem>>, %arg22: memref<336xf32, #tpu.memory_space<vmem>>, %arg23: memref<320x32xf32, #tpu.memory_space<vmem>>, %arg24: memref<640xi32, #tpu.memory_space<vmem>>, %arg25: memref<2x128x32xf32, #tpu.memory_space<vmem>>, %arg26: memref<2x320x32xf32, #tpu.memory_space<vmem>>, %arg27: memref<2x!tpu.dma_semaphore, #tpu.memory_space<semaphore_mem>>, %arg28: memref<2x!tpu.dma_semaphore, #tpu.memory_space<semaphore_mem>>) attributes {dimension_semantics = [#tpu.dimension_semantics<core_parallel>, #tpu.dimension_semantics<subcore_parallel>], iteration_bounds = array<i64: 2, 16>, scalar_prefetch = 0 : i64, scratch_operands = 18 : i64, tpu.core_type = #tpu.core_type<sc_vector_subcore>, window_params = [{transform_indices = #map}, {transform_indices = #map1}, {transform_indices = #map1}, {transform_indices = #map1}, {transform_indices = #map1}, {transform_indices = #map1}, {transform_indices = #map1}, {transform_indices = #map}, {transform_indices = #map1}]} {
    %mul3A = arith.constant 2 : i32
    %mul3A_0 = arith.muli %arg1, %mul3A : i32
    %add3A = arith.addi %mul3A_0, %arg0 : i32
    %mul3A_1 = arith.constant 320 : i32
    %mul3A_2 = arith.muli %add3A, %mul3A_1 : i32
    %multiple_of3A = tpu.assume_multiple %mul3A_2, 320 : i32
    %iota3A = tpu.iota {dimensions = array<i32: 0>} : vector<16xi32>
    "tpu.region"() ({
      %run_scoped3A = tpu.sem_alloc : memref<!tpu.dma_semaphore, #tpu.memory_space<semaphore_mem>>
      %dma_start3A = arith.constant 0 : i32
      %dma_start3A_125 = tpu.memref_slice %arg15[%dma_start3A] : memref<352xi32, #tpu.memory_space<vmem>> -> memref<344xi32, #tpu.memory_space<vmem>>
      %dma_start3A_126 = tpu.memref_slice %arg8[%multiple_of3A] : memref<10264xi32, #tpu.memory_space<hbm>> -> memref<344xi32, #tpu.memory_space<hbm>>
      %dma_start3A_127 = arith.constant 0 : i32
      %dma_start3A_128 = tpu.memref_slice %arg15[%dma_start3A_127] : memref<352xi32, #tpu.memory_space<vmem>> -> memref<344xi32, #tpu.memory_space<vmem>>
      %dma_start3A_129 = tpu.memref_slice %arg8[%multiple_of3A] : memref<10264xi32, #tpu.memory_space<hbm>> -> memref<344xi32, #tpu.memory_space<hbm>>
      tpu.enqueue_dma source(%dma_start3A_129 : memref<344xi32, #tpu.memory_space<hbm>>) target(%dma_start3A_128 : memref<344xi32, #tpu.memory_space<vmem>>) target_semaphore(%run_scoped3A : memref<!tpu.dma_semaphore, #tpu.memory_space<semaphore_mem>>)
      %dma_wait3A = arith.constant 0 : i32
      %dma_wait3A_130 = tpu.memref_slice %arg15[%dma_wait3A] : memref<352xi32, #tpu.memory_space<vmem>> -> memref<344xi32, #tpu.memory_space<vmem>>
      %dma_wait3A_131 = tpu.memref_slice %arg8[%multiple_of3A] : memref<10264xi32, #tpu.memory_space<hbm>> -> memref<344xi32, #tpu.memory_space<hbm>>
      %dma_wait3A_132 = arith.constant 0 : i32
      %dma_wait3A_133 = tpu.memref_slice %arg15[%dma_wait3A_132] : memref<352xi32, #tpu.memory_space<vmem>> -> memref<344xi32, #tpu.memory_space<vmem>>
      %dma_wait3A_134 = tpu.memref_slice %arg8[%multiple_of3A] : memref<10264xi32, #tpu.memory_space<hbm>> -> memref<344xi32, #tpu.memory_space<hbm>>
      tpu.wait_dma2 semaphore(%run_scoped3A : memref<!tpu.dma_semaphore, #tpu.memory_space<semaphore_mem>>) src(%dma_wait3A_134 : memref<344xi32, #tpu.memory_space<hbm>>) dst(%dma_wait3A_133 : memref<344xi32, #tpu.memory_space<vmem>>)
      tpu.yield
    }) : () -> ()
    "tpu.region"() ({
      %run_scoped3A = tpu.sem_alloc : memref<!tpu.dma_semaphore, #tpu.memory_space<semaphore_mem>>
      %dma_start3A = arith.constant 0 : i32
      %dma_start3A_125 = arith.constant 0 : i32
      %dma_start3A_126 = tpu.memref_slice %arg11[%dma_start3A, %dma_start3A_125] : memref<328x32xf32, #tpu.memory_space<vmem>> -> memref<320x32xf32, #tpu.memory_space<vmem>>
      %dma_start3A_127 = arith.constant 0 : i32
      %dma_start3A_128 = tpu.memref_slice %arg2[%multiple_of3A, %dma_start3A_127] : memref<10240x32xf32, #tpu.memory_space<hbm>> -> memref<320x32xf32, #tpu.memory_space<hbm>>
      %dma_start3A_129 = arith.constant 0 : i32
      %dma_start3A_130 = arith.constant 0 : i32
      %dma_start3A_131 = tpu.memref_slice %arg11[%dma_start3A_129, %dma_start3A_130] : memref<328x32xf32, #tpu.memory_space<vmem>> -> memref<320x32xf32, #tpu.memory_space<vmem>>
      %dma_start3A_132 = arith.constant 0 : i32
      %dma_start3A_133 = tpu.memref_slice %arg2[%multiple_of3A, %dma_start3A_132] : memref<10240x32xf32, #tpu.memory_space<hbm>> -> memref<320x32xf32, #tpu.memory_space<hbm>>
      tpu.enqueue_dma source(%dma_start3A_133 : memref<320x32xf32, #tpu.memory_space<hbm>>) target(%dma_start3A_131 : memref<320x32xf32, #tpu.memory_space<vmem>>) target_semaphore(%run_scoped3A : memref<!tpu.dma_semaphore, #tpu.memory_space<semaphore_mem>>)
      %dma_wait3A = arith.constant 0 : i32
      %dma_wait3A_134 = arith.constant 0 : i32
      %dma_wait3A_135 = tpu.memref_slice %arg11[%dma_wait3A, %dma_wait3A_134] : memref<328x32xf32, #tpu.memory_space<vmem>> -> memref<320x32xf32, #tpu.memory_space<vmem>>
      %dma_wait3A_136 = arith.constant 0 : i32
      %dma_wait3A_137 = tpu.memref_slice %arg2[%multiple_of3A, %dma_wait3A_136] : memref<10240x32xf32, #tpu.memory_space<hbm>> -> memref<320x32xf32, #tpu.memory_space<hbm>>
      %dma_wait3A_138 = arith.constant 0 : i32
      %dma_wait3A_139 = arith.constant 0 : i32
      %dma_wait3A_140 = tpu.memref_slice %arg11[%dma_wait3A_138, %dma_wait3A_139] : memref<328x32xf32, #tpu.memory_space<vmem>> -> memref<320x32xf32, #tpu.memory_space<vmem>>
      %dma_wait3A_141 = arith.constant 0 : i32
      %dma_wait3A_142 = tpu.memref_slice %arg2[%multiple_of3A, %dma_wait3A_141] : memref<10240x32xf32, #tpu.memory_space<hbm>> -> memref<320x32xf32, #tpu.memory_space<hbm>>
      tpu.wait_dma2 semaphore(%run_scoped3A : memref<!tpu.dma_semaphore, #tpu.memory_space<semaphore_mem>>) src(%dma_wait3A_142 : memref<320x32xf32, #tpu.memory_space<hbm>>) dst(%dma_wait3A_140 : memref<320x32xf32, #tpu.memory_space<vmem>>)
      tpu.yield
    }) : () -> ()
    "tpu.region"() ({
      %run_scoped3A = tpu.sem_alloc : memref<!tpu.dma_semaphore, #tpu.memory_space<semaphore_mem>>
      tpu.enqueue_dma source(%arg3 : memref<10240xf32, #tpu.memory_space<hbm>>) target(%arg12 : memref<10240xf32, #tpu.memory_space<vmem>>) target_semaphore(%run_scoped3A : memref<!tpu.dma_semaphore, #tpu.memory_space<semaphore_mem>>)
      tpu.wait_dma2 semaphore(%run_scoped3A : memref<!tpu.dma_semaphore, #tpu.memory_space<semaphore_mem>>) src(%arg3 : memref<10240xf32, #tpu.memory_space<hbm>>) dst(%arg12 : memref<10240xf32, #tpu.memory_space<vmem>>)
      tpu.yield
    }) : () -> ()
    "tpu.region"() ({
      %run_scoped3A = tpu.sem_alloc : memref<!tpu.dma_semaphore, #tpu.memory_space<semaphore_mem>>
      %dma_start3A = arith.constant 0 : i32
      %dma_start3A_125 = tpu.memref_slice %arg13[%dma_start3A] : memref<336xf32, #tpu.memory_space<vmem>> -> memref<320xf32, #tpu.memory_space<vmem>>
      %dma_start3A_126 = tpu.memref_slice %arg4[%multiple_of3A] : memref<10240xf32, #tpu.memory_space<hbm>> -> memref<320xf32, #tpu.memory_space<hbm>>
      %dma_start3A_127 = arith.constant 0 : i32
      %dma_start3A_128 = tpu.memref_slice %arg13[%dma_start3A_127] : memref<336xf32, #tpu.memory_space<vmem>> -> memref<320xf32, #tpu.memory_space<vmem>>
      %dma_start3A_129 = tpu.memref_slice %arg4[%multiple_of3A] : memref<10240xf32, #tpu.memory_space<hbm>> -> memref<320xf32, #tpu.memory_space<hbm>>
      tpu.enqueue_dma source(%dma_start3A_129 : memref<320xf32, #tpu.memory_space<hbm>>) target(%dma_start3A_128 : memref<320xf32, #tpu.memory_space<vmem>>) target_semaphore(%run_scoped3A : memref<!tpu.dma_semaphore, #tpu.memory_space<semaphore_mem>>)
      %dma_wait3A = arith.constant 0 : i32
      %dma_wait3A_130 = tpu.memref_slice %arg13[%dma_wait3A] : memref<336xf32, #tpu.memory_space<vmem>> -> memref<320xf32, #tpu.memory_space<vmem>>
      %dma_wait3A_131 = tpu.memref_slice %arg4[%multiple_of3A] : memref<10240xf32, #tpu.memory_space<hbm>> -> memref<320xf32, #tpu.memory_space<hbm>>
      %dma_wait3A_132 = arith.constant 0 : i32
      %dma_wait3A_133 = tpu.memref_slice %arg13[%dma_wait3A_132] : memref<336xf32, #tpu.memory_space<vmem>> -> memref<320xf32, #tpu.memory_space<vmem>>
      %dma_wait3A_134 = tpu.memref_slice %arg4[%multiple_of3A] : memref<10240xf32, #tpu.memory_space<hbm>> -> memref<320xf32, #tpu.memory_space<hbm>>
      tpu.wait_dma2 semaphore(%run_scoped3A : memref<!tpu.dma_semaphore, #tpu.memory_space<semaphore_mem>>) src(%dma_wait3A_134 : memref<320xf32, #tpu.memory_space<hbm>>) dst(%dma_wait3A_133 : memref<320xf32, #tpu.memory_space<vmem>>)
      tpu.yield
    }) : () -> ()
    "tpu.region"() ({
      %run_scoped3A = tpu.sem_alloc : memref<!tpu.dma_semaphore, #tpu.memory_space<semaphore_mem>>
      %dma_start3A = arith.constant 0 : i32
      %dma_start3A_125 = tpu.memref_slice %arg14[%dma_start3A] : memref<336xf32, #tpu.memory_space<vmem>> -> memref<320xf32, #tpu.memory_space<vmem>>
      %dma_start3A_126 = tpu.memref_slice %arg5[%multiple_of3A] : memref<10240xf32, #tpu.memory_space<hbm>> -> memref<320xf32, #tpu.memory_space<hbm>>
      %dma_start3A_127 = arith.constant 0 : i32
      %dma_start3A_128 = tpu.memref_slice %arg14[%dma_start3A_127] : memref<336xf32, #tpu.memory_space<vmem>> -> memref<320xf32, #tpu.memory_space<vmem>>
      %dma_start3A_129 = tpu.memref_slice %arg5[%multiple_of3A] : memref<10240xf32, #tpu.memory_space<hbm>> -> memref<320xf32, #tpu.memory_space<hbm>>
      tpu.enqueue_dma source(%dma_start3A_129 : memref<320xf32, #tpu.memory_space<hbm>>) target(%dma_start3A_128 : memref<320xf32, #tpu.memory_space<vmem>>) target_semaphore(%run_scoped3A : memref<!tpu.dma_semaphore, #tpu.memory_space<semaphore_mem>>)
      %dma_wait3A = arith.constant 0 : i32
      %dma_wait3A_130 = tpu.memref_slice %arg14[%dma_wait3A] : memref<336xf32, #tpu.memory_space<vmem>> -> memref<320xf32, #tpu.memory_space<vmem>>
      %dma_wait3A_131 = tpu.memref_slice %arg5[%multiple_of3A] : memref<10240xf32, #tpu.memory_space<hbm>> -> memref<320xf32, #tpu.memory_space<hbm>>
      %dma_wait3A_132 = arith.constant 0 : i32
      %dma_wait3A_133 = tpu.memref_slice %arg14[%dma_wait3A_132] : memref<336xf32, #tpu.memory_space<vmem>> -> memref<320xf32, #tpu.memory_space<vmem>>
      %dma_wait3A_134 = tpu.memref_slice %arg5[%multiple_of3A] : memref<10240xf32, #tpu.memory_space<hbm>> -> memref<320xf32, #tpu.memory_space<hbm>>
      tpu.wait_dma2 semaphore(%run_scoped3A : memref<!tpu.dma_semaphore, #tpu.memory_space<semaphore_mem>>) src(%dma_wait3A_134 : memref<320xf32, #tpu.memory_space<hbm>>) dst(%dma_wait3A_133 : memref<320xf32, #tpu.memory_space<vmem>>)
      tpu.yield
    }) : () -> ()
    %get3A = arith.constant 0 : index
    %get3A_3 = tpu.vector_load %arg15[%get3A] {strides = array<i32>} : memref<352xi32, #tpu.memory_space<vmem>>, vector<16xi32>,
    %reduce_min3A = arith.constant true
    %reduce_min3A_4 = vector.broadcast %reduce_min3A : i1 to vector<16xi1>
    %reduce_min3A_5 = arith.constant -2147483648 : i32
    %reduce_min3A_6 = vector.broadcast %reduce_min3A_5 : i32 to vector<16xi32>
    %reduce_min3A_7 = arith.xori %get3A_3, %reduce_min3A_6 : vector<16xi32>
    %reduce_min3A_8 = tpu.scan <min>, %reduce_min3A_7 masked %reduce_min3A_4 : vector<16xi32>, vector<16xi1> -> vector<16xi32>
    %reduce_min3A_9 = arith.xori %reduce_min3A_8, %reduce_min3A_6 : vector<16xi32>
    %reduce_min3A_10 = vector.extract %reduce_min3A_9[15] : i32 from vector<16xi32>
    %get3A_11 = arith.constant 320 : index
    %get3A_12 = tpu.vector_load %arg15[%get3A_11] {strides = array<i32>} : memref<352xi32, #tpu.memory_space<vmem>>, vector<16xi32>,
    %reduce_min3A_13 = arith.constant true
    %reduce_min3A_14 = vector.broadcast %reduce_min3A_13 : i1 to vector<16xi1>
    %reduce_min3A_15 = arith.constant -2147483648 : i32
    %reduce_min3A_16 = vector.broadcast %reduce_min3A_15 : i32 to vector<16xi32>
    %reduce_min3A_17 = arith.xori %get3A_12, %reduce_min3A_16 : vector<16xi32>
    %reduce_min3A_18 = tpu.scan <min>, %reduce_min3A_17 masked %reduce_min3A_14 : vector<16xi32>, vector<16xi1> -> vector<16xi32>
    %reduce_min3A_19 = arith.xori %reduce_min3A_18, %reduce_min3A_16 : vector<16xi32>
    %reduce_min3A_20 = vector.extract %reduce_min3A_19[15] : i32 from vector<16xi32>
    %jit3A = arith.constant 128 : i32
    %div3A = arith.divsi %reduce_min3A_10, %jit3A : i32
    %sign3A = arith.constant 0 : i32
    %sign3A_21 = arith.cmpi sgt, %reduce_min3A_10, %sign3A : i32
    %sign3A_22 = arith.extui %sign3A_21 : i1 to i32
    %sign3A_23 = arith.constant 0 : i32
    %sign3A_24 = arith.cmpi slt, %reduce_min3A_10, %sign3A_23 : i32
    %sign3A_25 = arith.extui %sign3A_24 : i1 to i32
    %sign3A_26 = arith.subi %sign3A_22, %sign3A_25 : i32
    %sign3A_27 = arith.constant 0 : i32
    %sign3A_28 = arith.cmpi sgt, %jit3A, %sign3A_27 : i32
    %sign3A_29 = arith.extui %sign3A_28 : i1 to i32
    %sign3A_30 = arith.constant 0 : i32
    %sign3A_31 = arith.cmpi slt, %jit3A, %sign3A_30 : i32
    %sign3A_32 = arith.extui %sign3A_31 : i1 to i32
    %sign3A_33 = arith.subi %sign3A_29, %sign3A_32 : i32
    %ne3A = arith.cmpi ne, %sign3A_26, %sign3A_33 : i32
    %rem3A = arith.remsi %reduce_min3A_10, %jit3A : i32
    %ne3A_34 = arith.constant 0 : i32
    %ne3A_35 = arith.cmpi ne, %rem3A, %ne3A_34 : i32
    %and3A = arith.andi %ne3A, %ne3A_35 : i1
    %sub3A = arith.constant 1 : i32
    %sub3A_36 = arith.subi %div3A, %sub3A : i32
    %select_n3A = arith.select %and3A, %sub3A_36, %div3A : i32
    %mul3A_37 = arith.constant 128 : i32
    %mul3A_38 = arith.muli %select_n3A, %mul3A_37 : i32
    %multiple_of3A_39 = tpu.assume_multiple %mul3A_38, 128 : i32
    %sub3A_40 = arith.subi %reduce_min3A_20, %multiple_of3A_39 : i32
    %add3A_41 = arith.constant 127 : i32
    %add3A_42 = arith.addi %sub3A_40, %add3A_41 : i32
    %jit3A_43 = arith.constant 128 : i32
    %div3A_44 = arith.divsi %add3A_42, %jit3A_43 : i32
    %sign3A_45 = arith.constant 0 : i32
    %sign3A_46 = arith.cmpi sgt, %add3A_42, %sign3A_45 : i32
    %sign3A_47 = arith.extui %sign3A_46 : i1 to i32
    %sign3A_48 = arith.constant 0 : i32
    %sign3A_49 = arith.cmpi slt, %add3A_42, %sign3A_48 : i32
    %sign3A_50 = arith.extui %sign3A_49 : i1 to i32
    %sign3A_51 = arith.subi %sign3A_47, %sign3A_50 : i32
    %sign3A_52 = arith.constant 0 : i32
    %sign3A_53 = arith.cmpi sgt, %jit3A_43, %sign3A_52 : i32
    %sign3A_54 = arith.extui %sign3A_53 : i1 to i32
    %sign3A_55 = arith.constant 0 : i32
    %sign3A_56 = arith.cmpi slt, %jit3A_43, %sign3A_55 : i32
    %sign3A_57 = arith.extui %sign3A_56 : i1 to i32
    %sign3A_58 = arith.subi %sign3A_54, %sign3A_57 : i32
    %ne3A_59 = arith.cmpi ne, %sign3A_51, %sign3A_58 : i32
    %rem3A_60 = arith.remsi %add3A_42, %jit3A_43 : i32
    %ne3A_61 = arith.constant 0 : i32
    %ne3A_62 = arith.cmpi ne, %rem3A_60, %ne3A_61 : i32
    %and3A_63 = arith.andi %ne3A_59, %ne3A_62 : i1
    %sub3A_64 = arith.constant 1 : i32
    %sub3A_65 = arith.subi %div3A_44, %sub3A_64 : i32
    %select_n3A_66 = arith.select %and3A_63, %sub3A_65, %div3A_44 : i32
    %min3A = arith.constant 129 : i32
    %min3A_67 = arith.minsi %select_n3A_66, %min3A : i32
    "tpu.region"() ({
      %run_scoped3A = tpu.sem_alloc : memref<!tpu.dma_semaphore, #tpu.memory_space<semaphore_mem>>
      %dma_start3A = tpu.memref_slice %arg6[%multiple_of3A_39] : memref<336512xi32, #tpu.memory_space<hbm>> -> memref<16512xi32, #tpu.memory_space<hbm>>
      %dma_start3A_125 = tpu.memref_slice %arg6[%multiple_of3A_39] : memref<336512xi32, #tpu.memory_space<hbm>> -> memref<16512xi32, #tpu.memory_space<hbm>>
      tpu.enqueue_dma source(%dma_start3A_125 : memref<16512xi32, #tpu.memory_space<hbm>>) target(%arg16 : memref<16512xi32, #tpu.memory_space<vmem>>) target_semaphore(%run_scoped3A : memref<!tpu.dma_semaphore, #tpu.memory_space<semaphore_mem>>)
      %dma_wait3A = tpu.memref_slice %arg6[%multiple_of3A_39] : memref<336512xi32, #tpu.memory_space<hbm>> -> memref<16512xi32, #tpu.memory_space<hbm>>
      %dma_wait3A_126 = tpu.memref_slice %arg6[%multiple_of3A_39] : memref<336512xi32, #tpu.memory_space<hbm>> -> memref<16512xi32, #tpu.memory_space<hbm>>
      tpu.wait_dma2 semaphore(%run_scoped3A : memref<!tpu.dma_semaphore, #tpu.memory_space<semaphore_mem>>) src(%dma_wait3A_126 : memref<16512xi32, #tpu.memory_space<hbm>>) dst(%arg16 : memref<16512xi32, #tpu.memory_space<vmem>>)
      tpu.yield
    }) : () -> ()
    "tpu.region"() ({
      %run_scoped3A = tpu.sem_alloc : memref<!tpu.dma_semaphore, #tpu.memory_space<semaphore_mem>>
      %dma_start3A = tpu.memref_slice %arg7[%multiple_of3A_39] : memref<336512xi32, #tpu.memory_space<hbm>> -> memref<16512xi32, #tpu.memory_space<hbm>>
      %dma_start3A_125 = tpu.memref_slice %arg7[%multiple_of3A_39] : memref<336512xi32, #tpu.memory_space<hbm>> -> memref<16512xi32, #tpu.memory_space<hbm>>
      tpu.enqueue_dma source(%dma_start3A_125 : memref<16512xi32, #tpu.memory_space<hbm>>) target(%arg17 : memref<16512xi32, #tpu.memory_space<vmem>>) target_semaphore(%run_scoped3A : memref<!tpu.dma_semaphore, #tpu.memory_space<semaphore_mem>>)
      %dma_wait3A = tpu.memref_slice %arg7[%multiple_of3A_39] : memref<336512xi32, #tpu.memory_space<hbm>> -> memref<16512xi32, #tpu.memory_space<hbm>>
      %dma_wait3A_126 = tpu.memref_slice %arg7[%multiple_of3A_39] : memref<336512xi32, #tpu.memory_space<hbm>> -> memref<16512xi32, #tpu.memory_space<hbm>>
      tpu.wait_dma2 semaphore(%run_scoped3A : memref<!tpu.dma_semaphore, #tpu.memory_space<semaphore_mem>>) src(%dma_wait3A_126 : memref<16512xi32, #tpu.memory_space<hbm>>) dst(%arg17 : memref<16512xi32, #tpu.memory_space<vmem>>)
      tpu.yield
    }) : () -> ()
    %gt3A = arith.constant 0 : i32
    %gt3A_68 = arith.cmpi sgt, %min3A_67, %gt3A : i32
    %convert_element_type3A = arith.extui %gt3A_68 : i1 to i32
    %cond3A = arith.constant 0 : i32
    %cond3A_69 = arith.cmpi ne, %convert_element_type3A, %cond3A : i32
    scf.if %cond3A_69 {
      %dma_start3A = arith.constant 0 : i32
      %dma_start3A_125 = arith.constant 0 : i32
      %dma_start3A_126 = arith.constant 0 : i32
      %dma_start3A_127 = arith.constant 0 : i32
      %dma_start3A_128 = tpu.memref_slice %arg25[%dma_start3A, %dma_start3A_126, %dma_start3A_127] : memref<2x128x32xf32, #tpu.memory_space<vmem>> -> memref<1x128x32xf32, #tpu.memory_space<vmem>>
      %dma_start3A_129 = tpu.memref_squeeze %dma_start3A_128 : memref<1x128x32xf32, #tpu.memory_space<vmem>> -> memref<128x32xf32, #tpu.memory_space<vmem>>
      %dma_start3A_130 = arith.constant 0 : i32
      %dma_start3A_131 = tpu.memref_slice %arg16[%dma_start3A_130] : memref<16512xi32, #tpu.memory_space<vmem>> -> memref<128xi32, #tpu.memory_space<vmem>>
      %dma_start3A_132 = arith.constant 0 : i32
      %dma_start3A_133 = arith.constant 0 : i32
      %dma_start3A_134 = tpu.memref_slice %arg2[%dma_start3A_132, %dma_start3A_133] : memref<10240x32xf32, #tpu.memory_space<hbm>> -> memref<10240x32xf32, #tpu.memory_space<hbm>>
      %dma_start3A_135 = tpu.memref_slice %arg27[%dma_start3A_125] : memref<2x!tpu.dma_semaphore, #tpu.memory_space<semaphore_mem>> -> memref<1x!tpu.dma_semaphore, #tpu.memory_space<semaphore_mem>>
      %dma_start3A_136 = tpu.memref_squeeze %dma_start3A_135 : memref<1x!tpu.dma_semaphore, #tpu.memory_space<semaphore_mem>> -> memref<!tpu.dma_semaphore, #tpu.memory_space<semaphore_mem>>
      tpu.enqueue_indirect_dma source(%dma_start3A_134 : memref<10240x32xf32, #tpu.memory_space<hbm>>) target(%dma_start3A_129 : memref<128x32xf32, #tpu.memory_space<vmem>>) offsets(%dma_start3A_131 : memref<128xi32, #tpu.memory_space<vmem>>) semaphore(%dma_start3A_136 : memref<!tpu.dma_semaphore, #tpu.memory_space<semaphore_mem>>)
    } else {
    }
    %while3A = arith.constant 0 : i32
    %while3A_70 = arith.constant 0 : i32
    %while3A_71 = arith.subi %min3A_67, %while3A_70 : i32
    %while3A_72 = arith.addi %while3A_70, %while3A_71 : i32
    %while3A_73 = arith.constant 1 : i32
    %while3A_74 = arith.divsi %while3A_71, %while3A_73 : i32
    %while3A_75 = arith.muli %while3A_74, %while3A_73 : i32
    %while3A_76 = arith.addi %while3A_70, %while3A_75 : i32
    %while3A_77 = arith.constant 1 : i32
    scf.for %while3A_125 = %while3A_70 to %while3A_76 step %while3A_77  : i32 {
      %rem3A_126 = arith.constant 2 : i32
      %rem3A_127 = arith.remsi %while3A_125, %rem3A_126 : i32
      %mul3A_128 = arith.constant 128 : i32
      %mul3A_129 = arith.muli %while3A_125, %mul3A_128 : i32
      %dma_wait3A = arith.constant 0 : i32
      %dma_wait3A_130 = arith.constant 0 : i32
      %dma_wait3A_131 = tpu.memref_slice %arg25[%rem3A_127, %dma_wait3A, %dma_wait3A_130] : memref<2x128x32xf32, #tpu.memory_space<vmem>> -> memref<1x128x32xf32, #tpu.memory_space<vmem>>
      %dma_wait3A_132 = tpu.memref_squeeze %dma_wait3A_131 : memref<1x128x32xf32, #tpu.memory_space<vmem>> -> memref<128x32xf32, #tpu.memory_space<vmem>>
      %dma_wait3A_133 = tpu.memref_slice %arg16[%mul3A_129] : memref<16512xi32, #tpu.memory_space<vmem>> -> memref<128xi32, #tpu.memory_space<vmem>>
      %dma_wait3A_134 = arith.constant 0 : i32
      %dma_wait3A_135 = arith.constant 0 : i32
      %dma_wait3A_136 = tpu.memref_slice %arg2[%dma_wait3A_134, %dma_wait3A_135] : memref<10240x32xf32, #tpu.memory_space<hbm>> -> memref<10240x32xf32, #tpu.memory_space<hbm>>
      %dma_wait3A_137 = tpu.memref_slice %arg27[%rem3A_127] : memref<2x!tpu.dma_semaphore, #tpu.memory_space<semaphore_mem>> -> memref<1x!tpu.dma_semaphore, #tpu.memory_space<semaphore_mem>>
      %dma_wait3A_138 = tpu.memref_squeeze %dma_wait3A_137 : memref<1x!tpu.dma_semaphore, #tpu.memory_space<semaphore_mem>> -> memref<!tpu.dma_semaphore, #tpu.memory_space<semaphore_mem>>
      tpu.wait_indirect_dma semaphore(%dma_wait3A_138 : memref<!tpu.dma_semaphore, #tpu.memory_space<semaphore_mem>>) src(%dma_wait3A_136 : memref<10240x32xf32, #tpu.memory_space<hbm>>) dst(%dma_wait3A_132 : memref<128x32xf32, #tpu.memory_space<vmem>>)
      %add3A_139 = arith.constant 1 : i32
      %add3A_140 = arith.addi %while3A_125, %add3A_139 : i32
      %lt3A = arith.cmpi slt, %add3A_140, %min3A_67 : i32
      %convert_element_type3A_141 = arith.extui %lt3A : i1 to i32
      %cond3A_142 = arith.constant 0 : i32
      %cond3A_143 = arith.cmpi ne, %convert_element_type3A_141, %cond3A_142 : i32
      scf.if %cond3A_143 {
        %add3A_151 = arith.constant 1 : i32
        %add3A_152 = arith.addi %while3A_125, %add3A_151 : i32
        %rem3A_153 = arith.constant 2 : i32
        %rem3A_154 = arith.remsi %add3A_152, %rem3A_153 : i32
        %add3A_155 = arith.constant 1 : i32
        %add3A_156 = arith.addi %while3A_125, %add3A_155 : i32
        %mul3A_157 = arith.constant 128 : i32
        %mul3A_158 = arith.muli %add3A_156, %mul3A_157 : i32
        %dma_start3A = arith.constant 0 : i32
        %dma_start3A_159 = arith.constant 0 : i32
        %dma_start3A_160 = tpu.memref_slice %arg25[%rem3A_154, %dma_start3A, %dma_start3A_159] : memref<2x128x32xf32, #tpu.memory_space<vmem>> -> memref<1x128x32xf32, #tpu.memory_space<vmem>>
        %dma_start3A_161 = tpu.memref_squeeze %dma_start3A_160 : memref<1x128x32xf32, #tpu.memory_space<vmem>> -> memref<128x32xf32, #tpu.memory_space<vmem>>
        %dma_start3A_162 = tpu.memref_slice %arg16[%mul3A_158] : memref<16512xi32, #tpu.memory_space<vmem>> -> memref<128xi32, #tpu.memory_space<vmem>>
        %dma_start3A_163 = arith.constant 0 : i32
        %dma_start3A_164 = arith.constant 0 : i32
        %dma_start3A_165 = tpu.memref_slice %arg2[%dma_start3A_163, %dma_start3A_164] : memref<10240x32xf32, #tpu.memory_space<hbm>> -> memref<10240x32xf32, #tpu.memory_space<hbm>>
        %dma_start3A_166 = tpu.memref_slice %arg27[%rem3A_154] : memref<2x!tpu.dma_semaphore, #tpu.memory_space<semaphore_mem>> -> memref<1x!tpu.dma_semaphore, #tpu.memory_space<semaphore_mem>>
        %dma_start3A_167 = tpu.memref_squeeze %dma_start3A_166 : memref<1x!tpu.dma_semaphore, #tpu.memory_space<semaphore_mem>> -> memref<!tpu.dma_semaphore, #tpu.memory_space<semaphore_mem>>
        tpu.enqueue_indirect_dma source(%dma_start3A_165 : memref<10240x32xf32, #tpu.memory_space<hbm>>) target(%dma_start3A_161 : memref<128x32xf32, #tpu.memory_space<vmem>>) offsets(%dma_start3A_162 : memref<128xi32, #tpu.memory_space<vmem>>) semaphore(%dma_start3A_167 : memref<!tpu.dma_semaphore, #tpu.memory_space<semaphore_mem>>)
      } else {
      }
      %broadcast_in_dim3A_144 = vector.broadcast %rem3A_127 : i32 to vector<16xi32>
      %scan3A_145 = arith.constant 0 : i32
      %scan3A_146 = arith.constant 0 : i32
      %scan3A_147 = arith.constant 8 : i32
      %scan3A_148 = arith.addi %scan3A_146, %scan3A_147 : i32
      %scan3A_149 = arith.constant 1 : i32
      scf.for %scan3A_151 = %scan3A_146 to %scan3A_148 step %scan3A_149  : i32 {
        %mul3A_152 = arith.constant 128 : i32
        %mul3A_153 = arith.muli %while3A_125, %mul3A_152 : i32
        %mul3A_154 = arith.constant 16 : i32
        %mul3A_155 = arith.muli %scan3A_151, %mul3A_154 : i32
        %add3A_156 = arith.addi %mul3A_153, %mul3A_155 : i32
        %get3A_157 = arith.index_cast %add3A_156 : i32 to index
        %get3A_158 = tpu.vector_load %arg16[%get3A_157] {strides = array<i32>} : memref<16512xi32, #tpu.memory_space<vmem>>, vector<16xi32>,
        %get3A_159 = arith.index_cast %add3A_156 : i32 to index
        %get3A_160 = tpu.vector_load %arg17[%get3A_159] {strides = array<i32>} : memref<16512xi32, #tpu.memory_space<vmem>>, vector<16xi32>,
        %add3A_161 = arith.addi %multiple_of3A_39, %add3A_156 : i32
        %add3A_162 = vector.broadcast %add3A_161 : i32 to vector<16xi32>
        %add3A_163 = arith.addi %add3A_162, %iota3A : vector<16xi32>
        %ge3A = vector.broadcast %reduce_min3A_10 : i32 to vector<16xi32>
        %ge3A_164 = arith.cmpi sge, %add3A_163, %ge3A : vector<16xi32>
        %lt3A_165 = vector.broadcast %reduce_min3A_20 : i32 to vector<16xi32>
        %lt3A_166 = arith.cmpi slt, %add3A_163, %lt3A_165 : vector<16xi32>
        %and3A_167 = arith.andi %ge3A_164, %lt3A_166 : vector<16xi1>
        %sub3A_168 = vector.broadcast %multiple_of3A : i32 to vector<16xi32>
        %sub3A_169 = arith.subi %get3A_160, %sub3A_168 : vector<16xi32>
        %jit3A_170 = arith.constant 320 : i32
        %broadcast_in_dim3A_171 = vector.broadcast %jit3A_170 : i32 to vector<16xi32>
        %select_n3A_172 = arith.select %and3A_167, %sub3A_169, %broadcast_in_dim3A_171 : vector<16xi1>, vector<16xi32>
        %gather3A = tpu.vector_load_idx %arg12[%get3A_158] : memref<10240xf32, #tpu.memory_space<vmem>>[vector<16xi32>], vector<16xf32>,
        %gather3A_173 = tpu.vector_load_idx %arg13[%select_n3A_172] : memref<336xf32, #tpu.memory_space<vmem>>[vector<16xi32>], vector<16xf32>,
        %mul3A_174 = arith.constant 16 : i32
        %mul3A_175 = arith.muli %scan3A_151, %mul3A_174 : i32
        %add3A_176 = vector.broadcast %mul3A_175 : i32 to vector<16xi32>
        %add3A_177 = arith.addi %add3A_176, %iota3A : vector<16xi32>
        %broadcast_in_dim3A_178 = arith.constant 0.000000e+00 : f32
        %broadcast_in_dim3A_179 = vector.broadcast %broadcast_in_dim3A_178 : f32 to vector<16xf32>
        %scan3A_180 = arith.constant 0 : i32
        %scan3A_181 = arith.constant 32 : i32
        %scan3A_182 = arith.addi %scan3A_180, %scan3A_181 : i32
        %scan3A_183 = arith.constant 1 : i32
        %scan3A_184 = scf.for %scan3A_207 = %scan3A_180 to %scan3A_182 step %scan3A_183 iter_args(%scan3A_208 = %broadcast_in_dim3A_179) -> (vector<16xf32>)  : i32 {
          %broadcast_in_dim3A_209 = vector.broadcast %scan3A_207 : i32 to vector<16xi32>
          %gather3A_210 = tpu.vector_load_idx %arg25[%broadcast_in_dim3A_144, %add3A_177, %broadcast_in_dim3A_209] : memref<2x128x32xf32, #tpu.memory_space<vmem>>[vector<16xi32>, vector<16xi32>, vector<16xi32>], vector<16xf32>,
          %gather3A_211 = tpu.vector_load_idx %arg11[%select_n3A_172, %broadcast_in_dim3A_209] : memref<328x32xf32, #tpu.memory_space<vmem>>[vector<16xi32>, vector<16xi32>], vector<16xf32>,
          %mul3A_212 = arith.mulf %gather3A_210, %gather3A_211 : vector<16xf32>
          %add3A_213 = arith.addf %scan3A_208, %mul3A_212 : vector<16xf32>
          scf.yield %add3A_213 : vector<16xf32>
        }
        %scan3A_185 = arith.constant 32 : i32
        %neg3A = arith.constant 0.000000e+00 : f32
        %neg3A_186 = vector.broadcast %neg3A : f32 to vector<16xf32>
        %neg3A_187 = arith.subf %neg3A_186, %scan3A_184 : vector<16xf32>
        %exp3A = math.exp %neg3A_187 : vector<16xf32>
        %add3A_188 = arith.constant 1.000000e+00 : f32
        %add3A_189 = vector.broadcast %add3A_188 : f32 to vector<16xf32>
        %add3A_190 = arith.addf %add3A_189, %exp3A : vector<16xf32>
        %div3A_191 = arith.constant 1.000000e+00 : f32
        %div3A_192 = vector.broadcast %div3A_191 : f32 to vector<16xf32>
        %div3A_193 = arith.divf %div3A_192, %add3A_190 : vector<16xf32>
        %add3A_194 = arith.addf %gather3A, %gather3A_173 : vector<16xf32>
        %mul3A_195 = arith.mulf %add3A_194, %div3A_193 : vector<16xf32>
        %ge3A_196 = arith.constant 0.000000e+00 : f32
        %ge3A_197 = vector.broadcast %ge3A_196 : f32 to vector<16xf32>
        %ge3A_198 = arith.cmpf oge, %mul3A_195, %ge3A_197 : vector<16xf32>
        %mul3A_199 = arith.constant 2.000000e-01 : f32
        %mul3A_200 = vector.broadcast %mul3A_199 : f32 to vector<16xf32>
        %mul3A_201 = arith.mulf %mul3A_200, %mul3A_195 : vector<16xf32>
        %select_n3A_202 = arith.select %ge3A_198, %mul3A_195, %mul3A_201 : vector<16xi1>, vector<16xf32>
        %jit3A_203 = arith.constant -1.000000e+30 : f32
        %broadcast_in_dim3A_204 = vector.broadcast %jit3A_203 : f32 to vector<16xf32>
        %select_n3A_205 = arith.select %and3A_167, %select_n3A_202, %broadcast_in_dim3A_204 : vector<16xi1>, vector<16xf32>
        %swap3A = arith.index_cast %add3A_156 : i32 to index
        %swap3A_206 = tpu.vector_load %arg18[%swap3A] {strides = array<i32>} : memref<16512xf32, #tpu.memory_space<vmem>>, vector<16xf32>,
        tpu.vector_store %arg18[%swap3A], %select_n3A_205 {strides = array<i32>} : memref<16512xf32, #tpu.memory_space<vmem>>, vector<16xf32>,
      }
      %scan3A_150 = arith.constant 8 : i32
    }
    %while3A_78 = arith.constant 1 : i32
    scf.for %while3A_125 = %while3A_76 to %while3A_72 step %while3A_78  : i32 {
      %rem3A_126 = arith.constant 2 : i32
      %rem3A_127 = arith.remsi %while3A_125, %rem3A_126 : i32
      %mul3A_128 = arith.constant 128 : i32
      %mul3A_129 = arith.muli %while3A_125, %mul3A_128 : i32
      %dma_wait3A = arith.constant 0 : i32
      %dma_wait3A_130 = arith.constant 0 : i32
      %dma_wait3A_131 = tpu.memref_slice %arg25[%rem3A_127, %dma_wait3A, %dma_wait3A_130] : memref<2x128x32xf32, #tpu.memory_space<vmem>> -> memref<1x128x32xf32, #tpu.memory_space<vmem>>
      %dma_wait3A_132 = tpu.memref_squeeze %dma_wait3A_131 : memref<1x128x32xf32, #tpu.memory_space<vmem>> -> memref<128x32xf32, #tpu.memory_space<vmem>>
      %dma_wait3A_133 = tpu.memref_slice %arg16[%mul3A_129] : memref<16512xi32, #tpu.memory_space<vmem>> -> memref<128xi32, #tpu.memory_space<vmem>>
      %dma_wait3A_134 = arith.constant 0 : i32
      %dma_wait3A_135 = arith.constant 0 : i32
      %dma_wait3A_136 = tpu.memref_slice %arg2[%dma_wait3A_134, %dma_wait3A_135] : memref<10240x32xf32, #tpu.memory_space<hbm>> -> memref<10240x32xf32, #tpu.memory_space<hbm>>
      %dma_wait3A_137 = tpu.memref_slice %arg27[%rem3A_127] : memref<2x!tpu.dma_semaphore, #tpu.memory_space<semaphore_mem>> -> memref<1x!tpu.dma_semaphore, #tpu.memory_space<semaphore_mem>>
      %dma_wait3A_138 = tpu.memref_squeeze %dma_wait3A_137 : memref<1x!tpu.dma_semaphore, #tpu.memory_space<semaphore_mem>> -> memref<!tpu.dma_semaphore, #tpu.memory_space<semaphore_mem>>
      tpu.wait_indirect_dma semaphore(%dma_wait3A_138 : memref<!tpu.dma_semaphore, #tpu.memory_space<semaphore_mem>>) src(%dma_wait3A_136 : memref<10240x32xf32, #tpu.memory_space<hbm>>) dst(%dma_wait3A_132 : memref<128x32xf32, #tpu.memory_space<vmem>>)
      %add3A_139 = arith.constant 1 : i32
      %add3A_140 = arith.addi %while3A_125, %add3A_139 : i32
      %lt3A = arith.cmpi slt, %add3A_140, %min3A_67 : i32
      %convert_element_type3A_141 = arith.extui %lt3A : i1 to i32
      %cond3A_142 = arith.constant 0 : i32
      %cond3A_143 = arith.cmpi ne, %convert_element_type3A_141, %cond3A_142 : i32
      scf.if %cond3A_143 {
        %add3A_151 = arith.constant 1 : i32
        %add3A_152 = arith.addi %while3A_125, %add3A_151 : i32
        %rem3A_153 = arith.constant 2 : i32
        %rem3A_154 = arith.remsi %add3A_152, %rem3A_153 : i32
        %add3A_155 = arith.constant 1 : i32
        %add3A_156 = arith.addi %while3A_125, %add3A_155 : i32
        %mul3A_157 = arith.constant 128 : i32
        %mul3A_158 = arith.muli %add3A_156, %mul3A_157 : i32
        %dma_start3A = arith.constant 0 : i32
        %dma_start3A_159 = arith.constant 0 : i32
        %dma_start3A_160 = tpu.memref_slice %arg25[%rem3A_154, %dma_start3A, %dma_start3A_159] : memref<2x128x32xf32, #tpu.memory_space<vmem>> -> memref<1x128x32xf32, #tpu.memory_space<vmem>>
        %dma_start3A_161 = tpu.memref_squeeze %dma_start3A_160 : memref<1x128x32xf32, #tpu.memory_space<vmem>> -> memref<128x32xf32, #tpu.memory_space<vmem>>
        %dma_start3A_162 = tpu.memref_slice %arg16[%mul3A_158] : memref<16512xi32, #tpu.memory_space<vmem>> -> memref<128xi32, #tpu.memory_space<vmem>>
        %dma_start3A_163 = arith.constant 0 : i32
        %dma_start3A_164 = arith.constant 0 : i32
        %dma_start3A_165 = tpu.memref_slice %arg2[%dma_start3A_163, %dma_start3A_164] : memref<10240x32xf32, #tpu.memory_space<hbm>> -> memref<10240x32xf32, #tpu.memory_space<hbm>>
        %dma_start3A_166 = tpu.memref_slice %arg27[%rem3A_154] : memref<2x!tpu.dma_semaphore, #tpu.memory_space<semaphore_mem>> -> memref<1x!tpu.dma_semaphore, #tpu.memory_space<semaphore_mem>>
        %dma_start3A_167 = tpu.memref_squeeze %dma_start3A_166 : memref<1x!tpu.dma_semaphore, #tpu.memory_space<semaphore_mem>> -> memref<!tpu.dma_semaphore, #tpu.memory_space<semaphore_mem>>
        tpu.enqueue_indirect_dma source(%dma_start3A_165 : memref<10240x32xf32, #tpu.memory_space<hbm>>) target(%dma_start3A_161 : memref<128x32xf32, #tpu.memory_space<vmem>>) offsets(%dma_start3A_162 : memref<128xi32, #tpu.memory_space<vmem>>) semaphore(%dma_start3A_167 : memref<!tpu.dma_semaphore, #tpu.memory_space<semaphore_mem>>)
      } else {
      }
      %broadcast_in_dim3A_144 = vector.broadcast %rem3A_127 : i32 to vector<16xi32>
      %scan3A_145 = arith.constant 0 : i32
      %scan3A_146 = arith.constant 0 : i32
      %scan3A_147 = arith.constant 8 : i32
      %scan3A_148 = arith.addi %scan3A_146, %scan3A_147 : i32
      %scan3A_149 = arith.constant 1 : i32
      scf.for %scan3A_151 = %scan3A_146 to %scan3A_148 step %scan3A_149  : i32 {
        %mul3A_152 = arith.constant 128 : i32
        %mul3A_153 = arith.muli %while3A_125, %mul3A_152 : i32
        %mul3A_154 = arith.constant 16 : i32
        %mul3A_155 = arith.muli %scan3A_151, %mul3A_154 : i32
        %add3A_156 = arith.addi %mul3A_153, %mul3A_155 : i32
        %get3A_157 = arith.index_cast %add3A_156 : i32 to index
        %get3A_158 = tpu.vector_load %arg16[%get3A_157] {strides = array<i32>} : memref<16512xi32, #tpu.memory_space<vmem>>, vector<16xi32>,
        %get3A_159 = arith.index_cast %add3A_156 : i32 to index
        %get3A_160 = tpu.vector_load %arg17[%get3A_159] {strides = array<i32>} : memref<16512xi32, #tpu.memory_space<vmem>>, vector<16xi32>,
        %add3A_161 = arith.addi %multiple_of3A_39, %add3A_156 : i32
        %add3A_162 = vector.broadcast %add3A_161 : i32 to vector<16xi32>
        %add3A_163 = arith.addi %add3A_162, %iota3A : vector<16xi32>
        %ge3A = vector.broadcast %reduce_min3A_10 : i32 to vector<16xi32>
        %ge3A_164 = arith.cmpi sge, %add3A_163, %ge3A : vector<16xi32>
        %lt3A_165 = vector.broadcast %reduce_min3A_20 : i32 to vector<16xi32>
        %lt3A_166 = arith.cmpi slt, %add3A_163, %lt3A_165 : vector<16xi32>
        %and3A_167 = arith.andi %ge3A_164, %lt3A_166 : vector<16xi1>
        %sub3A_168 = vector.broadcast %multiple_of3A : i32 to vector<16xi32>
        %sub3A_169 = arith.subi %get3A_160, %sub3A_168 : vector<16xi32>
        %jit3A_170 = arith.constant 320 : i32
        %broadcast_in_dim3A_171 = vector.broadcast %jit3A_170 : i32 to vector<16xi32>
        %select_n3A_172 = arith.select %and3A_167, %sub3A_169, %broadcast_in_dim3A_171 : vector<16xi1>, vector<16xi32>
        %gather3A = tpu.vector_load_idx %arg12[%get3A_158] : memref<10240xf32, #tpu.memory_space<vmem>>[vector<16xi32>], vector<16xf32>,
        %gather3A_173 = tpu.vector_load_idx %arg13[%select_n3A_172] : memref<336xf32, #tpu.memory_space<vmem>>[vector<16xi32>], vector<16xf32>,
        %mul3A_174 = arith.constant 16 : i32
        %mul3A_175 = arith.muli %scan3A_151, %mul3A_174 : i32
        %add3A_176 = vector.broadcast %mul3A_175 : i32 to vector<16xi32>
        %add3A_177 = arith.addi %add3A_176, %iota3A : vector<16xi32>
        %broadcast_in_dim3A_178 = arith.constant 0.000000e+00 : f32
        %broadcast_in_dim3A_179 = vector.broadcast %broadcast_in_dim3A_178 : f32 to vector<16xf32>
        %scan3A_180 = arith.constant 0 : i32
        %scan3A_181 = arith.constant 32 : i32
        %scan3A_182 = arith.addi %scan3A_180, %scan3A_181 : i32
        %scan3A_183 = arith.constant 1 : i32
        %scan3A_184 = scf.for %scan3A_207 = %scan3A_180 to %scan3A_182 step %scan3A_183 iter_args(%scan3A_208 = %broadcast_in_dim3A_179) -> (vector<16xf32>)  : i32 {
          %broadcast_in_dim3A_209 = vector.broadcast %scan3A_207 : i32 to vector<16xi32>
          %gather3A_210 = tpu.vector_load_idx %arg25[%broadcast_in_dim3A_144, %add3A_177, %broadcast_in_dim3A_209] : memref<2x128x32xf32, #tpu.memory_space<vmem>>[vector<16xi32>, vector<16xi32>, vector<16xi32>], vector<16xf32>,
          %gather3A_211 = tpu.vector_load_idx %arg11[%select_n3A_172, %broadcast_in_dim3A_209] : memref<328x32xf32, #tpu.memory_space<vmem>>[vector<16xi32>, vector<16xi32>], vector<16xf32>,
          %mul3A_212 = arith.mulf %gather3A_210, %gather3A_211 : vector<16xf32>
          %add3A_213 = arith.addf %scan3A_208, %mul3A_212 : vector<16xf32>
          scf.yield %add3A_213 : vector<16xf32>
        }
        %scan3A_185 = arith.constant 32 : i32
        %neg3A = arith.constant 0.000000e+00 : f32
        %neg3A_186 = vector.broadcast %neg3A : f32 to vector<16xf32>
        %neg3A_187 = arith.subf %neg3A_186, %scan3A_184 : vector<16xf32>
        %exp3A = math.exp %neg3A_187 : vector<16xf32>
        %add3A_188 = arith.constant 1.000000e+00 : f32
        %add3A_189 = vector.broadcast %add3A_188 : f32 to vector<16xf32>
        %add3A_190 = arith.addf %add3A_189, %exp3A : vector<16xf32>
        %div3A_191 = arith.constant 1.000000e+00 : f32
        %div3A_192 = vector.broadcast %div3A_191 : f32 to vector<16xf32>
        %div3A_193 = arith.divf %div3A_192, %add3A_190 : vector<16xf32>
        %add3A_194 = arith.addf %gather3A, %gather3A_173 : vector<16xf32>
        %mul3A_195 = arith.mulf %add3A_194, %div3A_193 : vector<16xf32>
        %ge3A_196 = arith.constant 0.000000e+00 : f32
        %ge3A_197 = vector.broadcast %ge3A_196 : f32 to vector<16xf32>
        %ge3A_198 = arith.cmpf oge, %mul3A_195, %ge3A_197 : vector<16xf32>
        %mul3A_199 = arith.constant 2.000000e-01 : f32
        %mul3A_200 = vector.broadcast %mul3A_199 : f32 to vector<16xf32>
        %mul3A_201 = arith.mulf %mul3A_200, %mul3A_195 : vector<16xf32>
        %select_n3A_202 = arith.select %ge3A_198, %mul3A_195, %mul3A_201 : vector<16xi1>, vector<16xf32>
        %jit3A_203 = arith.constant -1.000000e+30 : f32
        %broadcast_in_dim3A_204 = vector.broadcast %jit3A_203 : f32 to vector<16xf32>
        %select_n3A_205 = arith.select %and3A_167, %select_n3A_202, %broadcast_in_dim3A_204 : vector<16xi1>, vector<16xf32>
        %swap3A = arith.index_cast %add3A_156 : i32 to index
        %swap3A_206 = tpu.vector_load %arg18[%swap3A] {strides = array<i32>} : memref<16512xf32, #tpu.memory_space<vmem>>, vector<16xf32>,
        tpu.vector_store %arg18[%swap3A], %select_n3A_205 {strides = array<i32>} : memref<16512xf32, #tpu.memory_space<vmem>>, vector<16xf32>,
      }
      %scan3A_150 = arith.constant 8 : i32
    }
    %broadcast_in_dim3A = arith.constant 0 : i32
    %broadcast_in_dim3A_79 = vector.broadcast %broadcast_in_dim3A : i32 to vector<16xi32>
    %scan3A = arith.constant 0 : i32
    %scan3A_80 = arith.constant 20 : i32
    %scan3A_81 = arith.addi %scan3A, %scan3A_80 : i32
    %scan3A_82 = arith.constant 1 : i32
    %scan3A_83 = scf.for %scan3A_125 = %scan3A to %scan3A_81 step %scan3A_82 iter_args(%scan3A_126 = %broadcast_in_dim3A_79) -> (vector<16xi32>)  : i32 {
      %mul3A_127 = arith.constant 16 : i32
      %mul3A_128 = arith.muli %scan3A_125, %mul3A_127 : i32
      %get3A_129 = arith.index_cast %mul3A_128 : i32 to index
      %get3A_130 = tpu.vector_load %arg15[%get3A_129] {strides = array<i32>} : memref<352xi32, #tpu.memory_space<vmem>>, vector<16xi32>,
      %mul3A_131 = arith.constant 16 : i32
      %mul3A_132 = arith.muli %scan3A_125, %mul3A_131 : i32
      %add3A_133 = arith.constant 1 : i32
      %add3A_134 = arith.addi %mul3A_132, %add3A_133 : i32
      %get3A_135 = arith.index_cast %add3A_134 : i32 to index
      %get3A_136 = tpu.vector_load %arg15[%get3A_135] {strides = array<i32>} : memref<352xi32, #tpu.memory_space<vmem>>, vector<16xi32>,
      %sub3A_137 = arith.subi %get3A_136, %get3A_130 : vector<16xi32>
      %sub3A_138 = vector.broadcast %multiple_of3A_39 : i32 to vector<16xi32>
      %sub3A_139 = arith.subi %get3A_130, %sub3A_138 : vector<16xi32>
      %mul3A_140 = arith.constant 16 : i32
      %mul3A_141 = arith.muli %scan3A_125, %mul3A_140 : i32
      %swap3A = arith.index_cast %mul3A_141 : i32 to index
      %swap3A_142 = tpu.vector_load %arg19[%swap3A] {strides = array<i32>} : memref<336xi32, #tpu.memory_space<vmem>>, vector<16xi32>,
      tpu.vector_store %arg19[%swap3A], %sub3A_139 {strides = array<i32>} : memref<336xi32, #tpu.memory_space<vmem>>, vector<16xi32>,
      %mul3A_143 = arith.constant 16 : i32
      %mul3A_144 = arith.muli %scan3A_125, %mul3A_143 : i32
      %swap3A_145 = arith.index_cast %mul3A_144 : i32 to index
      %swap3A_146 = tpu.vector_load %arg20[%swap3A_145] {strides = array<i32>} : memref<336xi32, #tpu.memory_space<vmem>>, vector<16xi32>,
      tpu.vector_store %arg20[%swap3A_145], %sub3A_137 {strides = array<i32>} : memref<336xi32, #tpu.memory_space<vmem>>, vector<16xi32>,
      %mul3A_147 = arith.constant 16 : i32
      %mul3A_148 = arith.muli %scan3A_125, %mul3A_147 : i32
      %get3A_149 = arith.index_cast %mul3A_148 : i32 to index
      %get3A_150 = tpu.vector_load %arg14[%get3A_149] {strides = array<i32>} : memref<336xf32, #tpu.memory_space<vmem>>, vector<16xf32>,
      %mul3A_151 = arith.constant 16 : i32
      %mul3A_152 = arith.muli %scan3A_125, %mul3A_151 : i32
      %swap3A_153 = arith.index_cast %mul3A_152 : i32 to index
      %swap3A_154 = tpu.vector_load %arg21[%swap3A_153] {strides = array<i32>} : memref<336xf32, #tpu.memory_space<vmem>>, vector<16xf32>,
      tpu.vector_store %arg21[%swap3A_153], %get3A_150 {strides = array<i32>} : memref<336xf32, #tpu.memory_space<vmem>>, vector<16xf32>,
      %max3A = arith.maxsi %scan3A_126, %sub3A_137 : vector<16xi32>
      scf.yield %max3A : vector<16xi32>
    }
    %scan3A_84 = arith.constant 20 : i32
    %reduce_max3A = arith.constant true
    %reduce_max3A_85 = vector.broadcast %reduce_max3A : i1 to vector<16xi1>
    %reduce_max3A_86 = arith.constant -2147483648 : i32
    %reduce_max3A_87 = vector.broadcast %reduce_max3A_86 : i32 to vector<16xi32>
    %reduce_max3A_88 = arith.xori %scan3A_83, %reduce_max3A_87 : vector<16xi32>
    %reduce_max3A_89 = tpu.scan <max>, %reduce_max3A_88 masked %reduce_max3A_85 : vector<16xi32>, vector<16xi1> -> vector<16xi32>
    %reduce_max3A_90 = arith.xori %reduce_max3A_89, %reduce_max3A_87 : vector<16xi32>
    %reduce_max3A_91 = vector.extract %reduce_max3A_90[15] : i32 from vector<16xi32>
    %min3A_92 = arith.constant 16512 : i32
    %min3A_93 = arith.minsi %reduce_max3A_91, %min3A_92 : i32
    %while3A_94 = arith.constant 0 : i32
    %while3A_95 = arith.constant 0 : i32
    %while3A_96 = arith.subi %min3A_93, %while3A_95 : i32
    %while3A_97 = arith.addi %while3A_95, %while3A_96 : i32
    %while3A_98 = arith.constant 1 : i32
    %while3A_99 = arith.divsi %while3A_96, %while3A_98 : i32
    %while3A_100 = arith.muli %while3A_99, %while3A_98 : i32
    %while3A_101 = arith.addi %while3A_95, %while3A_100 : i32
    %while3A_102 = arith.constant 1 : i32
    scf.for %while3A_125 = %while3A_95 to %while3A_101 step %while3A_102  : i32 {
      %scan3A_126 = arith.constant 0 : i32
      %scan3A_127 = arith.constant 20 : i32
      %scan3A_128 = arith.addi %scan3A_126, %scan3A_127 : i32
      %scan3A_129 = arith.constant 1 : i32
      scf.for %scan3A_131 = %scan3A_126 to %scan3A_128 step %scan3A_129  : i32 {
        %mul3A_132 = arith.constant 16 : i32
        %mul3A_133 = arith.muli %scan3A_131, %mul3A_132 : i32
        %get3A_134 = arith.index_cast %mul3A_133 : i32 to index
        %get3A_135 = tpu.vector_load %arg19[%get3A_134] {strides = array<i32>} : memref<336xi32, #tpu.memory_space<vmem>>, vector<16xi32>,
        %mul3A_136 = arith.constant 16 : i32
        %mul3A_137 = arith.muli %scan3A_131, %mul3A_136 : i32
        %get3A_138 = arith.index_cast %mul3A_137 : i32 to index
        %get3A_139 = tpu.vector_load %arg20[%get3A_138] {strides = array<i32>} : memref<336xi32, #tpu.memory_space<vmem>>, vector<16xi32>,
        %lt3A = vector.broadcast %while3A_125 : i32 to vector<16xi32>
        %lt3A_140 = arith.cmpi slt, %lt3A, %get3A_139 : vector<16xi32>
        %add3A_141 = vector.broadcast %while3A_125 : i32 to vector<16xi32>
        %add3A_142 = arith.addi %get3A_135, %add3A_141 : vector<16xi32>
        %jit3A_143 = arith.constant 16511 : i32
        %broadcast_in_dim3A_144 = vector.broadcast %jit3A_143 : i32 to vector<16xi32>
        %select_n3A_145 = arith.select %lt3A_140, %add3A_142, %broadcast_in_dim3A_144 : vector<16xi1>, vector<16xi32>
        %min3A_146 = arith.constant 16511 : i32
        %min3A_147 = vector.broadcast %min3A_146 : i32 to vector<16xi32>
        %min3A_148 = arith.minsi %select_n3A_145, %min3A_147 : vector<16xi32>
        %gather3A = tpu.vector_load_idx %arg18[%min3A_148] : memref<16512xf32, #tpu.memory_space<vmem>>[vector<16xi32>], vector<16xf32>,
        %mul3A_149 = arith.constant 16 : i32
        %mul3A_150 = arith.muli %scan3A_131, %mul3A_149 : i32
        %get3A_151 = arith.index_cast %mul3A_150 : i32 to index
        %get3A_152 = tpu.vector_load %arg21[%get3A_151] {strides = array<i32>} : memref<336xf32, #tpu.memory_space<vmem>>, vector<16xf32>,
        %jit3A_153 = arith.constant -1.000000e+30 : f32
        %broadcast_in_dim3A_154 = vector.broadcast %jit3A_153 : f32 to vector<16xf32>
        %select_n3A_155 = arith.select %lt3A_140, %gather3A, %broadcast_in_dim3A_154 : vector<16xi1>, vector<16xf32>
        %max3A = arith.maximumf %get3A_152, %select_n3A_155 : vector<16xf32>
        %mul3A_156 = arith.constant 16 : i32
        %mul3A_157 = arith.muli %scan3A_131, %mul3A_156 : i32
        %swap3A = arith.index_cast %mul3A_157 : i32 to index
        %swap3A_158 = tpu.vector_load %arg21[%swap3A] {strides = array<i32>} : memref<336xf32, #tpu.memory_space<vmem>>, vector<16xf32>,
        tpu.vector_store %arg21[%swap3A], %max3A {strides = array<i32>} : memref<336xf32, #tpu.memory_space<vmem>>, vector<16xf32>,
      }
      %scan3A_130 = arith.constant 20 : i32
    }
    %while3A_103 = arith.constant 1 : i32
    scf.for %while3A_125 = %while3A_101 to %while3A_97 step %while3A_103  : i32 {
      %scan3A_126 = arith.constant 0 : i32
      %scan3A_127 = arith.constant 20 : i32
      %scan3A_128 = arith.addi %scan3A_126, %scan3A_127 : i32
      %scan3A_129 = arith.constant 1 : i32
      scf.for %scan3A_131 = %scan3A_126 to %scan3A_128 step %scan3A_129  : i32 {
        %mul3A_132 = arith.constant 16 : i32
        %mul3A_133 = arith.muli %scan3A_131, %mul3A_132 : i32
        %get3A_134 = arith.index_cast %mul3A_133 : i32 to index
        %get3A_135 = tpu.vector_load %arg19[%get3A_134] {strides = array<i32>} : memref<336xi32, #tpu.memory_space<vmem>>, vector<16xi32>,
        %mul3A_136 = arith.constant 16 : i32
        %mul3A_137 = arith.muli %scan3A_131, %mul3A_136 : i32
        %get3A_138 = arith.index_cast %mul3A_137 : i32 to index
        %get3A_139 = tpu.vector_load %arg20[%get3A_138] {strides = array<i32>} : memref<336xi32, #tpu.memory_space<vmem>>, vector<16xi32>,
        %lt3A = vector.broadcast %while3A_125 : i32 to vector<16xi32>
        %lt3A_140 = arith.cmpi slt, %lt3A, %get3A_139 : vector<16xi32>
        %add3A_141 = vector.broadcast %while3A_125 : i32 to vector<16xi32>
        %add3A_142 = arith.addi %get3A_135, %add3A_141 : vector<16xi32>
        %jit3A_143 = arith.constant 16511 : i32
        %broadcast_in_dim3A_144 = vector.broadcast %jit3A_143 : i32 to vector<16xi32>
        %select_n3A_145 = arith.select %lt3A_140, %add3A_142, %broadcast_in_dim3A_144 : vector<16xi1>, vector<16xi32>
        %min3A_146 = arith.constant 16511 : i32
        %min3A_147 = vector.broadcast %min3A_146 : i32 to vector<16xi32>
        %min3A_148 = arith.minsi %select_n3A_145, %min3A_147 : vector<16xi32>
        %gather3A = tpu.vector_load_idx %arg18[%min3A_148] : memref<16512xf32, #tpu.memory_space<vmem>>[vector<16xi32>], vector<16xf32>,
        %mul3A_149 = arith.constant 16 : i32
        %mul3A_150 = arith.muli %scan3A_131, %mul3A_149 : i32
        %get3A_151 = arith.index_cast %mul3A_150 : i32 to index
        %get3A_152 = tpu.vector_load %arg21[%get3A_151] {strides = array<i32>} : memref<336xf32, #tpu.memory_space<vmem>>, vector<16xf32>,
        %jit3A_153 = arith.constant -1.000000e+30 : f32
        %broadcast_in_dim3A_154 = vector.broadcast %jit3A_153 : f32 to vector<16xf32>
        %select_n3A_155 = arith.select %lt3A_140, %gather3A, %broadcast_in_dim3A_154 : vector<16xi1>, vector<16xf32>
        %max3A = arith.maximumf %get3A_152, %select_n3A_155 : vector<16xf32>
        %mul3A_156 = arith.constant 16 : i32
        %mul3A_157 = arith.muli %scan3A_131, %mul3A_156 : i32
        %swap3A = arith.index_cast %mul3A_157 : i32 to index
        %swap3A_158 = tpu.vector_load %arg21[%swap3A] {strides = array<i32>} : memref<336xf32, #tpu.memory_space<vmem>>, vector<16xf32>,
        tpu.vector_store %arg21[%swap3A], %max3A {strides = array<i32>} : memref<336xf32, #tpu.memory_space<vmem>>, vector<16xf32>,
      }
      %scan3A_130 = arith.constant 20 : i32
    }
    %scan3A_104 = arith.constant 0 : i32
    %scan3A_105 = arith.constant 0 : i32
    %scan3A_106 = arith.constant 20 : i32
    %scan3A_107 = arith.addi %scan3A_105, %scan3A_106 : i32
    %scan3A_108 = arith.constant 1 : i32
    scf.for %scan3A_125 = %scan3A_105 to %scan3A_107 step %scan3A_108  : i32 {
      %mul3A_126 = arith.constant 16 : i32
      %mul3A_127 = arith.muli %scan3A_125, %mul3A_126 : i32
      %get3A_128 = arith.index_cast %mul3A_127 : i32 to index
      %get3A_129 = tpu.vector_load %arg14[%get3A_128] {strides = array<i32>} : memref<336xf32, #tpu.memory_space<vmem>>, vector<16xf32>,
      %mul3A_130 = arith.constant 16 : i32
      %mul3A_131 = arith.muli %scan3A_125, %mul3A_130 : i32
      %get3A_132 = arith.index_cast %mul3A_131 : i32 to index
      %get3A_133 = tpu.vector_load %arg21[%get3A_132] {strides = array<i32>} : memref<336xf32, #tpu.memory_space<vmem>>, vector<16xf32>,
      %sub3A_134 = arith.subf %get3A_129, %get3A_133 : vector<16xf32>
      %exp3A = math.exp %sub3A_134 : vector<16xf32>
      %mul3A_135 = arith.constant 16 : i32
      %mul3A_136 = arith.muli %scan3A_125, %mul3A_135 : i32
      %swap3A = arith.index_cast %mul3A_136 : i32 to index
      %swap3A_137 = tpu.vector_load %arg22[%swap3A] {strides = array<i32>} : memref<336xf32, #tpu.memory_space<vmem>>, vector<16xf32>,
      tpu.vector_store %arg22[%swap3A], %exp3A {strides = array<i32>} : memref<336xf32, #tpu.memory_space<vmem>>, vector<16xf32>,
      %mul3A_138 = arith.constant 16 : i32
      %mul3A_139 = arith.muli %scan3A_125, %mul3A_138 : i32
      %add3A_140 = vector.broadcast %mul3A_139 : i32 to vector<16xi32>
      %add3A_141 = arith.addi %add3A_140, %iota3A : vector<16xi32>
      %scan3A_142 = arith.constant 0 : i32
      %scan3A_143 = arith.constant 0 : i32
      %scan3A_144 = arith.constant 32 : i32
      %scan3A_145 = arith.addi %scan3A_143, %scan3A_144 : i32
      %scan3A_146 = arith.constant 1 : i32
      scf.for %scan3A_148 = %scan3A_143 to %scan3A_145 step %scan3A_146  : i32 {
        %broadcast_in_dim3A_149 = vector.broadcast %scan3A_148 : i32 to vector<16xi32>
        %gather3A = tpu.vector_load_idx %arg11[%add3A_141, %broadcast_in_dim3A_149] : memref<328x32xf32, #tpu.memory_space<vmem>>[vector<16xi32>, vector<16xi32>], vector<16xf32>,
        %mul3A_150 = arith.mulf %exp3A, %gather3A : vector<16xf32>
        tpu.vector_store_idx %arg23[%add3A_141, %broadcast_in_dim3A_149], %mul3A_150 : memref<320x32xf32, #tpu.memory_space<vmem>>[vector<16xi32>, vector<16xi32>], vector<16xf32>,
      }
      %scan3A_147 = arith.constant 32 : i32
    }
    %scan3A_109 = arith.constant 20 : i32
    %gt3A_110 = arith.constant 0 : i32
    %gt3A_111 = arith.cmpi sgt, %min3A_93, %gt3A_110 : i32
    %convert_element_type3A_112 = arith.extui %gt3A_111 : i1 to i32
    %cond3A_113 = arith.constant 0 : i32
    %cond3A_114 = arith.cmpi ne, %convert_element_type3A_112, %cond3A_113 : i32
    scf.if %cond3A_114 {
      %scan3A_125 = arith.constant 0 : i32
      %scan3A_126 = arith.constant 0 : i32
      %scan3A_127 = arith.constant 20 : i32
      %scan3A_128 = arith.addi %scan3A_126, %scan3A_127 : i32
      %scan3A_129 = arith.constant 1 : i32
      scf.for %scan3A_182 = %scan3A_126 to %scan3A_128 step %scan3A_129  : i32 {
        %mul3A_183 = arith.constant 16 : i32
        %mul3A_184 = arith.muli %scan3A_182, %mul3A_183 : i32
        %get3A_185 = arith.index_cast %mul3A_184 : i32 to index
        %get3A_186 = tpu.vector_load %arg19[%get3A_185] {strides = array<i32>} : memref<336xi32, #tpu.memory_space<vmem>>, vector<16xi32>,
        %mul3A_187 = arith.constant 16 : i32
        %mul3A_188 = arith.muli %scan3A_182, %mul3A_187 : i32
        %get3A_189 = arith.index_cast %mul3A_188 : i32 to index
        %get3A_190 = tpu.vector_load %arg20[%get3A_189] {strides = array<i32>} : memref<336xi32, #tpu.memory_space<vmem>>, vector<16xi32>,
        %gt3A_191 = arith.constant 0 : i32
        %gt3A_192 = vector.broadcast %gt3A_191 : i32 to vector<16xi32>
        %gt3A_193 = arith.cmpi sgt, %get3A_190, %gt3A_192 : vector<16xi32>
        %add3A_194 = arith.constant 0 : i32
        %add3A_195 = vector.broadcast %add3A_194 : i32 to vector<16xi32>
        %add3A_196 = arith.addi %get3A_186, %add3A_195 : vector<16xi32>
        %jit3A_197 = arith.constant 16511 : i32
        %broadcast_in_dim3A_198 = vector.broadcast %jit3A_197 : i32 to vector<16xi32>
        %select_n3A_199 = arith.select %gt3A_193, %add3A_196, %broadcast_in_dim3A_198 : vector<16xi1>, vector<16xi32>
        %min3A_200 = arith.constant 16511 : i32
        %min3A_201 = vector.broadcast %min3A_200 : i32 to vector<16xi32>
        %min3A_202 = arith.minsi %select_n3A_199, %min3A_201 : vector<16xi32>
        %gather3A = tpu.vector_load_idx %arg16[%min3A_202] : memref<16512xi32, #tpu.memory_space<vmem>>[vector<16xi32>], vector<16xi32>,
        %jit3A_203 = arith.constant 0 : i32
        %broadcast_in_dim3A_204 = vector.broadcast %jit3A_203 : i32 to vector<16xi32>
        %select_n3A_205 = arith.select %gt3A_193, %gather3A, %broadcast_in_dim3A_204 : vector<16xi1>, vector<16xi32>
        %mul3A_206 = arith.constant 16 : i32
        %mul3A_207 = arith.muli %scan3A_182, %mul3A_206 : i32
        %add3A_208 = arith.constant 0 : i32
        %add3A_209 = arith.addi %add3A_208, %mul3A_207 : i32
        %swap3A = arith.index_cast %add3A_209 : i32 to index
        %swap3A_210 = tpu.vector_load %arg24[%swap3A] {strides = array<i32>} : memref<640xi32, #tpu.memory_space<vmem>>, vector<16xi32>,
        tpu.vector_store %arg24[%swap3A], %select_n3A_205 {strides = array<i32>} : memref<640xi32, #tpu.memory_space<vmem>>, vector<16xi32>,
      }
      %scan3A_130 = arith.constant 20 : i32
      %dma_start3A = arith.constant 0 : i32
      %dma_start3A_131 = arith.constant 0 : i32
      %dma_start3A_132 = arith.constant 0 : i32
      %dma_start3A_133 = arith.constant 0 : i32
      %dma_start3A_134 = tpu.memref_slice %arg26[%dma_start3A, %dma_start3A_132, %dma_start3A_133] : memref<2x320x32xf32, #tpu.memory_space<vmem>> -> memref<1x80x32xf32, #tpu.memory_space<vmem>>
      %dma_start3A_135 = tpu.memref_squeeze %dma_start3A_134 : memref<1x80x32xf32, #tpu.memory_space<vmem>> -> memref<80x32xf32, #tpu.memory_space<vmem>>
      %dma_start3A_136 = arith.constant 0 : i32
      %dma_start3A_137 = tpu.memref_slice %arg24[%dma_start3A_136] : memref<640xi32, #tpu.memory_space<vmem>> -> memref<80xi32, #tpu.memory_space<vmem>>
      %dma_start3A_138 = arith.constant 0 : i32
      %dma_start3A_139 = arith.constant 0 : i32
      %dma_start3A_140 = tpu.memref_slice %arg2[%dma_start3A_138, %dma_start3A_139] : memref<10240x32xf32, #tpu.memory_space<hbm>> -> memref<10240x32xf32, #tpu.memory_space<hbm>>
      %dma_start3A_141 = tpu.memref_slice %arg28[%dma_start3A_131] : memref<2x!tpu.dma_semaphore, #tpu.memory_space<semaphore_mem>> -> memref<1x!tpu.dma_semaphore, #tpu.memory_space<semaphore_mem>>
      %dma_start3A_142 = tpu.memref_squeeze %dma_start3A_141 : memref<1x!tpu.dma_semaphore, #tpu.memory_space<semaphore_mem>> -> memref<!tpu.dma_semaphore, #tpu.memory_space<semaphore_mem>>
      tpu.enqueue_indirect_dma source(%dma_start3A_140 : memref<10240x32xf32, #tpu.memory_space<hbm>>) target(%dma_start3A_135 : memref<80x32xf32, #tpu.memory_space<vmem>>) offsets(%dma_start3A_137 : memref<80xi32, #tpu.memory_space<vmem>>) semaphore(%dma_start3A_142 : memref<!tpu.dma_semaphore, #tpu.memory_space<semaphore_mem>>)
      %dma_start3A_143 = arith.constant 0 : i32
      %dma_start3A_144 = arith.constant 0 : i32
      %dma_start3A_145 = arith.constant 80 : i32
      %dma_start3A_146 = arith.constant 0 : i32
      %dma_start3A_147 = tpu.memref_slice %arg26[%dma_start3A_143, %dma_start3A_145, %dma_start3A_146] : memref<2x320x32xf32, #tpu.memory_space<vmem>> -> memref<1x80x32xf32, #tpu.memory_space<vmem>>
      %dma_start3A_148 = tpu.memref_squeeze %dma_start3A_147 : memref<1x80x32xf32, #tpu.memory_space<vmem>> -> memref<80x32xf32, #tpu.memory_space<vmem>>
      %dma_start3A_149 = arith.constant 80 : i32
      %dma_start3A_150 = tpu.memref_slice %arg24[%dma_start3A_149] : memref<640xi32, #tpu.memory_space<vmem>> -> memref<80xi32, #tpu.memory_space<vmem>>
      %dma_start3A_151 = arith.constant 0 : i32
      %dma_start3A_152 = arith.constant 0 : i32
      %dma_start3A_153 = tpu.memref_slice %arg2[%dma_start3A_151, %dma_start3A_152] : memref<10240x32xf32, #tpu.memory_space<hbm>> -> memref<10240x32xf32, #tpu.memory_space<hbm>>
      %dma_start3A_154 = tpu.memref_slice %arg28[%dma_start3A_144] : memref<2x!tpu.dma_semaphore, #tpu.memory_space<semaphore_mem>> -> memref<1x!tpu.dma_semaphore, #tpu.memory_space<semaphore_mem>>
      %dma_start3A_155 = tpu.memref_squeeze %dma_start3A_154 : memref<1x!tpu.dma_semaphore, #tpu.memory_space<semaphore_mem>> -> memref<!tpu.dma_semaphore, #tpu.memory_space<semaphore_mem>>
      tpu.enqueue_indirect_dma source(%dma_start3A_153 : memref<10240x32xf32, #tpu.memory_space<hbm>>) target(%dma_start3A_148 : memref<80x32xf32, #tpu.memory_space<vmem>>) offsets(%dma_start3A_150 : memref<80xi32, #tpu.memory_space<vmem>>) semaphore(%dma_start3A_155 : memref<!tpu.dma_semaphore, #tpu.memory_space<semaphore_mem>>)
      %dma_start3A_156 = arith.constant 0 : i32
      %dma_start3A_157 = arith.constant 0 : i32
      %dma_start3A_158 = arith.constant 160 : i32
      %dma_start3A_159 = arith.constant 0 : i32
      %dma_start3A_160 = tpu.memref_slice %arg26[%dma_start3A_156, %dma_start3A_158, %dma_start3A_159] : memref<2x320x32xf32, #tpu.memory_space<vmem>> -> memref<1x80x32xf32, #tpu.memory_space<vmem>>
      %dma_start3A_161 = tpu.memref_squeeze %dma_start3A_160 : memref<1x80x32xf32, #tpu.memory_space<vmem>> -> memref<80x32xf32, #tpu.memory_space<vmem>>
      %dma_start3A_162 = arith.constant 160 : i32
      %dma_start3A_163 = tpu.memref_slice %arg24[%dma_start3A_162] : memref<640xi32, #tpu.memory_space<vmem>> -> memref<80xi32, #tpu.memory_space<vmem>>
      %dma_start3A_164 = arith.constant 0 : i32
      %dma_start3A_165 = arith.constant 0 : i32
      %dma_start3A_166 = tpu.memref_slice %arg2[%dma_start3A_164, %dma_start3A_165] : memref<10240x32xf32, #tpu.memory_space<hbm>> -> memref<10240x32xf32, #tpu.memory_space<hbm>>
      %dma_start3A_167 = tpu.memref_slice %arg28[%dma_start3A_157] : memref<2x!tpu.dma_semaphore, #tpu.memory_space<semaphore_mem>> -> memref<1x!tpu.dma_semaphore, #tpu.memory_space<semaphore_mem>>
      %dma_start3A_168 = tpu.memref_squeeze %dma_start3A_167 : memref<1x!tpu.dma_semaphore, #tpu.memory_space<semaphore_mem>> -> memref<!tpu.dma_semaphore, #tpu.memory_space<semaphore_mem>>
      tpu.enqueue_indirect_dma source(%dma_start3A_166 : memref<10240x32xf32, #tpu.memory_space<hbm>>) target(%dma_start3A_161 : memref<80x32xf32, #tpu.memory_space<vmem>>) offsets(%dma_start3A_163 : memref<80xi32, #tpu.memory_space<vmem>>) semaphore(%dma_start3A_168 : memref<!tpu.dma_semaphore, #tpu.memory_space<semaphore_mem>>)
      %dma_start3A_169 = arith.constant 0 : i32
      %dma_start3A_170 = arith.constant 0 : i32
      %dma_start3A_171 = arith.constant 240 : i32
      %dma_start3A_172 = arith.constant 0 : i32
      %dma_start3A_173 = tpu.memref_slice %arg26[%dma_start3A_169, %dma_start3A_171, %dma_start3A_172] : memref<2x320x32xf32, #tpu.memory_space<vmem>> -> memref<1x80x32xf32, #tpu.memory_space<vmem>>
      %dma_start3A_174 = tpu.memref_squeeze %dma_start3A_173 : memref<1x80x32xf32, #tpu.memory_space<vmem>> -> memref<80x32xf32, #tpu.memory_space<vmem>>
      %dma_start3A_175 = arith.constant 240 : i32
      %dma_start3A_176 = tpu.memref_slice %arg24[%dma_start3A_175] : memref<640xi32, #tpu.memory_space<vmem>> -> memref<80xi32, #tpu.memory_space<vmem>>
      %dma_start3A_177 = arith.constant 0 : i32
      %dma_start3A_178 = arith.constant 0 : i32
      %dma_start3A_179 = tpu.memref_slice %arg2[%dma_start3A_177, %dma_start3A_178] : memref<10240x32xf32, #tpu.memory_space<hbm>> -> memref<10240x32xf32, #tpu.memory_space<hbm>>
      %dma_start3A_180 = tpu.memref_slice %arg28[%dma_start3A_170] : memref<2x!tpu.dma_semaphore, #tpu.memory_space<semaphore_mem>> -> memref<1x!tpu.dma_semaphore, #tpu.memory_space<semaphore_mem>>
      %dma_start3A_181 = tpu.memref_squeeze %dma_start3A_180 : memref<1x!tpu.dma_semaphore, #tpu.memory_space<semaphore_mem>> -> memref<!tpu.dma_semaphore, #tpu.memory_space<semaphore_mem>>
      tpu.enqueue_indirect_dma source(%dma_start3A_179 : memref<10240x32xf32, #tpu.memory_space<hbm>>) target(%dma_start3A_174 : memref<80x32xf32, #tpu.memory_space<vmem>>) offsets(%dma_start3A_176 : memref<80xi32, #tpu.memory_space<vmem>>) semaphore(%dma_start3A_181 : memref<!tpu.dma_semaphore, #tpu.memory_space<semaphore_mem>>)
    } else {
    }
    %while3A_115 = arith.constant 0 : i32
    %while3A_116 = arith.constant 0 : i32
    %while3A_117 = arith.subi %min3A_93, %while3A_116 : i32
    %while3A_118 = arith.addi %while3A_116, %while3A_117 : i32
    %while3A_119 = arith.constant 1 : i32
    %while3A_120 = arith.divsi %while3A_117, %while3A_119 : i32
    %while3A_121 = arith.muli %while3A_120, %while3A_119 : i32
    %while3A_122 = arith.addi %while3A_116, %while3A_121 : i32
    %while3A_123 = arith.constant 1 : i32
    scf.for %while3A_125 = %while3A_116 to %while3A_122 step %while3A_123  : i32 {
      %rem3A_126 = arith.constant 2 : i32
      %rem3A_127 = arith.remsi %while3A_125, %rem3A_126 : i32
      %mul3A_128 = arith.constant 320 : i32
      %mul3A_129 = arith.muli %rem3A_127, %mul3A_128 : i32
      %add3A_130 = arith.constant 0 : i32
      %add3A_131 = arith.addi %mul3A_129, %add3A_130 : i32
      %dma_wait3A = arith.constant 0 : i32
      %dma_wait3A_132 = arith.constant 0 : i32
      %dma_wait3A_133 = tpu.memref_slice %arg26[%rem3A_127, %dma_wait3A, %dma_wait3A_132] : memref<2x320x32xf32, #tpu.memory_space<vmem>> -> memref<1x80x32xf32, #tpu.memory_space<vmem>>
      %dma_wait3A_134 = tpu.memref_squeeze %dma_wait3A_133 : memref<1x80x32xf32, #tpu.memory_space<vmem>> -> memref<80x32xf32, #tpu.memory_space<vmem>>
      %dma_wait3A_135 = tpu.memref_slice %arg24[%add3A_131] : memref<640xi32, #tpu.memory_space<vmem>> -> memref<80xi32, #tpu.memory_space<vmem>>
      %dma_wait3A_136 = arith.constant 0 : i32
      %dma_wait3A_137 = arith.constant 0 : i32
      %dma_wait3A_138 = tpu.memref_slice %arg2[%dma_wait3A_136, %dma_wait3A_137] : memref<10240x32xf32, #tpu.memory_space<hbm>> -> memref<10240x32xf32, #tpu.memory_space<hbm>>
      %dma_wait3A_139 = tpu.memref_slice %arg28[%rem3A_127] : memref<2x!tpu.dma_semaphore, #tpu.memory_space<semaphore_mem>> -> memref<1x!tpu.dma_semaphore, #tpu.memory_space<semaphore_mem>>
      %dma_wait3A_140 = tpu.memref_squeeze %dma_wait3A_139 : memref<1x!tpu.dma_semaphore, #tpu.memory_space<semaphore_mem>> -> memref<!tpu.dma_semaphore, #tpu.memory_space<semaphore_mem>>
      tpu.wait_indirect_dma semaphore(%dma_wait3A_140 : memref<!tpu.dma_semaphore, #tpu.memory_space<semaphore_mem>>) src(%dma_wait3A_138 : memref<10240x32xf32, #tpu.memory_space<hbm>>) dst(%dma_wait3A_134 : memref<80x32xf32, #tpu.memory_space<vmem>>)
      %mul3A_141 = arith.constant 320 : i32
      %mul3A_142 = arith.muli %rem3A_127, %mul3A_141 : i32
      %add3A_143 = arith.constant 80 : i32
      %add3A_144 = arith.addi %mul3A_142, %add3A_143 : i32
      %dma_wait3A_145 = arith.constant 80 : i32
      %dma_wait3A_146 = arith.constant 0 : i32
      %dma_wait3A_147 = tpu.memref_slice %arg26[%rem3A_127, %dma_wait3A_145, %dma_wait3A_146] : memref<2x320x32xf32, #tpu.memory_space<vmem>> -> memref<1x80x32xf32, #tpu.memory_space<vmem>>
      %dma_wait3A_148 = tpu.memref_squeeze %dma_wait3A_147 : memref<1x80x32xf32, #tpu.memory_space<vmem>> -> memref<80x32xf32, #tpu.memory_space<vmem>>
      %dma_wait3A_149 = tpu.memref_slice %arg24[%add3A_144] : memref<640xi32, #tpu.memory_space<vmem>> -> memref<80xi32, #tpu.memory_space<vmem>>
      %dma_wait3A_150 = arith.constant 0 : i32
      %dma_wait3A_151 = arith.constant 0 : i32
      %dma_wait3A_152 = tpu.memref_slice %arg2[%dma_wait3A_150, %dma_wait3A_151] : memref<10240x32xf32, #tpu.memory_space<hbm>> -> memref<10240x32xf32, #tpu.memory_space<hbm>>
      %dma_wait3A_153 = tpu.memref_slice %arg28[%rem3A_127] : memref<2x!tpu.dma_semaphore, #tpu.memory_space<semaphore_mem>> -> memref<1x!tpu.dma_semaphore, #tpu.memory_space<semaphore_mem>>
      %dma_wait3A_154 = tpu.memref_squeeze %dma_wait3A_153 : memref<1x!tpu.dma_semaphore, #tpu.memory_space<semaphore_mem>> -> memref<!tpu.dma_semaphore, #tpu.memory_space<semaphore_mem>>
      tpu.wait_indirect_dma semaphore(%dma_wait3A_154 : memref<!tpu.dma_semaphore, #tpu.memory_space<semaphore_mem>>) src(%dma_wait3A_152 : memref<10240x32xf32, #tpu.memory_space<hbm>>) dst(%dma_wait3A_148 : memref<80x32xf32, #tpu.memory_space<vmem>>)
      %mul3A_155 = arith.constant 320 : i32
      %mul3A_156 = arith.muli %rem3A_127, %mul3A_155 : i32
      %add3A_157 = arith.constant 160 : i32
      %add3A_158 = arith.addi %mul3A_156, %add3A_157 : i32
      %dma_wait3A_159 = arith.constant 160 : i32
      %dma_wait3A_160 = arith.constant 0 : i32
      %dma_wait3A_161 = tpu.memref_slice %arg26[%rem3A_127, %dma_wait3A_159, %dma_wait3A_160] : memref<2x320x32xf32, #tpu.memory_space<vmem>> -> memref<1x80x32xf32, #tpu.memory_space<vmem>>
      %dma_wait3A_162 = tpu.memref_squeeze %dma_wait3A_161 : memref<1x80x32xf32, #tpu.memory_space<vmem>> -> memref<80x32xf32, #tpu.memory_space<vmem>>
      %dma_wait3A_163 = tpu.memref_slice %arg24[%add3A_158] : memref<640xi32, #tpu.memory_space<vmem>> -> memref<80xi32, #tpu.memory_space<vmem>>
      %dma_wait3A_164 = arith.constant 0 : i32
      %dma_wait3A_165 = arith.constant 0 : i32
      %dma_wait3A_166 = tpu.memref_slice %arg2[%dma_wait3A_164, %dma_wait3A_165] : memref<10240x32xf32, #tpu.memory_space<hbm>> -> memref<10240x32xf32, #tpu.memory_space<hbm>>
      %dma_wait3A_167 = tpu.memref_slice %arg28[%rem3A_127] : memref<2x!tpu.dma_semaphore, #tpu.memory_space<semaphore_mem>> -> memref<1x!tpu.dma_semaphore, #tpu.memory_space<semaphore_mem>>
      %dma_wait3A_168 = tpu.memref_squeeze %dma_wait3A_167 : memref<1x!tpu.dma_semaphore, #tpu.memory_space<semaphore_mem>> -> memref<!tpu.dma_semaphore, #tpu.memory_space<semaphore_mem>>
      tpu.wait_indirect_dma semaphore(%dma_wait3A_168 : memref<!tpu.dma_semaphore, #tpu.memory_space<semaphore_mem>>) src(%dma_wait3A_166 : memref<10240x32xf32, #tpu.memory_space<hbm>>) dst(%dma_wait3A_162 : memref<80x32xf32, #tpu.memory_space<vmem>>)
      %mul3A_169 = arith.constant 320 : i32
      %mul3A_170 = arith.muli %rem3A_127, %mul3A_169 : i32
      %add3A_171 = arith.constant 240 : i32
      %add3A_172 = arith.addi %mul3A_170, %add3A_171 : i32
      %dma_wait3A_173 = arith.constant 240 : i32
      %dma_wait3A_174 = arith.constant 0 : i32
      %dma_wait3A_175 = tpu.memref_slice %arg26[%rem3A_127, %dma_wait3A_173, %dma_wait3A_174] : memref<2x320x32xf32, #tpu.memory_space<vmem>> -> memref<1x80x32xf32, #tpu.memory_space<vmem>>
      %dma_wait3A_176 = tpu.memref_squeeze %dma_wait3A_175 : memref<1x80x32xf32, #tpu.memory_space<vmem>> -> memref<80x32xf32, #tpu.memory_space<vmem>>
      %dma_wait3A_177 = tpu.memref_slice %arg24[%add3A_172] : memref<640xi32, #tpu.memory_space<vmem>> -> memref<80xi32, #tpu.memory_space<vmem>>
      %dma_wait3A_178 = arith.constant 0 : i32
      %dma_wait3A_179 = arith.constant 0 : i32
      %dma_wait3A_180 = tpu.memref_slice %arg2[%dma_wait3A_178, %dma_wait3A_179] : memref<10240x32xf32, #tpu.memory_space<hbm>> -> memref<10240x32xf32, #tpu.memory_space<hbm>>
      %dma_wait3A_181 = tpu.memref_slice %arg28[%rem3A_127] : memref<2x!tpu.dma_semaphore, #tpu.memory_space<semaphore_mem>> -> memref<1x!tpu.dma_semaphore, #tpu.memory_space<semaphore_mem>>
      %dma_wait3A_182 = tpu.memref_squeeze %dma_wait3A_181 : memref<1x!tpu.dma_semaphore, #tpu.memory_space<semaphore_mem>> -> memref<!tpu.dma_semaphore, #tpu.memory_space<semaphore_mem>>
      tpu.wait_indirect_dma semaphore(%dma_wait3A_182 : memref<!tpu.dma_semaphore, #tpu.memory_space<semaphore_mem>>) src(%dma_wait3A_180 : memref<10240x32xf32, #tpu.memory_space<hbm>>) dst(%dma_wait3A_176 : memref<80x32xf32, #tpu.memory_space<vmem>>)
      %add3A_183 = arith.constant 1 : i32
      %add3A_184 = arith.addi %while3A_125, %add3A_183 : i32
      %lt3A = arith.cmpi slt, %add3A_184, %min3A_93 : i32
      %convert_element_type3A_185 = arith.extui %lt3A : i1 to i32
      %cond3A_186 = arith.constant 0 : i32
      %cond3A_187 = arith.cmpi ne, %convert_element_type3A_185, %cond3A_186 : i32
      scf.if %cond3A_187 {
        %add3A_195 = arith.constant 1 : i32
        %add3A_196 = arith.addi %while3A_125, %add3A_195 : i32
        %rem3A_197 = arith.constant 2 : i32
        %rem3A_198 = arith.remsi %add3A_196, %rem3A_197 : i32
        %add3A_199 = arith.constant 1 : i32
        %add3A_200 = arith.addi %while3A_125, %add3A_199 : i32
        %scan3A_201 = arith.constant 0 : i32
        %scan3A_202 = arith.constant 0 : i32
        %scan3A_203 = arith.constant 20 : i32
        %scan3A_204 = arith.addi %scan3A_202, %scan3A_203 : i32
        %scan3A_205 = arith.constant 1 : i32
        scf.for %scan3A_262 = %scan3A_202 to %scan3A_204 step %scan3A_205  : i32 {
          %mul3A_263 = arith.constant 16 : i32
          %mul3A_264 = arith.muli %scan3A_262, %mul3A_263 : i32
          %get3A_265 = arith.index_cast %mul3A_264 : i32 to index
          %get3A_266 = tpu.vector_load %arg19[%get3A_265] {strides = array<i32>} : memref<336xi32, #tpu.memory_space<vmem>>, vector<16xi32>,
          %mul3A_267 = arith.constant 16 : i32
          %mul3A_268 = arith.muli %scan3A_262, %mul3A_267 : i32
          %get3A_269 = arith.index_cast %mul3A_268 : i32 to index
          %get3A_270 = tpu.vector_load %arg20[%get3A_269] {strides = array<i32>} : memref<336xi32, #tpu.memory_space<vmem>>, vector<16xi32>,
          %lt3A_271 = vector.broadcast %add3A_200 : i32 to vector<16xi32>
          %lt3A_272 = arith.cmpi slt, %lt3A_271, %get3A_270 : vector<16xi32>
          %add3A_273 = vector.broadcast %add3A_200 : i32 to vector<16xi32>
          %add3A_274 = arith.addi %get3A_266, %add3A_273 : vector<16xi32>
          %jit3A_275 = arith.constant 16511 : i32
          %broadcast_in_dim3A_276 = vector.broadcast %jit3A_275 : i32 to vector<16xi32>
          %select_n3A_277 = arith.select %lt3A_272, %add3A_274, %broadcast_in_dim3A_276 : vector<16xi1>, vector<16xi32>
          %min3A_278 = arith.constant 16511 : i32
          %min3A_279 = vector.broadcast %min3A_278 : i32 to vector<16xi32>
          %min3A_280 = arith.minsi %select_n3A_277, %min3A_279 : vector<16xi32>
          %gather3A = tpu.vector_load_idx %arg16[%min3A_280] : memref<16512xi32, #tpu.memory_space<vmem>>[vector<16xi32>], vector<16xi32>,
          %jit3A_281 = arith.constant 0 : i32
          %broadcast_in_dim3A_282 = vector.broadcast %jit3A_281 : i32 to vector<16xi32>
          %select_n3A_283 = arith.select %lt3A_272, %gather3A, %broadcast_in_dim3A_282 : vector<16xi1>, vector<16xi32>
          %mul3A_284 = arith.constant 320 : i32
          %mul3A_285 = arith.muli %rem3A_198, %mul3A_284 : i32
          %mul3A_286 = arith.constant 16 : i32
          %mul3A_287 = arith.muli %scan3A_262, %mul3A_286 : i32
          %add3A_288 = arith.addi %mul3A_285, %mul3A_287 : i32
          %swap3A = arith.index_cast %add3A_288 : i32 to index
          %swap3A_289 = tpu.vector_load %arg24[%swap3A] {strides = array<i32>} : memref<640xi32, #tpu.memory_space<vmem>>, vector<16xi32>,
          tpu.vector_store %arg24[%swap3A], %select_n3A_283 {strides = array<i32>} : memref<640xi32, #tpu.memory_space<vmem>>, vector<16xi32>,
        }
        %scan3A_206 = arith.constant 20 : i32
        %mul3A_207 = arith.constant 320 : i32
        %mul3A_208 = arith.muli %rem3A_198, %mul3A_207 : i32
        %add3A_209 = arith.constant 0 : i32
        %add3A_210 = arith.addi %mul3A_208, %add3A_209 : i32
        %dma_start3A = arith.constant 0 : i32
        %dma_start3A_211 = arith.constant 0 : i32
        %dma_start3A_212 = tpu.memref_slice %arg26[%rem3A_198, %dma_start3A, %dma_start3A_211] : memref<2x320x32xf32, #tpu.memory_space<vmem>> -> memref<1x80x32xf32, #tpu.memory_space<vmem>>
        %dma_start3A_213 = tpu.memref_squeeze %dma_start3A_212 : memref<1x80x32xf32, #tpu.memory_space<vmem>> -> memref<80x32xf32, #tpu.memory_space<vmem>>
        %dma_start3A_214 = tpu.memref_slice %arg24[%add3A_210] : memref<640xi32, #tpu.memory_space<vmem>> -> memref<80xi32, #tpu.memory_space<vmem>>
        %dma_start3A_215 = arith.constant 0 : i32
        %dma_start3A_216 = arith.constant 0 : i32
        %dma_start3A_217 = tpu.memref_slice %arg2[%dma_start3A_215, %dma_start3A_216] : memref<10240x32xf32, #tpu.memory_space<hbm>> -> memref<10240x32xf32, #tpu.memory_space<hbm>>
        %dma_start3A_218 = tpu.memref_slice %arg28[%rem3A_198] : memref<2x!tpu.dma_semaphore, #tpu.memory_space<semaphore_mem>> -> memref<1x!tpu.dma_semaphore, #tpu.memory_space<semaphore_mem>>
        %dma_start3A_219 = tpu.memref_squeeze %dma_start3A_218 : memref<1x!tpu.dma_semaphore, #tpu.memory_space<semaphore_mem>> -> memref<!tpu.dma_semaphore, #tpu.memory_space<semaphore_mem>>
        tpu.enqueue_indirect_dma source(%dma_start3A_217 : memref<10240x32xf32, #tpu.memory_space<hbm>>) target(%dma_start3A_213 : memref<80x32xf32, #tpu.memory_space<vmem>>) offsets(%dma_start3A_214 : memref<80xi32, #tpu.memory_space<vmem>>) semaphore(%dma_start3A_219 : memref<!tpu.dma_semaphore, #tpu.memory_space<semaphore_mem>>)
        %mul3A_220 = arith.constant 320 : i32
        %mul3A_221 = arith.muli %rem3A_198, %mul3A_220 : i32
        %add3A_222 = arith.constant 80 : i32
        %add3A_223 = arith.addi %mul3A_221, %add3A_222 : i32
        %dma_start3A_224 = arith.constant 80 : i32
        %dma_start3A_225 = arith.constant 0 : i32
        %dma_start3A_226 = tpu.memref_slice %arg26[%rem3A_198, %dma_start3A_224, %dma_start3A_225] : memref<2x320x32xf32, #tpu.memory_space<vmem>> -> memref<1x80x32xf32, #tpu.memory_space<vmem>>
        %dma_start3A_227 = tpu.memref_squeeze %dma_start3A_226 : memref<1x80x32xf32, #tpu.memory_space<vmem>> -> memref<80x32xf32, #tpu.memory_space<vmem>>
        %dma_start3A_228 = tpu.memref_slice %arg24[%add3A_223] : memref<640xi32, #tpu.memory_space<vmem>> -> memref<80xi32, #tpu.memory_space<vmem>>
        %dma_start3A_229 = arith.constant 0 : i32
        %dma_start3A_230 = arith.constant 0 : i32
        %dma_start3A_231 = tpu.memref_slice %arg2[%dma_start3A_229, %dma_start3A_230] : memref<10240x32xf32, #tpu.memory_space<hbm>> -> memref<10240x32xf32, #tpu.memory_space<hbm>>
        %dma_start3A_232 = tpu.memref_slice %arg28[%rem3A_198] : memref<2x!tpu.dma_semaphore, #tpu.memory_space<semaphore_mem>> -> memref<1x!tpu.dma_semaphore, #tpu.memory_space<semaphore_mem>>
        %dma_start3A_233 = tpu.memref_squeeze %dma_start3A_232 : memref<1x!tpu.dma_semaphore, #tpu.memory_space<semaphore_mem>> -> memref<!tpu.dma_semaphore, #tpu.memory_space<semaphore_mem>>
        tpu.enqueue_indirect_dma source(%dma_start3A_231 : memref<10240x32xf32, #tpu.memory_space<hbm>>) target(%dma_start3A_227 : memref<80x32xf32, #tpu.memory_space<vmem>>) offsets(%dma_start3A_228 : memref<80xi32, #tpu.memory_space<vmem>>) semaphore(%dma_start3A_233 : memref<!tpu.dma_semaphore, #tpu.memory_space<semaphore_mem>>)
        %mul3A_234 = arith.constant 320 : i32
        %mul3A_235 = arith.muli %rem3A_198, %mul3A_234 : i32
        %add3A_236 = arith.constant 160 : i32
        %add3A_237 = arith.addi %mul3A_235, %add3A_236 : i32
        %dma_start3A_238 = arith.constant 160 : i32
        %dma_start3A_239 = arith.constant 0 : i32
        %dma_start3A_240 = tpu.memref_slice %arg26[%rem3A_198, %dma_start3A_238, %dma_start3A_239] : memref<2x320x32xf32, #tpu.memory_space<vmem>> -> memref<1x80x32xf32, #tpu.memory_space<vmem>>
        %dma_start3A_241 = tpu.memref_squeeze %dma_start3A_240 : memref<1x80x32xf32, #tpu.memory_space<vmem>> -> memref<80x32xf32, #tpu.memory_space<vmem>>
        %dma_start3A_242 = tpu.memref_slice %arg24[%add3A_237] : memref<640xi32, #tpu.memory_space<vmem>> -> memref<80xi32, #tpu.memory_space<vmem>>
        %dma_start3A_243 = arith.constant 0 : i32
        %dma_start3A_244 = arith.constant 0 : i32
        %dma_start3A_245 = tpu.memref_slice %arg2[%dma_start3A_243, %dma_start3A_244] : memref<10240x32xf32, #tpu.memory_space<hbm>> -> memref<10240x32xf32, #tpu.memory_space<hbm>>
        %dma_start3A_246 = tpu.memref_slice %arg28[%rem3A_198] : memref<2x!tpu.dma_semaphore, #tpu.memory_space<semaphore_mem>> -> memref<1x!tpu.dma_semaphore, #tpu.memory_space<semaphore_mem>>
        %dma_start3A_247 = tpu.memref_squeeze %dma_start3A_246 : memref<1x!tpu.dma_semaphore, #tpu.memory_space<semaphore_mem>> -> memref<!tpu.dma_semaphore, #tpu.memory_space<semaphore_mem>>
        tpu.enqueue_indirect_dma source(%dma_start3A_245 : memref<10240x32xf32, #tpu.memory_space<hbm>>) target(%dma_start3A_241 : memref<80x32xf32, #tpu.memory_space<vmem>>) offsets(%dma_start3A_242 : memref<80xi32, #tpu.memory_space<vmem>>) semaphore(%dma_start3A_247 : memref<!tpu.dma_semaphore, #tpu.memory_space<semaphore_mem>>)
        %mul3A_248 = arith.constant 320 : i32
        %mul3A_249 = arith.muli %rem3A_198, %mul3A_248 : i32
        %add3A_250 = arith.constant 240 : i32
        %add3A_251 = arith.addi %mul3A_249, %add3A_250 : i32
        %dma_start3A_252 = arith.constant 240 : i32
        %dma_start3A_253 = arith.constant 0 : i32
        %dma_start3A_254 = tpu.memref_slice %arg26[%rem3A_198, %dma_start3A_252, %dma_start3A_253] : memref<2x320x32xf32, #tpu.memory_space<vmem>> -> memref<1x80x32xf32, #tpu.memory_space<vmem>>
        %dma_start3A_255 = tpu.memref_squeeze %dma_start3A_254 : memref<1x80x32xf32, #tpu.memory_space<vmem>> -> memref<80x32xf32, #tpu.memory_space<vmem>>
        %dma_start3A_256 = tpu.memref_slice %arg24[%add3A_251] : memref<640xi32, #tpu.memory_space<vmem>> -> memref<80xi32, #tpu.memory_space<vmem>>
        %dma_start3A_257 = arith.constant 0 : i32
        %dma_start3A_258 = arith.constant 0 : i32
        %dma_start3A_259 = tpu.memref_slice %arg2[%dma_start3A_257, %dma_start3A_258] : memref<10240x32xf32, #tpu.memory_space<hbm>> -> memref<10240x32xf32, #tpu.memory_space<hbm>>
        %dma_start3A_260 = tpu.memref_slice %arg28[%rem3A_198] : memref<2x!tpu.dma_semaphore, #tpu.memory_space<semaphore_mem>> -> memref<1x!tpu.dma_semaphore, #tpu.memory_space<semaphore_mem>>
        %dma_start3A_261 = tpu.memref_squeeze %dma_start3A_260 : memref<1x!tpu.dma_semaphore, #tpu.memory_space<semaphore_mem>> -> memref<!tpu.dma_semaphore, #tpu.memory_space<semaphore_mem>>
        tpu.enqueue_indirect_dma source(%dma_start3A_259 : memref<10240x32xf32, #tpu.memory_space<hbm>>) target(%dma_start3A_255 : memref<80x32xf32, #tpu.memory_space<vmem>>) offsets(%dma_start3A_256 : memref<80xi32, #tpu.memory_space<vmem>>) semaphore(%dma_start3A_261 : memref<!tpu.dma_semaphore, #tpu.memory_space<semaphore_mem>>)
      } else {
      }
      %broadcast_in_dim3A_188 = vector.broadcast %rem3A_127 : i32 to vector<16xi32>
      %scan3A_189 = arith.constant 0 : i32
      %scan3A_190 = arith.constant 0 : i32
      %scan3A_191 = arith.constant 20 : i32
      %scan3A_192 = arith.addi %scan3A_190, %scan3A_191 : i32
      %scan3A_193 = arith.constant 1 : i32
      scf.for %scan3A_195 = %scan3A_190 to %scan3A_192 step %scan3A_193  : i32 {
        %mul3A_196 = arith.constant 16 : i32
        %mul3A_197 = arith.muli %scan3A_195, %mul3A_196 : i32
        %get3A_198 = arith.index_cast %mul3A_197 : i32 to index
        %get3A_199 = tpu.vector_load %arg19[%get3A_198] {strides = array<i32>} : memref<336xi32, #tpu.memory_space<vmem>>, vector<16xi32>,
        %mul3A_200 = arith.constant 16 : i32
        %mul3A_201 = arith.muli %scan3A_195, %mul3A_200 : i32
        %get3A_202 = arith.index_cast %mul3A_201 : i32 to index
        %get3A_203 = tpu.vector_load %arg20[%get3A_202] {strides = array<i32>} : memref<336xi32, #tpu.memory_space<vmem>>, vector<16xi32>,
        %lt3A_204 = vector.broadcast %while3A_125 : i32 to vector<16xi32>
        %lt3A_205 = arith.cmpi slt, %lt3A_204, %get3A_203 : vector<16xi32>
        %add3A_206 = vector.broadcast %while3A_125 : i32 to vector<16xi32>
        %add3A_207 = arith.addi %get3A_199, %add3A_206 : vector<16xi32>
        %jit3A_208 = arith.constant 16511 : i32
        %broadcast_in_dim3A_209 = vector.broadcast %jit3A_208 : i32 to vector<16xi32>
        %select_n3A_210 = arith.select %lt3A_205, %add3A_207, %broadcast_in_dim3A_209 : vector<16xi1>, vector<16xi32>
        %min3A_211 = arith.constant 16511 : i32
        %min3A_212 = vector.broadcast %min3A_211 : i32 to vector<16xi32>
        %min3A_213 = arith.minsi %select_n3A_210, %min3A_212 : vector<16xi32>
        %gather3A = tpu.vector_load_idx %arg18[%min3A_213] : memref<16512xf32, #tpu.memory_space<vmem>>[vector<16xi32>], vector<16xf32>,
        %mul3A_214 = arith.constant 16 : i32
        %mul3A_215 = arith.muli %scan3A_195, %mul3A_214 : i32
        %get3A_216 = arith.index_cast %mul3A_215 : i32 to index
        %get3A_217 = tpu.vector_load %arg21[%get3A_216] {strides = array<i32>} : memref<336xf32, #tpu.memory_space<vmem>>, vector<16xf32>,
        %sub3A_218 = arith.subf %gather3A, %get3A_217 : vector<16xf32>
        %exp3A = math.exp %sub3A_218 : vector<16xf32>
        %jit3A_219 = arith.constant 0.000000e+00 : f32
        %broadcast_in_dim3A_220 = vector.broadcast %jit3A_219 : f32 to vector<16xf32>
        %select_n3A_221 = arith.select %lt3A_205, %exp3A, %broadcast_in_dim3A_220 : vector<16xi1>, vector<16xf32>
        %mul3A_222 = arith.constant 16 : i32
        %mul3A_223 = arith.muli %scan3A_195, %mul3A_222 : i32
        %get3A_224 = arith.index_cast %mul3A_223 : i32 to index
        %get3A_225 = tpu.vector_load %arg22[%get3A_224] {strides = array<i32>} : memref<336xf32, #tpu.memory_space<vmem>>, vector<16xf32>,
        %add3A_226 = arith.addf %get3A_225, %select_n3A_221 : vector<16xf32>
        %mul3A_227 = arith.constant 16 : i32
        %mul3A_228 = arith.muli %scan3A_195, %mul3A_227 : i32
        %swap3A = arith.index_cast %mul3A_228 : i32 to index
        %swap3A_229 = tpu.vector_load %arg22[%swap3A] {strides = array<i32>} : memref<336xf32, #tpu.memory_space<vmem>>, vector<16xf32>,
        tpu.vector_store %arg22[%swap3A], %add3A_226 {strides = array<i32>} : memref<336xf32, #tpu.memory_space<vmem>>, vector<16xf32>,
        %mul3A_230 = arith.constant 16 : i32
        %mul3A_231 = arith.muli %scan3A_195, %mul3A_230 : i32
        %add3A_232 = vector.broadcast %mul3A_231 : i32 to vector<16xi32>
        %add3A_233 = arith.addi %add3A_232, %iota3A : vector<16xi32>
        %scan3A_234 = arith.constant 0 : i32
        %scan3A_235 = arith.constant 0 : i32
        %scan3A_236 = arith.constant 32 : i32
        %scan3A_237 = arith.addi %scan3A_235, %scan3A_236 : i32
        %scan3A_238 = arith.constant 1 : i32
        scf.for %scan3A_240 = %scan3A_235 to %scan3A_237 step %scan3A_238  : i32 {
          %broadcast_in_dim3A_241 = vector.broadcast %scan3A_240 : i32 to vector<16xi32>
          %gather3A_242 = tpu.vector_load_idx %arg26[%broadcast_in_dim3A_188, %add3A_233, %broadcast_in_dim3A_241] : memref<2x320x32xf32, #tpu.memory_space<vmem>>[vector<16xi32>, vector<16xi32>, vector<16xi32>], vector<16xf32>,
          %gather3A_243 = tpu.vector_load_idx %arg23[%add3A_233, %broadcast_in_dim3A_241] : memref<320x32xf32, #tpu.memory_space<vmem>>[vector<16xi32>, vector<16xi32>], vector<16xf32>,
          %mul3A_244 = arith.mulf %select_n3A_221, %gather3A_242 : vector<16xf32>
          %add3A_245 = arith.addf %gather3A_243, %mul3A_244 : vector<16xf32>
          tpu.vector_store_idx %arg23[%add3A_233, %broadcast_in_dim3A_241], %add3A_245 : memref<320x32xf32, #tpu.memory_space<vmem>>[vector<16xi32>, vector<16xi32>], vector<16xf32>,
        }
        %scan3A_239 = arith.constant 32 : i32
      }
      %scan3A_194 = arith.constant 20 : i32
    }
    %while3A_124 = arith.constant 1 : i32
    scf.for %while3A_125 = %while3A_122 to %while3A_118 step %while3A_124  : i32 {
      %rem3A_126 = arith.constant 2 : i32
      %rem3A_127 = arith.remsi %while3A_125, %rem3A_126 : i32
      %mul3A_128 = arith.constant 320 : i32
      %mul3A_129 = arith.muli %rem3A_127, %mul3A_128 : i32
      %add3A_130 = arith.constant 0 : i32
      %add3A_131 = arith.addi %mul3A_129, %add3A_130 : i32
      %dma_wait3A = arith.constant 0 : i32
      %dma_wait3A_132 = arith.constant 0 : i32
      %dma_wait3A_133 = tpu.memref_slice %arg26[%rem3A_127, %dma_wait3A, %dma_wait3A_132] : memref<2x320x32xf32, #tpu.memory_space<vmem>> -> memref<1x80x32xf32, #tpu.memory_space<vmem>>
      %dma_wait3A_134 = tpu.memref_squeeze %dma_wait3A_133 : memref<1x80x32xf32, #tpu.memory_space<vmem>> -> memref<80x32xf32, #tpu.memory_space<vmem>>
      %dma_wait3A_135 = tpu.memref_slice %arg24[%add3A_131] : memref<640xi32, #tpu.memory_space<vmem>> -> memref<80xi32, #tpu.memory_space<vmem>>
      %dma_wait3A_136 = arith.constant 0 : i32
      %dma_wait3A_137 = arith.constant 0 : i32
      %dma_wait3A_138 = tpu.memref_slice %arg2[%dma_wait3A_136, %dma_wait3A_137] : memref<10240x32xf32, #tpu.memory_space<hbm>> -> memref<10240x32xf32, #tpu.memory_space<hbm>>
      %dma_wait3A_139 = tpu.memref_slice %arg28[%rem3A_127] : memref<2x!tpu.dma_semaphore, #tpu.memory_space<semaphore_mem>> -> memref<1x!tpu.dma_semaphore, #tpu.memory_space<semaphore_mem>>
      %dma_wait3A_140 = tpu.memref_squeeze %dma_wait3A_139 : memref<1x!tpu.dma_semaphore, #tpu.memory_space<semaphore_mem>> -> memref<!tpu.dma_semaphore, #tpu.memory_space<semaphore_mem>>
      tpu.wait_indirect_dma semaphore(%dma_wait3A_140 : memref<!tpu.dma_semaphore, #tpu.memory_space<semaphore_mem>>) src(%dma_wait3A_138 : memref<10240x32xf32, #tpu.memory_space<hbm>>) dst(%dma_wait3A_134 : memref<80x32xf32, #tpu.memory_space<vmem>>)
      %mul3A_141 = arith.constant 320 : i32
      %mul3A_142 = arith.muli %rem3A_127, %mul3A_141 : i32
      %add3A_143 = arith.constant 80 : i32
      %add3A_144 = arith.addi %mul3A_142, %add3A_143 : i32
      %dma_wait3A_145 = arith.constant 80 : i32
      %dma_wait3A_146 = arith.constant 0 : i32
      %dma_wait3A_147 = tpu.memref_slice %arg26[%rem3A_127, %dma_wait3A_145, %dma_wait3A_146] : memref<2x320x32xf32, #tpu.memory_space<vmem>> -> memref<1x80x32xf32, #tpu.memory_space<vmem>>
      %dma_wait3A_148 = tpu.memref_squeeze %dma_wait3A_147 : memref<1x80x32xf32, #tpu.memory_space<vmem>> -> memref<80x32xf32, #tpu.memory_space<vmem>>
      %dma_wait3A_149 = tpu.memref_slice %arg24[%add3A_144] : memref<640xi32, #tpu.memory_space<vmem>> -> memref<80xi32, #tpu.memory_space<vmem>>
      %dma_wait3A_150 = arith.constant 0 : i32
      %dma_wait3A_151 = arith.constant 0 : i32
      %dma_wait3A_152 = tpu.memref_slice %arg2[%dma_wait3A_150, %dma_wait3A_151] : memref<10240x32xf32, #tpu.memory_space<hbm>> -> memref<10240x32xf32, #tpu.memory_space<hbm>>
      %dma_wait3A_153 = tpu.memref_slice %arg28[%rem3A_127] : memref<2x!tpu.dma_semaphore, #tpu.memory_space<semaphore_mem>> -> memref<1x!tpu.dma_semaphore, #tpu.memory_space<semaphore_mem>>
      %dma_wait3A_154 = tpu.memref_squeeze %dma_wait3A_153 : memref<1x!tpu.dma_semaphore, #tpu.memory_space<semaphore_mem>> -> memref<!tpu.dma_semaphore, #tpu.memory_space<semaphore_mem>>
      tpu.wait_indirect_dma semaphore(%dma_wait3A_154 : memref<!tpu.dma_semaphore, #tpu.memory_space<semaphore_mem>>) src(%dma_wait3A_152 : memref<10240x32xf32, #tpu.memory_space<hbm>>) dst(%dma_wait3A_148 : memref<80x32xf32, #tpu.memory_space<vmem>>)
      %mul3A_155 = arith.constant 320 : i32
      %mul3A_156 = arith.muli %rem3A_127, %mul3A_155 : i32
      %add3A_157 = arith.constant 160 : i32
      %add3A_158 = arith.addi %mul3A_156, %add3A_157 : i32
      %dma_wait3A_159 = arith.constant 160 : i32
      %dma_wait3A_160 = arith.constant 0 : i32
      %dma_wait3A_161 = tpu.memref_slice %arg26[%rem3A_127, %dma_wait3A_159, %dma_wait3A_160] : memref<2x320x32xf32, #tpu.memory_space<vmem>> -> memref<1x80x32xf32, #tpu.memory_space<vmem>>
      %dma_wait3A_162 = tpu.memref_squeeze %dma_wait3A_161 : memref<1x80x32xf32, #tpu.memory_space<vmem>> -> memref<80x32xf32, #tpu.memory_space<vmem>>
      %dma_wait3A_163 = tpu.memref_slice %arg24[%add3A_158] : memref<640xi32, #tpu.memory_space<vmem>> -> memref<80xi32, #tpu.memory_space<vmem>>
      %dma_wait3A_164 = arith.constant 0 : i32
      %dma_wait3A_165 = arith.constant 0 : i32
      %dma_wait3A_166 = tpu.memref_slice %arg2[%dma_wait3A_164, %dma_wait3A_165] : memref<10240x32xf32, #tpu.memory_space<hbm>> -> memref<10240x32xf32, #tpu.memory_space<hbm>>
      %dma_wait3A_167 = tpu.memref_slice %arg28[%rem3A_127] : memref<2x!tpu.dma_semaphore, #tpu.memory_space<semaphore_mem>> -> memref<1x!tpu.dma_semaphore, #tpu.memory_space<semaphore_mem>>
      %dma_wait3A_168 = tpu.memref_squeeze %dma_wait3A_167 : memref<1x!tpu.dma_semaphore, #tpu.memory_space<semaphore_mem>> -> memref<!tpu.dma_semaphore, #tpu.memory_space<semaphore_mem>>
      tpu.wait_indirect_dma semaphore(%dma_wait3A_168 : memref<!tpu.dma_semaphore, #tpu.memory_space<semaphore_mem>>) src(%dma_wait3A_166 : memref<10240x32xf32, #tpu.memory_space<hbm>>) dst(%dma_wait3A_162 : memref<80x32xf32, #tpu.memory_space<vmem>>)
      %mul3A_169 = arith.constant 320 : i32
      %mul3A_170 = arith.muli %rem3A_127, %mul3A_169 : i32
      %add3A_171 = arith.constant 240 : i32
      %add3A_172 = arith.addi %mul3A_170, %add3A_171 : i32
      %dma_wait3A_173 = arith.constant 240 : i32
      %dma_wait3A_174 = arith.constant 0 : i32
      %dma_wait3A_175 = tpu.memref_slice %arg26[%rem3A_127, %dma_wait3A_173, %dma_wait3A_174] : memref<2x320x32xf32, #tpu.memory_space<vmem>> -> memref<1x80x32xf32, #tpu.memory_space<vmem>>
      %dma_wait3A_176 = tpu.memref_squeeze %dma_wait3A_175 : memref<1x80x32xf32, #tpu.memory_space<vmem>> -> memref<80x32xf32, #tpu.memory_space<vmem>>
      %dma_wait3A_177 = tpu.memref_slice %arg24[%add3A_172] : memref<640xi32, #tpu.memory_space<vmem>> -> memref<80xi32, #tpu.memory_space<vmem>>
      %dma_wait3A_178 = arith.constant 0 : i32
      %dma_wait3A_179 = arith.constant 0 : i32
      %dma_wait3A_180 = tpu.memref_slice %arg2[%dma_wait3A_178, %dma_wait3A_179] : memref<10240x32xf32, #tpu.memory_space<hbm>> -> memref<10240x32xf32, #tpu.memory_space<hbm>>
      %dma_wait3A_181 = tpu.memref_slice %arg28[%rem3A_127] : memref<2x!tpu.dma_semaphore, #tpu.memory_space<semaphore_mem>> -> memref<1x!tpu.dma_semaphore, #tpu.memory_space<semaphore_mem>>
      %dma_wait3A_182 = tpu.memref_squeeze %dma_wait3A_181 : memref<1x!tpu.dma_semaphore, #tpu.memory_space<semaphore_mem>> -> memref<!tpu.dma_semaphore, #tpu.memory_space<semaphore_mem>>
      tpu.wait_indirect_dma semaphore(%dma_wait3A_182 : memref<!tpu.dma_semaphore, #tpu.memory_space<semaphore_mem>>) src(%dma_wait3A_180 : memref<10240x32xf32, #tpu.memory_space<hbm>>) dst(%dma_wait3A_176 : memref<80x32xf32, #tpu.memory_space<vmem>>)
      %add3A_183 = arith.constant 1 : i32
      %add3A_184 = arith.addi %while3A_125, %add3A_183 : i32
      %lt3A = arith.cmpi slt, %add3A_184, %min3A_93 : i32
      %convert_element_type3A_185 = arith.extui %lt3A : i1 to i32
      %cond3A_186 = arith.constant 0 : i32
      %cond3A_187 = arith.cmpi ne, %convert_element_type3A_185, %cond3A_186 : i32
      scf.if %cond3A_187 {
        %add3A_195 = arith.constant 1 : i32
        %add3A_196 = arith.addi %while3A_125, %add3A_195 : i32
        %rem3A_197 = arith.constant 2 : i32
        %rem3A_198 = arith.remsi %add3A_196, %rem3A_197 : i32
        %add3A_199 = arith.constant 1 : i32
        %add3A_200 = arith.addi %while3A_125, %add3A_199 : i32
        %scan3A_201 = arith.constant 0 : i32
        %scan3A_202 = arith.constant 0 : i32
        %scan3A_203 = arith.constant 20 : i32
        %scan3A_204 = arith.addi %scan3A_202, %scan3A_203 : i32
        %scan3A_205 = arith.constant 1 : i32
        scf.for %scan3A_262 = %scan3A_202 to %scan3A_204 step %scan3A_205  : i32 {
          %mul3A_263 = arith.constant 16 : i32
          %mul3A_264 = arith.muli %scan3A_262, %mul3A_263 : i32
          %get3A_265 = arith.index_cast %mul3A_264 : i32 to index
          %get3A_266 = tpu.vector_load %arg19[%get3A_265] {strides = array<i32>} : memref<336xi32, #tpu.memory_space<vmem>>, vector<16xi32>,
          %mul3A_267 = arith.constant 16 : i32
          %mul3A_268 = arith.muli %scan3A_262, %mul3A_267 : i32
          %get3A_269 = arith.index_cast %mul3A_268 : i32 to index
          %get3A_270 = tpu.vector_load %arg20[%get3A_269] {strides = array<i32>} : memref<336xi32, #tpu.memory_space<vmem>>, vector<16xi32>,
          %lt3A_271 = vector.broadcast %add3A_200 : i32 to vector<16xi32>
          %lt3A_272 = arith.cmpi slt, %lt3A_271, %get3A_270 : vector<16xi32>
          %add3A_273 = vector.broadcast %add3A_200 : i32 to vector<16xi32>
          %add3A_274 = arith.addi %get3A_266, %add3A_273 : vector<16xi32>
          %jit3A_275 = arith.constant 16511 : i32
          %broadcast_in_dim3A_276 = vector.broadcast %jit3A_275 : i32 to vector<16xi32>
          %select_n3A_277 = arith.select %lt3A_272, %add3A_274, %broadcast_in_dim3A_276 : vector<16xi1>, vector<16xi32>
          %min3A_278 = arith.constant 16511 : i32
          %min3A_279 = vector.broadcast %min3A_278 : i32 to vector<16xi32>
          %min3A_280 = arith.minsi %select_n3A_277, %min3A_279 : vector<16xi32>
          %gather3A = tpu.vector_load_idx %arg16[%min3A_280] : memref<16512xi32, #tpu.memory_space<vmem>>[vector<16xi32>], vector<16xi32>,
          %jit3A_281 = arith.constant 0 : i32
          %broadcast_in_dim3A_282 = vector.broadcast %jit3A_281 : i32 to vector<16xi32>
          %select_n3A_283 = arith.select %lt3A_272, %gather3A, %broadcast_in_dim3A_282 : vector<16xi1>, vector<16xi32>
          %mul3A_284 = arith.constant 320 : i32
          %mul3A_285 = arith.muli %rem3A_198, %mul3A_284 : i32
          %mul3A_286 = arith.constant 16 : i32
          %mul3A_287 = arith.muli %scan3A_262, %mul3A_286 : i32
          %add3A_288 = arith.addi %mul3A_285, %mul3A_287 : i32
          %swap3A = arith.index_cast %add3A_288 : i32 to index
          %swap3A_289 = tpu.vector_load %arg24[%swap3A] {strides = array<i32>} : memref<640xi32, #tpu.memory_space<vmem>>, vector<16xi32>,
          tpu.vector_store %arg24[%swap3A], %select_n3A_283 {strides = array<i32>} : memref<640xi32, #tpu.memory_space<vmem>>, vector<16xi32>,
        }
        %scan3A_206 = arith.constant 20 : i32
        %mul3A_207 = arith.constant 320 : i32
        %mul3A_208 = arith.muli %rem3A_198, %mul3A_207 : i32
        %add3A_209 = arith.constant 0 : i32
        %add3A_210 = arith.addi %mul3A_208, %add3A_209 : i32
        %dma_start3A = arith.constant 0 : i32
        %dma_start3A_211 = arith.constant 0 : i32
        %dma_start3A_212 = tpu.memref_slice %arg26[%rem3A_198, %dma_start3A, %dma_start3A_211] : memref<2x320x32xf32, #tpu.memory_space<vmem>> -> memref<1x80x32xf32, #tpu.memory_space<vmem>>
        %dma_start3A_213 = tpu.memref_squeeze %dma_start3A_212 : memref<1x80x32xf32, #tpu.memory_space<vmem>> -> memref<80x32xf32, #tpu.memory_space<vmem>>
        %dma_start3A_214 = tpu.memref_slice %arg24[%add3A_210] : memref<640xi32, #tpu.memory_space<vmem>> -> memref<80xi32, #tpu.memory_space<vmem>>
        %dma_start3A_215 = arith.constant 0 : i32
        %dma_start3A_216 = arith.constant 0 : i32
        %dma_start3A_217 = tpu.memref_slice %arg2[%dma_start3A_215, %dma_start3A_216] : memref<10240x32xf32, #tpu.memory_space<hbm>> -> memref<10240x32xf32, #tpu.memory_space<hbm>>
        %dma_start3A_218 = tpu.memref_slice %arg28[%rem3A_198] : memref<2x!tpu.dma_semaphore, #tpu.memory_space<semaphore_mem>> -> memref<1x!tpu.dma_semaphore, #tpu.memory_space<semaphore_mem>>
        %dma_start3A_219 = tpu.memref_squeeze %dma_start3A_218 : memref<1x!tpu.dma_semaphore, #tpu.memory_space<semaphore_mem>> -> memref<!tpu.dma_semaphore, #tpu.memory_space<semaphore_mem>>
        tpu.enqueue_indirect_dma source(%dma_start3A_217 : memref<10240x32xf32, #tpu.memory_space<hbm>>) target(%dma_start3A_213 : memref<80x32xf32, #tpu.memory_space<vmem>>) offsets(%dma_start3A_214 : memref<80xi32, #tpu.memory_space<vmem>>) semaphore(%dma_start3A_219 : memref<!tpu.dma_semaphore, #tpu.memory_space<semaphore_mem>>)
        %mul3A_220 = arith.constant 320 : i32
        %mul3A_221 = arith.muli %rem3A_198, %mul3A_220 : i32
        %add3A_222 = arith.constant 80 : i32
        %add3A_223 = arith.addi %mul3A_221, %add3A_222 : i32
        %dma_start3A_224 = arith.constant 80 : i32
        %dma_start3A_225 = arith.constant 0 : i32
        %dma_start3A_226 = tpu.memref_slice %arg26[%rem3A_198, %dma_start3A_224, %dma_start3A_225] : memref<2x320x32xf32, #tpu.memory_space<vmem>> -> memref<1x80x32xf32, #tpu.memory_space<vmem>>
        %dma_start3A_227 = tpu.memref_squeeze %dma_start3A_226 : memref<1x80x32xf32, #tpu.memory_space<vmem>> -> memref<80x32xf32, #tpu.memory_space<vmem>>
        %dma_start3A_228 = tpu.memref_slice %arg24[%add3A_223] : memref<640xi32, #tpu.memory_space<vmem>> -> memref<80xi32, #tpu.memory_space<vmem>>
        %dma_start3A_229 = arith.constant 0 : i32
        %dma_start3A_230 = arith.constant 0 : i32
        %dma_start3A_231 = tpu.memref_slice %arg2[%dma_start3A_229, %dma_start3A_230] : memref<10240x32xf32, #tpu.memory_space<hbm>> -> memref<10240x32xf32, #tpu.memory_space<hbm>>
        %dma_start3A_232 = tpu.memref_slice %arg28[%rem3A_198] : memref<2x!tpu.dma_semaphore, #tpu.memory_space<semaphore_mem>> -> memref<1x!tpu.dma_semaphore, #tpu.memory_space<semaphore_mem>>
        %dma_start3A_233 = tpu.memref_squeeze %dma_start3A_232 : memref<1x!tpu.dma_semaphore, #tpu.memory_space<semaphore_mem>> -> memref<!tpu.dma_semaphore, #tpu.memory_space<semaphore_mem>>
        tpu.enqueue_indirect_dma source(%dma_start3A_231 : memref<10240x32xf32, #tpu.memory_space<hbm>>) target(%dma_start3A_227 : memref<80x32xf32, #tpu.memory_space<vmem>>) offsets(%dma_start3A_228 : memref<80xi32, #tpu.memory_space<vmem>>) semaphore(%dma_start3A_233 : memref<!tpu.dma_semaphore, #tpu.memory_space<semaphore_mem>>)
        %mul3A_234 = arith.constant 320 : i32
        %mul3A_235 = arith.muli %rem3A_198, %mul3A_234 : i32
        %add3A_236 = arith.constant 160 : i32
        %add3A_237 = arith.addi %mul3A_235, %add3A_236 : i32
        %dma_start3A_238 = arith.constant 160 : i32
        %dma_start3A_239 = arith.constant 0 : i32
        %dma_start3A_240 = tpu.memref_slice %arg26[%rem3A_198, %dma_start3A_238, %dma_start3A_239] : memref<2x320x32xf32, #tpu.memory_space<vmem>> -> memref<1x80x32xf32, #tpu.memory_space<vmem>>
        %dma_start3A_241 = tpu.memref_squeeze %dma_start3A_240 : memref<1x80x32xf32, #tpu.memory_space<vmem>> -> memref<80x32xf32, #tpu.memory_space<vmem>>
        %dma_start3A_242 = tpu.memref_slice %arg24[%add3A_237] : memref<640xi32, #tpu.memory_space<vmem>> -> memref<80xi32, #tpu.memory_space<vmem>>
        %dma_start3A_243 = arith.constant 0 : i32
        %dma_start3A_244 = arith.constant 0 : i32
        %dma_start3A_245 = tpu.memref_slice %arg2[%dma_start3A_243, %dma_start3A_244] : memref<10240x32xf32, #tpu.memory_space<hbm>> -> memref<10240x32xf32, #tpu.memory_space<hbm>>
        %dma_start3A_246 = tpu.memref_slice %arg28[%rem3A_198] : memref<2x!tpu.dma_semaphore, #tpu.memory_space<semaphore_mem>> -> memref<1x!tpu.dma_semaphore, #tpu.memory_space<semaphore_mem>>
        %dma_start3A_247 = tpu.memref_squeeze %dma_start3A_246 : memref<1x!tpu.dma_semaphore, #tpu.memory_space<semaphore_mem>> -> memref<!tpu.dma_semaphore, #tpu.memory_space<semaphore_mem>>
        tpu.enqueue_indirect_dma source(%dma_start3A_245 : memref<10240x32xf32, #tpu.memory_space<hbm>>) target(%dma_start3A_241 : memref<80x32xf32, #tpu.memory_space<vmem>>) offsets(%dma_start3A_242 : memref<80xi32, #tpu.memory_space<vmem>>) semaphore(%dma_start3A_247 : memref<!tpu.dma_semaphore, #tpu.memory_space<semaphore_mem>>)
        %mul3A_248 = arith.constant 320 : i32
        %mul3A_249 = arith.muli %rem3A_198, %mul3A_248 : i32
        %add3A_250 = arith.constant 240 : i32
        %add3A_251 = arith.addi %mul3A_249, %add3A_250 : i32
        %dma_start3A_252 = arith.constant 240 : i32
        %dma_start3A_253 = arith.constant 0 : i32
        %dma_start3A_254 = tpu.memref_slice %arg26[%rem3A_198, %dma_start3A_252, %dma_start3A_253] : memref<2x320x32xf32, #tpu.memory_space<vmem>> -> memref<1x80x32xf32, #tpu.memory_space<vmem>>
        %dma_start3A_255 = tpu.memref_squeeze %dma_start3A_254 : memref<1x80x32xf32, #tpu.memory_space<vmem>> -> memref<80x32xf32, #tpu.memory_space<vmem>>
        %dma_start3A_256 = tpu.memref_slice %arg24[%add3A_251] : memref<640xi32, #tpu.memory_space<vmem>> -> memref<80xi32, #tpu.memory_space<vmem>>
        %dma_start3A_257 = arith.constant 0 : i32
        %dma_start3A_258 = arith.constant 0 : i32
        %dma_start3A_259 = tpu.memref_slice %arg2[%dma_start3A_257, %dma_start3A_258] : memref<10240x32xf32, #tpu.memory_space<hbm>> -> memref<10240x32xf32, #tpu.memory_space<hbm>>
        %dma_start3A_260 = tpu.memref_slice %arg28[%rem3A_198] : memref<2x!tpu.dma_semaphore, #tpu.memory_space<semaphore_mem>> -> memref<1x!tpu.dma_semaphore, #tpu.memory_space<semaphore_mem>>
        %dma_start3A_261 = tpu.memref_squeeze %dma_start3A_260 : memref<1x!tpu.dma_semaphore, #tpu.memory_space<semaphore_mem>> -> memref<!tpu.dma_semaphore, #tpu.memory_space<semaphore_mem>>
        tpu.enqueue_indirect_dma source(%dma_start3A_259 : memref<10240x32xf32, #tpu.memory_space<hbm>>) target(%dma_start3A_255 : memref<80x32xf32, #tpu.memory_space<vmem>>) offsets(%dma_start3A_256 : memref<80xi32, #tpu.memory_space<vmem>>) semaphore(%dma_start3A_261 : memref<!tpu.dma_semaphore, #tpu.memory_space<semaphore_mem>>)
      } else {
      }
      %broadcast_in_dim3A_188 = vector.broadcast %rem3A_127 : i32 to vector<16xi32>
      %scan3A_189 = arith.constant 0 : i32
      %scan3A_190 = arith.constant 0 : i32
      %scan3A_191 = arith.constant 20 : i32
      %scan3A_192 = arith.addi %scan3A_190, %scan3A_191 : i32
      %scan3A_193 = arith.constant 1 : i32
      scf.for %scan3A_195 = %scan3A_190 to %scan3A_192 step %scan3A_193  : i32 {
        %mul3A_196 = arith.constant 16 : i32
        %mul3A_197 = arith.muli %scan3A_195, %mul3A_196 : i32
        %get3A_198 = arith.index_cast %mul3A_197 : i32 to index
        %get3A_199 = tpu.vector_load %arg19[%get3A_198] {strides = array<i32>} : memref<336xi32, #tpu.memory_space<vmem>>, vector<16xi32>,
        %mul3A_200 = arith.constant 16 : i32
        %mul3A_201 = arith.muli %scan3A_195, %mul3A_200 : i32
        %get3A_202 = arith.index_cast %mul3A_201 : i32 to index
        %get3A_203 = tpu.vector_load %arg20[%get3A_202] {strides = array<i32>} : memref<336xi32, #tpu.memory_space<vmem>>, vector<16xi32>,
        %lt3A_204 = vector.broadcast %while3A_125 : i32 to vector<16xi32>
        %lt3A_205 = arith.cmpi slt, %lt3A_204, %get3A_203 : vector<16xi32>
        %add3A_206 = vector.broadcast %while3A_125 : i32 to vector<16xi32>
        %add3A_207 = arith.addi %get3A_199, %add3A_206 : vector<16xi32>
        %jit3A_208 = arith.constant 16511 : i32
        %broadcast_in_dim3A_209 = vector.broadcast %jit3A_208 : i32 to vector<16xi32>
        %select_n3A_210 = arith.select %lt3A_205, %add3A_207, %broadcast_in_dim3A_209 : vector<16xi1>, vector<16xi32>
        %min3A_211 = arith.constant 16511 : i32
        %min3A_212 = vector.broadcast %min3A_211 : i32 to vector<16xi32>
        %min3A_213 = arith.minsi %select_n3A_210, %min3A_212 : vector<16xi32>
        %gather3A = tpu.vector_load_idx %arg18[%min3A_213] : memref<16512xf32, #tpu.memory_space<vmem>>[vector<16xi32>], vector<16xf32>,
        %mul3A_214 = arith.constant 16 : i32
        %mul3A_215 = arith.muli %scan3A_195, %mul3A_214 : i32
        %get3A_216 = arith.index_cast %mul3A_215 : i32 to index
        %get3A_217 = tpu.vector_load %arg21[%get3A_216] {strides = array<i32>} : memref<336xf32, #tpu.memory_space<vmem>>, vector<16xf32>,
        %sub3A_218 = arith.subf %gather3A, %get3A_217 : vector<16xf32>
        %exp3A = math.exp %sub3A_218 : vector<16xf32>
        %jit3A_219 = arith.constant 0.000000e+00 : f32
        %broadcast_in_dim3A_220 = vector.broadcast %jit3A_219 : f32 to vector<16xf32>
        %select_n3A_221 = arith.select %lt3A_205, %exp3A, %broadcast_in_dim3A_220 : vector<16xi1>, vector<16xf32>
        %mul3A_222 = arith.constant 16 : i32
        %mul3A_223 = arith.muli %scan3A_195, %mul3A_222 : i32
        %get3A_224 = arith.index_cast %mul3A_223 : i32 to index
        %get3A_225 = tpu.vector_load %arg22[%get3A_224] {strides = array<i32>} : memref<336xf32, #tpu.memory_space<vmem>>, vector<16xf32>,
        %add3A_226 = arith.addf %get3A_225, %select_n3A_221 : vector<16xf32>
        %mul3A_227 = arith.constant 16 : i32
        %mul3A_228 = arith.muli %scan3A_195, %mul3A_227 : i32
        %swap3A = arith.index_cast %mul3A_228 : i32 to index
        %swap3A_229 = tpu.vector_load %arg22[%swap3A] {strides = array<i32>} : memref<336xf32, #tpu.memory_space<vmem>>, vector<16xf32>,
        tpu.vector_store %arg22[%swap3A], %add3A_226 {strides = array<i32>} : memref<336xf32, #tpu.memory_space<vmem>>, vector<16xf32>,
        %mul3A_230 = arith.constant 16 : i32
        %mul3A_231 = arith.muli %scan3A_195, %mul3A_230 : i32
        %add3A_232 = vector.broadcast %mul3A_231 : i32 to vector<16xi32>
        %add3A_233 = arith.addi %add3A_232, %iota3A : vector<16xi32>
        %scan3A_234 = arith.constant 0 : i32
        %scan3A_235 = arith.constant 0 : i32
        %scan3A_236 = arith.constant 32 : i32
        %scan3A_237 = arith.addi %scan3A_235, %scan3A_236 : i32
        %scan3A_238 = arith.constant 1 : i32
        scf.for %scan3A_240 = %scan3A_235 to %scan3A_237 step %scan3A_238  : i32 {
          %broadcast_in_dim3A_241 = vector.broadcast %scan3A_240 : i32 to vector<16xi32>
          %gather3A_242 = tpu.vector_load_idx %arg26[%broadcast_in_dim3A_188, %add3A_233, %broadcast_in_dim3A_241] : memref<2x320x32xf32, #tpu.memory_space<vmem>>[vector<16xi32>, vector<16xi32>, vector<16xi32>], vector<16xf32>,
          %gather3A_243 = tpu.vector_load_idx %arg23[%add3A_233, %broadcast_in_dim3A_241] : memref<320x32xf32, #tpu.memory_space<vmem>>[vector<16xi32>, vector<16xi32>], vector<16xf32>,
          %mul3A_244 = arith.mulf %select_n3A_221, %gather3A_242 : vector<16xf32>
          %add3A_245 = arith.addf %gather3A_243, %mul3A_244 : vector<16xf32>
          tpu.vector_store_idx %arg23[%add3A_233, %broadcast_in_dim3A_241], %add3A_245 : memref<320x32xf32, #tpu.memory_space<vmem>>[vector<16xi32>, vector<16xi32>], vector<16xf32>,
        }
        %scan3A_239 = arith.constant 32 : i32
      }
      %scan3A_194 = arith.constant 20 : i32
    }
    "tpu.region"() ({
      %run_scoped3A = tpu.sem_alloc : memref<!tpu.dma_semaphore, #tpu.memory_space<semaphore_mem>>
      %dma_start3A = arith.constant 0 : i32
      %dma_start3A_125 = tpu.memref_slice %arg9[%multiple_of3A, %dma_start3A] : memref<10240x32xf32, #tpu.memory_space<hbm>> -> memref<320x32xf32, #tpu.memory_space<hbm>>
      %dma_start3A_126 = arith.constant 0 : i32
      %dma_start3A_127 = tpu.memref_slice %arg9[%multiple_of3A, %dma_start3A_126] : memref<10240x32xf32, #tpu.memory_space<hbm>> -> memref<320x32xf32, #tpu.memory_space<hbm>>
      tpu.enqueue_dma source(%arg23 : memref<320x32xf32, #tpu.memory_space<vmem>>) target(%dma_start3A_127 : memref<320x32xf32, #tpu.memory_space<hbm>>) target_semaphore(%run_scoped3A : memref<!tpu.dma_semaphore, #tpu.memory_space<semaphore_mem>>)
      %dma_wait3A = arith.constant 0 : i32
      %dma_wait3A_128 = tpu.memref_slice %arg9[%multiple_of3A, %dma_wait3A] : memref<10240x32xf32, #tpu.memory_space<hbm>> -> memref<320x32xf32, #tpu.memory_space<hbm>>
      %dma_wait3A_129 = arith.constant 0 : i32
      %dma_wait3A_130 = tpu.memref_slice %arg9[%multiple_of3A, %dma_wait3A_129] : memref<10240x32xf32, #tpu.memory_space<hbm>> -> memref<320x32xf32, #tpu.memory_space<hbm>>
      tpu.wait_dma2 semaphore(%run_scoped3A : memref<!tpu.dma_semaphore, #tpu.memory_space<semaphore_mem>>) src(%arg23 : memref<320x32xf32, #tpu.memory_space<vmem>>) dst(%dma_wait3A_130 : memref<320x32xf32, #tpu.memory_space<hbm>>)
      tpu.yield
    }) : () -> ()
    "tpu.region"() ({
      %run_scoped3A = tpu.sem_alloc : memref<!tpu.dma_semaphore, #tpu.memory_space<semaphore_mem>>
      %dma_start3A = arith.constant 0 : i32
      %dma_start3A_125 = tpu.memref_slice %arg22[%dma_start3A] : memref<336xf32, #tpu.memory_space<vmem>> -> memref<320xf32, #tpu.memory_space<vmem>>
      %dma_start3A_126 = tpu.memref_slice %arg10[%multiple_of3A] : memref<10240xf32, #tpu.memory_space<hbm>> -> memref<320xf32, #tpu.memory_space<hbm>>
      %dma_start3A_127 = tpu.memref_slice %arg10[%multiple_of3A] : memref<10240xf32, #tpu.memory_space<hbm>> -> memref<320xf32, #tpu.memory_space<hbm>>
      %dma_start3A_128 = arith.constant 0 : i32
      %dma_start3A_129 = tpu.memref_slice %arg22[%dma_start3A_128] : memref<336xf32, #tpu.memory_space<vmem>> -> memref<320xf32, #tpu.memory_space<vmem>>
      tpu.enqueue_dma source(%dma_start3A_129 : memref<320xf32, #tpu.memory_space<vmem>>) target(%dma_start3A_127 : memref<320xf32, #tpu.memory_space<hbm>>) target_semaphore(%run_scoped3A : memref<!tpu.dma_semaphore, #tpu.memory_space<semaphore_mem>>)
      %dma_wait3A = arith.constant 0 : i32
      %dma_wait3A_130 = tpu.memref_slice %arg22[%dma_wait3A] : memref<336xf32, #tpu.memory_space<vmem>> -> memref<320xf32, #tpu.memory_space<vmem>>
      %dma_wait3A_131 = tpu.memref_slice %arg10[%multiple_of3A] : memref<10240xf32, #tpu.memory_space<hbm>> -> memref<320xf32, #tpu.memory_space<hbm>>
      %dma_wait3A_132 = tpu.memref_slice %arg10[%multiple_of3A] : memref<10240xf32, #tpu.memory_space<hbm>> -> memref<320xf32, #tpu.memory_space<hbm>>
      %dma_wait3A_133 = arith.constant 0 : i32
      %dma_wait3A_134 = tpu.memref_slice %arg22[%dma_wait3A_133] : memref<336xf32, #tpu.memory_space<vmem>> -> memref<320xf32, #tpu.memory_space<vmem>>
      tpu.wait_dma2 semaphore(%run_scoped3A : memref<!tpu.dma_semaphore, #tpu.memory_space<semaphore_mem>>) src(%dma_wait3A_134 : memref<320xf32, #tpu.memory_space<vmem>>) dst(%dma_wait3A_132 : memref<320xf32, #tpu.memory_space<hbm>>)
      tpu.yield
    }) : () -> ()
    return
  }
}

#map = affine_map<(d0, d1) -> (0, 0)>
#map1 = affine_map<(d0, d1) -> (0)>
module attributes {stable_mosaic.version = 14 : i64} {
  func.func @_sc_edge(%arg0: i32, %arg1: i32, %arg2: memref<10240x32xf32, #tpu.memory_space<hbm>>, %arg3: memref<10240xf32, #tpu.memory_space<hbm>>, %arg4: memref<10240xf32, #tpu.memory_space<hbm>>, %arg5: memref<10240xf32, #tpu.memory_space<hbm>>, %arg6: memref<336512xi32, #tpu.memory_space<hbm>>, %arg7: memref<336512xi32, #tpu.memory_space<hbm>>, %arg8: memref<10264xi32, #tpu.memory_space<hbm>>, %arg9: memref<10240x32xf32, #tpu.memory_space<hbm>>, %arg10: memref<10240xf32, #tpu.memory_space<hbm>>, %arg11: memref<328x32xf32, #tpu.memory_space<vmem>>, %arg12: memref<10240xf32, #tpu.memory_space<vmem>>, %arg13: memref<336xf32, #tpu.memory_space<vmem>>, %arg14: memref<336xf32, #tpu.memory_space<vmem>>, %arg15: memref<352xi32, #tpu.memory_space<vmem>>, %arg16: memref<16512xi32, #tpu.memory_space<vmem>>, %arg17: memref<16512xi32, #tpu.memory_space<vmem>>, %arg18: memref<16512xf32, #tpu.memory_space<vmem>>, %arg19: memref<336xi32, #tpu.memory_space<vmem>>, %arg20: memref<336xi32, #tpu.memory_space<vmem>>, %arg21: memref<336xf32, #tpu.memory_space<vmem>>, %arg22: memref<336xf32, #tpu.memory_space<vmem>>, %arg23: memref<320x32xf32, #tpu.memory_space<vmem>>, %arg24: memref<640xi32, #tpu.memory_space<vmem>>, %arg25: memref<2x128x32xf32, #tpu.memory_space<vmem>>, %arg26: memref<2x320x32xf32, #tpu.memory_space<vmem>>, %arg27: memref<2x!tpu.dma_semaphore, #tpu.memory_space<semaphore_mem>>, %arg28: memref<2x!tpu.dma_semaphore, #tpu.memory_space<semaphore_mem>>) attributes {dimension_semantics = [#tpu.dimension_semantics<core_parallel>, #tpu.dimension_semantics<subcore_parallel>], iteration_bounds = array<i64: 2, 16>, scalar_prefetch = 0 : i64, scratch_operands = 18 : i64, tpu.core_type = #tpu.core_type<sc_vector_subcore>, window_params = [{transform_indices = #map}, {transform_indices = #map1}, {transform_indices = #map1}, {transform_indices = #map1}, {transform_indices = #map1}, {transform_indices = #map1}, {transform_indices = #map1}, {transform_indices = #map}, {transform_indices = #map1}]} {
    %mul3A = arith.constant 2 : i32
    %mul3A_0 = arith.muli %arg1, %mul3A : i32
    %add3A = arith.addi %mul3A_0, %arg0 : i32
    %mul3A_1 = arith.constant 320 : i32
    %mul3A_2 = arith.muli %add3A, %mul3A_1 : i32
    %multiple_of3A = tpu.assume_multiple %mul3A_2, 320 : i32
    %iota3A = tpu.iota {dimensions = array<i32: 0>} : vector<16xi32>
    "tpu.region"() ({
      %run_scoped3A = tpu.sem_alloc : memref<!tpu.dma_semaphore, #tpu.memory_space<semaphore_mem>>
      %dma_start3A = arith.constant 0 : i32
      %dma_start3A_125 = tpu.memref_slice %arg15[%dma_start3A] : memref<352xi32, #tpu.memory_space<vmem>> -> memref<344xi32, #tpu.memory_space<vmem>>
      %dma_start3A_126 = tpu.memref_slice %arg8[%multiple_of3A] : memref<10264xi32, #tpu.memory_space<hbm>> -> memref<344xi32, #tpu.memory_space<hbm>>
      %dma_start3A_127 = arith.constant 0 : i32
      %dma_start3A_128 = tpu.memref_slice %arg15[%dma_start3A_127] : memref<352xi32, #tpu.memory_space<vmem>> -> memref<344xi32, #tpu.memory_space<vmem>>
      %dma_start3A_129 = tpu.memref_slice %arg8[%multiple_of3A] : memref<10264xi32, #tpu.memory_space<hbm>> -> memref<344xi32, #tpu.memory_space<hbm>>
      tpu.enqueue_dma source(%dma_start3A_129 : memref<344xi32, #tpu.memory_space<hbm>>) target(%dma_start3A_128 : memref<344xi32, #tpu.memory_space<vmem>>) target_semaphore(%run_scoped3A : memref<!tpu.dma_semaphore, #tpu.memory_space<semaphore_mem>>)
      %dma_wait3A = arith.constant 0 : i32
      %dma_wait3A_130 = tpu.memref_slice %arg15[%dma_wait3A] : memref<352xi32, #tpu.memory_space<vmem>> -> memref<344xi32, #tpu.memory_space<vmem>>
      %dma_wait3A_131 = tpu.memref_slice %arg8[%multiple_of3A] : memref<10264xi32, #tpu.memory_space<hbm>> -> memref<344xi32, #tpu.memory_space<hbm>>
      %dma_wait3A_132 = arith.constant 0 : i32
      %dma_wait3A_133 = tpu.memref_slice %arg15[%dma_wait3A_132] : memref<352xi32, #tpu.memory_space<vmem>> -> memref<344xi32, #tpu.memory_space<vmem>>
      %dma_wait3A_134 = tpu.memref_slice %arg8[%multiple_of3A] : memref<10264xi32, #tpu.memory_space<hbm>> -> memref<344xi32, #tpu.memory_space<hbm>>
      tpu.wait_dma2 semaphore(%run_scoped3A : memref<!tpu.dma_semaphore, #tpu.memory_space<semaphore_mem>>) src(%dma_wait3A_134 : memref<344xi32, #tpu.memory_space<hbm>>) dst(%dma_wait3A_133 : memref<344xi32, #tpu.memory_space<vmem>>)
      tpu.yield
    }) : () -> ()
    "tpu.region"() ({
      %run_scoped3A = tpu.sem_alloc : memref<!tpu.dma_semaphore, #tpu.memory_space<semaphore_mem>>
      %dma_start3A = arith.constant 0 : i32
      %dma_start3A_125 = arith.constant 0 : i32
      %dma_start3A_126 = tpu.memref_slice %arg11[%dma_start3A, %dma_start3A_125] : memref<328x32xf32, #tpu.memory_space<vmem>> -> memref<320x32xf32, #tpu.memory_space<vmem>>
      %dma_start3A_127 = arith.constant 0 : i32
      %dma_start3A_128 = tpu.memref_slice %arg2[%multiple_of3A, %dma_start3A_127] : memref<10240x32xf32, #tpu.memory_space<hbm>> -> memref<320x32xf32, #tpu.memory_space<hbm>>
      %dma_start3A_129 = arith.constant 0 : i32
      %dma_start3A_130 = arith.constant 0 : i32
      %dma_start3A_131 = tpu.memref_slice %arg11[%dma_start3A_129, %dma_start3A_130] : memref<328x32xf32, #tpu.memory_space<vmem>> -> memref<320x32xf32, #tpu.memory_space<vmem>>
      %dma_start3A_132 = arith.constant 0 : i32
      %dma_start3A_133 = tpu.memref_slice %arg2[%multiple_of3A, %dma_start3A_132] : memref<10240x32xf32, #tpu.memory_space<hbm>> -> memref<320x32xf32, #tpu.memory_space<hbm>>
      tpu.enqueue_dma source(%dma_start3A_133 : memref<320x32xf32, #tpu.memory_space<hbm>>) target(%dma_start3A_131 : memref<320x32xf32, #tpu.memory_space<vmem>>) target_semaphore(%run_scoped3A : memref<!tpu.dma_semaphore, #tpu.memory_space<semaphore_mem>>)
      %dma_wait3A = arith.constant 0 : i32
      %dma_wait3A_134 = arith.constant 0 : i32
      %dma_wait3A_135 = tpu.memref_slice %arg11[%dma_wait3A, %dma_wait3A_134] : memref<328x32xf32, #tpu.memory_space<vmem>> -> memref<320x32xf32, #tpu.memory_space<vmem>>
      %dma_wait3A_136 = arith.constant 0 : i32
      %dma_wait3A_137 = tpu.memref_slice %arg2[%multiple_of3A, %dma_wait3A_136] : memref<10240x32xf32, #tpu.memory_space<hbm>> -> memref<320x32xf32, #tpu.memory_space<hbm>>
      %dma_wait3A_138 = arith.constant 0 : i32
      %dma_wait3A_139 = arith.constant 0 : i32
      %dma_wait3A_140 = tpu.memref_slice %arg11[%dma_wait3A_138, %dma_wait3A_139] : memref<328x32xf32, #tpu.memory_space<vmem>> -> memref<320x32xf32, #tpu.memory_space<vmem>>
      %dma_wait3A_141 = arith.constant 0 : i32
      %dma_wait3A_142 = tpu.memref_slice %arg2[%multiple_of3A, %dma_wait3A_141] : memref<10240x32xf32, #tpu.memory_space<hbm>> -> memref<320x32xf32, #tpu.memory_space<hbm>>
      tpu.wait_dma2 semaphore(%run_scoped3A : memref<!tpu.dma_semaphore, #tpu.memory_space<semaphore_mem>>) src(%dma_wait3A_142 : memref<320x32xf32, #tpu.memory_space<hbm>>) dst(%dma_wait3A_140 : memref<320x32xf32, #tpu.memory_space<vmem>>)
      tpu.yield
    }) : () -> ()
    "tpu.region"() ({
      %run_scoped3A = tpu.sem_alloc : memref<!tpu.dma_semaphore, #tpu.memory_space<semaphore_mem>>
      tpu.enqueue_dma source(%arg3 : memref<10240xf32, #tpu.memory_space<hbm>>) target(%arg12 : memref<10240xf32, #tpu.memory_space<vmem>>) target_semaphore(%run_scoped3A : memref<!tpu.dma_semaphore, #tpu.memory_space<semaphore_mem>>)
      tpu.wait_dma2 semaphore(%run_scoped3A : memref<!tpu.dma_semaphore, #tpu.memory_space<semaphore_mem>>) src(%arg3 : memref<10240xf32, #tpu.memory_space<hbm>>) dst(%arg12 : memref<10240xf32, #tpu.memory_space<vmem>>)
      tpu.yield
    }) : () -> ()
    "tpu.region"() ({
      %run_scoped3A = tpu.sem_alloc : memref<!tpu.dma_semaphore, #tpu.memory_space<semaphore_mem>>
      %dma_start3A = arith.constant 0 : i32
      %dma_start3A_125 = tpu.memref_slice %arg13[%dma_start3A] : memref<336xf32, #tpu.memory_space<vmem>> -> memref<320xf32, #tpu.memory_space<vmem>>
      %dma_start3A_126 = tpu.memref_slice %arg4[%multiple_of3A] : memref<10240xf32, #tpu.memory_space<hbm>> -> memref<320xf32, #tpu.memory_space<hbm>>
      %dma_start3A_127 = arith.constant 0 : i32
      %dma_start3A_128 = tpu.memref_slice %arg13[%dma_start3A_127] : memref<336xf32, #tpu.memory_space<vmem>> -> memref<320xf32, #tpu.memory_space<vmem>>
      %dma_start3A_129 = tpu.memref_slice %arg4[%multiple_of3A] : memref<10240xf32, #tpu.memory_space<hbm>> -> memref<320xf32, #tpu.memory_space<hbm>>
      tpu.enqueue_dma source(%dma_start3A_129 : memref<320xf32, #tpu.memory_space<hbm>>) target(%dma_start3A_128 : memref<320xf32, #tpu.memory_space<vmem>>) target_semaphore(%run_scoped3A : memref<!tpu.dma_semaphore, #tpu.memory_space<semaphore_mem>>)
      %dma_wait3A = arith.constant 0 : i32
      %dma_wait3A_130 = tpu.memref_slice %arg13[%dma_wait3A] : memref<336xf32, #tpu.memory_space<vmem>> -> memref<320xf32, #tpu.memory_space<vmem>>
      %dma_wait3A_131 = tpu.memref_slice %arg4[%multiple_of3A] : memref<10240xf32, #tpu.memory_space<hbm>> -> memref<320xf32, #tpu.memory_space<hbm>>
      %dma_wait3A_132 = arith.constant 0 : i32
      %dma_wait3A_133 = tpu.memref_slice %arg13[%dma_wait3A_132] : memref<336xf32, #tpu.memory_space<vmem>> -> memref<320xf32, #tpu.memory_space<vmem>>
      %dma_wait3A_134 = tpu.memref_slice %arg4[%multiple_of3A] : memref<10240xf32, #tpu.memory_space<hbm>> -> memref<320xf32, #tpu.memory_space<hbm>>
      tpu.wait_dma2 semaphore(%run_scoped3A : memref<!tpu.dma_semaphore, #tpu.memory_space<semaphore_mem>>) src(%dma_wait3A_134 : memref<320xf32, #tpu.memory_space<hbm>>) dst(%dma_wait3A_133 : memref<320xf32, #tpu.memory_space<vmem>>)
      tpu.yield
    }) : () -> ()
    "tpu.region"() ({
      %run_scoped3A = tpu.sem_alloc : memref<!tpu.dma_semaphore, #tpu.memory_space<semaphore_mem>>
      %dma_start3A = arith.constant 0 : i32
      %dma_start3A_125 = tpu.memref_slice %arg14[%dma_start3A] : memref<336xf32, #tpu.memory_space<vmem>> -> memref<320xf32, #tpu.memory_space<vmem>>
      %dma_start3A_126 = tpu.memref_slice %arg5[%multiple_of3A] : memref<10240xf32, #tpu.memory_space<hbm>> -> memref<320xf32, #tpu.memory_space<hbm>>
      %dma_start3A_127 = arith.constant 0 : i32
      %dma_start3A_128 = tpu.memref_slice %arg14[%dma_start3A_127] : memref<336xf32, #tpu.memory_space<vmem>> -> memref<320xf32, #tpu.memory_space<vmem>>
      %dma_start3A_129 = tpu.memref_slice %arg5[%multiple_of3A] : memref<10240xf32, #tpu.memory_space<hbm>> -> memref<320xf32, #tpu.memory_space<hbm>>
      tpu.enqueue_dma source(%dma_start3A_129 : memref<320xf32, #tpu.memory_space<hbm>>) target(%dma_start3A_128 : memref<320xf32, #tpu.memory_space<vmem>>) target_semaphore(%run_scoped3A : memref<!tpu.dma_semaphore, #tpu.memory_space<semaphore_mem>>)
      %dma_wait3A = arith.constant 0 : i32
      %dma_wait3A_130 = tpu.memref_slice %arg14[%dma_wait3A] : memref<336xf32, #tpu.memory_space<vmem>> -> memref<320xf32, #tpu.memory_space<vmem>>
      %dma_wait3A_131 = tpu.memref_slice %arg5[%multiple_of3A] : memref<10240xf32, #tpu.memory_space<hbm>> -> memref<320xf32, #tpu.memory_space<hbm>>
      %dma_wait3A_132 = arith.constant 0 : i32
      %dma_wait3A_133 = tpu.memref_slice %arg14[%dma_wait3A_132] : memref<336xf32, #tpu.memory_space<vmem>> -> memref<320xf32, #tpu.memory_space<vmem>>
      %dma_wait3A_134 = tpu.memref_slice %arg5[%multiple_of3A] : memref<10240xf32, #tpu.memory_space<hbm>> -> memref<320xf32, #tpu.memory_space<hbm>>
      tpu.wait_dma2 semaphore(%run_scoped3A : memref<!tpu.dma_semaphore, #tpu.memory_space<semaphore_mem>>) src(%dma_wait3A_134 : memref<320xf32, #tpu.memory_space<hbm>>) dst(%dma_wait3A_133 : memref<320xf32, #tpu.memory_space<vmem>>)
      tpu.yield
    }) : () -> ()
    %get3A = arith.constant 0 : index
    %get3A_3 = tpu.vector_load %arg15[%get3A] {strides = array<i32>} : memref<352xi32, #tpu.memory_space<vmem>>, vector<16xi32>,
    %reduce_min3A = arith.constant true
    %reduce_min3A_4 = vector.broadcast %reduce_min3A : i1 to vector<16xi1>
    %reduce_min3A_5 = arith.constant -2147483648 : i32
    %reduce_min3A_6 = vector.broadcast %reduce_min3A_5 : i32 to vector<16xi32>
    %reduce_min3A_7 = arith.xori %get3A_3, %reduce_min3A_6 : vector<16xi32>
    %reduce_min3A_8 = tpu.scan <min>, %reduce_min3A_7 masked %reduce_min3A_4 : vector<16xi32>, vector<16xi1> -> vector<16xi32>
    %reduce_min3A_9 = arith.xori %reduce_min3A_8, %reduce_min3A_6 : vector<16xi32>
    %reduce_min3A_10 = vector.extract %reduce_min3A_9[15] : i32 from vector<16xi32>
    %get3A_11 = arith.constant 320 : index
    %get3A_12 = tpu.vector_load %arg15[%get3A_11] {strides = array<i32>} : memref<352xi32, #tpu.memory_space<vmem>>, vector<16xi32>,
    %reduce_min3A_13 = arith.constant true
    %reduce_min3A_14 = vector.broadcast %reduce_min3A_13 : i1 to vector<16xi1>
    %reduce_min3A_15 = arith.constant -2147483648 : i32
    %reduce_min3A_16 = vector.broadcast %reduce_min3A_15 : i32 to vector<16xi32>
    %reduce_min3A_17 = arith.xori %get3A_12, %reduce_min3A_16 : vector<16xi32>
    %reduce_min3A_18 = tpu.scan <min>, %reduce_min3A_17 masked %reduce_min3A_14 : vector<16xi32>, vector<16xi1> -> vector<16xi32>
    %reduce_min3A_19 = arith.xori %reduce_min3A_18, %reduce_min3A_16 : vector<16xi32>
    %reduce_min3A_20 = vector.extract %reduce_min3A_19[15] : i32 from vector<16xi32>
    %jit3A = arith.constant 128 : i32
    %div3A = arith.divsi %reduce_min3A_10, %jit3A : i32
    %sign3A = arith.constant 0 : i32
    %sign3A_21 = arith.cmpi sgt, %reduce_min3A_10, %sign3A : i32
    %sign3A_22 = arith.extui %sign3A_21 : i1 to i32
    %sign3A_23 = arith.constant 0 : i32
    %sign3A_24 = arith.cmpi slt, %reduce_min3A_10, %sign3A_23 : i32
    %sign3A_25 = arith.extui %sign3A_24 : i1 to i32
    %sign3A_26 = arith.subi %sign3A_22, %sign3A_25 : i32
    %sign3A_27 = arith.constant 0 : i32
    %sign3A_28 = arith.cmpi sgt, %jit3A, %sign3A_27 : i32
    %sign3A_29 = arith.extui %sign3A_28 : i1 to i32
    %sign3A_30 = arith.constant 0 : i32
    %sign3A_31 = arith.cmpi slt, %jit3A, %sign3A_30 : i32
    %sign3A_32 = arith.extui %sign3A_31 : i1 to i32
    %sign3A_33 = arith.subi %sign3A_29, %sign3A_32 : i32
    %ne3A = arith.cmpi ne, %sign3A_26, %sign3A_33 : i32
    %rem3A = arith.remsi %reduce_min3A_10, %jit3A : i32
    %ne3A_34 = arith.constant 0 : i32
    %ne3A_35 = arith.cmpi ne, %rem3A, %ne3A_34 : i32
    %and3A = arith.andi %ne3A, %ne3A_35 : i1
    %sub3A = arith.constant 1 : i32
    %sub3A_36 = arith.subi %div3A, %sub3A : i32
    %select_n3A = arith.select %and3A, %sub3A_36, %div3A : i32
    %mul3A_37 = arith.constant 128 : i32
    %mul3A_38 = arith.muli %select_n3A, %mul3A_37 : i32
    %multiple_of3A_39 = tpu.assume_multiple %mul3A_38, 128 : i32
    %sub3A_40 = arith.subi %reduce_min3A_20, %multiple_of3A_39 : i32
    %add3A_41 = arith.constant 127 : i32
    %add3A_42 = arith.addi %sub3A_40, %add3A_41 : i32
    %jit3A_43 = arith.constant 128 : i32
    %div3A_44 = arith.divsi %add3A_42, %jit3A_43 : i32
    %sign3A_45 = arith.constant 0 : i32
    %sign3A_46 = arith.cmpi sgt, %add3A_42, %sign3A_45 : i32
    %sign3A_47 = arith.extui %sign3A_46 : i1 to i32
    %sign3A_48 = arith.constant 0 : i32
    %sign3A_49 = arith.cmpi slt, %add3A_42, %sign3A_48 : i32
    %sign3A_50 = arith.extui %sign3A_49 : i1 to i32
    %sign3A_51 = arith.subi %sign3A_47, %sign3A_50 : i32
    %sign3A_52 = arith.constant 0 : i32
    %sign3A_53 = arith.cmpi sgt, %jit3A_43, %sign3A_52 : i32
    %sign3A_54 = arith.extui %sign3A_53 : i1 to i32
    %sign3A_55 = arith.constant 0 : i32
    %sign3A_56 = arith.cmpi slt, %jit3A_43, %sign3A_55 : i32
    %sign3A_57 = arith.extui %sign3A_56 : i1 to i32
    %sign3A_58 = arith.subi %sign3A_54, %sign3A_57 : i32
    %ne3A_59 = arith.cmpi ne, %sign3A_51, %sign3A_58 : i32
    %rem3A_60 = arith.remsi %add3A_42, %jit3A_43 : i32
    %ne3A_61 = arith.constant 0 : i32
    %ne3A_62 = arith.cmpi ne, %rem3A_60, %ne3A_61 : i32
    %and3A_63 = arith.andi %ne3A_59, %ne3A_62 : i1
    %sub3A_64 = arith.constant 1 : i32
    %sub3A_65 = arith.subi %div3A_44, %sub3A_64 : i32
    %select_n3A_66 = arith.select %and3A_63, %sub3A_65, %div3A_44 : i32
    %min3A = arith.constant 129 : i32
    %min3A_67 = arith.minsi %select_n3A_66, %min3A : i32
    "tpu.region"() ({
      %run_scoped3A = tpu.sem_alloc : memref<!tpu.dma_semaphore, #tpu.memory_space<semaphore_mem>>
      %dma_start3A = tpu.memref_slice %arg6[%multiple_of3A_39] : memref<336512xi32, #tpu.memory_space<hbm>> -> memref<16512xi32, #tpu.memory_space<hbm>>
      %dma_start3A_125 = tpu.memref_slice %arg6[%multiple_of3A_39] : memref<336512xi32, #tpu.memory_space<hbm>> -> memref<16512xi32, #tpu.memory_space<hbm>>
      tpu.enqueue_dma source(%dma_start3A_125 : memref<16512xi32, #tpu.memory_space<hbm>>) target(%arg16 : memref<16512xi32, #tpu.memory_space<vmem>>) target_semaphore(%run_scoped3A : memref<!tpu.dma_semaphore, #tpu.memory_space<semaphore_mem>>)
      %dma_wait3A = tpu.memref_slice %arg6[%multiple_of3A_39] : memref<336512xi32, #tpu.memory_space<hbm>> -> memref<16512xi32, #tpu.memory_space<hbm>>
      %dma_wait3A_126 = tpu.memref_slice %arg6[%multiple_of3A_39] : memref<336512xi32, #tpu.memory_space<hbm>> -> memref<16512xi32, #tpu.memory_space<hbm>>
      tpu.wait_dma2 semaphore(%run_scoped3A : memref<!tpu.dma_semaphore, #tpu.memory_space<semaphore_mem>>) src(%dma_wait3A_126 : memref<16512xi32, #tpu.memory_space<hbm>>) dst(%arg16 : memref<16512xi32, #tpu.memory_space<vmem>>)
      tpu.yield
    }) : () -> ()
    "tpu.region"() ({
      %run_scoped3A = tpu.sem_alloc : memref<!tpu.dma_semaphore, #tpu.memory_space<semaphore_mem>>
      %dma_start3A = tpu.memref_slice %arg7[%multiple_of3A_39] : memref<336512xi32, #tpu.memory_space<hbm>> -> memref<16512xi32, #tpu.memory_space<hbm>>
      %dma_start3A_125 = tpu.memref_slice %arg7[%multiple_of3A_39] : memref<336512xi32, #tpu.memory_space<hbm>> -> memref<16512xi32, #tpu.memory_space<hbm>>
      tpu.enqueue_dma source(%dma_start3A_125 : memref<16512xi32, #tpu.memory_space<hbm>>) target(%arg17 : memref<16512xi32, #tpu.memory_space<vmem>>) target_semaphore(%run_scoped3A : memref<!tpu.dma_semaphore, #tpu.memory_space<semaphore_mem>>)
      %dma_wait3A = tpu.memref_slice %arg7[%multiple_of3A_39] : memref<336512xi32, #tpu.memory_space<hbm>> -> memref<16512xi32, #tpu.memory_space<hbm>>
      %dma_wait3A_126 = tpu.memref_slice %arg7[%multiple_of3A_39] : memref<336512xi32, #tpu.memory_space<hbm>> -> memref<16512xi32, #tpu.memory_space<hbm>>
      tpu.wait_dma2 semaphore(%run_scoped3A : memref<!tpu.dma_semaphore, #tpu.memory_space<semaphore_mem>>) src(%dma_wait3A_126 : memref<16512xi32, #tpu.memory_space<hbm>>) dst(%arg17 : memref<16512xi32, #tpu.memory_space<vmem>>)
      tpu.yield
    }) : () -> ()
    %gt3A = arith.constant 0 : i32
    %gt3A_68 = arith.cmpi sgt, %min3A_67, %gt3A : i32
    %convert_element_type3A = arith.extui %gt3A_68 : i1 to i32
    %cond3A = arith.constant 0 : i32
    %cond3A_69 = arith.cmpi ne, %convert_element_type3A, %cond3A : i32
    scf.if %cond3A_69 {
      %dma_start3A = arith.constant 0 : i32
      %dma_start3A_125 = arith.constant 0 : i32
      %dma_start3A_126 = arith.constant 0 : i32
      %dma_start3A_127 = arith.constant 0 : i32
      %dma_start3A_128 = tpu.memref_slice %arg25[%dma_start3A, %dma_start3A_126, %dma_start3A_127] : memref<2x128x32xf32, #tpu.memory_space<vmem>> -> memref<1x128x32xf32, #tpu.memory_space<vmem>>
      %dma_start3A_129 = tpu.memref_squeeze %dma_start3A_128 : memref<1x128x32xf32, #tpu.memory_space<vmem>> -> memref<128x32xf32, #tpu.memory_space<vmem>>
      %dma_start3A_130 = arith.constant 0 : i32
      %dma_start3A_131 = tpu.memref_slice %arg16[%dma_start3A_130] : memref<16512xi32, #tpu.memory_space<vmem>> -> memref<128xi32, #tpu.memory_space<vmem>>
      %dma_start3A_132 = arith.constant 0 : i32
      %dma_start3A_133 = arith.constant 0 : i32
      %dma_start3A_134 = tpu.memref_slice %arg2[%dma_start3A_132, %dma_start3A_133] : memref<10240x32xf32, #tpu.memory_space<hbm>> -> memref<10240x32xf32, #tpu.memory_space<hbm>>
      %dma_start3A_135 = tpu.memref_slice %arg27[%dma_start3A_125] : memref<2x!tpu.dma_semaphore, #tpu.memory_space<semaphore_mem>> -> memref<1x!tpu.dma_semaphore, #tpu.memory_space<semaphore_mem>>
      %dma_start3A_136 = tpu.memref_squeeze %dma_start3A_135 : memref<1x!tpu.dma_semaphore, #tpu.memory_space<semaphore_mem>> -> memref<!tpu.dma_semaphore, #tpu.memory_space<semaphore_mem>>
      tpu.enqueue_indirect_dma source(%dma_start3A_134 : memref<10240x32xf32, #tpu.memory_space<hbm>>) target(%dma_start3A_129 : memref<128x32xf32, #tpu.memory_space<vmem>>) offsets(%dma_start3A_131 : memref<128xi32, #tpu.memory_space<vmem>>) semaphore(%dma_start3A_136 : memref<!tpu.dma_semaphore, #tpu.memory_space<semaphore_mem>>)
    } else {
    }
    %while3A = arith.constant 0 : i32
    %while3A_70 = arith.constant 0 : i32
    %while3A_71 = arith.subi %min3A_67, %while3A_70 : i32
    %while3A_72 = arith.addi %while3A_70, %while3A_71 : i32
    %while3A_73 = arith.constant 1 : i32
    %while3A_74 = arith.divsi %while3A_71, %while3A_73 : i32
    %while3A_75 = arith.muli %while3A_74, %while3A_73 : i32
    %while3A_76 = arith.addi %while3A_70, %while3A_75 : i32
    %while3A_77 = arith.constant 1 : i32
    scf.for %while3A_125 = %while3A_70 to %while3A_76 step %while3A_77  : i32 {
      %rem3A_126 = arith.constant 2 : i32
      %rem3A_127 = arith.remsi %while3A_125, %rem3A_126 : i32
      %mul3A_128 = arith.constant 128 : i32
      %mul3A_129 = arith.muli %while3A_125, %mul3A_128 : i32
      %dma_wait3A = arith.constant 0 : i32
      %dma_wait3A_130 = arith.constant 0 : i32
      %dma_wait3A_131 = tpu.memref_slice %arg25[%rem3A_127, %dma_wait3A, %dma_wait3A_130] : memref<2x128x32xf32, #tpu.memory_space<vmem>> -> memref<1x128x32xf32, #tpu.memory_space<vmem>>
      %dma_wait3A_132 = tpu.memref_squeeze %dma_wait3A_131 : memref<1x128x32xf32, #tpu.memory_space<vmem>> -> memref<128x32xf32, #tpu.memory_space<vmem>>
      %dma_wait3A_133 = tpu.memref_slice %arg16[%mul3A_129] : memref<16512xi32, #tpu.memory_space<vmem>> -> memref<128xi32, #tpu.memory_space<vmem>>
      %dma_wait3A_134 = arith.constant 0 : i32
      %dma_wait3A_135 = arith.constant 0 : i32
      %dma_wait3A_136 = tpu.memref_slice %arg2[%dma_wait3A_134, %dma_wait3A_135] : memref<10240x32xf32, #tpu.memory_space<hbm>> -> memref<10240x32xf32, #tpu.memory_space<hbm>>
      %dma_wait3A_137 = tpu.memref_slice %arg27[%rem3A_127] : memref<2x!tpu.dma_semaphore, #tpu.memory_space<semaphore_mem>> -> memref<1x!tpu.dma_semaphore, #tpu.memory_space<semaphore_mem>>
      %dma_wait3A_138 = tpu.memref_squeeze %dma_wait3A_137 : memref<1x!tpu.dma_semaphore, #tpu.memory_space<semaphore_mem>> -> memref<!tpu.dma_semaphore, #tpu.memory_space<semaphore_mem>>
      tpu.wait_indirect_dma semaphore(%dma_wait3A_138 : memref<!tpu.dma_semaphore, #tpu.memory_space<semaphore_mem>>) src(%dma_wait3A_136 : memref<10240x32xf32, #tpu.memory_space<hbm>>) dst(%dma_wait3A_132 : memref<128x32xf32, #tpu.memory_space<vmem>>)
      %add3A_139 = arith.constant 1 : i32
      %add3A_140 = arith.addi %while3A_125, %add3A_139 : i32
      %lt3A = arith.cmpi slt, %add3A_140, %min3A_67 : i32
      %convert_element_type3A_141 = arith.extui %lt3A : i1 to i32
      %cond3A_142 = arith.constant 0 : i32
      %cond3A_143 = arith.cmpi ne, %convert_element_type3A_141, %cond3A_142 : i32
      scf.if %cond3A_143 {
        %add3A_151 = arith.constant 1 : i32
        %add3A_152 = arith.addi %while3A_125, %add3A_151 : i32
        %rem3A_153 = arith.constant 2 : i32
        %rem3A_154 = arith.remsi %add3A_152, %rem3A_153 : i32
        %add3A_155 = arith.constant 1 : i32
        %add3A_156 = arith.addi %while3A_125, %add3A_155 : i32
        %mul3A_157 = arith.constant 128 : i32
        %mul3A_158 = arith.muli %add3A_156, %mul3A_157 : i32
        %dma_start3A = arith.constant 0 : i32
        %dma_start3A_159 = arith.constant 0 : i32
        %dma_start3A_160 = tpu.memref_slice %arg25[%rem3A_154, %dma_start3A, %dma_start3A_159] : memref<2x128x32xf32, #tpu.memory_space<vmem>> -> memref<1x128x32xf32, #tpu.memory_space<vmem>>
        %dma_start3A_161 = tpu.memref_squeeze %dma_start3A_160 : memref<1x128x32xf32, #tpu.memory_space<vmem>> -> memref<128x32xf32, #tpu.memory_space<vmem>>
        %dma_start3A_162 = tpu.memref_slice %arg16[%mul3A_158] : memref<16512xi32, #tpu.memory_space<vmem>> -> memref<128xi32, #tpu.memory_space<vmem>>
        %dma_start3A_163 = arith.constant 0 : i32
        %dma_start3A_164 = arith.constant 0 : i32
        %dma_start3A_165 = tpu.memref_slice %arg2[%dma_start3A_163, %dma_start3A_164] : memref<10240x32xf32, #tpu.memory_space<hbm>> -> memref<10240x32xf32, #tpu.memory_space<hbm>>
        %dma_start3A_166 = tpu.memref_slice %arg27[%rem3A_154] : memref<2x!tpu.dma_semaphore, #tpu.memory_space<semaphore_mem>> -> memref<1x!tpu.dma_semaphore, #tpu.memory_space<semaphore_mem>>
        %dma_start3A_167 = tpu.memref_squeeze %dma_start3A_166 : memref<1x!tpu.dma_semaphore, #tpu.memory_space<semaphore_mem>> -> memref<!tpu.dma_semaphore, #tpu.memory_space<semaphore_mem>>
        tpu.enqueue_indirect_dma source(%dma_start3A_165 : memref<10240x32xf32, #tpu.memory_space<hbm>>) target(%dma_start3A_161 : memref<128x32xf32, #tpu.memory_space<vmem>>) offsets(%dma_start3A_162 : memref<128xi32, #tpu.memory_space<vmem>>) semaphore(%dma_start3A_167 : memref<!tpu.dma_semaphore, #tpu.memory_space<semaphore_mem>>)
      } else {
      }
      %broadcast_in_dim3A_144 = vector.broadcast %rem3A_127 : i32 to vector<16xi32>
      %scan3A_145 = arith.constant 0 : i32
      %scan3A_146 = arith.constant 0 : i32
      %scan3A_147 = arith.constant 8 : i32
      %scan3A_148 = arith.addi %scan3A_146, %scan3A_147 : i32
      %scan3A_149 = arith.constant 1 : i32
      scf.for %scan3A_151 = %scan3A_146 to %scan3A_148 step %scan3A_149  : i32 {
        %mul3A_152 = arith.constant 128 : i32
        %mul3A_153 = arith.muli %while3A_125, %mul3A_152 : i32
        %mul3A_154 = arith.constant 16 : i32
        %mul3A_155 = arith.muli %scan3A_151, %mul3A_154 : i32
        %add3A_156 = arith.addi %mul3A_153, %mul3A_155 : i32
        %get3A_157 = arith.index_cast %add3A_156 : i32 to index
        %get3A_158 = tpu.vector_load %arg16[%get3A_157] {strides = array<i32>} : memref<16512xi32, #tpu.memory_space<vmem>>, vector<16xi32>,
        %get3A_159 = arith.index_cast %add3A_156 : i32 to index
        %get3A_160 = tpu.vector_load %arg17[%get3A_159] {strides = array<i32>} : memref<16512xi32, #tpu.memory_space<vmem>>, vector<16xi32>,
        %add3A_161 = arith.addi %multiple_of3A_39, %add3A_156 : i32
        %add3A_162 = vector.broadcast %add3A_161 : i32 to vector<16xi32>
        %add3A_163 = arith.addi %add3A_162, %iota3A : vector<16xi32>
        %ge3A = vector.broadcast %reduce_min3A_10 : i32 to vector<16xi32>
        %ge3A_164 = arith.cmpi sge, %add3A_163, %ge3A : vector<16xi32>
        %lt3A_165 = vector.broadcast %reduce_min3A_20 : i32 to vector<16xi32>
        %lt3A_166 = arith.cmpi slt, %add3A_163, %lt3A_165 : vector<16xi32>
        %and3A_167 = arith.andi %ge3A_164, %lt3A_166 : vector<16xi1>
        %sub3A_168 = vector.broadcast %multiple_of3A : i32 to vector<16xi32>
        %sub3A_169 = arith.subi %get3A_160, %sub3A_168 : vector<16xi32>
        %jit3A_170 = arith.constant 320 : i32
        %broadcast_in_dim3A_171 = vector.broadcast %jit3A_170 : i32 to vector<16xi32>
        %select_n3A_172 = arith.select %and3A_167, %sub3A_169, %broadcast_in_dim3A_171 : vector<16xi1>, vector<16xi32>
        %gather3A = tpu.vector_load_idx %arg12[%get3A_158] : memref<10240xf32, #tpu.memory_space<vmem>>[vector<16xi32>], vector<16xf32>,
        %gather3A_173 = tpu.vector_load_idx %arg13[%select_n3A_172] : memref<336xf32, #tpu.memory_space<vmem>>[vector<16xi32>], vector<16xf32>,
        %mul3A_174 = arith.constant 16 : i32
        %mul3A_175 = arith.muli %scan3A_151, %mul3A_174 : i32
        %add3A_176 = vector.broadcast %mul3A_175 : i32 to vector<16xi32>
        %add3A_177 = arith.addi %add3A_176, %iota3A : vector<16xi32>
        %broadcast_in_dim3A_178 = arith.constant 0.000000e+00 : f32
        %broadcast_in_dim3A_179 = vector.broadcast %broadcast_in_dim3A_178 : f32 to vector<16xf32>
        %scan3A_180 = arith.constant 0 : i32
        %scan3A_181 = arith.constant 32 : i32
        %scan3A_182 = arith.addi %scan3A_180, %scan3A_181 : i32
        %scan3A_183 = arith.constant 1 : i32
        %scan3A_184 = scf.for %scan3A_207 = %scan3A_180 to %scan3A_182 step %scan3A_183 iter_args(%scan3A_208 = %broadcast_in_dim3A_179) -> (vector<16xf32>)  : i32 {
          %broadcast_in_dim3A_209 = vector.broadcast %scan3A_207 : i32 to vector<16xi32>
          %gather3A_210 = tpu.vector_load_idx %arg25[%broadcast_in_dim3A_144, %add3A_177, %broadcast_in_dim3A_209] : memref<2x128x32xf32, #tpu.memory_space<vmem>>[vector<16xi32>, vector<16xi32>, vector<16xi32>], vector<16xf32>,
          %gather3A_211 = tpu.vector_load_idx %arg11[%select_n3A_172, %broadcast_in_dim3A_209] : memref<328x32xf32, #tpu.memory_space<vmem>>[vector<16xi32>, vector<16xi32>], vector<16xf32>,
          %mul3A_212 = arith.mulf %gather3A_210, %gather3A_211 : vector<16xf32>
          %add3A_213 = arith.addf %scan3A_208, %mul3A_212 : vector<16xf32>
          scf.yield %add3A_213 : vector<16xf32>
        }
        %scan3A_185 = arith.constant 32 : i32
        %neg3A = arith.constant 0.000000e+00 : f32
        %neg3A_186 = vector.broadcast %neg3A : f32 to vector<16xf32>
        %neg3A_187 = arith.subf %neg3A_186, %scan3A_184 : vector<16xf32>
        %exp3A = math.exp %neg3A_187 : vector<16xf32>
        %add3A_188 = arith.constant 1.000000e+00 : f32
        %add3A_189 = vector.broadcast %add3A_188 : f32 to vector<16xf32>
        %add3A_190 = arith.addf %add3A_189, %exp3A : vector<16xf32>
        %div3A_191 = arith.constant 1.000000e+00 : f32
        %div3A_192 = vector.broadcast %div3A_191 : f32 to vector<16xf32>
        %div3A_193 = arith.divf %div3A_192, %add3A_190 : vector<16xf32>
        %add3A_194 = arith.addf %gather3A, %gather3A_173 : vector<16xf32>
        %mul3A_195 = arith.mulf %add3A_194, %div3A_193 : vector<16xf32>
        %ge3A_196 = arith.constant 0.000000e+00 : f32
        %ge3A_197 = vector.broadcast %ge3A_196 : f32 to vector<16xf32>
        %ge3A_198 = arith.cmpf oge, %mul3A_195, %ge3A_197 : vector<16xf32>
        %mul3A_199 = arith.constant 2.000000e-01 : f32
        %mul3A_200 = vector.broadcast %mul3A_199 : f32 to vector<16xf32>
        %mul3A_201 = arith.mulf %mul3A_200, %mul3A_195 : vector<16xf32>
        %select_n3A_202 = arith.select %ge3A_198, %mul3A_195, %mul3A_201 : vector<16xi1>, vector<16xf32>
        %jit3A_203 = arith.constant -1.000000e+30 : f32
        %broadcast_in_dim3A_204 = vector.broadcast %jit3A_203 : f32 to vector<16xf32>
        %select_n3A_205 = arith.select %and3A_167, %select_n3A_202, %broadcast_in_dim3A_204 : vector<16xi1>, vector<16xf32>
        %swap3A = arith.index_cast %add3A_156 : i32 to index
        %swap3A_206 = tpu.vector_load %arg18[%swap3A] {strides = array<i32>} : memref<16512xf32, #tpu.memory_space<vmem>>, vector<16xf32>,
        tpu.vector_store %arg18[%swap3A], %select_n3A_205 {strides = array<i32>} : memref<16512xf32, #tpu.memory_space<vmem>>, vector<16xf32>,
      }
      %scan3A_150 = arith.constant 8 : i32
    }
    %while3A_78 = arith.constant 1 : i32
    scf.for %while3A_125 = %while3A_76 to %while3A_72 step %while3A_78  : i32 {
      %rem3A_126 = arith.constant 2 : i32
      %rem3A_127 = arith.remsi %while3A_125, %rem3A_126 : i32
      %mul3A_128 = arith.constant 128 : i32
      %mul3A_129 = arith.muli %while3A_125, %mul3A_128 : i32
      %dma_wait3A = arith.constant 0 : i32
      %dma_wait3A_130 = arith.constant 0 : i32
      %dma_wait3A_131 = tpu.memref_slice %arg25[%rem3A_127, %dma_wait3A, %dma_wait3A_130] : memref<2x128x32xf32, #tpu.memory_space<vmem>> -> memref<1x128x32xf32, #tpu.memory_space<vmem>>
      %dma_wait3A_132 = tpu.memref_squeeze %dma_wait3A_131 : memref<1x128x32xf32, #tpu.memory_space<vmem>> -> memref<128x32xf32, #tpu.memory_space<vmem>>
      %dma_wait3A_133 = tpu.memref_slice %arg16[%mul3A_129] : memref<16512xi32, #tpu.memory_space<vmem>> -> memref<128xi32, #tpu.memory_space<vmem>>
      %dma_wait3A_134 = arith.constant 0 : i32
      %dma_wait3A_135 = arith.constant 0 : i32
      %dma_wait3A_136 = tpu.memref_slice %arg2[%dma_wait3A_134, %dma_wait3A_135] : memref<10240x32xf32, #tpu.memory_space<hbm>> -> memref<10240x32xf32, #tpu.memory_space<hbm>>
      %dma_wait3A_137 = tpu.memref_slice %arg27[%rem3A_127] : memref<2x!tpu.dma_semaphore, #tpu.memory_space<semaphore_mem>> -> memref<1x!tpu.dma_semaphore, #tpu.memory_space<semaphore_mem>>
      %dma_wait3A_138 = tpu.memref_squeeze %dma_wait3A_137 : memref<1x!tpu.dma_semaphore, #tpu.memory_space<semaphore_mem>> -> memref<!tpu.dma_semaphore, #tpu.memory_space<semaphore_mem>>
      tpu.wait_indirect_dma semaphore(%dma_wait3A_138 : memref<!tpu.dma_semaphore, #tpu.memory_space<semaphore_mem>>) src(%dma_wait3A_136 : memref<10240x32xf32, #tpu.memory_space<hbm>>) dst(%dma_wait3A_132 : memref<128x32xf32, #tpu.memory_space<vmem>>)
      %add3A_139 = arith.constant 1 : i32
      %add3A_140 = arith.addi %while3A_125, %add3A_139 : i32
      %lt3A = arith.cmpi slt, %add3A_140, %min3A_67 : i32
      %convert_element_type3A_141 = arith.extui %lt3A : i1 to i32
      %cond3A_142 = arith.constant 0 : i32
      %cond3A_143 = arith.cmpi ne, %convert_element_type3A_141, %cond3A_142 : i32
      scf.if %cond3A_143 {
        %add3A_151 = arith.constant 1 : i32
        %add3A_152 = arith.addi %while3A_125, %add3A_151 : i32
        %rem3A_153 = arith.constant 2 : i32
        %rem3A_154 = arith.remsi %add3A_152, %rem3A_153 : i32
        %add3A_155 = arith.constant 1 : i32
        %add3A_156 = arith.addi %while3A_125, %add3A_155 : i32
        %mul3A_157 = arith.constant 128 : i32
        %mul3A_158 = arith.muli %add3A_156, %mul3A_157 : i32
        %dma_start3A = arith.constant 0 : i32
        %dma_start3A_159 = arith.constant 0 : i32
        %dma_start3A_160 = tpu.memref_slice %arg25[%rem3A_154, %dma_start3A, %dma_start3A_159] : memref<2x128x32xf32, #tpu.memory_space<vmem>> -> memref<1x128x32xf32, #tpu.memory_space<vmem>>
        %dma_start3A_161 = tpu.memref_squeeze %dma_start3A_160 : memref<1x128x32xf32, #tpu.memory_space<vmem>> -> memref<128x32xf32, #tpu.memory_space<vmem>>
        %dma_start3A_162 = tpu.memref_slice %arg16[%mul3A_158] : memref<16512xi32, #tpu.memory_space<vmem>> -> memref<128xi32, #tpu.memory_space<vmem>>
        %dma_start3A_163 = arith.constant 0 : i32
        %dma_start3A_164 = arith.constant 0 : i32
        %dma_start3A_165 = tpu.memref_slice %arg2[%dma_start3A_163, %dma_start3A_164] : memref<10240x32xf32, #tpu.memory_space<hbm>> -> memref<10240x32xf32, #tpu.memory_space<hbm>>
        %dma_start3A_166 = tpu.memref_slice %arg27[%rem3A_154] : memref<2x!tpu.dma_semaphore, #tpu.memory_space<semaphore_mem>> -> memref<1x!tpu.dma_semaphore, #tpu.memory_space<semaphore_mem>>
        %dma_start3A_167 = tpu.memref_squeeze %dma_start3A_166 : memref<1x!tpu.dma_semaphore, #tpu.memory_space<semaphore_mem>> -> memref<!tpu.dma_semaphore, #tpu.memory_space<semaphore_mem>>
        tpu.enqueue_indirect_dma source(%dma_start3A_165 : memref<10240x32xf32, #tpu.memory_space<hbm>>) target(%dma_start3A_161 : memref<128x32xf32, #tpu.memory_space<vmem>>) offsets(%dma_start3A_162 : memref<128xi32, #tpu.memory_space<vmem>>) semaphore(%dma_start3A_167 : memref<!tpu.dma_semaphore, #tpu.memory_space<semaphore_mem>>)
      } else {
      }
      %broadcast_in_dim3A_144 = vector.broadcast %rem3A_127 : i32 to vector<16xi32>
      %scan3A_145 = arith.constant 0 : i32
      %scan3A_146 = arith.constant 0 : i32
      %scan3A_147 = arith.constant 8 : i32
      %scan3A_148 = arith.addi %scan3A_146, %scan3A_147 : i32
      %scan3A_149 = arith.constant 1 : i32
      scf.for %scan3A_151 = %scan3A_146 to %scan3A_148 step %scan3A_149  : i32 {
        %mul3A_152 = arith.constant 128 : i32
        %mul3A_153 = arith.muli %while3A_125, %mul3A_152 : i32
        %mul3A_154 = arith.constant 16 : i32
        %mul3A_155 = arith.muli %scan3A_151, %mul3A_154 : i32
        %add3A_156 = arith.addi %mul3A_153, %mul3A_155 : i32
        %get3A_157 = arith.index_cast %add3A_156 : i32 to index
        %get3A_158 = tpu.vector_load %arg16[%get3A_157] {strides = array<i32>} : memref<16512xi32, #tpu.memory_space<vmem>>, vector<16xi32>,
        %get3A_159 = arith.index_cast %add3A_156 : i32 to index
        %get3A_160 = tpu.vector_load %arg17[%get3A_159] {strides = array<i32>} : memref<16512xi32, #tpu.memory_space<vmem>>, vector<16xi32>,
        %add3A_161 = arith.addi %multiple_of3A_39, %add3A_156 : i32
        %add3A_162 = vector.broadcast %add3A_161 : i32 to vector<16xi32>
        %add3A_163 = arith.addi %add3A_162, %iota3A : vector<16xi32>
        %ge3A = vector.broadcast %reduce_min3A_10 : i32 to vector<16xi32>
        %ge3A_164 = arith.cmpi sge, %add3A_163, %ge3A : vector<16xi32>
        %lt3A_165 = vector.broadcast %reduce_min3A_20 : i32 to vector<16xi32>
        %lt3A_166 = arith.cmpi slt, %add3A_163, %lt3A_165 : vector<16xi32>
        %and3A_167 = arith.andi %ge3A_164, %lt3A_166 : vector<16xi1>
        %sub3A_168 = vector.broadcast %multiple_of3A : i32 to vector<16xi32>
        %sub3A_169 = arith.subi %get3A_160, %sub3A_168 : vector<16xi32>
        %jit3A_170 = arith.constant 320 : i32
        %broadcast_in_dim3A_171 = vector.broadcast %jit3A_170 : i32 to vector<16xi32>
        %select_n3A_172 = arith.select %and3A_167, %sub3A_169, %broadcast_in_dim3A_171 : vector<16xi1>, vector<16xi32>
        %gather3A = tpu.vector_load_idx %arg12[%get3A_158] : memref<10240xf32, #tpu.memory_space<vmem>>[vector<16xi32>], vector<16xf32>,
        %gather3A_173 = tpu.vector_load_idx %arg13[%select_n3A_172] : memref<336xf32, #tpu.memory_space<vmem>>[vector<16xi32>], vector<16xf32>,
        %mul3A_174 = arith.constant 16 : i32
        %mul3A_175 = arith.muli %scan3A_151, %mul3A_174 : i32
        %add3A_176 = vector.broadcast %mul3A_175 : i32 to vector<16xi32>
        %add3A_177 = arith.addi %add3A_176, %iota3A : vector<16xi32>
        %broadcast_in_dim3A_178 = arith.constant 0.000000e+00 : f32
        %broadcast_in_dim3A_179 = vector.broadcast %broadcast_in_dim3A_178 : f32 to vector<16xf32>
        %scan3A_180 = arith.constant 0 : i32
        %scan3A_181 = arith.constant 32 : i32
        %scan3A_182 = arith.addi %scan3A_180, %scan3A_181 : i32
        %scan3A_183 = arith.constant 1 : i32
        %scan3A_184 = scf.for %scan3A_207 = %scan3A_180 to %scan3A_182 step %scan3A_183 iter_args(%scan3A_208 = %broadcast_in_dim3A_179) -> (vector<16xf32>)  : i32 {
          %broadcast_in_dim3A_209 = vector.broadcast %scan3A_207 : i32 to vector<16xi32>
          %gather3A_210 = tpu.vector_load_idx %arg25[%broadcast_in_dim3A_144, %add3A_177, %broadcast_in_dim3A_209] : memref<2x128x32xf32, #tpu.memory_space<vmem>>[vector<16xi32>, vector<16xi32>, vector<16xi32>], vector<16xf32>,
          %gather3A_211 = tpu.vector_load_idx %arg11[%select_n3A_172, %broadcast_in_dim3A_209] : memref<328x32xf32, #tpu.memory_space<vmem>>[vector<16xi32>, vector<16xi32>], vector<16xf32>,
          %mul3A_212 = arith.mulf %gather3A_210, %gather3A_211 : vector<16xf32>
          %add3A_213 = arith.addf %scan3A_208, %mul3A_212 : vector<16xf32>
          scf.yield %add3A_213 : vector<16xf32>
        }
        %scan3A_185 = arith.constant 32 : i32
        %neg3A = arith.constant 0.000000e+00 : f32
        %neg3A_186 = vector.broadcast %neg3A : f32 to vector<16xf32>
        %neg3A_187 = arith.subf %neg3A_186, %scan3A_184 : vector<16xf32>
        %exp3A = math.exp %neg3A_187 : vector<16xf32>
        %add3A_188 = arith.constant 1.000000e+00 : f32
        %add3A_189 = vector.broadcast %add3A_188 : f32 to vector<16xf32>
        %add3A_190 = arith.addf %add3A_189, %exp3A : vector<16xf32>
        %div3A_191 = arith.constant 1.000000e+00 : f32
        %div3A_192 = vector.broadcast %div3A_191 : f32 to vector<16xf32>
        %div3A_193 = arith.divf %div3A_192, %add3A_190 : vector<16xf32>
        %add3A_194 = arith.addf %gather3A, %gather3A_173 : vector<16xf32>
        %mul3A_195 = arith.mulf %add3A_194, %div3A_193 : vector<16xf32>
        %ge3A_196 = arith.constant 0.000000e+00 : f32
        %ge3A_197 = vector.broadcast %ge3A_196 : f32 to vector<16xf32>
        %ge3A_198 = arith.cmpf oge, %mul3A_195, %ge3A_197 : vector<16xf32>
        %mul3A_199 = arith.constant 2.000000e-01 : f32
        %mul3A_200 = vector.broadcast %mul3A_199 : f32 to vector<16xf32>
        %mul3A_201 = arith.mulf %mul3A_200, %mul3A_195 : vector<16xf32>
        %select_n3A_202 = arith.select %ge3A_198, %mul3A_195, %mul3A_201 : vector<16xi1>, vector<16xf32>
        %jit3A_203 = arith.constant -1.000000e+30 : f32
        %broadcast_in_dim3A_204 = vector.broadcast %jit3A_203 : f32 to vector<16xf32>
        %select_n3A_205 = arith.select %and3A_167, %select_n3A_202, %broadcast_in_dim3A_204 : vector<16xi1>, vector<16xf32>
        %swap3A = arith.index_cast %add3A_156 : i32 to index
        %swap3A_206 = tpu.vector_load %arg18[%swap3A] {strides = array<i32>} : memref<16512xf32, #tpu.memory_space<vmem>>, vector<16xf32>,
        tpu.vector_store %arg18[%swap3A], %select_n3A_205 {strides = array<i32>} : memref<16512xf32, #tpu.memory_space<vmem>>, vector<16xf32>,
      }
      %scan3A_150 = arith.constant 8 : i32
    }
    %broadcast_in_dim3A = arith.constant 0 : i32
    %broadcast_in_dim3A_79 = vector.broadcast %broadcast_in_dim3A : i32 to vector<16xi32>
    %scan3A = arith.constant 0 : i32
    %scan3A_80 = arith.constant 20 : i32
    %scan3A_81 = arith.addi %scan3A, %scan3A_80 : i32
    %scan3A_82 = arith.constant 1 : i32
    %scan3A_83 = scf.for %scan3A_125 = %scan3A to %scan3A_81 step %scan3A_82 iter_args(%scan3A_126 = %broadcast_in_dim3A_79) -> (vector<16xi32>)  : i32 {
      %mul3A_127 = arith.constant 16 : i32
      %mul3A_128 = arith.muli %scan3A_125, %mul3A_127 : i32
      %get3A_129 = arith.index_cast %mul3A_128 : i32 to index
      %get3A_130 = tpu.vector_load %arg15[%get3A_129] {strides = array<i32>} : memref<352xi32, #tpu.memory_space<vmem>>, vector<16xi32>,
      %mul3A_131 = arith.constant 16 : i32
      %mul3A_132 = arith.muli %scan3A_125, %mul3A_131 : i32
      %add3A_133 = arith.constant 1 : i32
      %add3A_134 = arith.addi %mul3A_132, %add3A_133 : i32
      %get3A_135 = arith.index_cast %add3A_134 : i32 to index
      %get3A_136 = tpu.vector_load %arg15[%get3A_135] {strides = array<i32>} : memref<352xi32, #tpu.memory_space<vmem>>, vector<16xi32>,
      %sub3A_137 = arith.subi %get3A_136, %get3A_130 : vector<16xi32>
      %sub3A_138 = vector.broadcast %multiple_of3A_39 : i32 to vector<16xi32>
      %sub3A_139 = arith.subi %get3A_130, %sub3A_138 : vector<16xi32>
      %mul3A_140 = arith.constant 16 : i32
      %mul3A_141 = arith.muli %scan3A_125, %mul3A_140 : i32
      %swap3A = arith.index_cast %mul3A_141 : i32 to index
      %swap3A_142 = tpu.vector_load %arg19[%swap3A] {strides = array<i32>} : memref<336xi32, #tpu.memory_space<vmem>>, vector<16xi32>,
      tpu.vector_store %arg19[%swap3A], %sub3A_139 {strides = array<i32>} : memref<336xi32, #tpu.memory_space<vmem>>, vector<16xi32>,
      %mul3A_143 = arith.constant 16 : i32
      %mul3A_144 = arith.muli %scan3A_125, %mul3A_143 : i32
      %swap3A_145 = arith.index_cast %mul3A_144 : i32 to index
      %swap3A_146 = tpu.vector_load %arg20[%swap3A_145] {strides = array<i32>} : memref<336xi32, #tpu.memory_space<vmem>>, vector<16xi32>,
      tpu.vector_store %arg20[%swap3A_145], %sub3A_137 {strides = array<i32>} : memref<336xi32, #tpu.memory_space<vmem>>, vector<16xi32>,
      %mul3A_147 = arith.constant 16 : i32
      %mul3A_148 = arith.muli %scan3A_125, %mul3A_147 : i32
      %get3A_149 = arith.index_cast %mul3A_148 : i32 to index
      %get3A_150 = tpu.vector_load %arg14[%get3A_149] {strides = array<i32>} : memref<336xf32, #tpu.memory_space<vmem>>, vector<16xf32>,
      %mul3A_151 = arith.constant 16 : i32
      %mul3A_152 = arith.muli %scan3A_125, %mul3A_151 : i32
      %swap3A_153 = arith.index_cast %mul3A_152 : i32 to index
      %swap3A_154 = tpu.vector_load %arg21[%swap3A_153] {strides = array<i32>} : memref<336xf32, #tpu.memory_space<vmem>>, vector<16xf32>,
      tpu.vector_store %arg21[%swap3A_153], %get3A_150 {strides = array<i32>} : memref<336xf32, #tpu.memory_space<vmem>>, vector<16xf32>,
      %max3A = arith.maxsi %scan3A_126, %sub3A_137 : vector<16xi32>
      scf.yield %max3A : vector<16xi32>
    }
    %scan3A_84 = arith.constant 20 : i32
    %reduce_max3A = arith.constant true
    %reduce_max3A_85 = vector.broadcast %reduce_max3A : i1 to vector<16xi1>
    %reduce_max3A_86 = arith.constant -2147483648 : i32
    %reduce_max3A_87 = vector.broadcast %reduce_max3A_86 : i32 to vector<16xi32>
    %reduce_max3A_88 = arith.xori %scan3A_83, %reduce_max3A_87 : vector<16xi32>
    %reduce_max3A_89 = tpu.scan <max>, %reduce_max3A_88 masked %reduce_max3A_85 : vector<16xi32>, vector<16xi1> -> vector<16xi32>
    %reduce_max3A_90 = arith.xori %reduce_max3A_89, %reduce_max3A_87 : vector<16xi32>
    %reduce_max3A_91 = vector.extract %reduce_max3A_90[15] : i32 from vector<16xi32>
    %min3A_92 = arith.constant 16512 : i32
    %min3A_93 = arith.minsi %reduce_max3A_91, %min3A_92 : i32
    %while3A_94 = arith.constant 0 : i32
    %while3A_95 = arith.constant 0 : i32
    %while3A_96 = arith.subi %min3A_93, %while3A_95 : i32
    %while3A_97 = arith.addi %while3A_95, %while3A_96 : i32
    %while3A_98 = arith.constant 1 : i32
    %while3A_99 = arith.divsi %while3A_96, %while3A_98 : i32
    %while3A_100 = arith.muli %while3A_99, %while3A_98 : i32
    %while3A_101 = arith.addi %while3A_95, %while3A_100 : i32
    %while3A_102 = arith.constant 1 : i32
    scf.for %while3A_125 = %while3A_95 to %while3A_101 step %while3A_102  : i32 {
      %scan3A_126 = arith.constant 0 : i32
      %scan3A_127 = arith.constant 20 : i32
      %scan3A_128 = arith.addi %scan3A_126, %scan3A_127 : i32
      %scan3A_129 = arith.constant 1 : i32
      scf.for %scan3A_131 = %scan3A_126 to %scan3A_128 step %scan3A_129  : i32 {
        %mul3A_132 = arith.constant 16 : i32
        %mul3A_133 = arith.muli %scan3A_131, %mul3A_132 : i32
        %get3A_134 = arith.index_cast %mul3A_133 : i32 to index
        %get3A_135 = tpu.vector_load %arg19[%get3A_134] {strides = array<i32>} : memref<336xi32, #tpu.memory_space<vmem>>, vector<16xi32>,
        %mul3A_136 = arith.constant 16 : i32
        %mul3A_137 = arith.muli %scan3A_131, %mul3A_136 : i32
        %get3A_138 = arith.index_cast %mul3A_137 : i32 to index
        %get3A_139 = tpu.vector_load %arg20[%get3A_138] {strides = array<i32>} : memref<336xi32, #tpu.memory_space<vmem>>, vector<16xi32>,
        %lt3A = vector.broadcast %while3A_125 : i32 to vector<16xi32>
        %lt3A_140 = arith.cmpi slt, %lt3A, %get3A_139 : vector<16xi32>
        %add3A_141 = vector.broadcast %while3A_125 : i32 to vector<16xi32>
        %add3A_142 = arith.addi %get3A_135, %add3A_141 : vector<16xi32>
        %jit3A_143 = arith.constant 16511 : i32
        %broadcast_in_dim3A_144 = vector.broadcast %jit3A_143 : i32 to vector<16xi32>
        %select_n3A_145 = arith.select %lt3A_140, %add3A_142, %broadcast_in_dim3A_144 : vector<16xi1>, vector<16xi32>
        %min3A_146 = arith.constant 16511 : i32
        %min3A_147 = vector.broadcast %min3A_146 : i32 to vector<16xi32>
        %min3A_148 = arith.minsi %select_n3A_145, %min3A_147 : vector<16xi32>
        %gather3A = tpu.vector_load_idx %arg18[%min3A_148] : memref<16512xf32, #tpu.memory_space<vmem>>[vector<16xi32>], vector<16xf32>,
        %mul3A_149 = arith.constant 16 : i32
        %mul3A_150 = arith.muli %scan3A_131, %mul3A_149 : i32
        %get3A_151 = arith.index_cast %mul3A_150 : i32 to index
        %get3A_152 = tpu.vector_load %arg21[%get3A_151] {strides = array<i32>} : memref<336xf32, #tpu.memory_space<vmem>>, vector<16xf32>,
        %jit3A_153 = arith.constant -1.000000e+30 : f32
        %broadcast_in_dim3A_154 = vector.broadcast %jit3A_153 : f32 to vector<16xf32>
        %select_n3A_155 = arith.select %lt3A_140, %gather3A, %broadcast_in_dim3A_154 : vector<16xi1>, vector<16xf32>
        %max3A = arith.maximumf %get3A_152, %select_n3A_155 : vector<16xf32>
        %mul3A_156 = arith.constant 16 : i32
        %mul3A_157 = arith.muli %scan3A_131, %mul3A_156 : i32
        %swap3A = arith.index_cast %mul3A_157 : i32 to index
        %swap3A_158 = tpu.vector_load %arg21[%swap3A] {strides = array<i32>} : memref<336xf32, #tpu.memory_space<vmem>>, vector<16xf32>,
        tpu.vector_store %arg21[%swap3A], %max3A {strides = array<i32>} : memref<336xf32, #tpu.memory_space<vmem>>, vector<16xf32>,
      }
      %scan3A_130 = arith.constant 20 : i32
    }
    %while3A_103 = arith.constant 1 : i32
    scf.for %while3A_125 = %while3A_101 to %while3A_97 step %while3A_103  : i32 {
      %scan3A_126 = arith.constant 0 : i32
      %scan3A_127 = arith.constant 20 : i32
      %scan3A_128 = arith.addi %scan3A_126, %scan3A_127 : i32
      %scan3A_129 = arith.constant 1 : i32
      scf.for %scan3A_131 = %scan3A_126 to %scan3A_128 step %scan3A_129  : i32 {
        %mul3A_132 = arith.constant 16 : i32
        %mul3A_133 = arith.muli %scan3A_131, %mul3A_132 : i32
        %get3A_134 = arith.index_cast %mul3A_133 : i32 to index
        %get3A_135 = tpu.vector_load %arg19[%get3A_134] {strides = array<i32>} : memref<336xi32, #tpu.memory_space<vmem>>, vector<16xi32>,
        %mul3A_136 = arith.constant 16 : i32
        %mul3A_137 = arith.muli %scan3A_131, %mul3A_136 : i32
        %get3A_138 = arith.index_cast %mul3A_137 : i32 to index
        %get3A_139 = tpu.vector_load %arg20[%get3A_138] {strides = array<i32>} : memref<336xi32, #tpu.memory_space<vmem>>, vector<16xi32>,
        %lt3A = vector.broadcast %while3A_125 : i32 to vector<16xi32>
        %lt3A_140 = arith.cmpi slt, %lt3A, %get3A_139 : vector<16xi32>
        %add3A_141 = vector.broadcast %while3A_125 : i32 to vector<16xi32>
        %add3A_142 = arith.addi %get3A_135, %add3A_141 : vector<16xi32>
        %jit3A_143 = arith.constant 16511 : i32
        %broadcast_in_dim3A_144 = vector.broadcast %jit3A_143 : i32 to vector<16xi32>
        %select_n3A_145 = arith.select %lt3A_140, %add3A_142, %broadcast_in_dim3A_144 : vector<16xi1>, vector<16xi32>
        %min3A_146 = arith.constant 16511 : i32
        %min3A_147 = vector.broadcast %min3A_146 : i32 to vector<16xi32>
        %min3A_148 = arith.minsi %select_n3A_145, %min3A_147 : vector<16xi32>
        %gather3A = tpu.vector_load_idx %arg18[%min3A_148] : memref<16512xf32, #tpu.memory_space<vmem>>[vector<16xi32>], vector<16xf32>,
        %mul3A_149 = arith.constant 16 : i32
        %mul3A_150 = arith.muli %scan3A_131, %mul3A_149 : i32
        %get3A_151 = arith.index_cast %mul3A_150 : i32 to index
        %get3A_152 = tpu.vector_load %arg21[%get3A_151] {strides = array<i32>} : memref<336xf32, #tpu.memory_space<vmem>>, vector<16xf32>,
        %jit3A_153 = arith.constant -1.000000e+30 : f32
        %broadcast_in_dim3A_154 = vector.broadcast %jit3A_153 : f32 to vector<16xf32>
        %select_n3A_155 = arith.select %lt3A_140, %gather3A, %broadcast_in_dim3A_154 : vector<16xi1>, vector<16xf32>
        %max3A = arith.maximumf %get3A_152, %select_n3A_155 : vector<16xf32>
        %mul3A_156 = arith.constant 16 : i32
        %mul3A_157 = arith.muli %scan3A_131, %mul3A_156 : i32
        %swap3A = arith.index_cast %mul3A_157 : i32 to index
        %swap3A_158 = tpu.vector_load %arg21[%swap3A] {strides = array<i32>} : memref<336xf32, #tpu.memory_space<vmem>>, vector<16xf32>,
        tpu.vector_store %arg21[%swap3A], %max3A {strides = array<i32>} : memref<336xf32, #tpu.memory_space<vmem>>, vector<16xf32>,
      }
      %scan3A_130 = arith.constant 20 : i32
    }
    %scan3A_104 = arith.constant 0 : i32
    %scan3A_105 = arith.constant 0 : i32
    %scan3A_106 = arith.constant 20 : i32
    %scan3A_107 = arith.addi %scan3A_105, %scan3A_106 : i32
    %scan3A_108 = arith.constant 1 : i32
    scf.for %scan3A_125 = %scan3A_105 to %scan3A_107 step %scan3A_108  : i32 {
      %mul3A_126 = arith.constant 16 : i32
      %mul3A_127 = arith.muli %scan3A_125, %mul3A_126 : i32
      %get3A_128 = arith.index_cast %mul3A_127 : i32 to index
      %get3A_129 = tpu.vector_load %arg14[%get3A_128] {strides = array<i32>} : memref<336xf32, #tpu.memory_space<vmem>>, vector<16xf32>,
      %mul3A_130 = arith.constant 16 : i32
      %mul3A_131 = arith.muli %scan3A_125, %mul3A_130 : i32
      %get3A_132 = arith.index_cast %mul3A_131 : i32 to index
      %get3A_133 = tpu.vector_load %arg21[%get3A_132] {strides = array<i32>} : memref<336xf32, #tpu.memory_space<vmem>>, vector<16xf32>,
      %sub3A_134 = arith.subf %get3A_129, %get3A_133 : vector<16xf32>
      %exp3A = math.exp %sub3A_134 : vector<16xf32>
      %mul3A_135 = arith.constant 16 : i32
      %mul3A_136 = arith.muli %scan3A_125, %mul3A_135 : i32
      %swap3A = arith.index_cast %mul3A_136 : i32 to index
      %swap3A_137 = tpu.vector_load %arg22[%swap3A] {strides = array<i32>} : memref<336xf32, #tpu.memory_space<vmem>>, vector<16xf32>,
      tpu.vector_store %arg22[%swap3A], %exp3A {strides = array<i32>} : memref<336xf32, #tpu.memory_space<vmem>>, vector<16xf32>,
      %mul3A_138 = arith.constant 16 : i32
      %mul3A_139 = arith.muli %scan3A_125, %mul3A_138 : i32
      %add3A_140 = vector.broadcast %mul3A_139 : i32 to vector<16xi32>
      %add3A_141 = arith.addi %add3A_140, %iota3A : vector<16xi32>
      %scan3A_142 = arith.constant 0 : i32
      %scan3A_143 = arith.constant 0 : i32
      %scan3A_144 = arith.constant 32 : i32
      %scan3A_145 = arith.addi %scan3A_143, %scan3A_144 : i32
      %scan3A_146 = arith.constant 1 : i32
      scf.for %scan3A_148 = %scan3A_143 to %scan3A_145 step %scan3A_146  : i32 {
        %broadcast_in_dim3A_149 = vector.broadcast %scan3A_148 : i32 to vector<16xi32>
        %gather3A = tpu.vector_load_idx %arg11[%add3A_141, %broadcast_in_dim3A_149] : memref<328x32xf32, #tpu.memory_space<vmem>>[vector<16xi32>, vector<16xi32>], vector<16xf32>,
        %mul3A_150 = arith.mulf %exp3A, %gather3A : vector<16xf32>
        tpu.vector_store_idx %arg23[%add3A_141, %broadcast_in_dim3A_149], %mul3A_150 : memref<320x32xf32, #tpu.memory_space<vmem>>[vector<16xi32>, vector<16xi32>], vector<16xf32>,
      }
      %scan3A_147 = arith.constant 32 : i32
    }
    %scan3A_109 = arith.constant 20 : i32
    %gt3A_110 = arith.constant 0 : i32
    %gt3A_111 = arith.cmpi sgt, %min3A_93, %gt3A_110 : i32
    %convert_element_type3A_112 = arith.extui %gt3A_111 : i1 to i32
    %cond3A_113 = arith.constant 0 : i32
    %cond3A_114 = arith.cmpi ne, %convert_element_type3A_112, %cond3A_113 : i32
    scf.if %cond3A_114 {
      %scan3A_125 = arith.constant 0 : i32
      %scan3A_126 = arith.constant 0 : i32
      %scan3A_127 = arith.constant 20 : i32
      %scan3A_128 = arith.addi %scan3A_126, %scan3A_127 : i32
      %scan3A_129 = arith.constant 1 : i32
      scf.for %scan3A_182 = %scan3A_126 to %scan3A_128 step %scan3A_129  : i32 {
        %mul3A_183 = arith.constant 16 : i32
        %mul3A_184 = arith.muli %scan3A_182, %mul3A_183 : i32
        %get3A_185 = arith.index_cast %mul3A_184 : i32 to index
        %get3A_186 = tpu.vector_load %arg19[%get3A_185] {strides = array<i32>} : memref<336xi32, #tpu.memory_space<vmem>>, vector<16xi32>,
        %mul3A_187 = arith.constant 16 : i32
        %mul3A_188 = arith.muli %scan3A_182, %mul3A_187 : i32
        %get3A_189 = arith.index_cast %mul3A_188 : i32 to index
        %get3A_190 = tpu.vector_load %arg20[%get3A_189] {strides = array<i32>} : memref<336xi32, #tpu.memory_space<vmem>>, vector<16xi32>,
        %gt3A_191 = arith.constant 0 : i32
        %gt3A_192 = vector.broadcast %gt3A_191 : i32 to vector<16xi32>
        %gt3A_193 = arith.cmpi sgt, %get3A_190, %gt3A_192 : vector<16xi32>
        %add3A_194 = arith.constant 0 : i32
        %add3A_195 = vector.broadcast %add3A_194 : i32 to vector<16xi32>
        %add3A_196 = arith.addi %get3A_186, %add3A_195 : vector<16xi32>
        %jit3A_197 = arith.constant 16511 : i32
        %broadcast_in_dim3A_198 = vector.broadcast %jit3A_197 : i32 to vector<16xi32>
        %select_n3A_199 = arith.select %gt3A_193, %add3A_196, %broadcast_in_dim3A_198 : vector<16xi1>, vector<16xi32>
        %min3A_200 = arith.constant 16511 : i32
        %min3A_201 = vector.broadcast %min3A_200 : i32 to vector<16xi32>
        %min3A_202 = arith.minsi %select_n3A_199, %min3A_201 : vector<16xi32>
        %gather3A = tpu.vector_load_idx %arg16[%min3A_202] : memref<16512xi32, #tpu.memory_space<vmem>>[vector<16xi32>], vector<16xi32>,
        %jit3A_203 = arith.constant 0 : i32
        %broadcast_in_dim3A_204 = vector.broadcast %jit3A_203 : i32 to vector<16xi32>
        %select_n3A_205 = arith.select %gt3A_193, %gather3A, %broadcast_in_dim3A_204 : vector<16xi1>, vector<16xi32>
        %mul3A_206 = arith.constant 16 : i32
        %mul3A_207 = arith.muli %scan3A_182, %mul3A_206 : i32
        %add3A_208 = arith.constant 0 : i32
        %add3A_209 = arith.addi %add3A_208, %mul3A_207 : i32
        %swap3A = arith.index_cast %add3A_209 : i32 to index
        %swap3A_210 = tpu.vector_load %arg24[%swap3A] {strides = array<i32>} : memref<640xi32, #tpu.memory_space<vmem>>, vector<16xi32>,
        tpu.vector_store %arg24[%swap3A], %select_n3A_205 {strides = array<i32>} : memref<640xi32, #tpu.memory_space<vmem>>, vector<16xi32>,
      }
      %scan3A_130 = arith.constant 20 : i32
      %dma_start3A = arith.constant 0 : i32
      %dma_start3A_131 = arith.constant 0 : i32
      %dma_start3A_132 = arith.constant 0 : i32
      %dma_start3A_133 = arith.constant 0 : i32
      %dma_start3A_134 = tpu.memref_slice %arg26[%dma_start3A, %dma_start3A_132, %dma_start3A_133] : memref<2x320x32xf32, #tpu.memory_space<vmem>> -> memref<1x80x32xf32, #tpu.memory_space<vmem>>
      %dma_start3A_135 = tpu.memref_squeeze %dma_start3A_134 : memref<1x80x32xf32, #tpu.memory_space<vmem>> -> memref<80x32xf32, #tpu.memory_space<vmem>>
      %dma_start3A_136 = arith.constant 0 : i32
      %dma_start3A_137 = tpu.memref_slice %arg24[%dma_start3A_136] : memref<640xi32, #tpu.memory_space<vmem>> -> memref<80xi32, #tpu.memory_space<vmem>>
      %dma_start3A_138 = arith.constant 0 : i32
      %dma_start3A_139 = arith.constant 0 : i32
      %dma_start3A_140 = tpu.memref_slice %arg2[%dma_start3A_138, %dma_start3A_139] : memref<10240x32xf32, #tpu.memory_space<hbm>> -> memref<10240x32xf32, #tpu.memory_space<hbm>>
      %dma_start3A_141 = tpu.memref_slice %arg28[%dma_start3A_131] : memref<2x!tpu.dma_semaphore, #tpu.memory_space<semaphore_mem>> -> memref<1x!tpu.dma_semaphore, #tpu.memory_space<semaphore_mem>>
      %dma_start3A_142 = tpu.memref_squeeze %dma_start3A_141 : memref<1x!tpu.dma_semaphore, #tpu.memory_space<semaphore_mem>> -> memref<!tpu.dma_semaphore, #tpu.memory_space<semaphore_mem>>
      tpu.enqueue_indirect_dma source(%dma_start3A_140 : memref<10240x32xf32, #tpu.memory_space<hbm>>) target(%dma_start3A_135 : memref<80x32xf32, #tpu.memory_space<vmem>>) offsets(%dma_start3A_137 : memref<80xi32, #tpu.memory_space<vmem>>) semaphore(%dma_start3A_142 : memref<!tpu.dma_semaphore, #tpu.memory_space<semaphore_mem>>)
      %dma_start3A_143 = arith.constant 0 : i32
      %dma_start3A_144 = arith.constant 0 : i32
      %dma_start3A_145 = arith.constant 80 : i32
      %dma_start3A_146 = arith.constant 0 : i32
      %dma_start3A_147 = tpu.memref_slice %arg26[%dma_start3A_143, %dma_start3A_145, %dma_start3A_146] : memref<2x320x32xf32, #tpu.memory_space<vmem>> -> memref<1x80x32xf32, #tpu.memory_space<vmem>>
      %dma_start3A_148 = tpu.memref_squeeze %dma_start3A_147 : memref<1x80x32xf32, #tpu.memory_space<vmem>> -> memref<80x32xf32, #tpu.memory_space<vmem>>
      %dma_start3A_149 = arith.constant 80 : i32
      %dma_start3A_150 = tpu.memref_slice %arg24[%dma_start3A_149] : memref<640xi32, #tpu.memory_space<vmem>> -> memref<80xi32, #tpu.memory_space<vmem>>
      %dma_start3A_151 = arith.constant 0 : i32
      %dma_start3A_152 = arith.constant 0 : i32
      %dma_start3A_153 = tpu.memref_slice %arg2[%dma_start3A_151, %dma_start3A_152] : memref<10240x32xf32, #tpu.memory_space<hbm>> -> memref<10240x32xf32, #tpu.memory_space<hbm>>
      %dma_start3A_154 = tpu.memref_slice %arg28[%dma_start3A_144] : memref<2x!tpu.dma_semaphore, #tpu.memory_space<semaphore_mem>> -> memref<1x!tpu.dma_semaphore, #tpu.memory_space<semaphore_mem>>
      %dma_start3A_155 = tpu.memref_squeeze %dma_start3A_154 : memref<1x!tpu.dma_semaphore, #tpu.memory_space<semaphore_mem>> -> memref<!tpu.dma_semaphore, #tpu.memory_space<semaphore_mem>>
      tpu.enqueue_indirect_dma source(%dma_start3A_153 : memref<10240x32xf32, #tpu.memory_space<hbm>>) target(%dma_start3A_148 : memref<80x32xf32, #tpu.memory_space<vmem>>) offsets(%dma_start3A_150 : memref<80xi32, #tpu.memory_space<vmem>>) semaphore(%dma_start3A_155 : memref<!tpu.dma_semaphore, #tpu.memory_space<semaphore_mem>>)
      %dma_start3A_156 = arith.constant 0 : i32
      %dma_start3A_157 = arith.constant 0 : i32
      %dma_start3A_158 = arith.constant 160 : i32
      %dma_start3A_159 = arith.constant 0 : i32
      %dma_start3A_160 = tpu.memref_slice %arg26[%dma_start3A_156, %dma_start3A_158, %dma_start3A_159] : memref<2x320x32xf32, #tpu.memory_space<vmem>> -> memref<1x80x32xf32, #tpu.memory_space<vmem>>
      %dma_start3A_161 = tpu.memref_squeeze %dma_start3A_160 : memref<1x80x32xf32, #tpu.memory_space<vmem>> -> memref<80x32xf32, #tpu.memory_space<vmem>>
      %dma_start3A_162 = arith.constant 160 : i32
      %dma_start3A_163 = tpu.memref_slice %arg24[%dma_start3A_162] : memref<640xi32, #tpu.memory_space<vmem>> -> memref<80xi32, #tpu.memory_space<vmem>>
      %dma_start3A_164 = arith.constant 0 : i32
      %dma_start3A_165 = arith.constant 0 : i32
      %dma_start3A_166 = tpu.memref_slice %arg2[%dma_start3A_164, %dma_start3A_165] : memref<10240x32xf32, #tpu.memory_space<hbm>> -> memref<10240x32xf32, #tpu.memory_space<hbm>>
      %dma_start3A_167 = tpu.memref_slice %arg28[%dma_start3A_157] : memref<2x!tpu.dma_semaphore, #tpu.memory_space<semaphore_mem>> -> memref<1x!tpu.dma_semaphore, #tpu.memory_space<semaphore_mem>>
      %dma_start3A_168 = tpu.memref_squeeze %dma_start3A_167 : memref<1x!tpu.dma_semaphore, #tpu.memory_space<semaphore_mem>> -> memref<!tpu.dma_semaphore, #tpu.memory_space<semaphore_mem>>
      tpu.enqueue_indirect_dma source(%dma_start3A_166 : memref<10240x32xf32, #tpu.memory_space<hbm>>) target(%dma_start3A_161 : memref<80x32xf32, #tpu.memory_space<vmem>>) offsets(%dma_start3A_163 : memref<80xi32, #tpu.memory_space<vmem>>) semaphore(%dma_start3A_168 : memref<!tpu.dma_semaphore, #tpu.memory_space<semaphore_mem>>)
      %dma_start3A_169 = arith.constant 0 : i32
      %dma_start3A_170 = arith.constant 0 : i32
      %dma_start3A_171 = arith.constant 240 : i32
      %dma_start3A_172 = arith.constant 0 : i32
      %dma_start3A_173 = tpu.memref_slice %arg26[%dma_start3A_169, %dma_start3A_171, %dma_start3A_172] : memref<2x320x32xf32, #tpu.memory_space<vmem>> -> memref<1x80x32xf32, #tpu.memory_space<vmem>>
      %dma_start3A_174 = tpu.memref_squeeze %dma_start3A_173 : memref<1x80x32xf32, #tpu.memory_space<vmem>> -> memref<80x32xf32, #tpu.memory_space<vmem>>
      %dma_start3A_175 = arith.constant 240 : i32
      %dma_start3A_176 = tpu.memref_slice %arg24[%dma_start3A_175] : memref<640xi32, #tpu.memory_space<vmem>> -> memref<80xi32, #tpu.memory_space<vmem>>
      %dma_start3A_177 = arith.constant 0 : i32
      %dma_start3A_178 = arith.constant 0 : i32
      %dma_start3A_179 = tpu.memref_slice %arg2[%dma_start3A_177, %dma_start3A_178] : memref<10240x32xf32, #tpu.memory_space<hbm>> -> memref<10240x32xf32, #tpu.memory_space<hbm>>
      %dma_start3A_180 = tpu.memref_slice %arg28[%dma_start3A_170] : memref<2x!tpu.dma_semaphore, #tpu.memory_space<semaphore_mem>> -> memref<1x!tpu.dma_semaphore, #tpu.memory_space<semaphore_mem>>
      %dma_start3A_181 = tpu.memref_squeeze %dma_start3A_180 : memref<1x!tpu.dma_semaphore, #tpu.memory_space<semaphore_mem>> -> memref<!tpu.dma_semaphore, #tpu.memory_space<semaphore_mem>>
      tpu.enqueue_indirect_dma source(%dma_start3A_179 : memref<10240x32xf32, #tpu.memory_space<hbm>>) target(%dma_start3A_174 : memref<80x32xf32, #tpu.memory_space<vmem>>) offsets(%dma_start3A_176 : memref<80xi32, #tpu.memory_space<vmem>>) semaphore(%dma_start3A_181 : memref<!tpu.dma_semaphore, #tpu.memory_space<semaphore_mem>>)
    } else {
    }
    %while3A_115 = arith.constant 0 : i32
    %while3A_116 = arith.constant 0 : i32
    %while3A_117 = arith.subi %min3A_93, %while3A_116 : i32
    %while3A_118 = arith.addi %while3A_116, %while3A_117 : i32
    %while3A_119 = arith.constant 1 : i32
    %while3A_120 = arith.divsi %while3A_117, %while3A_119 : i32
    %while3A_121 = arith.muli %while3A_120, %while3A_119 : i32
    %while3A_122 = arith.addi %while3A_116, %while3A_121 : i32
    %while3A_123 = arith.constant 1 : i32
    scf.for %while3A_125 = %while3A_116 to %while3A_122 step %while3A_123  : i32 {
      %rem3A_126 = arith.constant 2 : i32
      %rem3A_127 = arith.remsi %while3A_125, %rem3A_126 : i32
      %mul3A_128 = arith.constant 320 : i32
      %mul3A_129 = arith.muli %rem3A_127, %mul3A_128 : i32
      %add3A_130 = arith.constant 0 : i32
      %add3A_131 = arith.addi %mul3A_129, %add3A_130 : i32
      %dma_wait3A = arith.constant 0 : i32
      %dma_wait3A_132 = arith.constant 0 : i32
      %dma_wait3A_133 = tpu.memref_slice %arg26[%rem3A_127, %dma_wait3A, %dma_wait3A_132] : memref<2x320x32xf32, #tpu.memory_space<vmem>> -> memref<1x80x32xf32, #tpu.memory_space<vmem>>
      %dma_wait3A_134 = tpu.memref_squeeze %dma_wait3A_133 : memref<1x80x32xf32, #tpu.memory_space<vmem>> -> memref<80x32xf32, #tpu.memory_space<vmem>>
      %dma_wait3A_135 = tpu.memref_slice %arg24[%add3A_131] : memref<640xi32, #tpu.memory_space<vmem>> -> memref<80xi32, #tpu.memory_space<vmem>>
      %dma_wait3A_136 = arith.constant 0 : i32
      %dma_wait3A_137 = arith.constant 0 : i32
      %dma_wait3A_138 = tpu.memref_slice %arg2[%dma_wait3A_136, %dma_wait3A_137] : memref<10240x32xf32, #tpu.memory_space<hbm>> -> memref<10240x32xf32, #tpu.memory_space<hbm>>
      %dma_wait3A_139 = tpu.memref_slice %arg28[%rem3A_127] : memref<2x!tpu.dma_semaphore, #tpu.memory_space<semaphore_mem>> -> memref<1x!tpu.dma_semaphore, #tpu.memory_space<semaphore_mem>>
      %dma_wait3A_140 = tpu.memref_squeeze %dma_wait3A_139 : memref<1x!tpu.dma_semaphore, #tpu.memory_space<semaphore_mem>> -> memref<!tpu.dma_semaphore, #tpu.memory_space<semaphore_mem>>
      tpu.wait_indirect_dma semaphore(%dma_wait3A_140 : memref<!tpu.dma_semaphore, #tpu.memory_space<semaphore_mem>>) src(%dma_wait3A_138 : memref<10240x32xf32, #tpu.memory_space<hbm>>) dst(%dma_wait3A_134 : memref<80x32xf32, #tpu.memory_space<vmem>>)
      %mul3A_141 = arith.constant 320 : i32
      %mul3A_142 = arith.muli %rem3A_127, %mul3A_141 : i32
      %add3A_143 = arith.constant 80 : i32
      %add3A_144 = arith.addi %mul3A_142, %add3A_143 : i32
      %dma_wait3A_145 = arith.constant 80 : i32
      %dma_wait3A_146 = arith.constant 0 : i32
      %dma_wait3A_147 = tpu.memref_slice %arg26[%rem3A_127, %dma_wait3A_145, %dma_wait3A_146] : memref<2x320x32xf32, #tpu.memory_space<vmem>> -> memref<1x80x32xf32, #tpu.memory_space<vmem>>
      %dma_wait3A_148 = tpu.memref_squeeze %dma_wait3A_147 : memref<1x80x32xf32, #tpu.memory_space<vmem>> -> memref<80x32xf32, #tpu.memory_space<vmem>>
      %dma_wait3A_149 = tpu.memref_slice %arg24[%add3A_144] : memref<640xi32, #tpu.memory_space<vmem>> -> memref<80xi32, #tpu.memory_space<vmem>>
      %dma_wait3A_150 = arith.constant 0 : i32
      %dma_wait3A_151 = arith.constant 0 : i32
      %dma_wait3A_152 = tpu.memref_slice %arg2[%dma_wait3A_150, %dma_wait3A_151] : memref<10240x32xf32, #tpu.memory_space<hbm>> -> memref<10240x32xf32, #tpu.memory_space<hbm>>
      %dma_wait3A_153 = tpu.memref_slice %arg28[%rem3A_127] : memref<2x!tpu.dma_semaphore, #tpu.memory_space<semaphore_mem>> -> memref<1x!tpu.dma_semaphore, #tpu.memory_space<semaphore_mem>>
      %dma_wait3A_154 = tpu.memref_squeeze %dma_wait3A_153 : memref<1x!tpu.dma_semaphore, #tpu.memory_space<semaphore_mem>> -> memref<!tpu.dma_semaphore, #tpu.memory_space<semaphore_mem>>
      tpu.wait_indirect_dma semaphore(%dma_wait3A_154 : memref<!tpu.dma_semaphore, #tpu.memory_space<semaphore_mem>>) src(%dma_wait3A_152 : memref<10240x32xf32, #tpu.memory_space<hbm>>) dst(%dma_wait3A_148 : memref<80x32xf32, #tpu.memory_space<vmem>>)
      %mul3A_155 = arith.constant 320 : i32
      %mul3A_156 = arith.muli %rem3A_127, %mul3A_155 : i32
      %add3A_157 = arith.constant 160 : i32
      %add3A_158 = arith.addi %mul3A_156, %add3A_157 : i32
      %dma_wait3A_159 = arith.constant 160 : i32
      %dma_wait3A_160 = arith.constant 0 : i32
      %dma_wait3A_161 = tpu.memref_slice %arg26[%rem3A_127, %dma_wait3A_159, %dma_wait3A_160] : memref<2x320x32xf32, #tpu.memory_space<vmem>> -> memref<1x80x32xf32, #tpu.memory_space<vmem>>
      %dma_wait3A_162 = tpu.memref_squeeze %dma_wait3A_161 : memref<1x80x32xf32, #tpu.memory_space<vmem>> -> memref<80x32xf32, #tpu.memory_space<vmem>>
      %dma_wait3A_163 = tpu.memref_slice %arg24[%add3A_158] : memref<640xi32, #tpu.memory_space<vmem>> -> memref<80xi32, #tpu.memory_space<vmem>>
      %dma_wait3A_164 = arith.constant 0 : i32
      %dma_wait3A_165 = arith.constant 0 : i32
      %dma_wait3A_166 = tpu.memref_slice %arg2[%dma_wait3A_164, %dma_wait3A_165] : memref<10240x32xf32, #tpu.memory_space<hbm>> -> memref<10240x32xf32, #tpu.memory_space<hbm>>
      %dma_wait3A_167 = tpu.memref_slice %arg28[%rem3A_127] : memref<2x!tpu.dma_semaphore, #tpu.memory_space<semaphore_mem>> -> memref<1x!tpu.dma_semaphore, #tpu.memory_space<semaphore_mem>>
      %dma_wait3A_168 = tpu.memref_squeeze %dma_wait3A_167 : memref<1x!tpu.dma_semaphore, #tpu.memory_space<semaphore_mem>> -> memref<!tpu.dma_semaphore, #tpu.memory_space<semaphore_mem>>
      tpu.wait_indirect_dma semaphore(%dma_wait3A_168 : memref<!tpu.dma_semaphore, #tpu.memory_space<semaphore_mem>>) src(%dma_wait3A_166 : memref<10240x32xf32, #tpu.memory_space<hbm>>) dst(%dma_wait3A_162 : memref<80x32xf32, #tpu.memory_space<vmem>>)
      %mul3A_169 = arith.constant 320 : i32
      %mul3A_170 = arith.muli %rem3A_127, %mul3A_169 : i32
      %add3A_171 = arith.constant 240 : i32
      %add3A_172 = arith.addi %mul3A_170, %add3A_171 : i32
      %dma_wait3A_173 = arith.constant 240 : i32
      %dma_wait3A_174 = arith.constant 0 : i32
      %dma_wait3A_175 = tpu.memref_slice %arg26[%rem3A_127, %dma_wait3A_173, %dma_wait3A_174] : memref<2x320x32xf32, #tpu.memory_space<vmem>> -> memref<1x80x32xf32, #tpu.memory_space<vmem>>
      %dma_wait3A_176 = tpu.memref_squeeze %dma_wait3A_175 : memref<1x80x32xf32, #tpu.memory_space<vmem>> -> memref<80x32xf32, #tpu.memory_space<vmem>>
      %dma_wait3A_177 = tpu.memref_slice %arg24[%add3A_172] : memref<640xi32, #tpu.memory_space<vmem>> -> memref<80xi32, #tpu.memory_space<vmem>>
      %dma_wait3A_178 = arith.constant 0 : i32
      %dma_wait3A_179 = arith.constant 0 : i32
      %dma_wait3A_180 = tpu.memref_slice %arg2[%dma_wait3A_178, %dma_wait3A_179] : memref<10240x32xf32, #tpu.memory_space<hbm>> -> memref<10240x32xf32, #tpu.memory_space<hbm>>
      %dma_wait3A_181 = tpu.memref_slice %arg28[%rem3A_127] : memref<2x!tpu.dma_semaphore, #tpu.memory_space<semaphore_mem>> -> memref<1x!tpu.dma_semaphore, #tpu.memory_space<semaphore_mem>>
      %dma_wait3A_182 = tpu.memref_squeeze %dma_wait3A_181 : memref<1x!tpu.dma_semaphore, #tpu.memory_space<semaphore_mem>> -> memref<!tpu.dma_semaphore, #tpu.memory_space<semaphore_mem>>
      tpu.wait_indirect_dma semaphore(%dma_wait3A_182 : memref<!tpu.dma_semaphore, #tpu.memory_space<semaphore_mem>>) src(%dma_wait3A_180 : memref<10240x32xf32, #tpu.memory_space<hbm>>) dst(%dma_wait3A_176 : memref<80x32xf32, #tpu.memory_space<vmem>>)
      %add3A_183 = arith.constant 1 : i32
      %add3A_184 = arith.addi %while3A_125, %add3A_183 : i32
      %lt3A = arith.cmpi slt, %add3A_184, %min3A_93 : i32
      %convert_element_type3A_185 = arith.extui %lt3A : i1 to i32
      %cond3A_186 = arith.constant 0 : i32
      %cond3A_187 = arith.cmpi ne, %convert_element_type3A_185, %cond3A_186 : i32
      scf.if %cond3A_187 {
        %add3A_195 = arith.constant 1 : i32
        %add3A_196 = arith.addi %while3A_125, %add3A_195 : i32
        %rem3A_197 = arith.constant 2 : i32
        %rem3A_198 = arith.remsi %add3A_196, %rem3A_197 : i32
        %add3A_199 = arith.constant 1 : i32
        %add3A_200 = arith.addi %while3A_125, %add3A_199 : i32
        %scan3A_201 = arith.constant 0 : i32
        %scan3A_202 = arith.constant 0 : i32
        %scan3A_203 = arith.constant 20 : i32
        %scan3A_204 = arith.addi %scan3A_202, %scan3A_203 : i32
        %scan3A_205 = arith.constant 1 : i32
        scf.for %scan3A_262 = %scan3A_202 to %scan3A_204 step %scan3A_205  : i32 {
          %mul3A_263 = arith.constant 16 : i32
          %mul3A_264 = arith.muli %scan3A_262, %mul3A_263 : i32
          %get3A_265 = arith.index_cast %mul3A_264 : i32 to index
          %get3A_266 = tpu.vector_load %arg19[%get3A_265] {strides = array<i32>} : memref<336xi32, #tpu.memory_space<vmem>>, vector<16xi32>,
          %mul3A_267 = arith.constant 16 : i32
          %mul3A_268 = arith.muli %scan3A_262, %mul3A_267 : i32
          %get3A_269 = arith.index_cast %mul3A_268 : i32 to index
          %get3A_270 = tpu.vector_load %arg20[%get3A_269] {strides = array<i32>} : memref<336xi32, #tpu.memory_space<vmem>>, vector<16xi32>,
          %lt3A_271 = vector.broadcast %add3A_200 : i32 to vector<16xi32>
          %lt3A_272 = arith.cmpi slt, %lt3A_271, %get3A_270 : vector<16xi32>
          %add3A_273 = vector.broadcast %add3A_200 : i32 to vector<16xi32>
          %add3A_274 = arith.addi %get3A_266, %add3A_273 : vector<16xi32>
          %jit3A_275 = arith.constant 16511 : i32
          %broadcast_in_dim3A_276 = vector.broadcast %jit3A_275 : i32 to vector<16xi32>
          %select_n3A_277 = arith.select %lt3A_272, %add3A_274, %broadcast_in_dim3A_276 : vector<16xi1>, vector<16xi32>
          %min3A_278 = arith.constant 16511 : i32
          %min3A_279 = vector.broadcast %min3A_278 : i32 to vector<16xi32>
          %min3A_280 = arith.minsi %select_n3A_277, %min3A_279 : vector<16xi32>
          %gather3A = tpu.vector_load_idx %arg16[%min3A_280] : memref<16512xi32, #tpu.memory_space<vmem>>[vector<16xi32>], vector<16xi32>,
          %jit3A_281 = arith.constant 0 : i32
          %broadcast_in_dim3A_282 = vector.broadcast %jit3A_281 : i32 to vector<16xi32>
          %select_n3A_283 = arith.select %lt3A_272, %gather3A, %broadcast_in_dim3A_282 : vector<16xi1>, vector<16xi32>
          %mul3A_284 = arith.constant 320 : i32
          %mul3A_285 = arith.muli %rem3A_198, %mul3A_284 : i32
          %mul3A_286 = arith.constant 16 : i32
          %mul3A_287 = arith.muli %scan3A_262, %mul3A_286 : i32
          %add3A_288 = arith.addi %mul3A_285, %mul3A_287 : i32
          %swap3A = arith.index_cast %add3A_288 : i32 to index
          %swap3A_289 = tpu.vector_load %arg24[%swap3A] {strides = array<i32>} : memref<640xi32, #tpu.memory_space<vmem>>, vector<16xi32>,
          tpu.vector_store %arg24[%swap3A], %select_n3A_283 {strides = array<i32>} : memref<640xi32, #tpu.memory_space<vmem>>, vector<16xi32>,
        }
        %scan3A_206 = arith.constant 20 : i32
        %mul3A_207 = arith.constant 320 : i32
        %mul3A_208 = arith.muli %rem3A_198, %mul3A_207 : i32
        %add3A_209 = arith.constant 0 : i32
        %add3A_210 = arith.addi %mul3A_208, %add3A_209 : i32
        %dma_start3A = arith.constant 0 : i32
        %dma_start3A_211 = arith.constant 0 : i32
        %dma_start3A_212 = tpu.memref_slice %arg26[%rem3A_198, %dma_start3A, %dma_start3A_211] : memref<2x320x32xf32, #tpu.memory_space<vmem>> -> memref<1x80x32xf32, #tpu.memory_space<vmem>>
        %dma_start3A_213 = tpu.memref_squeeze %dma_start3A_212 : memref<1x80x32xf32, #tpu.memory_space<vmem>> -> memref<80x32xf32, #tpu.memory_space<vmem>>
        %dma_start3A_214 = tpu.memref_slice %arg24[%add3A_210] : memref<640xi32, #tpu.memory_space<vmem>> -> memref<80xi32, #tpu.memory_space<vmem>>
        %dma_start3A_215 = arith.constant 0 : i32
        %dma_start3A_216 = arith.constant 0 : i32
        %dma_start3A_217 = tpu.memref_slice %arg2[%dma_start3A_215, %dma_start3A_216] : memref<10240x32xf32, #tpu.memory_space<hbm>> -> memref<10240x32xf32, #tpu.memory_space<hbm>>
        %dma_start3A_218 = tpu.memref_slice %arg28[%rem3A_198] : memref<2x!tpu.dma_semaphore, #tpu.memory_space<semaphore_mem>> -> memref<1x!tpu.dma_semaphore, #tpu.memory_space<semaphore_mem>>
        %dma_start3A_219 = tpu.memref_squeeze %dma_start3A_218 : memref<1x!tpu.dma_semaphore, #tpu.memory_space<semaphore_mem>> -> memref<!tpu.dma_semaphore, #tpu.memory_space<semaphore_mem>>
        tpu.enqueue_indirect_dma source(%dma_start3A_217 : memref<10240x32xf32, #tpu.memory_space<hbm>>) target(%dma_start3A_213 : memref<80x32xf32, #tpu.memory_space<vmem>>) offsets(%dma_start3A_214 : memref<80xi32, #tpu.memory_space<vmem>>) semaphore(%dma_start3A_219 : memref<!tpu.dma_semaphore, #tpu.memory_space<semaphore_mem>>)
        %mul3A_220 = arith.constant 320 : i32
        %mul3A_221 = arith.muli %rem3A_198, %mul3A_220 : i32
        %add3A_222 = arith.constant 80 : i32
        %add3A_223 = arith.addi %mul3A_221, %add3A_222 : i32
        %dma_start3A_224 = arith.constant 80 : i32
        %dma_start3A_225 = arith.constant 0 : i32
        %dma_start3A_226 = tpu.memref_slice %arg26[%rem3A_198, %dma_start3A_224, %dma_start3A_225] : memref<2x320x32xf32, #tpu.memory_space<vmem>> -> memref<1x80x32xf32, #tpu.memory_space<vmem>>
        %dma_start3A_227 = tpu.memref_squeeze %dma_start3A_226 : memref<1x80x32xf32, #tpu.memory_space<vmem>> -> memref<80x32xf32, #tpu.memory_space<vmem>>
        %dma_start3A_228 = tpu.memref_slice %arg24[%add3A_223] : memref<640xi32, #tpu.memory_space<vmem>> -> memref<80xi32, #tpu.memory_space<vmem>>
        %dma_start3A_229 = arith.constant 0 : i32
        %dma_start3A_230 = arith.constant 0 : i32
        %dma_start3A_231 = tpu.memref_slice %arg2[%dma_start3A_229, %dma_start3A_230] : memref<10240x32xf32, #tpu.memory_space<hbm>> -> memref<10240x32xf32, #tpu.memory_space<hbm>>
        %dma_start3A_232 = tpu.memref_slice %arg28[%rem3A_198] : memref<2x!tpu.dma_semaphore, #tpu.memory_space<semaphore_mem>> -> memref<1x!tpu.dma_semaphore, #tpu.memory_space<semaphore_mem>>
        %dma_start3A_233 = tpu.memref_squeeze %dma_start3A_232 : memref<1x!tpu.dma_semaphore, #tpu.memory_space<semaphore_mem>> -> memref<!tpu.dma_semaphore, #tpu.memory_space<semaphore_mem>>
        tpu.enqueue_indirect_dma source(%dma_start3A_231 : memref<10240x32xf32, #tpu.memory_space<hbm>>) target(%dma_start3A_227 : memref<80x32xf32, #tpu.memory_space<vmem>>) offsets(%dma_start3A_228 : memref<80xi32, #tpu.memory_space<vmem>>) semaphore(%dma_start3A_233 : memref<!tpu.dma_semaphore, #tpu.memory_space<semaphore_mem>>)
        %mul3A_234 = arith.constant 320 : i32
        %mul3A_235 = arith.muli %rem3A_198, %mul3A_234 : i32
        %add3A_236 = arith.constant 160 : i32
        %add3A_237 = arith.addi %mul3A_235, %add3A_236 : i32
        %dma_start3A_238 = arith.constant 160 : i32
        %dma_start3A_239 = arith.constant 0 : i32
        %dma_start3A_240 = tpu.memref_slice %arg26[%rem3A_198, %dma_start3A_238, %dma_start3A_239] : memref<2x320x32xf32, #tpu.memory_space<vmem>> -> memref<1x80x32xf32, #tpu.memory_space<vmem>>
        %dma_start3A_241 = tpu.memref_squeeze %dma_start3A_240 : memref<1x80x32xf32, #tpu.memory_space<vmem>> -> memref<80x32xf32, #tpu.memory_space<vmem>>
        %dma_start3A_242 = tpu.memref_slice %arg24[%add3A_237] : memref<640xi32, #tpu.memory_space<vmem>> -> memref<80xi32, #tpu.memory_space<vmem>>
        %dma_start3A_243 = arith.constant 0 : i32
        %dma_start3A_244 = arith.constant 0 : i32
        %dma_start3A_245 = tpu.memref_slice %arg2[%dma_start3A_243, %dma_start3A_244] : memref<10240x32xf32, #tpu.memory_space<hbm>> -> memref<10240x32xf32, #tpu.memory_space<hbm>>
        %dma_start3A_246 = tpu.memref_slice %arg28[%rem3A_198] : memref<2x!tpu.dma_semaphore, #tpu.memory_space<semaphore_mem>> -> memref<1x!tpu.dma_semaphore, #tpu.memory_space<semaphore_mem>>
        %dma_start3A_247 = tpu.memref_squeeze %dma_start3A_246 : memref<1x!tpu.dma_semaphore, #tpu.memory_space<semaphore_mem>> -> memref<!tpu.dma_semaphore, #tpu.memory_space<semaphore_mem>>
        tpu.enqueue_indirect_dma source(%dma_start3A_245 : memref<10240x32xf32, #tpu.memory_space<hbm>>) target(%dma_start3A_241 : memref<80x32xf32, #tpu.memory_space<vmem>>) offsets(%dma_start3A_242 : memref<80xi32, #tpu.memory_space<vmem>>) semaphore(%dma_start3A_247 : memref<!tpu.dma_semaphore, #tpu.memory_space<semaphore_mem>>)
        %mul3A_248 = arith.constant 320 : i32
        %mul3A_249 = arith.muli %rem3A_198, %mul3A_248 : i32
        %add3A_250 = arith.constant 240 : i32
        %add3A_251 = arith.addi %mul3A_249, %add3A_250 : i32
        %dma_start3A_252 = arith.constant 240 : i32
        %dma_start3A_253 = arith.constant 0 : i32
        %dma_start3A_254 = tpu.memref_slice %arg26[%rem3A_198, %dma_start3A_252, %dma_start3A_253] : memref<2x320x32xf32, #tpu.memory_space<vmem>> -> memref<1x80x32xf32, #tpu.memory_space<vmem>>
        %dma_start3A_255 = tpu.memref_squeeze %dma_start3A_254 : memref<1x80x32xf32, #tpu.memory_space<vmem>> -> memref<80x32xf32, #tpu.memory_space<vmem>>
        %dma_start3A_256 = tpu.memref_slice %arg24[%add3A_251] : memref<640xi32, #tpu.memory_space<vmem>> -> memref<80xi32, #tpu.memory_space<vmem>>
        %dma_start3A_257 = arith.constant 0 : i32
        %dma_start3A_258 = arith.constant 0 : i32
        %dma_start3A_259 = tpu.memref_slice %arg2[%dma_start3A_257, %dma_start3A_258] : memref<10240x32xf32, #tpu.memory_space<hbm>> -> memref<10240x32xf32, #tpu.memory_space<hbm>>
        %dma_start3A_260 = tpu.memref_slice %arg28[%rem3A_198] : memref<2x!tpu.dma_semaphore, #tpu.memory_space<semaphore_mem>> -> memref<1x!tpu.dma_semaphore, #tpu.memory_space<semaphore_mem>>
        %dma_start3A_261 = tpu.memref_squeeze %dma_start3A_260 : memref<1x!tpu.dma_semaphore, #tpu.memory_space<semaphore_mem>> -> memref<!tpu.dma_semaphore, #tpu.memory_space<semaphore_mem>>
        tpu.enqueue_indirect_dma source(%dma_start3A_259 : memref<10240x32xf32, #tpu.memory_space<hbm>>) target(%dma_start3A_255 : memref<80x32xf32, #tpu.memory_space<vmem>>) offsets(%dma_start3A_256 : memref<80xi32, #tpu.memory_space<vmem>>) semaphore(%dma_start3A_261 : memref<!tpu.dma_semaphore, #tpu.memory_space<semaphore_mem>>)
      } else {
      }
      %broadcast_in_dim3A_188 = vector.broadcast %rem3A_127 : i32 to vector<16xi32>
      %scan3A_189 = arith.constant 0 : i32
      %scan3A_190 = arith.constant 0 : i32
      %scan3A_191 = arith.constant 20 : i32
      %scan3A_192 = arith.addi %scan3A_190, %scan3A_191 : i32
      %scan3A_193 = arith.constant 1 : i32
      scf.for %scan3A_195 = %scan3A_190 to %scan3A_192 step %scan3A_193  : i32 {
        %mul3A_196 = arith.constant 16 : i32
        %mul3A_197 = arith.muli %scan3A_195, %mul3A_196 : i32
        %get3A_198 = arith.index_cast %mul3A_197 : i32 to index
        %get3A_199 = tpu.vector_load %arg19[%get3A_198] {strides = array<i32>} : memref<336xi32, #tpu.memory_space<vmem>>, vector<16xi32>,
        %mul3A_200 = arith.constant 16 : i32
        %mul3A_201 = arith.muli %scan3A_195, %mul3A_200 : i32
        %get3A_202 = arith.index_cast %mul3A_201 : i32 to index
        %get3A_203 = tpu.vector_load %arg20[%get3A_202] {strides = array<i32>} : memref<336xi32, #tpu.memory_space<vmem>>, vector<16xi32>,
        %lt3A_204 = vector.broadcast %while3A_125 : i32 to vector<16xi32>
        %lt3A_205 = arith.cmpi slt, %lt3A_204, %get3A_203 : vector<16xi32>
        %add3A_206 = vector.broadcast %while3A_125 : i32 to vector<16xi32>
        %add3A_207 = arith.addi %get3A_199, %add3A_206 : vector<16xi32>
        %jit3A_208 = arith.constant 16511 : i32
        %broadcast_in_dim3A_209 = vector.broadcast %jit3A_208 : i32 to vector<16xi32>
        %select_n3A_210 = arith.select %lt3A_205, %add3A_207, %broadcast_in_dim3A_209 : vector<16xi1>, vector<16xi32>
        %min3A_211 = arith.constant 16511 : i32
        %min3A_212 = vector.broadcast %min3A_211 : i32 to vector<16xi32>
        %min3A_213 = arith.minsi %select_n3A_210, %min3A_212 : vector<16xi32>
        %gather3A = tpu.vector_load_idx %arg18[%min3A_213] : memref<16512xf32, #tpu.memory_space<vmem>>[vector<16xi32>], vector<16xf32>,
        %mul3A_214 = arith.constant 16 : i32
        %mul3A_215 = arith.muli %scan3A_195, %mul3A_214 : i32
        %get3A_216 = arith.index_cast %mul3A_215 : i32 to index
        %get3A_217 = tpu.vector_load %arg21[%get3A_216] {strides = array<i32>} : memref<336xf32, #tpu.memory_space<vmem>>, vector<16xf32>,
        %sub3A_218 = arith.subf %gather3A, %get3A_217 : vector<16xf32>
        %exp3A = math.exp %sub3A_218 : vector<16xf32>
        %jit3A_219 = arith.constant 0.000000e+00 : f32
        %broadcast_in_dim3A_220 = vector.broadcast %jit3A_219 : f32 to vector<16xf32>
        %select_n3A_221 = arith.select %lt3A_205, %exp3A, %broadcast_in_dim3A_220 : vector<16xi1>, vector<16xf32>
        %mul3A_222 = arith.constant 16 : i32
        %mul3A_223 = arith.muli %scan3A_195, %mul3A_222 : i32
        %get3A_224 = arith.index_cast %mul3A_223 : i32 to index
        %get3A_225 = tpu.vector_load %arg22[%get3A_224] {strides = array<i32>} : memref<336xf32, #tpu.memory_space<vmem>>, vector<16xf32>,
        %add3A_226 = arith.addf %get3A_225, %select_n3A_221 : vector<16xf32>
        %mul3A_227 = arith.constant 16 : i32
        %mul3A_228 = arith.muli %scan3A_195, %mul3A_227 : i32
        %swap3A = arith.index_cast %mul3A_228 : i32 to index
        %swap3A_229 = tpu.vector_load %arg22[%swap3A] {strides = array<i32>} : memref<336xf32, #tpu.memory_space<vmem>>, vector<16xf32>,
        tpu.vector_store %arg22[%swap3A], %add3A_226 {strides = array<i32>} : memref<336xf32, #tpu.memory_space<vmem>>, vector<16xf32>,
        %mul3A_230 = arith.constant 16 : i32
        %mul3A_231 = arith.muli %scan3A_195, %mul3A_230 : i32
        %add3A_232 = vector.broadcast %mul3A_231 : i32 to vector<16xi32>
        %add3A_233 = arith.addi %add3A_232, %iota3A : vector<16xi32>
        %scan3A_234 = arith.constant 0 : i32
        %scan3A_235 = arith.constant 0 : i32
        %scan3A_236 = arith.constant 32 : i32
        %scan3A_237 = arith.addi %scan3A_235, %scan3A_236 : i32
        %scan3A_238 = arith.constant 1 : i32
        scf.for %scan3A_240 = %scan3A_235 to %scan3A_237 step %scan3A_238  : i32 {
          %broadcast_in_dim3A_241 = vector.broadcast %scan3A_240 : i32 to vector<16xi32>
          %gather3A_242 = tpu.vector_load_idx %arg26[%broadcast_in_dim3A_188, %add3A_233, %broadcast_in_dim3A_241] : memref<2x320x32xf32, #tpu.memory_space<vmem>>[vector<16xi32>, vector<16xi32>, vector<16xi32>], vector<16xf32>,
          %gather3A_243 = tpu.vector_load_idx %arg23[%add3A_233, %broadcast_in_dim3A_241] : memref<320x32xf32, #tpu.memory_space<vmem>>[vector<16xi32>, vector<16xi32>], vector<16xf32>,
          %mul3A_244 = arith.mulf %select_n3A_221, %gather3A_242 : vector<16xf32>
          %add3A_245 = arith.addf %gather3A_243, %mul3A_244 : vector<16xf32>
          tpu.vector_store_idx %arg23[%add3A_233, %broadcast_in_dim3A_241], %add3A_245 : memref<320x32xf32, #tpu.memory_space<vmem>>[vector<16xi32>, vector<16xi32>], vector<16xf32>,
        }
        %scan3A_239 = arith.constant 32 : i32
      }
      %scan3A_194 = arith.constant 20 : i32
    }
    %while3A_124 = arith.constant 1 : i32
    scf.for %while3A_125 = %while3A_122 to %while3A_118 step %while3A_124  : i32 {
      %rem3A_126 = arith.constant 2 : i32
      %rem3A_127 = arith.remsi %while3A_125, %rem3A_126 : i32
      %mul3A_128 = arith.constant 320 : i32
      %mul3A_129 = arith.muli %rem3A_127, %mul3A_128 : i32
      %add3A_130 = arith.constant 0 : i32
      %add3A_131 = arith.addi %mul3A_129, %add3A_130 : i32
      %dma_wait3A = arith.constant 0 : i32
      %dma_wait3A_132 = arith.constant 0 : i32
      %dma_wait3A_133 = tpu.memref_slice %arg26[%rem3A_127, %dma_wait3A, %dma_wait3A_132] : memref<2x320x32xf32, #tpu.memory_space<vmem>> -> memref<1x80x32xf32, #tpu.memory_space<vmem>>
      %dma_wait3A_134 = tpu.memref_squeeze %dma_wait3A_133 : memref<1x80x32xf32, #tpu.memory_space<vmem>> -> memref<80x32xf32, #tpu.memory_space<vmem>>
      %dma_wait3A_135 = tpu.memref_slice %arg24[%add3A_131] : memref<640xi32, #tpu.memory_space<vmem>> -> memref<80xi32, #tpu.memory_space<vmem>>
      %dma_wait3A_136 = arith.constant 0 : i32
      %dma_wait3A_137 = arith.constant 0 : i32
      %dma_wait3A_138 = tpu.memref_slice %arg2[%dma_wait3A_136, %dma_wait3A_137] : memref<10240x32xf32, #tpu.memory_space<hbm>> -> memref<10240x32xf32, #tpu.memory_space<hbm>>
      %dma_wait3A_139 = tpu.memref_slice %arg28[%rem3A_127] : memref<2x!tpu.dma_semaphore, #tpu.memory_space<semaphore_mem>> -> memref<1x!tpu.dma_semaphore, #tpu.memory_space<semaphore_mem>>
      %dma_wait3A_140 = tpu.memref_squeeze %dma_wait3A_139 : memref<1x!tpu.dma_semaphore, #tpu.memory_space<semaphore_mem>> -> memref<!tpu.dma_semaphore, #tpu.memory_space<semaphore_mem>>
      tpu.wait_indirect_dma semaphore(%dma_wait3A_140 : memref<!tpu.dma_semaphore, #tpu.memory_space<semaphore_mem>>) src(%dma_wait3A_138 : memref<10240x32xf32, #tpu.memory_space<hbm>>) dst(%dma_wait3A_134 : memref<80x32xf32, #tpu.memory_space<vmem>>)
      %mul3A_141 = arith.constant 320 : i32
      %mul3A_142 = arith.muli %rem3A_127, %mul3A_141 : i32
      %add3A_143 = arith.constant 80 : i32
      %add3A_144 = arith.addi %mul3A_142, %add3A_143 : i32
      %dma_wait3A_145 = arith.constant 80 : i32
      %dma_wait3A_146 = arith.constant 0 : i32
      %dma_wait3A_147 = tpu.memref_slice %arg26[%rem3A_127, %dma_wait3A_145, %dma_wait3A_146] : memref<2x320x32xf32, #tpu.memory_space<vmem>> -> memref<1x80x32xf32, #tpu.memory_space<vmem>>
      %dma_wait3A_148 = tpu.memref_squeeze %dma_wait3A_147 : memref<1x80x32xf32, #tpu.memory_space<vmem>> -> memref<80x32xf32, #tpu.memory_space<vmem>>
      %dma_wait3A_149 = tpu.memref_slice %arg24[%add3A_144] : memref<640xi32, #tpu.memory_space<vmem>> -> memref<80xi32, #tpu.memory_space<vmem>>
      %dma_wait3A_150 = arith.constant 0 : i32
      %dma_wait3A_151 = arith.constant 0 : i32
      %dma_wait3A_152 = tpu.memref_slice %arg2[%dma_wait3A_150, %dma_wait3A_151] : memref<10240x32xf32, #tpu.memory_space<hbm>> -> memref<10240x32xf32, #tpu.memory_space<hbm>>
      %dma_wait3A_153 = tpu.memref_slice %arg28[%rem3A_127] : memref<2x!tpu.dma_semaphore, #tpu.memory_space<semaphore_mem>> -> memref<1x!tpu.dma_semaphore, #tpu.memory_space<semaphore_mem>>
      %dma_wait3A_154 = tpu.memref_squeeze %dma_wait3A_153 : memref<1x!tpu.dma_semaphore, #tpu.memory_space<semaphore_mem>> -> memref<!tpu.dma_semaphore, #tpu.memory_space<semaphore_mem>>
      tpu.wait_indirect_dma semaphore(%dma_wait3A_154 : memref<!tpu.dma_semaphore, #tpu.memory_space<semaphore_mem>>) src(%dma_wait3A_152 : memref<10240x32xf32, #tpu.memory_space<hbm>>) dst(%dma_wait3A_148 : memref<80x32xf32, #tpu.memory_space<vmem>>)
      %mul3A_155 = arith.constant 320 : i32
      %mul3A_156 = arith.muli %rem3A_127, %mul3A_155 : i32
      %add3A_157 = arith.constant 160 : i32
      %add3A_158 = arith.addi %mul3A_156, %add3A_157 : i32
      %dma_wait3A_159 = arith.constant 160 : i32
      %dma_wait3A_160 = arith.constant 0 : i32
      %dma_wait3A_161 = tpu.memref_slice %arg26[%rem3A_127, %dma_wait3A_159, %dma_wait3A_160] : memref<2x320x32xf32, #tpu.memory_space<vmem>> -> memref<1x80x32xf32, #tpu.memory_space<vmem>>
      %dma_wait3A_162 = tpu.memref_squeeze %dma_wait3A_161 : memref<1x80x32xf32, #tpu.memory_space<vmem>> -> memref<80x32xf32, #tpu.memory_space<vmem>>
      %dma_wait3A_163 = tpu.memref_slice %arg24[%add3A_158] : memref<640xi32, #tpu.memory_space<vmem>> -> memref<80xi32, #tpu.memory_space<vmem>>
      %dma_wait3A_164 = arith.constant 0 : i32
      %dma_wait3A_165 = arith.constant 0 : i32
      %dma_wait3A_166 = tpu.memref_slice %arg2[%dma_wait3A_164, %dma_wait3A_165] : memref<10240x32xf32, #tpu.memory_space<hbm>> -> memref<10240x32xf32, #tpu.memory_space<hbm>>
      %dma_wait3A_167 = tpu.memref_slice %arg28[%rem3A_127] : memref<2x!tpu.dma_semaphore, #tpu.memory_space<semaphore_mem>> -> memref<1x!tpu.dma_semaphore, #tpu.memory_space<semaphore_mem>>
      %dma_wait3A_168 = tpu.memref_squeeze %dma_wait3A_167 : memref<1x!tpu.dma_semaphore, #tpu.memory_space<semaphore_mem>> -> memref<!tpu.dma_semaphore, #tpu.memory_space<semaphore_mem>>
      tpu.wait_indirect_dma semaphore(%dma_wait3A_168 : memref<!tpu.dma_semaphore, #tpu.memory_space<semaphore_mem>>) src(%dma_wait3A_166 : memref<10240x32xf32, #tpu.memory_space<hbm>>) dst(%dma_wait3A_162 : memref<80x32xf32, #tpu.memory_space<vmem>>)
      %mul3A_169 = arith.constant 320 : i32
      %mul3A_170 = arith.muli %rem3A_127, %mul3A_169 : i32
      %add3A_171 = arith.constant 240 : i32
      %add3A_172 = arith.addi %mul3A_170, %add3A_171 : i32
      %dma_wait3A_173 = arith.constant 240 : i32
      %dma_wait3A_174 = arith.constant 0 : i32
      %dma_wait3A_175 = tpu.memref_slice %arg26[%rem3A_127, %dma_wait3A_173, %dma_wait3A_174] : memref<2x320x32xf32, #tpu.memory_space<vmem>> -> memref<1x80x32xf32, #tpu.memory_space<vmem>>
      %dma_wait3A_176 = tpu.memref_squeeze %dma_wait3A_175 : memref<1x80x32xf32, #tpu.memory_space<vmem>> -> memref<80x32xf32, #tpu.memory_space<vmem>>
      %dma_wait3A_177 = tpu.memref_slice %arg24[%add3A_172] : memref<640xi32, #tpu.memory_space<vmem>> -> memref<80xi32, #tpu.memory_space<vmem>>
      %dma_wait3A_178 = arith.constant 0 : i32
      %dma_wait3A_179 = arith.constant 0 : i32
      %dma_wait3A_180 = tpu.memref_slice %arg2[%dma_wait3A_178, %dma_wait3A_179] : memref<10240x32xf32, #tpu.memory_space<hbm>> -> memref<10240x32xf32, #tpu.memory_space<hbm>>
      %dma_wait3A_181 = tpu.memref_slice %arg28[%rem3A_127] : memref<2x!tpu.dma_semaphore, #tpu.memory_space<semaphore_mem>> -> memref<1x!tpu.dma_semaphore, #tpu.memory_space<semaphore_mem>>
      %dma_wait3A_182 = tpu.memref_squeeze %dma_wait3A_181 : memref<1x!tpu.dma_semaphore, #tpu.memory_space<semaphore_mem>> -> memref<!tpu.dma_semaphore, #tpu.memory_space<semaphore_mem>>
      tpu.wait_indirect_dma semaphore(%dma_wait3A_182 : memref<!tpu.dma_semaphore, #tpu.memory_space<semaphore_mem>>) src(%dma_wait3A_180 : memref<10240x32xf32, #tpu.memory_space<hbm>>) dst(%dma_wait3A_176 : memref<80x32xf32, #tpu.memory_space<vmem>>)
      %add3A_183 = arith.constant 1 : i32
      %add3A_184 = arith.addi %while3A_125, %add3A_183 : i32
      %lt3A = arith.cmpi slt, %add3A_184, %min3A_93 : i32
      %convert_element_type3A_185 = arith.extui %lt3A : i1 to i32
      %cond3A_186 = arith.constant 0 : i32
      %cond3A_187 = arith.cmpi ne, %convert_element_type3A_185, %cond3A_186 : i32
      scf.if %cond3A_187 {
        %add3A_195 = arith.constant 1 : i32
        %add3A_196 = arith.addi %while3A_125, %add3A_195 : i32
        %rem3A_197 = arith.constant 2 : i32
        %rem3A_198 = arith.remsi %add3A_196, %rem3A_197 : i32
        %add3A_199 = arith.constant 1 : i32
        %add3A_200 = arith.addi %while3A_125, %add3A_199 : i32
        %scan3A_201 = arith.constant 0 : i32
        %scan3A_202 = arith.constant 0 : i32
        %scan3A_203 = arith.constant 20 : i32
        %scan3A_204 = arith.addi %scan3A_202, %scan3A_203 : i32
        %scan3A_205 = arith.constant 1 : i32
        scf.for %scan3A_262 = %scan3A_202 to %scan3A_204 step %scan3A_205  : i32 {
          %mul3A_263 = arith.constant 16 : i32
          %mul3A_264 = arith.muli %scan3A_262, %mul3A_263 : i32
          %get3A_265 = arith.index_cast %mul3A_264 : i32 to index
          %get3A_266 = tpu.vector_load %arg19[%get3A_265] {strides = array<i32>} : memref<336xi32, #tpu.memory_space<vmem>>, vector<16xi32>,
          %mul3A_267 = arith.constant 16 : i32
          %mul3A_268 = arith.muli %scan3A_262, %mul3A_267 : i32
          %get3A_269 = arith.index_cast %mul3A_268 : i32 to index
          %get3A_270 = tpu.vector_load %arg20[%get3A_269] {strides = array<i32>} : memref<336xi32, #tpu.memory_space<vmem>>, vector<16xi32>,
          %lt3A_271 = vector.broadcast %add3A_200 : i32 to vector<16xi32>
          %lt3A_272 = arith.cmpi slt, %lt3A_271, %get3A_270 : vector<16xi32>
          %add3A_273 = vector.broadcast %add3A_200 : i32 to vector<16xi32>
          %add3A_274 = arith.addi %get3A_266, %add3A_273 : vector<16xi32>
          %jit3A_275 = arith.constant 16511 : i32
          %broadcast_in_dim3A_276 = vector.broadcast %jit3A_275 : i32 to vector<16xi32>
          %select_n3A_277 = arith.select %lt3A_272, %add3A_274, %broadcast_in_dim3A_276 : vector<16xi1>, vector<16xi32>
          %min3A_278 = arith.constant 16511 : i32
          %min3A_279 = vector.broadcast %min3A_278 : i32 to vector<16xi32>
          %min3A_280 = arith.minsi %select_n3A_277, %min3A_279 : vector<16xi32>
          %gather3A = tpu.vector_load_idx %arg16[%min3A_280] : memref<16512xi32, #tpu.memory_space<vmem>>[vector<16xi32>], vector<16xi32>,
          %jit3A_281 = arith.constant 0 : i32
          %broadcast_in_dim3A_282 = vector.broadcast %jit3A_281 : i32 to vector<16xi32>
          %select_n3A_283 = arith.select %lt3A_272, %gather3A, %broadcast_in_dim3A_282 : vector<16xi1>, vector<16xi32>
          %mul3A_284 = arith.constant 320 : i32
          %mul3A_285 = arith.muli %rem3A_198, %mul3A_284 : i32
          %mul3A_286 = arith.constant 16 : i32
          %mul3A_287 = arith.muli %scan3A_262, %mul3A_286 : i32
          %add3A_288 = arith.addi %mul3A_285, %mul3A_287 : i32
          %swap3A = arith.index_cast %add3A_288 : i32 to index
          %swap3A_289 = tpu.vector_load %arg24[%swap3A] {strides = array<i32>} : memref<640xi32, #tpu.memory_space<vmem>>, vector<16xi32>,
          tpu.vector_store %arg24[%swap3A], %select_n3A_283 {strides = array<i32>} : memref<640xi32, #tpu.memory_space<vmem>>, vector<16xi32>,
        }
        %scan3A_206 = arith.constant 20 : i32
        %mul3A_207 = arith.constant 320 : i32
        %mul3A_208 = arith.muli %rem3A_198, %mul3A_207 : i32
        %add3A_209 = arith.constant 0 : i32
        %add3A_210 = arith.addi %mul3A_208, %add3A_209 : i32
        %dma_start3A = arith.constant 0 : i32
        %dma_start3A_211 = arith.constant 0 : i32
        %dma_start3A_212 = tpu.memref_slice %arg26[%rem3A_198, %dma_start3A, %dma_start3A_211] : memref<2x320x32xf32, #tpu.memory_space<vmem>> -> memref<1x80x32xf32, #tpu.memory_space<vmem>>
        %dma_start3A_213 = tpu.memref_squeeze %dma_start3A_212 : memref<1x80x32xf32, #tpu.memory_space<vmem>> -> memref<80x32xf32, #tpu.memory_space<vmem>>
        %dma_start3A_214 = tpu.memref_slice %arg24[%add3A_210] : memref<640xi32, #tpu.memory_space<vmem>> -> memref<80xi32, #tpu.memory_space<vmem>>
        %dma_start3A_215 = arith.constant 0 : i32
        %dma_start3A_216 = arith.constant 0 : i32
        %dma_start3A_217 = tpu.memref_slice %arg2[%dma_start3A_215, %dma_start3A_216] : memref<10240x32xf32, #tpu.memory_space<hbm>> -> memref<10240x32xf32, #tpu.memory_space<hbm>>
        %dma_start3A_218 = tpu.memref_slice %arg28[%rem3A_198] : memref<2x!tpu.dma_semaphore, #tpu.memory_space<semaphore_mem>> -> memref<1x!tpu.dma_semaphore, #tpu.memory_space<semaphore_mem>>
        %dma_start3A_219 = tpu.memref_squeeze %dma_start3A_218 : memref<1x!tpu.dma_semaphore, #tpu.memory_space<semaphore_mem>> -> memref<!tpu.dma_semaphore, #tpu.memory_space<semaphore_mem>>
        tpu.enqueue_indirect_dma source(%dma_start3A_217 : memref<10240x32xf32, #tpu.memory_space<hbm>>) target(%dma_start3A_213 : memref<80x32xf32, #tpu.memory_space<vmem>>) offsets(%dma_start3A_214 : memref<80xi32, #tpu.memory_space<vmem>>) semaphore(%dma_start3A_219 : memref<!tpu.dma_semaphore, #tpu.memory_space<semaphore_mem>>)
        %mul3A_220 = arith.constant 320 : i32
        %mul3A_221 = arith.muli %rem3A_198, %mul3A_220 : i32
        %add3A_222 = arith.constant 80 : i32
        %add3A_223 = arith.addi %mul3A_221, %add3A_222 : i32
        %dma_start3A_224 = arith.constant 80 : i32
        %dma_start3A_225 = arith.constant 0 : i32
        %dma_start3A_226 = tpu.memref_slice %arg26[%rem3A_198, %dma_start3A_224, %dma_start3A_225] : memref<2x320x32xf32, #tpu.memory_space<vmem>> -> memref<1x80x32xf32, #tpu.memory_space<vmem>>
        %dma_start3A_227 = tpu.memref_squeeze %dma_start3A_226 : memref<1x80x32xf32, #tpu.memory_space<vmem>> -> memref<80x32xf32, #tpu.memory_space<vmem>>
        %dma_start3A_228 = tpu.memref_slice %arg24[%add3A_223] : memref<640xi32, #tpu.memory_space<vmem>> -> memref<80xi32, #tpu.memory_space<vmem>>
        %dma_start3A_229 = arith.constant 0 : i32
        %dma_start3A_230 = arith.constant 0 : i32
        %dma_start3A_231 = tpu.memref_slice %arg2[%dma_start3A_229, %dma_start3A_230] : memref<10240x32xf32, #tpu.memory_space<hbm>> -> memref<10240x32xf32, #tpu.memory_space<hbm>>
        %dma_start3A_232 = tpu.memref_slice %arg28[%rem3A_198] : memref<2x!tpu.dma_semaphore, #tpu.memory_space<semaphore_mem>> -> memref<1x!tpu.dma_semaphore, #tpu.memory_space<semaphore_mem>>
        %dma_start3A_233 = tpu.memref_squeeze %dma_start3A_232 : memref<1x!tpu.dma_semaphore, #tpu.memory_space<semaphore_mem>> -> memref<!tpu.dma_semaphore, #tpu.memory_space<semaphore_mem>>
        tpu.enqueue_indirect_dma source(%dma_start3A_231 : memref<10240x32xf32, #tpu.memory_space<hbm>>) target(%dma_start3A_227 : memref<80x32xf32, #tpu.memory_space<vmem>>) offsets(%dma_start3A_228 : memref<80xi32, #tpu.memory_space<vmem>>) semaphore(%dma_start3A_233 : memref<!tpu.dma_semaphore, #tpu.memory_space<semaphore_mem>>)
        %mul3A_234 = arith.constant 320 : i32
        %mul3A_235 = arith.muli %rem3A_198, %mul3A_234 : i32
        %add3A_236 = arith.constant 160 : i32
        %add3A_237 = arith.addi %mul3A_235, %add3A_236 : i32
        %dma_start3A_238 = arith.constant 160 : i32
        %dma_start3A_239 = arith.constant 0 : i32
        %dma_start3A_240 = tpu.memref_slice %arg26[%rem3A_198, %dma_start3A_238, %dma_start3A_239] : memref<2x320x32xf32, #tpu.memory_space<vmem>> -> memref<1x80x32xf32, #tpu.memory_space<vmem>>
        %dma_start3A_241 = tpu.memref_squeeze %dma_start3A_240 : memref<1x80x32xf32, #tpu.memory_space<vmem>> -> memref<80x32xf32, #tpu.memory_space<vmem>>
        %dma_start3A_242 = tpu.memref_slice %arg24[%add3A_237] : memref<640xi32, #tpu.memory_space<vmem>> -> memref<80xi32, #tpu.memory_space<vmem>>
        %dma_start3A_243 = arith.constant 0 : i32
        %dma_start3A_244 = arith.constant 0 : i32
        %dma_start3A_245 = tpu.memref_slice %arg2[%dma_start3A_243, %dma_start3A_244] : memref<10240x32xf32, #tpu.memory_space<hbm>> -> memref<10240x32xf32, #tpu.memory_space<hbm>>
        %dma_start3A_246 = tpu.memref_slice %arg28[%rem3A_198] : memref<2x!tpu.dma_semaphore, #tpu.memory_space<semaphore_mem>> -> memref<1x!tpu.dma_semaphore, #tpu.memory_space<semaphore_mem>>
        %dma_start3A_247 = tpu.memref_squeeze %dma_start3A_246 : memref<1x!tpu.dma_semaphore, #tpu.memory_space<semaphore_mem>> -> memref<!tpu.dma_semaphore, #tpu.memory_space<semaphore_mem>>
        tpu.enqueue_indirect_dma source(%dma_start3A_245 : memref<10240x32xf32, #tpu.memory_space<hbm>>) target(%dma_start3A_241 : memref<80x32xf32, #tpu.memory_space<vmem>>) offsets(%dma_start3A_242 : memref<80xi32, #tpu.memory_space<vmem>>) semaphore(%dma_start3A_247 : memref<!tpu.dma_semaphore, #tpu.memory_space<semaphore_mem>>)
        %mul3A_248 = arith.constant 320 : i32
        %mul3A_249 = arith.muli %rem3A_198, %mul3A_248 : i32
        %add3A_250 = arith.constant 240 : i32
        %add3A_251 = arith.addi %mul3A_249, %add3A_250 : i32
        %dma_start3A_252 = arith.constant 240 : i32
        %dma_start3A_253 = arith.constant 0 : i32
        %dma_start3A_254 = tpu.memref_slice %arg26[%rem3A_198, %dma_start3A_252, %dma_start3A_253] : memref<2x320x32xf32, #tpu.memory_space<vmem>> -> memref<1x80x32xf32, #tpu.memory_space<vmem>>
        %dma_start3A_255 = tpu.memref_squeeze %dma_start3A_254 : memref<1x80x32xf32, #tpu.memory_space<vmem>> -> memref<80x32xf32, #tpu.memory_space<vmem>>
        %dma_start3A_256 = tpu.memref_slice %arg24[%add3A_251] : memref<640xi32, #tpu.memory_space<vmem>> -> memref<80xi32, #tpu.memory_space<vmem>>
        %dma_start3A_257 = arith.constant 0 : i32
        %dma_start3A_258 = arith.constant 0 : i32
        %dma_start3A_259 = tpu.memref_slice %arg2[%dma_start3A_257, %dma_start3A_258] : memref<10240x32xf32, #tpu.memory_space<hbm>> -> memref<10240x32xf32, #tpu.memory_space<hbm>>
        %dma_start3A_260 = tpu.memref_slice %arg28[%rem3A_198] : memref<2x!tpu.dma_semaphore, #tpu.memory_space<semaphore_mem>> -> memref<1x!tpu.dma_semaphore, #tpu.memory_space<semaphore_mem>>
        %dma_start3A_261 = tpu.memref_squeeze %dma_start3A_260 : memref<1x!tpu.dma_semaphore, #tpu.memory_space<semaphore_mem>> -> memref<!tpu.dma_semaphore, #tpu.memory_space<semaphore_mem>>
        tpu.enqueue_indirect_dma source(%dma_start3A_259 : memref<10240x32xf32, #tpu.memory_space<hbm>>) target(%dma_start3A_255 : memref<80x32xf32, #tpu.memory_space<vmem>>) offsets(%dma_start3A_256 : memref<80xi32, #tpu.memory_space<vmem>>) semaphore(%dma_start3A_261 : memref<!tpu.dma_semaphore, #tpu.memory_space<semaphore_mem>>)
      } else {
      }
      %broadcast_in_dim3A_188 = vector.broadcast %rem3A_127 : i32 to vector<16xi32>
      %scan3A_189 = arith.constant 0 : i32
      %scan3A_190 = arith.constant 0 : i32
      %scan3A_191 = arith.constant 20 : i32
      %scan3A_192 = arith.addi %scan3A_190, %scan3A_191 : i32
      %scan3A_193 = arith.constant 1 : i32
      scf.for %scan3A_195 = %scan3A_190 to %scan3A_192 step %scan3A_193  : i32 {
        %mul3A_196 = arith.constant 16 : i32
        %mul3A_197 = arith.muli %scan3A_195, %mul3A_196 : i32
        %get3A_198 = arith.index_cast %mul3A_197 : i32 to index
        %get3A_199 = tpu.vector_load %arg19[%get3A_198] {strides = array<i32>} : memref<336xi32, #tpu.memory_space<vmem>>, vector<16xi32>,
        %mul3A_200 = arith.constant 16 : i32
        %mul3A_201 = arith.muli %scan3A_195, %mul3A_200 : i32
        %get3A_202 = arith.index_cast %mul3A_201 : i32 to index
        %get3A_203 = tpu.vector_load %arg20[%get3A_202] {strides = array<i32>} : memref<336xi32, #tpu.memory_space<vmem>>, vector<16xi32>,
        %lt3A_204 = vector.broadcast %while3A_125 : i32 to vector<16xi32>
        %lt3A_205 = arith.cmpi slt, %lt3A_204, %get3A_203 : vector<16xi32>
        %add3A_206 = vector.broadcast %while3A_125 : i32 to vector<16xi32>
        %add3A_207 = arith.addi %get3A_199, %add3A_206 : vector<16xi32>
        %jit3A_208 = arith.constant 16511 : i32
        %broadcast_in_dim3A_209 = vector.broadcast %jit3A_208 : i32 to vector<16xi32>
        %select_n3A_210 = arith.select %lt3A_205, %add3A_207, %broadcast_in_dim3A_209 : vector<16xi1>, vector<16xi32>
        %min3A_211 = arith.constant 16511 : i32
        %min3A_212 = vector.broadcast %min3A_211 : i32 to vector<16xi32>
        %min3A_213 = arith.minsi %select_n3A_210, %min3A_212 : vector<16xi32>
        %gather3A = tpu.vector_load_idx %arg18[%min3A_213] : memref<16512xf32, #tpu.memory_space<vmem>>[vector<16xi32>], vector<16xf32>,
        %mul3A_214 = arith.constant 16 : i32
        %mul3A_215 = arith.muli %scan3A_195, %mul3A_214 : i32
        %get3A_216 = arith.index_cast %mul3A_215 : i32 to index
        %get3A_217 = tpu.vector_load %arg21[%get3A_216] {strides = array<i32>} : memref<336xf32, #tpu.memory_space<vmem>>, vector<16xf32>,
        %sub3A_218 = arith.subf %gather3A, %get3A_217 : vector<16xf32>
        %exp3A = math.exp %sub3A_218 : vector<16xf32>
        %jit3A_219 = arith.constant 0.000000e+00 : f32
        %broadcast_in_dim3A_220 = vector.broadcast %jit3A_219 : f32 to vector<16xf32>
        %select_n3A_221 = arith.select %lt3A_205, %exp3A, %broadcast_in_dim3A_220 : vector<16xi1>, vector<16xf32>
        %mul3A_222 = arith.constant 16 : i32
        %mul3A_223 = arith.muli %scan3A_195, %mul3A_222 : i32
        %get3A_224 = arith.index_cast %mul3A_223 : i32 to index
        %get3A_225 = tpu.vector_load %arg22[%get3A_224] {strides = array<i32>} : memref<336xf32, #tpu.memory_space<vmem>>, vector<16xf32>,
        %add3A_226 = arith.addf %get3A_225, %select_n3A_221 : vector<16xf32>
        %mul3A_227 = arith.constant 16 : i32
        %mul3A_228 = arith.muli %scan3A_195, %mul3A_227 : i32
        %swap3A = arith.index_cast %mul3A_228 : i32 to index
        %swap3A_229 = tpu.vector_load %arg22[%swap3A] {strides = array<i32>} : memref<336xf32, #tpu.memory_space<vmem>>, vector<16xf32>,
        tpu.vector_store %arg22[%swap3A], %add3A_226 {strides = array<i32>} : memref<336xf32, #tpu.memory_space<vmem>>, vector<16xf32>,
        %mul3A_230 = arith.constant 16 : i32
        %mul3A_231 = arith.muli %scan3A_195, %mul3A_230 : i32
        %add3A_232 = vector.broadcast %mul3A_231 : i32 to vector<16xi32>
        %add3A_233 = arith.addi %add3A_232, %iota3A : vector<16xi32>
        %scan3A_234 = arith.constant 0 : i32
        %scan3A_235 = arith.constant 0 : i32
        %scan3A_236 = arith.constant 32 : i32
        %scan3A_237 = arith.addi %scan3A_235, %scan3A_236 : i32
        %scan3A_238 = arith.constant 1 : i32
        scf.for %scan3A_240 = %scan3A_235 to %scan3A_237 step %scan3A_238  : i32 {
          %broadcast_in_dim3A_241 = vector.broadcast %scan3A_240 : i32 to vector<16xi32>
          %gather3A_242 = tpu.vector_load_idx %arg26[%broadcast_in_dim3A_188, %add3A_233, %broadcast_in_dim3A_241] : memref<2x320x32xf32, #tpu.memory_space<vmem>>[vector<16xi32>, vector<16xi32>, vector<16xi32>], vector<16xf32>,
          %gather3A_243 = tpu.vector_load_idx %arg23[%add3A_233, %broadcast_in_dim3A_241] : memref<320x32xf32, #tpu.memory_space<vmem>>[vector<16xi32>, vector<16xi32>], vector<16xf32>,
          %mul3A_244 = arith.mulf %select_n3A_221, %gather3A_242 : vector<16xf32>
          %add3A_245 = arith.addf %gather3A_243, %mul3A_244 : vector<16xf32>
          tpu.vector_store_idx %arg23[%add3A_233, %broadcast_in_dim3A_241], %add3A_245 : memref<320x32xf32, #tpu.memory_space<vmem>>[vector<16xi32>, vector<16xi32>], vector<16xf32>,
        }
        %scan3A_239 = arith.constant 32 : i32
      }
      %scan3A_194 = arith.constant 20 : i32
    }
    "tpu.region"() ({
      %run_scoped3A = tpu.sem_alloc : memref<!tpu.dma_semaphore, #tpu.memory_space<semaphore_mem>>
      %dma_start3A = arith.constant 0 : i32
      %dma_start3A_125 = tpu.memref_slice %arg9[%multiple_of3A, %dma_start3A] : memref<10240x32xf32, #tpu.memory_space<hbm>> -> memref<320x32xf32, #tpu.memory_space<hbm>>
      %dma_start3A_126 = arith.constant 0 : i32
      %dma_start3A_127 = tpu.memref_slice %arg9[%multiple_of3A, %dma_start3A_126] : memref<10240x32xf32, #tpu.memory_space<hbm>> -> memref<320x32xf32, #tpu.memory_space<hbm>>
      tpu.enqueue_dma source(%arg23 : memref<320x32xf32, #tpu.memory_space<vmem>>) target(%dma_start3A_127 : memref<320x32xf32, #tpu.memory_space<hbm>>) target_semaphore(%run_scoped3A : memref<!tpu.dma_semaphore, #tpu.memory_space<semaphore_mem>>)
      %dma_wait3A = arith.constant 0 : i32
      %dma_wait3A_128 = tpu.memref_slice %arg9[%multiple_of3A, %dma_wait3A] : memref<10240x32xf32, #tpu.memory_space<hbm>> -> memref<320x32xf32, #tpu.memory_space<hbm>>
      %dma_wait3A_129 = arith.constant 0 : i32
      %dma_wait3A_130 = tpu.memref_slice %arg9[%multiple_of3A, %dma_wait3A_129] : memref<10240x32xf32, #tpu.memory_space<hbm>> -> memref<320x32xf32, #tpu.memory_space<hbm>>
      tpu.wait_dma2 semaphore(%run_scoped3A : memref<!tpu.dma_semaphore, #tpu.memory_space<semaphore_mem>>) src(%arg23 : memref<320x32xf32, #tpu.memory_space<vmem>>) dst(%dma_wait3A_130 : memref<320x32xf32, #tpu.memory_space<hbm>>)
      tpu.yield
    }) : () -> ()
    "tpu.region"() ({
      %run_scoped3A = tpu.sem_alloc : memref<!tpu.dma_semaphore, #tpu.memory_space<semaphore_mem>>
      %dma_start3A = arith.constant 0 : i32
      %dma_start3A_125 = tpu.memref_slice %arg22[%dma_start3A] : memref<336xf32, #tpu.memory_space<vmem>> -> memref<320xf32, #tpu.memory_space<vmem>>
      %dma_start3A_126 = tpu.memref_slice %arg10[%multiple_of3A] : memref<10240xf32, #tpu.memory_space<hbm>> -> memref<320xf32, #tpu.memory_space<hbm>>
      %dma_start3A_127 = tpu.memref_slice %arg10[%multiple_of3A] : memref<10240xf32, #tpu.memory_space<hbm>> -> memref<320xf32, #tpu.memory_space<hbm>>
      %dma_start3A_128 = arith.constant 0 : i32
      %dma_start3A_129 = tpu.memref_slice %arg22[%dma_start3A_128] : memref<336xf32, #tpu.memory_space<vmem>> -> memref<320xf32, #tpu.memory_space<vmem>>
      tpu.enqueue_dma source(%dma_start3A_129 : memref<320xf32, #tpu.memory_space<vmem>>) target(%dma_start3A_127 : memref<320xf32, #tpu.memory_space<hbm>>) target_semaphore(%run_scoped3A : memref<!tpu.dma_semaphore, #tpu.memory_space<semaphore_mem>>)
      %dma_wait3A = arith.constant 0 : i32
      %dma_wait3A_130 = tpu.memref_slice %arg22[%dma_wait3A] : memref<336xf32, #tpu.memory_space<vmem>> -> memref<320xf32, #tpu.memory_space<vmem>>
      %dma_wait3A_131 = tpu.memref_slice %arg10[%multiple_of3A] : memref<10240xf32, #tpu.memory_space<hbm>> -> memref<320xf32, #tpu.memory_space<hbm>>
      %dma_wait3A_132 = tpu.memref_slice %arg10[%multiple_of3A] : memref<10240xf32, #tpu.memory_space<hbm>> -> memref<320xf32, #tpu.memory_space<hbm>>
      %dma_wait3A_133 = arith.constant 0 : i32
      %dma_wait3A_134 = tpu.memref_slice %arg22[%dma_wait3A_133] : memref<336xf32, #tpu.memory_space<vmem>> -> memref<320xf32, #tpu.memory_space<vmem>>
      tpu.wait_dma2 semaphore(%run_scoped3A : memref<!tpu.dma_semaphore, #tpu.memory_space<semaphore_mem>>) src(%dma_wait3A_134 : memref<320xf32, #tpu.memory_space<vmem>>) dst(%dma_wait3A_132 : memref<320xf32, #tpu.memory_space<hbm>>)
      tpu.yield
    }) : () -> ()
    return
  }
}

module attributes {stable_mosaic.version = 14 : i64} {
  func.func @_tc_first(%arg0: memref<10240x128xf32, #tpu.memory_space<vmem>>, %arg1: memref<128x32xf32, #tpu.memory_space<vmem>>, %arg2: memref<1x32xf32, #tpu.memory_space<vmem>>, %arg3: memref<32x32xf32, #tpu.memory_space<vmem>>, %arg4: memref<32x1xf32, #tpu.memory_space<vmem>>, %arg5: memref<32x1xf32, #tpu.memory_space<vmem>>, %arg6: memref<10240x32xf32, #tpu.memory_space<vmem>>, %arg7: memref<10240x1xf32, #tpu.memory_space<vmem>>, %arg8: memref<10240x1xf32, #tpu.memory_space<vmem>>, %arg9: memref<10240x1xf32, #tpu.memory_space<vmem>>) attributes {dimension_semantics = [], scalar_prefetch = 0 : i64, scratch_operands = 0 : i64, tpu.core_type = #tpu.core_type<tc>} {
    %get3A = arith.constant 0 : index
    %get3A_0 = arith.constant 0 : index
    %get3A_1 = vector.load %arg0[%get3A, %get3A_0] : memref<10240x128xf32, #tpu.memory_space<vmem>>, vector<10240x128xf32>
    %get3A_2 = arith.constant 0 : index
    %get3A_3 = arith.constant 0 : index
    %get3A_4 = vector.load %arg1[%get3A_2, %get3A_3] : memref<128x32xf32, #tpu.memory_space<vmem>>, vector<128x32xf32>
    %dot_general3A = arith.constant dense<0.000000e+00> : vector<10240x32xf32>
    %dot_general3A_5 = tpu.matmul %get3A_1, %get3A_4, %dot_general3A {dimension_numbers = #tpu.dot_dimension_numbers<[1], [0], [0], [1], [0, 0, 1, 1], [], []>, transpose_lhs_hint = false} : vector<10240x128xf32>, vector<128x32xf32>, vector<10240x32xf32> -> vector<10240x32xf32>
    %get3A_6 = arith.constant 0 : index
    %get3A_7 = arith.constant 0 : index
    %get3A_8 = vector.load %arg2[%get3A_6, %get3A_7] : memref<1x32xf32, #tpu.memory_space<vmem>>, vector<1x32xf32>
    %add3A = vector.broadcast %get3A_8 : vector<1x32xf32> to vector<10240x32xf32>
    %add3A_9 = arith.addf %dot_general3A_5, %add3A : vector<10240x32xf32>
    %get3A_10 = arith.constant 0 : index
    %get3A_11 = arith.constant 0 : index
    %get3A_12 = vector.load %arg3[%get3A_10, %get3A_11] : memref<32x32xf32, #tpu.memory_space<vmem>>, vector<32x32xf32>
    %dot_general3A_13 = arith.constant dense<0.000000e+00> : vector<10240x32xf32>
    %dot_general3A_14 = tpu.matmul %add3A_9, %get3A_12, %dot_general3A_13 {dimension_numbers = #tpu.dot_dimension_numbers<[1], [0], [0], [1], [0, 0, 1, 1], [], []>, transpose_lhs_hint = false} : vector<10240x32xf32>, vector<32x32xf32>, vector<10240x32xf32> -> vector<10240x32xf32>
    %get3A_15 = arith.constant 0 : index
    %get3A_16 = arith.constant 0 : index
    %get3A_17 = vector.load %arg4[%get3A_15, %get3A_16] : memref<32x1xf32, #tpu.memory_space<vmem>>, vector<32x1xf32>
    %dot_general3A_18 = arith.constant dense<0.000000e+00> : vector<10240x1xf32>
    %dot_general3A_19 = tpu.matmul %dot_general3A_14, %get3A_17, %dot_general3A_18 {dimension_numbers = #tpu.dot_dimension_numbers<[1], [0], [0], [1], [0, 0, 1, 1], [], []>, transpose_lhs_hint = false} : vector<10240x32xf32>, vector<32x1xf32>, vector<10240x1xf32> -> vector<10240x1xf32>
    %get3A_20 = arith.constant 0 : index
    %get3A_21 = arith.constant 0 : index
    %get3A_22 = vector.load %arg5[%get3A_20, %get3A_21] : memref<32x1xf32, #tpu.memory_space<vmem>>, vector<32x1xf32>
    %dot_general3A_23 = arith.constant dense<0.000000e+00> : vector<10240x1xf32>
    %dot_general3A_24 = tpu.matmul %dot_general3A_14, %get3A_22, %dot_general3A_23 {dimension_numbers = #tpu.dot_dimension_numbers<[1], [0], [0], [1], [0, 0, 1, 1], [], []>, transpose_lhs_hint = false} : vector<10240x32xf32>, vector<32x1xf32>, vector<10240x1xf32> -> vector<10240x1xf32>
    %mul3A = arith.mulf %dot_general3A_14, %dot_general3A_14 : vector<10240x32xf32>
    %reduce_sum3A = arith.constant dense<0.000000e+00> : vector<10240xf32>
    %reduce_sum3A_25 = vector.multi_reduction <add>, %mul3A, %reduce_sum3A [1] : vector<10240x32xf32> to vector<10240xf32>
    %broadcast_in_dim3A = vector.shape_cast %reduce_sum3A_25 : vector<10240xf32> to vector<10240x1xf32>
    %add3A_26 = arith.addf %dot_general3A_19, %dot_general3A_24 : vector<10240x1xf32>
    %logistic3A = arith.negf %broadcast_in_dim3A : vector<10240x1xf32>
    %logistic3A_27 = math.exp %logistic3A : vector<10240x1xf32>
    %logistic3A_28 = arith.constant 1.000000e+00 : f32
    %logistic3A_29 = vector.broadcast %logistic3A_28 : f32 to vector<10240x1xf32>
    %logistic3A_30 = arith.addf %logistic3A_29, %logistic3A_27 : vector<10240x1xf32>
    %logistic3A_31 = arith.divf %logistic3A_29, %logistic3A_30 : vector<10240x1xf32>
    %mul3A_32 = arith.mulf %add3A_26, %logistic3A_31 : vector<10240x1xf32>
    %ge3A = arith.constant 0.000000e+00 : f32
    %ge3A_33 = vector.broadcast %ge3A : f32 to vector<10240x1xf32>
    %ge3A_34 = arith.cmpf oge, %mul3A_32, %ge3A_33 : vector<10240x1xf32>
    %mul3A_35 = arith.constant 2.000000e-01 : f32
    %mul3A_36 = vector.broadcast %mul3A_35 : f32 to vector<10240x1xf32>
    %mul3A_37 = arith.mulf %mul3A_36, %mul3A_32 : vector<10240x1xf32>
    %select_n3A = arith.select %ge3A_34, %mul3A_32, %mul3A_37 : vector<10240x1xi1>, vector<10240x1xf32>
    %swap3A = arith.constant 0 : index
    %swap3A_38 = arith.constant 0 : index
    %swap3A_39 = vector.load %arg6[%swap3A, %swap3A_38] : memref<10240x32xf32, #tpu.memory_space<vmem>>, vector<10240x32xf32>
    tpu.vector_store %arg6[%swap3A, %swap3A_38], %dot_general3A_14 {strides = array<i32>} : memref<10240x32xf32, #tpu.memory_space<vmem>>, vector<10240x32xf32>,
    %swap3A_40 = arith.constant 0 : index
    %swap3A_41 = arith.constant 0 : index
    %swap3A_42 = vector.load %arg7[%swap3A_40, %swap3A_41] : memref<10240x1xf32, #tpu.memory_space<vmem>>, vector<10240x1xf32>
    tpu.vector_store %arg7[%swap3A_40, %swap3A_41], %dot_general3A_19 {strides = array<i32>} : memref<10240x1xf32, #tpu.memory_space<vmem>>, vector<10240x1xf32>,
    %swap3A_43 = arith.constant 0 : index
    %swap3A_44 = arith.constant 0 : index
    %swap3A_45 = vector.load %arg8[%swap3A_43, %swap3A_44] : memref<10240x1xf32, #tpu.memory_space<vmem>>, vector<10240x1xf32>
    tpu.vector_store %arg8[%swap3A_43, %swap3A_44], %dot_general3A_24 {strides = array<i32>} : memref<10240x1xf32, #tpu.memory_space<vmem>>, vector<10240x1xf32>,
    %swap3A_46 = arith.constant 0 : index
    %swap3A_47 = arith.constant 0 : index
    %swap3A_48 = vector.load %arg9[%swap3A_46, %swap3A_47] : memref<10240x1xf32, #tpu.memory_space<vmem>>, vector<10240x1xf32>
    tpu.vector_store %arg9[%swap3A_46, %swap3A_47], %select_n3A {strides = array<i32>} : memref<10240x1xf32, #tpu.memory_space<vmem>>, vector<10240x1xf32>,
    return
  }
}

module attributes {stable_mosaic.version = 14 : i64} {
  func.func @_tc_mid(%arg0: memref<10240x32xf32, #tpu.memory_space<vmem>>, %arg1: memref<10240x1xf32, #tpu.memory_space<vmem>>, %arg2: memref<1x32xf32, #tpu.memory_space<vmem>>, %arg3: memref<32x32xf32, #tpu.memory_space<vmem>>, %arg4: memref<32x1xf32, #tpu.memory_space<vmem>>, %arg5: memref<32x1xf32, #tpu.memory_space<vmem>>, %arg6: memref<10240x32xf32, #tpu.memory_space<vmem>>, %arg7: memref<10240x1xf32, #tpu.memory_space<vmem>>, %arg8: memref<10240x1xf32, #tpu.memory_space<vmem>>, %arg9: memref<10240x1xf32, #tpu.memory_space<vmem>>) attributes {dimension_semantics = [], scalar_prefetch = 0 : i64, scratch_operands = 0 : i64, tpu.core_type = #tpu.core_type<tc>} {
    %get3A = arith.constant 0 : index
    %get3A_0 = arith.constant 0 : index
    %get3A_1 = vector.load %arg0[%get3A, %get3A_0] : memref<10240x32xf32, #tpu.memory_space<vmem>>, vector<10240x32xf32>
    %get3A_2 = arith.constant 0 : index
    %get3A_3 = arith.constant 0 : index
    %get3A_4 = vector.load %arg1[%get3A_2, %get3A_3] : memref<10240x1xf32, #tpu.memory_space<vmem>>, vector<10240x1xf32>
    %add3A = arith.constant 1.000000e-16 : f32
    %add3A_5 = vector.broadcast %add3A : f32 to vector<10240x1xf32>
    %add3A_6 = arith.addf %get3A_4, %add3A_5 : vector<10240x1xf32>
    %div3A = vector.broadcast %add3A_6 : vector<10240x1xf32> to vector<10240x32xf32>
    %div3A_7 = arith.divf %get3A_1, %div3A : vector<10240x32xf32>
    %get3A_8 = arith.constant 0 : index
    %get3A_9 = arith.constant 0 : index
    %get3A_10 = vector.load %arg2[%get3A_8, %get3A_9] : memref<1x32xf32, #tpu.memory_space<vmem>>, vector<1x32xf32>
    %add3A_11 = vector.broadcast %get3A_10 : vector<1x32xf32> to vector<10240x32xf32>
    %add3A_12 = arith.addf %div3A_7, %add3A_11 : vector<10240x32xf32>
    %max3A = arith.constant 0.000000e+00 : f32
    %max3A_13 = vector.broadcast %max3A : f32 to vector<10240x32xf32>
    %max3A_14 = arith.maximumf %add3A_12, %max3A_13 : vector<10240x32xf32>
    %get3A_15 = arith.constant 0 : index
    %get3A_16 = arith.constant 0 : index
    %get3A_17 = vector.load %arg3[%get3A_15, %get3A_16] : memref<32x32xf32, #tpu.memory_space<vmem>>, vector<32x32xf32>
    %dot_general3A = arith.constant dense<0.000000e+00> : vector<10240x32xf32>
    %dot_general3A_18 = tpu.matmul %max3A_14, %get3A_17, %dot_general3A {dimension_numbers = #tpu.dot_dimension_numbers<[1], [0], [0], [1], [0, 0, 1, 1], [], []>, transpose_lhs_hint = false} : vector<10240x32xf32>, vector<32x32xf32>, vector<10240x32xf32> -> vector<10240x32xf32>
    %get3A_19 = arith.constant 0 : index
    %get3A_20 = arith.constant 0 : index
    %get3A_21 = vector.load %arg4[%get3A_19, %get3A_20] : memref<32x1xf32, #tpu.memory_space<vmem>>, vector<32x1xf32>
    %dot_general3A_22 = arith.constant dense<0.000000e+00> : vector<10240x1xf32>
    %dot_general3A_23 = tpu.matmul %dot_general3A_18, %get3A_21, %dot_general3A_22 {dimension_numbers = #tpu.dot_dimension_numbers<[1], [0], [0], [1], [0, 0, 1, 1], [], []>, transpose_lhs_hint = false} : vector<10240x32xf32>, vector<32x1xf32>, vector<10240x1xf32> -> vector<10240x1xf32>
    %get3A_24 = arith.constant 0 : index
    %get3A_25 = arith.constant 0 : index
    %get3A_26 = vector.load %arg5[%get3A_24, %get3A_25] : memref<32x1xf32, #tpu.memory_space<vmem>>, vector<32x1xf32>
    %dot_general3A_27 = arith.constant dense<0.000000e+00> : vector<10240x1xf32>
    %dot_general3A_28 = tpu.matmul %dot_general3A_18, %get3A_26, %dot_general3A_27 {dimension_numbers = #tpu.dot_dimension_numbers<[1], [0], [0], [1], [0, 0, 1, 1], [], []>, transpose_lhs_hint = false} : vector<10240x32xf32>, vector<32x1xf32>, vector<10240x1xf32> -> vector<10240x1xf32>
    %mul3A = arith.mulf %dot_general3A_18, %dot_general3A_18 : vector<10240x32xf32>
    %reduce_sum3A = arith.constant dense<0.000000e+00> : vector<10240xf32>
    %reduce_sum3A_29 = vector.multi_reduction <add>, %mul3A, %reduce_sum3A [1] : vector<10240x32xf32> to vector<10240xf32>
    %broadcast_in_dim3A = vector.shape_cast %reduce_sum3A_29 : vector<10240xf32> to vector<10240x1xf32>
    %add3A_30 = arith.addf %dot_general3A_23, %dot_general3A_28 : vector<10240x1xf32>
    %logistic3A = arith.negf %broadcast_in_dim3A : vector<10240x1xf32>
    %logistic3A_31 = math.exp %logistic3A : vector<10240x1xf32>
    %logistic3A_32 = arith.constant 1.000000e+00 : f32
    %logistic3A_33 = vector.broadcast %logistic3A_32 : f32 to vector<10240x1xf32>
    %logistic3A_34 = arith.addf %logistic3A_33, %logistic3A_31 : vector<10240x1xf32>
    %logistic3A_35 = arith.divf %logistic3A_33, %logistic3A_34 : vector<10240x1xf32>
    %mul3A_36 = arith.mulf %add3A_30, %logistic3A_35 : vector<10240x1xf32>
    %ge3A = arith.constant 0.000000e+00 : f32
    %ge3A_37 = vector.broadcast %ge3A : f32 to vector<10240x1xf32>
    %ge3A_38 = arith.cmpf oge, %mul3A_36, %ge3A_37 : vector<10240x1xf32>
    %mul3A_39 = arith.constant 2.000000e-01 : f32
    %mul3A_40 = vector.broadcast %mul3A_39 : f32 to vector<10240x1xf32>
    %mul3A_41 = arith.mulf %mul3A_40, %mul3A_36 : vector<10240x1xf32>
    %select_n3A = arith.select %ge3A_38, %mul3A_36, %mul3A_41 : vector<10240x1xi1>, vector<10240x1xf32>
    %swap3A = arith.constant 0 : index
    %swap3A_42 = arith.constant 0 : index
    %swap3A_43 = vector.load %arg6[%swap3A, %swap3A_42] : memref<10240x32xf32, #tpu.memory_space<vmem>>, vector<10240x32xf32>
    tpu.vector_store %arg6[%swap3A, %swap3A_42], %dot_general3A_18 {strides = array<i32>} : memref<10240x32xf32, #tpu.memory_space<vmem>>, vector<10240x32xf32>,
    %swap3A_44 = arith.constant 0 : index
    %swap3A_45 = arith.constant 0 : index
    %swap3A_46 = vector.load %arg7[%swap3A_44, %swap3A_45] : memref<10240x1xf32, #tpu.memory_space<vmem>>, vector<10240x1xf32>
    tpu.vector_store %arg7[%swap3A_44, %swap3A_45], %dot_general3A_23 {strides = array<i32>} : memref<10240x1xf32, #tpu.memory_space<vmem>>, vector<10240x1xf32>,
    %swap3A_47 = arith.constant 0 : index
    %swap3A_48 = arith.constant 0 : index
    %swap3A_49 = vector.load %arg8[%swap3A_47, %swap3A_48] : memref<10240x1xf32, #tpu.memory_space<vmem>>, vector<10240x1xf32>
    tpu.vector_store %arg8[%swap3A_47, %swap3A_48], %dot_general3A_28 {strides = array<i32>} : memref<10240x1xf32, #tpu.memory_space<vmem>>, vector<10240x1xf32>,
    %swap3A_50 = arith.constant 0 : index
    %swap3A_51 = arith.constant 0 : index
    %swap3A_52 = vector.load %arg9[%swap3A_50, %swap3A_51] : memref<10240x1xf32, #tpu.memory_space<vmem>>, vector<10240x1xf32>
    tpu.vector_store %arg9[%swap3A_50, %swap3A_51], %select_n3A {strides = array<i32>} : memref<10240x1xf32, #tpu.memory_space<vmem>>, vector<10240x1xf32>,
    return
  }
}

module attributes {stable_mosaic.version = 14 : i64} {
  func.func @_tc_out(%arg0: memref<10240x32xf32, #tpu.memory_space<vmem>>, %arg1: memref<10240x1xf32, #tpu.memory_space<vmem>>, %arg2: memref<1x32xf32, #tpu.memory_space<vmem>>, %arg3: memref<32x128xf32, #tpu.memory_space<vmem>>, %arg4: memref<1x128xf32, #tpu.memory_space<vmem>>, %arg5: memref<10240x128xf32, #tpu.memory_space<vmem>>) attributes {dimension_semantics = [], scalar_prefetch = 0 : i64, scratch_operands = 0 : i64, tpu.core_type = #tpu.core_type<tc>} {
    %get3A = arith.constant 0 : index
    %get3A_0 = arith.constant 0 : index
    %get3A_1 = vector.load %arg0[%get3A, %get3A_0] : memref<10240x32xf32, #tpu.memory_space<vmem>>, vector<10240x32xf32>
    %get3A_2 = arith.constant 0 : index
    %get3A_3 = arith.constant 0 : index
    %get3A_4 = vector.load %arg1[%get3A_2, %get3A_3] : memref<10240x1xf32, #tpu.memory_space<vmem>>, vector<10240x1xf32>
    %add3A = arith.constant 1.000000e-16 : f32
    %add3A_5 = vector.broadcast %add3A : f32 to vector<10240x1xf32>
    %add3A_6 = arith.addf %get3A_4, %add3A_5 : vector<10240x1xf32>
    %div3A = vector.broadcast %add3A_6 : vector<10240x1xf32> to vector<10240x32xf32>
    %div3A_7 = arith.divf %get3A_1, %div3A : vector<10240x32xf32>
    %get3A_8 = arith.constant 0 : index
    %get3A_9 = arith.constant 0 : index
    %get3A_10 = vector.load %arg2[%get3A_8, %get3A_9] : memref<1x32xf32, #tpu.memory_space<vmem>>, vector<1x32xf32>
    %add3A_11 = vector.broadcast %get3A_10 : vector<1x32xf32> to vector<10240x32xf32>
    %add3A_12 = arith.addf %div3A_7, %add3A_11 : vector<10240x32xf32>
    %max3A = arith.constant 0.000000e+00 : f32
    %max3A_13 = vector.broadcast %max3A : f32 to vector<10240x32xf32>
    %max3A_14 = arith.maximumf %add3A_12, %max3A_13 : vector<10240x32xf32>
    %get3A_15 = arith.constant 0 : index
    %get3A_16 = arith.constant 0 : index
    %get3A_17 = vector.load %arg3[%get3A_15, %get3A_16] : memref<32x128xf32, #tpu.memory_space<vmem>>, vector<32x128xf32>
    %dot_general3A = arith.constant dense<0.000000e+00> : vector<10240x128xf32>
    %dot_general3A_18 = tpu.matmul %max3A_14, %get3A_17, %dot_general3A {dimension_numbers = #tpu.dot_dimension_numbers<[1], [0], [0], [1], [0, 0, 1, 1], [], []>, transpose_lhs_hint = false} : vector<10240x32xf32>, vector<32x128xf32>, vector<10240x128xf32> -> vector<10240x128xf32>
    %get3A_19 = arith.constant 0 : index
    %get3A_20 = arith.constant 0 : index
    %get3A_21 = vector.load %arg4[%get3A_19, %get3A_20] : memref<1x128xf32, #tpu.memory_space<vmem>>, vector<1x128xf32>
    %add3A_22 = vector.broadcast %get3A_21 : vector<1x128xf32> to vector<10240x128xf32>
    %add3A_23 = arith.addf %dot_general3A_18, %add3A_22 : vector<10240x128xf32>
    %swap3A = arith.constant 0 : index
    %swap3A_24 = arith.constant 0 : index
    %swap3A_25 = vector.load %arg5[%swap3A, %swap3A_24] : memref<10240x128xf32, #tpu.memory_space<vmem>>, vector<10240x128xf32>
    tpu.vector_store %arg5[%swap3A, %swap3A_24], %add3A_23 {strides = array<i32>} : memref<10240x128xf32, #tpu.memory_space<vmem>>, vector<10240x128xf32>,
    return
  }
}

</mosaic_0001>

<sc_bundles>
// kernel: closed_call.18.cloned.1.call-start
scs
__scs_entry_jumppad:
0x0: {  	(pc) =	sbr.rel $0x88, $3  }
0x1: {  	(tag) =	ssettag $0x0;
	lr =	simm.s32 $0x1  }
0x2: {  	[smem:$0x3F5F] =	sst lr;
	_ =	strace $0xD0000000  }
0x3: {  	_ = 	snop  }
0x4: {  	_ = 	snop  }
0x5: {  	_ = 	snop  }
0x6: {  	_ = 	snop  }
0x7: {  	_ = 	snop  }
__scs_overlays_trampoline_lowered:
0x8: {  	[smem:$0x3F6E] =	sst s0  }
0x9: {  	[smem:$0x3F6F] =	sst s1  }
0xa: {  	[smem:$0x3F70] =	sst s2  }
0xb: {  	[smem:$0x3F71] =	sst s3  }
0xc: {  	[smem:$0x3F72] =	sst s4  }
0xd: {  	[smem:$0x3F73] =	sst s5  }
0xe: {  	[smem:$0x3F74] =	sst s6  }
0xf: {  	[smem:$0x3F75] =	sst s7  }
0x10: {  	[smem:$0x3F76] =	sst s8  }
0x11: {  	[smem:$0x3F77] =	sst s9;
	s0 =	simm.s32 @!p0 $0x0  }
0x12: {  	s1 =	sld [smem:$0x3F5D];
	s0 =	simm.s32 @p0 $0x1  }
0x13: {  	[smem:$0x3F78] =	sst s0;
	s0 =	simm.s32 @!p1 $0x0  }
0x14: {  	s2 =	sld [smem:$0x3F5C];
	s0 =	simm.s32 @p1 $0x1  }
0x15: {  	[smem:$0x3F79] =	sst s0;
	s0 =	simm.s32 @!p2 $0x0  }
0x16: {  	s3 =	sld [smem:$0x3FDB];
	s0 =	simm.s32 @p2 $0x1  }
0x17: {  	s4 =	simm.s32 $0x1BF5;
	[smem:$0x3F7B] =	sst s0  }
0x18: {  	s0 =	sld [smem:$0x3F5E];
	_ =	swait.ge [sflag:s4], $0x0  }
0x19: {  	s7 =	sld [smem:$0x3F5F]  }
0x1a: {  	s8 =	sadd.s32 $0xFFFFE003, lr  }
0x1b: {  	s9 =	sadd.s32 $0xFFFFFEF7, lr;
	s5 =	simm.s32 $0xFFFFFFFF;
	p2 =	slt.u32 s8, $0xFFFFF086  }
0x1c: {  	p1 =	slt.u32 s9, $0xF7A;
	s5 =	simm.s32 @!p2 $0x0  }
0x1d: {  	s5 =	simm.s32 @p1 $0x1;
	p0 =	seq.s32 s7, s2  }
0x1e: {  	s7 =	smul.u32 @!p0 $0xF7A, s2;
	p2 =	seq.s32 @!p0 s5, $0x0  }
0x1f: {  	s9 =	smul.u32 $0xF7A, s1;
	s8 =	simm.s32 @!p0 $0x1BF5;
	p2 =	por !p2, p0  }
0x20: {  	[sflag:s8] =	ssyncset.s32 @!p0 $0xFFFFF086;
	s6 =	sadd.s32 @!p0 s3, s7;
	s7 =	simm.s32 @!p0 $0x108  }
0x21: {  	s3 =	sadd.s32 s3, s9;
	s6 =	sadd.s32 @!p0 $0x88, s6;
	s7 =	simm.s32 @p2 $0x1082  }
0x22: {  	[simem:s7], [sflag:s8] =	dma.local @!p0 [hbm:s6], $0xF7A  }
0x23: {  	s9 =	sor.u32 $0xD0000000, s2;
	s6 =	simm.s32 $0x108;
	_ =	swait.ge @!p0 [sflag:s8], $0x0  }
0x24: {  	s3 =	sadd.s32 $0x88, s3;
	s6 =	simm.s32 @!p1 $0x1082;
	[sflag:s4] =	ssyncset.s32 $0xFFFFF086  }
0x25: {  	[simem:s6], [sflag:s4] =	dma.local [hbm:s3], $0xF7A  }
0x26: {  	[smem:$0x3F5F] =	sst s1;
	(tag) =	ssettag s2;
	_ =	strace s9  }
0x27: {  	s1 =	sld [smem:$0x3F6F]  }
0x28: {  	s2 =	sld [smem:$0x3F70]  }
0x29: {  	s4 =	sld [smem:$0x3F72]  }
0x2a: {  	p0 =	seq.s32 s5, $0x0;
	s5 =	sld [smem:$0x3F73]  }
0x2b: {  	s6 =	sld [smem:$0x3F74]  }
0x2c: {  	s7 =	sld [smem:$0x3F75]  }
0x2d: {  	s3 =	simm.s32 $0x108;
	s8 =	sld [smem:$0x3F76]  }
0x2e: {  	s3 =	simm.s32 @!p0 $0x1082;
	s9 =	sld [smem:$0x3F77]  }
0x2f: {  	lr =	sadd.s32 s0, s3;
	s0 =	sld [smem:$0x3F6E]  }
0x30: {  	s3 =	sld [smem:$0x3F71]  }
0x31: {  	[smem:$0x3F7A] =	sst s10  }
0x32: {  	s10 =	sld [smem:$0x3F78];
	_ =	sdelay $0x3  }
0x33: {  	p0 =	seq.s32 s10, $0x1;
	s10 =	sld [smem:$0x3F7A];
	_ =	sdelay $0x3  }
0x34: {  	[smem:$0x3F7A] =	sst s10  }
0x35: {  	s10 =	sld [smem:$0x3F79];
	_ =	sdelay $0x3  }
0x36: {  	p1 =	seq.s32 s10, $0x1;
	s10 =	sld [smem:$0x3F7A];
	_ =	sdelay $0x3  }
0x37: {  	[smem:$0x3F7A] =	sst s10  }
0x38: {  	s10 =	sld [smem:$0x3F7B]  }
0x39: {  	_ = 	snop;
	(pc) =	sbr.ind lr, $3  }
0x3a: {  	_ = 	snop  }
0x3b: {  	_ = 	snop  }
0x3c: {  	p2 =	seq.s32 s10, $0x1;
	s10 =	sld [smem:$0x3F7A]  }
0x3d: {  	_ =	shalt  }
0x3e: {  	_ =	shalt  }
0x3f: {  	_ =	shalt  }
0x40: {  	_ =	shalt  }
0x41: {  	_ =	shalt  }
0x42: {  	_ =	shalt  }
0x43: {  	_ =	shalt  }
0x44: {  	_ =	shalt  }
0x45: {  	_ =	shalt  }
0x46: {  	_ =	shalt  }
0x47: {  	_ =	shalt  }
0x48: {  	_ =	shalt  }
0x49: {  	_ =	shalt  }
0x4a: {  	_ =	shalt  }
0x4b: {  	_ =	shalt  }
0x4c: {  	_ =	shalt  }
0x4d: {  	_ =	shalt  }
0x4e: {  	_ =	shalt  }
0x4f: {  	_ =	shalt  }
0x50: {  	_ =	shalt  }
0x51: {  	_ =	shalt  }
0x52: {  	_ =	shalt  }
0x53: {  	_ =	shalt  }
0x54: {  	_ =	shalt  }
0x55: {  	_ =	shalt  }
0x56: {  	_ =	shalt  }
0x57: {  	_ =	shalt  }
0x58: {  	_ =	shalt  }
0x59: {  	_ =	shalt  }
0x5a: {  	_ =	shalt  }
0x5b: {  	_ =	shalt  }
0x5c: {  	_ =	shalt  }
0x5d: {  	_ =	shalt  }
0x5e: {  	_ =	shalt  }
0x5f: {  	_ =	shalt  }
0x60: {  	_ =	shalt  }
0x61: {  	_ =	shalt  }
0x62: {  	_ =	shalt  }
0x63: {  	_ =	shalt  }
0x64: {  	_ =	shalt  }
0x65: {  	_ =	shalt  }
0x66: {  	_ =	shalt  }
0x67: {  	_ =	shalt  }
0x68: {  	_ =	shalt  }
0x69: {  	_ =	shalt  }
0x6a: {  	_ =	shalt  }
0x6b: {  	_ =	shalt  }
0x6c: {  	_ =	shalt  }
0x6d: {  	_ =	shalt  }
0x6e: {  	_ =	shalt  }
0x6f: {  	_ =	shalt  }
0x70: {  	_ =	shalt  }
0x71: {  	_ =	shalt  }
0x72: {  	_ =	shalt  }
0x73: {  	_ =	shalt  }
0x74: {  	_ =	shalt  }
0x75: {  	_ =	shalt  }
0x76: {  	_ =	shalt  }
0x77: {  	_ =	shalt  }
0x78: {  	_ =	shalt  }
0x79: {  	_ =	shalt  }
0x7a: {  	_ =	shalt  }
0x7b: {  	_ =	shalt  }
0x7c: {  	_ =	shalt  }
0x7d: {  	_ =	shalt  }
0x7e: {  	_ =	shalt  }
0x7f: {  	_ =	shalt  }
0x80: {  	_ =	shalt  }
0x81: {  	_ =	shalt  }
0x82: {  	_ =	shalt  }
0x83: {  	_ =	shalt  }
0x84: {  	_ =	shalt  }
0x85: {  	_ =	shalt  }
0x86: {  	_ =	shalt  }
0x87: {  	_ =	shalt  }
.Lfunc_end0:
.L_simem_size_0:
called_computation.1_lowered:
.L_overlay_start_0:
0x88: {  	s2 =	sld [smem:$0x3FD9]  }
0x89: {  	s3 =	sld [smem:$0x3FFE];
	_ =	sdelay $0x1  }
0x8a: {  	s1 =	srdreg.scid  }
0x8b: {  	s0 =	sand.u32 $0x1, s1  }
0x8c: {  	s17 =	sshll.u32 s0, $0xA;
	s2 =	sadd.s32 s3, s2  }
0x8d: {  	s2 =	sadd.s32 s2, s17  }
0x8e: {  	[smem:$0x3F86] =	sst s2  }
0x8f: {  	_ = 	snop  }
0x90: {  	s2 =	sld [smem:$0x3FD0];
	(tm) =	ssettm $0x1  }
0x91: {  	s18 =	sld [smem:$0x3FFB];
	_ =	sdelay $0x3  }
0x92: {  	_ =	strace s18  }
0x93: {  	s3 =	sld [smem:$0x3FFC];
	_ =	sdelay $0x3  }
0x94: {  	_ =	strace s3  }
0x95: {  	s3 =	sld [smem:$0x3FFD];
	_ =	sdelay $0x3  }
0x96: {  	_ =	strace s3  }
0x97: {  	_ =	strace $0x8FFFFFFF  }
0x98: {  	s19 =	sld [smem:$0x3FDB];
	_ =	sdelay $0x1  }
0x99: {  	s4 =	simm.s32 $_scs_section_size  }
0x9a: {  	s5 =	simm.s32 $_size__tile_overlayer_lowered;
	s6 =	simm.s32 $_tile_overlayer_lowered  }
0x9b: {  	s22 =	simm.s32 $0x1BFF;
	s21 =	sshll.u32 s6, $0x1;
	s3 =	sadd.s32 s4, s19  }
0x9c: {  	s7 =	simm.s32 $0x0;
	s20 =	sshll.u32 s5, $0x1;
	s5 =	sadd.s32 s21, s3  }
0x9d: {  	[timem:s7], [sflag:s22] =	dma.local [hbm:s5], s20  }
0x9e: {  	_ =	swait.ge [sflag:s22], s20  }
0x9f: {  	s4 =	ssub.s32 $0x0, s20;
	[sflag:s22] =	ssyncset.done $0x0  }
0xa0: {  	[sflag:s22] =	ssyncadd.s32 s4;
	_ =	sdelay $0x1  }
0xa1: {  	s23 =	simm.s32 $0x1B8B  }
0xa2: {  	_ =	swait.ge [sflag:s23], $0x1  }
0xa3: {  	[sflag:s23] =	ssyncset.done $0x0  }
0xa4: {  	s25 =	simm.s32 $0x1B8E;
	s24 =	sld [smem:$0x3FFE];
	[sflag:s23] =	ssyncadd.s32 $0xFFFFFFFF  }
0xa5: {  	s26 =	simm.s32 $execute0_lowered;
	[smem:$0x3FD2] =	sst s25  }
0xa6: {  	s5 =	sshll.u32 s26, $0x1;
	_ =	strace $0x80000049;
	[dreg:$0x1] =	wrdreg $0xFFFFFFFF  }
0xa7: {  	s28 =	simm.s32 $_size_execute0_lowered;
	s3 =	sadd.s32 s3, s5;
	[dreg:$0x0] =	wrdreg $0x0  }
0xa8: {  	s5 =	sshll.u32 s28, $0x1;
	[dreg:$0x2] =	wrdreg s3  }
0xa9: {  	[dreg:$0x3] =	wrdreg s5  }
0xaa: {  	[dreg:$0x4] =	wrdreg $0xC0  }
0xab: {  	_ =	task [dreg:s7], $0x5FFFF  }
0xac: {  	[dreg:$0x1] =	wrdreg $0xFFFFFFFF  }
0xad: {  	[dreg:$0x0] =	wrdreg $0x60  }
0xae: {  	[dreg:$0x2] =	wrdreg s24  }
0xaf: {  	[dreg:$0x3] =	wrdreg s2  }
0xb0: {  	[dreg:$0x4] =	wrdreg $0x9  }
0xb1: {  	_ =	task.clear_ibuf [dreg:s7], $0x5FFFF;
	_ =	strace $0x90000049  }
0xb2: {  	s29 =	simm.s32 $0x9;
	_ =	strace $0x8000004B  }
0xb3: {  	_ =	swait.ge [sflag:s29], $0x1  }
0xb4: {  	[sflag:s29] =	ssyncadd.s32 $0xFFFFFFFF  }
0xb5: {  	_ =	strace $0x9000004B  }
0xb6: {  	_ =	sfence  }
0xb7: {  	s30 =	sld [smem:$0x0];
	_ =	sdelay $0x2  }
0xb8: {  	s31 =	sshll.u32 s1, $0xD;
	s1 =	sshrl.u32 s1, $0x2  }
0xb9: {  	s3 =	sand.u32 $0x4000, s31;
	s1 =	sadd.s32 s1, s30  }
0xba: {  	s0 =	sor.u32 s3, s0;
	s1 =	sshll.u32 s1, $0x11  }
0xbb: {  	s0 =	sor.u32 s1, s0  }
0xbc: {  	s0 =	sadd.s32 $0x8F2B, s0  }
0xbd: {  	[sflag:s0] =	ssyncadd.remote.s32 $0x1  }
0xbe: {  	_ =	sfence.sel $0xFFFF  }
0xbf: {  	[dreg:$0x0] =	wrdreg $0xFFFFFFFF;
	(pc) =	sbr.abs _section_cstart, $3  }
0xc0: {  	[dreg:$0x1] =	wrdreg $0xFFFFFFFF  }
0xc1: {  	_ =	task.clear_ibuf [dreg:s7], $0x2FFFF;
	_ =	strace $0x9FFFFFFF  }
0xc2: {  	(tm) =	ssettm $0x7FFFFFFF  }
0xc3: {  	_ =	shalt  }
tec
execute0_lowered:
.L_overlay_start_1:
0x0: {  	(tag) =	ssettag $0x1  }
0x1: {  	s0 =	rddreg [dreg:$0x0]  }
0x2: {  	s1 =	srdreg.scid;
	s2 =	stileid.u32  }
0x3: {  	s3 =	simm.s32 $0x0;
	s15 =	simm.s32 $0x5;
	s16 =	simm.s32 $0x2900  }
0x4: {  	s17 =	simm.s32 $0x5100;
	s19 =	simm.s32 $0x5500;
	s22 =	simm.s32 $0x14640  }
0x5: {  	s23 =	simm.s32 $0xD600;
	s24 =	simm.s32 $0x11BC0;
	s25 =	simm.s32 $0x50  }
0x6: {  	s28 =	simm.s32 $0x16640;
	s1 =	sand.u32 $0x1, s1;
	s2 =	sshll.u32 s2, $0x1  }
0x7: {  	s26 =	simm.s32 $0x11A70;
	s29 =	simm.s32 $0x0;
	s2 =	sor.u32 s1, s2  }
0x8: {  	[smem:$0x7FF] =	sst s3;
	s4 =	sadd.s32 $0x10600, s0;
	s14 =	smul.u32 $0x140, s2  }
0x9: {  	s5 =	sadd.s32 $0x4C00, s0;
	s1 =	ssub.s32 $0x2, s1;
	s2 =	smul.u32 $0x500, s2  }
.Ltmp0:
0xa: {  	s6 =	sadd.s32 $0x5A00, s0;
	s31 =	sshrl.u32 s1, $0x1;
	(pc) =	sbr.rel .LBB2_1-.Ltmp0, $4  }
0xb: {  	_ =	strace $0x8000004A;
	s1 =	ssub.s32 s1, s31;
	s7 =	sshrl.u32 s14, $0x3  }
0xc: {  	s11 =	sadd.s32 s2, s0;
	s8 =	sadd.s32 s4, s2;
	s0 =	sadd.s32 s7, s0  }
0xd: {  	v0 =	vlaneseq.u32;
	s13 =	smax.u32 s1, $0x1;
	s11 =	sadd.s32 $0x1AC00, s11;
	s7 =	sadd.s32 $0x10000, s0  }
0xe: {  	v2 =	vmul.u32 $0x20, v0;
	v1 =	vmov s14;
	s9 =	sadd.s32 $0x5200, s0;
	s10 =	sadd.s32 $0x1A600, s0;
	s12 =	sadd.s32 $0x24C00, s0  }
.LBB2_31:
0xf: {  	[hbm4b:s11+s3] =	stream.linear.scatter [tilespmem:s24], [sflag:$0x5], $0x2800, $0x38;
	[tilespmem:$0x1B640] =	vst v63  }
0x10: {  	s29 =	sadd.s32 $0x1, s29;
	_ =	swait.ge [sflag:s15], $0x2800  }
0x11: {  	p0 =	sne.s32 s29, s13;
	[sflag:s15] =	ssyncset.done $0x0  }
.Ltmp1:
0x12: {  	[sflag:s15] =	ssyncadd.s32 $0xFFFFD800;
	(pc) =	sbr.rel @!p0 .LBB2_32-.Ltmp1, $4  }
0x13: {  	[hbm4b:s12+s3] =	stream.linear.scatter [tilespmem:s26], [sflag:$0x5], $0x140, $0x38;
	[tilespmem:$0x1B640] =	vst v63  }
0x14: {  	_ =	swait.ge [sflag:s15], $0x140  }
0x15: {  	[sflag:s15] =	ssyncset.done $0x0  }
0x16: {  	[sflag:s15] =	ssyncadd.s32 $0xFFFFFEC0  }
.LBB2_1:
0x17: {  	s0 =	simm.s32 $0x53A0  }
0x18: {  	[tilespmem:s0], [sflag:$0x5] =	stream.linear.gather [hbm4b:s7+s3], $0x158, $0x38;
	[tilespmem:$0x1B640] =	vst v63  }
0x19: {  	_ =	swait.ge [sflag:s15], $0x158  }
0x1a: {  	[sflag:s15] =	ssyncset.done $0x0  }
0x1b: {  	[sflag:s15] =	ssyncadd.s32 $0xFFFFFEA8  }
0x1c: {  	[tilespmem:s3], [sflag:$0x5] =	stream.linear.gather [hbm4b:s8+s3], $0x2800, $0x38;
	[tilespmem:$0x1B640] =	vst v63  }
0x1d: {  	_ =	swait.ge [sflag:s15], $0x2800  }
0x1e: {  	[sflag:s15] =	ssyncset.done $0x0  }
0x1f: {  	[sflag:s15] =	ssyncadd.s32 $0xFFFFD800  }
0x20: {  	[tilespmem:s16], [sflag:$0x5] =	stream.linear.gather [hbm4b:s5+s3], $0x2800, $0x38;
	[tilespmem:$0x1B640] =	vst v63  }
0x21: {  	_ =	swait.ge [sflag:s15], $0x2800  }
0x22: {  	[sflag:s15] =	ssyncset.done $0x0  }
0x23: {  	[sflag:s15] =	ssyncadd.s32 $0xFFFFD800  }
0x24: {  	[tilespmem:s17], [sflag:$0x5] =	stream.linear.gather [hbm4b:s9+s3], $0x140, $0x38;
	[tilespmem:$0x1B640] =	vst v63  }
0x25: {  	_ =	swait.ge [sflag:s15], $0x140  }
0x26: {  	[sflag:s15] =	ssyncset.done $0x0  }
0x27: {  	s18 =	simm.s32 $0x5250;
	[sflag:s15] =	ssyncadd.s32 $0xFFFFFEC0  }
0x28: {  	[tilespmem:s18], [sflag:$0x5] =	stream.linear.gather [hbm4b:s10+s3], $0x140, $0x38;
	[tilespmem:$0x1B640] =	vst v63  }
0x29: {  	_ =	swait.ge [sflag:s15], $0x140  }
0x2a: {  	[sflag:s15] =	ssyncset.done $0x0  }
0x2b: {  	[sflag:s15] =	ssyncadd.s32 $0xFFFFFEC0  }
0x2c: {  	v3 =	vld [tilespmem:$0x53A0];
	_ =	sdelay $0x4  }
0x2d: {  	v3 =	vxor.u32 $0x80000000, v3  }
0x2e: {  	(xrf0) =	vmin.scan.msk.u32 $0xffff, v3  }
0x2f: {  	v3 =	vld [tilespmem:$0x54E0];
	_ =	sdelay $0x4  }
0x30: {  	v3 =	vxor.u32 $0x80000000, v3;
	v4, _, _ =	vpop (xrf0)  }
0x31: {  	(xrf0) =	vmin.scan.msk.u32 $0xffff, v3;
	(v2sf) =	vpush v4, $0xF;
	_ =	sdelay $0x5  }
0x32: {  	v3, _, _ =	vpop (xrf0)  }
0x33: {  	(v2sf) =	vpush v3, $0xF;
	_ =	sdelay $0x7  }
0x34: {  	s1 =	spop (v2sf)  }
0x35: {  	s0 =	sxor.u32 $0x80000000, s1  }
0x36: {  	p1 =	sgt.s32 s1, $0xFFFFFFFF;
	s1 =	sand.u32 $0x7F, s1;
	p0 =	slt.s32 s0, $0x1  }
0x37: {  	s2 =	sshra.s32 s0, $0x1F;
	p4 =	sne.s32 s1, $0x0;
	p0 =	por p1, p0  }
0x38: {  	s20 =	sshrl.u32 s2, $0x19;
	p0 =	por !p4, !p0  }
0x39: {  	s2 =	simm.s32 $0x1;
	s1 =	sadd.s32 s20, s0;
	p0 =	por !p0, !p0  }
0x3a: {  	s1 =	sshrl.u32 s1, $0x7;
	s2 =	simm.s32 @!p0 $0x0  }
0x3b: {  	s14 =	spop (v2sf);
	s2 =	ssub.s32 s1, s2  }
0x3c: {  	s1 =	sxor.u32 $0x80000000, s14;
	s30 =	sshll.u32 s2, $0x7  }
0x3d: {  	s2 =	ssub.s32 s1, s30  }
0x3e: {  	s20 =	sshrl.u32 s30, $0x3;
	s2 =	sadd.s32 $0x7F, s2  }
0x3f: {  	s21 =	sshra.s32 s2, $0x1F;
	s18 =	sand.u32 $0x7F, s2;
	p5 =	slt.s32 s2, $0x1  }
0x40: {  	s14 =	sshrl.u32 s21, $0x19;
	p6 =	sne.s32 s18, $0x0;
	s18 =	rddreg [dreg:$0x1]  }
0x41: {  	s14 =	sadd.s32 s14, s2;
	s2 =	sadd.s32 s18, s20;
	p0 =	por !p5, !p6  }
0x42: {  	[tilespmem:s19], [sflag:$0x5] =	stream.linear.gather [hbm4b:s2+s3], $0x4080, $0x38;
	[tilespmem:$0x1B640] =	vst v63  }
0x43: {  	s2 =	sshra.s32 s14, $0x7;
	p0 =	por !p0, !p0;
	s14 =	simm.s32 $0x1  }
0x44: {  	s14 =	simm.s32 @!p0 $0x0  }
0x45: {  	_ =	swait.ge [sflag:s15], $0x4080;
	s31 =	ssub.s32 s2, s14  }
0x46: {  	s21 =	simm.s32 $0x9580;
	[sflag:s15] =	ssyncset.done $0x0;
	p0 =	slt.s32 s31, $0x1  }
.Ltmp2:
0x47: {  	s20 =	sadd.s32 s6, s20;
	[sflag:s15] =	ssyncadd.s32 $0xFFFFBF80;
	(pc) =	sbr.rel @p0 .LBB2_8-.Ltmp2, $4  }
0x48: {  	[tilespmem:s21], [sflag:$0x5] =	stream.linear.gather [hbm4b:s20+s3], $0x4080, $0x38;
	[tilespmem:$0x1B640] =	vst v63  }
0x49: {  	_ =	swait.ge [sflag:s15], $0x4080  }
0x4a: {  	[sflag:s15] =	ssyncset.done $0x0  }
0x4b: {  	[sflag:s15] =	ssyncadd.s32 $0xFFFFBF80  }
0x4c: {  	s2 =	simm.s32 $0x80;
	p0 =	slt.s32 s31, $0x81  }
0x4d: {  	[tilespmem:s22], [sflag:$0x1] =	stream.indirect.gather [hbm4b:s4+s2], $0x20, s19, s2, $0xb8;
	[tilespmem:$0x1B640] =	vst v63  }
0x4e: {  	v3 =	vmov s0;
	v4 =	vmov s1;
	s0 =	simm.s32 $0x0;
	s31 =	simm.s32 @!p0 $0x81  }
.LBB2_3:
0x4f: {  	s1 =	smov.u32 s0;
	s2 =	sand.u32 $0x1, s0;
	s0 =	sadd.s32 $0x1, s0  }
0x50: {  	s14 =	sadd.s32 $0x1, s2;
	p0 =	sge.s32 s0, s31;
	s1 =	sshll.u32 s1, $0x7  }
0x51: {  	s2 =	sshll.u32 s2, $0xC;
	_ =	swait.ge [sflag:s14], $0x1000;
	s18 =	sand.u32 @!p0 $0x1, s0  }
0x52: {  	s21 =	sshll.u32 @!p0 s0, $0x9;
	[sflag:s14] =	ssyncset.done $0x0;
	s20 =	sshll.u32 @!p0 s18, $0xC  }
0x53: {  	[sflag:s14] =	ssyncadd.s32 $0xFFFFF000;
	s14 =	sor.u32 @!p0 $0x14640, s20;
	s20 =	sshra.s32 @!p0 s21, $0x2  }
0x54: {  	s18 =	sadd.s32 @!p0 $0x1, s18;
	s21 =	simm.s32 @!p0 $0x80;
	s20 =	sadd.s32 @!p0 $0x5500, s20  }
0x55: {  	[tilespmem:s14], [sflag:s18] =	stream.indirect.gather @!p0 [hbm4b:s4+s21], $0x20, s20, s21, $0xb8;
	[tilespmem:$0x1B640] =	vst v63  }
0x56: {  	v5 =	vmov s2;
	v6 =	vmov s1;
	s21 =	simm.s32 $0x0  }
.LBB2_4:
0x57: {  	_ =	sdelay $0x2  }
0x58: {  	s14 =	sshll.u32 s21, $0x4  }
0x59: {  	s2 =	sadd.s32 s1, s14;
	v7 =	vld.idx.msk [tilespmem:v6+s14+$0x9580 ss:$0x1], $0xffff  }
0x5a: {  	s18 =	sadd.s32 s30, s2  }
0x5b: {  	v11 =	vld.idx.msk [tilespmem:v6+s14+$0x5500 ss:$0x1], $0xffff;
	v8 =	vor.u32 s18, v0  }
0x5c: {  	s18 =	simm.s32 $0x0;
	vm0 =	vge.s32 v8, v3;
	vm1 =	vlt.s32 v8, v4;
	v8 =	vmov s14  }
0x5d: {  	v12 =	vmov s18;
	v8 =	vshll.u32 v8, $0x5  }
0x5e: {  	vm0 =	vmand vm0, vm1;
	v7 =	vsub.s32 v7, v1;
	v8 =	vor.u32 v2, v8  }
0x5f: {  	v13 =	vnsel vm0, $0x140, v7;
	v9 =	vadd.s32 v5, v8;
	v7 =	vand.u32 $0x18, v12  }
0x60: {  	v8 =	vand.u32 $0x7, v12;
	v10 =	vshll.u32 v13, $0x5;
	v12 =	vor.u32 v9, v7  }
0x61: {  	v12 =	vor.u32 v8, v12;
	v7 =	vor.u32 v10, v7  }
0x62: {  	s20 =	simm.s32 $0x1;
	v15 =	vor.u32 v8, v7  }
0x63: {  	v7 =	vld.idx.msk [tilespmem:v11+s16+$0x0], $0xffff;
	v11 =	vmov s20  }
0x64: {  	v8 =	vld.idx.msk [tilespmem:v13+s17+$0x0], $0xffff;
	v13 =	vand.u32 $0x18, v11  }
0x65: {  	v16 =	vand.u32 $0x7, v11;
	v14 =	vor.u32 v9, v13  }
0x66: {  	v17 =	vor.u32 v10, v13;
	v11 =	vld.idx.msk [tilespmem:v12+s22+$0x0], $0xffff;
	v14 =	vor.u32 v16, v14  }
0x67: {  	v13 =	vld.idx.msk [tilespmem:v15+s3+$0x0], $0xffff;
	v15 =	vor.u32 v16, v17  }
0x68: {  	s14 =	simm.s32 $0x2;
	v12 =	vimm.f32 $0.0e+00  }
.LBB2_5:
0x69: {  	v16 =	vmov s14;
	p0 =	sne.s32 s14, $0x1F  }
.Ltmp3:
0x6a: {  	s14 =	sadd.s32 $0x1, s14;
	v17 =	vand.u32 $0x18, v16;
	(pc) =	sbr.rel @p0 .LBB2_5-.Ltmp3, $4  }
0x6b: {  	v16 =	vand.u32 $0x7, v16;
	v19 =	vmov v11;
	v18 =	vor.u32 v9, v17;
	v11 =	vld.idx.msk [tilespmem:v14+s22+$0x0], $0xffff  }
0x6c: {  	v17 =	vor.u32 v10, v17;
	v14 =	vor.u32 v16, v18;
	v18 =	vmul.f32 v13, v19;
	v13 =	vld.idx.msk [tilespmem:v15+s3+$0x0], $0xffff  }
0x6d: {  	v15 =	vor.u32 v16, v17  }
0x6e: {  	v12 =	vadd.f32 v18, v12  }
0x6f: {  	_ =	sdelay $0x3  }
0x70: {  	v9 =	vld.idx.msk [tilespmem:v14+s22+$0x0], $0xffff  }
0x71: {  	v10 =	vld.idx.msk [tilespmem:v15+s3+$0x0], $0xffff;
	_ =	sdelay $0x2  }
0x72: {  	v11 =	vmul.f32 v13, v11;
	_ =	sdelay $0x1  }
0x73: {  	v11 =	vadd.f32 v11, v12;
	v9 =	vmul.f32 v10, v9;
	_ =	sdelay $0x1  }
0x74: {  	v9 =	vadd.f32 v9, v11;
	_ =	sdelay $0x1  }
0x75: {  	v9 =	vsub.f32 $0.0e+00, v9;
	_ =	sdelay $0x1  }
0x76: {  	v9 =	vmul.f32 $1.442695020e+00, v9;
	_ =	sdelay $0x1  }
0x77: {  	(erf) = vpow2.f32 v9;
	_ =	sdelay $0x8  }
0x78: {  	v9 =	vpop (erf)  }
0x79: {  	v9 =	vadd.f32 $1.000000000e+00, v9;
	_ =	sdelay $0x1  }
0x7a: {  	(erf) = vrcp.f32 v9;
	_ =	sdelay $0x7  }
0x7b: {  	v7 =	vadd.f32 v8, v7  }
0x7c: {  	v8 =	vpop (erf)  }
0x7d: {  	s21 =	sadd.s32 $0x1, s21;
	v7 =	vmul.f32 v8, v7  }
0x7e: {  	p0 =	seq.s32 s21, $0x8  }
.Ltmp4:
0x7f: {  	v8 =	vmul.f32 $2.000000030e-01, v7;
	(pc) =	sbr.rel @!p0 .LBB2_4-.Ltmp4, $4  }
0x80: {  	vm1 =	vge.f32 v7, $0.0e+00  }
0x81: {  	v7 =	vsel vm1, v7, v8  }
0x82: {  	v7 =	vnsel vm0, $0xF149F2CA, v7  }
0x83: {  	[tilespmem:s2+$0xD600] =	vst v7  }
0x84: {  	p0 =	sne.s32 s0, s31  }
.Ltmp5:
0x85: {  	_ = 	snop;
	(pc) =	sbr.rel @p0 .LBB2_3-.Ltmp5, $1  }
0x86: {  	_ =	sdelay $0x3  }
.LBB2_8:
0x87: {  	s0 =	simm.s32 $0x0  }
0x88: {  	v5 =	vld [tilespmem:s0+$0x53A0]  }
0x89: {  	v7 =	vld [tilespmem:s0+$0x53A1];
	_ =	sdelay $0x1  }
0x8a: {  	v3 =	vmov s30;
	v6 =	vimm.s32 $0x0;
	s1 =	simm.s32 $0x40;
	v4 =	vld [tilespmem:s0+$0x5250]  }
.LBB2_9:
0x8b: {  	p0 =	sne.s32 s1, $0x4C0  }
.Ltmp6:
0x8c: {  	s2 =	sshra.s32 s1, $0x2;
	v8 =	vsub.s32 v5, v3;
	(pc) =	sbr.rel @p0 .LBB2_9-.Ltmp6, $4  }
0x8d: {  	v9 =	vsub.s32 v7, v5;
	v5 =	vld [tilespmem:s2+$0x53A0];
	[tilespmem:s0+$0x11680] =	vst v8  }
0x8e: {  	v7 =	vld [tilespmem:s2+$0x53A1];
	[tilespmem:s0+$0x117D0] =	vst v9  }
0x8f: {  	vm0 =	vgt.s32 v6, v9;
	[tilespmem:s0+$0x11920] =	vst v4  }
0x90: {  	s1 =	sadd.s32 $0x40, s1;
	s0 =	smov.u32 s2;
	v4 =	vld [tilespmem:s2+$0x5250];
	v6 =	vsel vm0, v6, v9  }
0x91: {  	_ =	sdelay $0x1  }
0x92: {  	v7 =	vsub.s32 v7, v5  }
0x93: {  	vm0 =	vgt.s32 v6, v7  }
0x94: {  	v6 =	vsel vm0, v6, v7  }
0x95: {  	v6 =	vxor.u32 $0x80000000, v6  }
0x96: {  	(xrf0) =	vmax.scan.msk.u32 $0xffff, v6;
	_ =	sdelay $0x5  }
0x97: {  	v6, _, _ =	vpop (xrf0)  }
0x98: {  	(v2sf) =	vpush v6, $0xF;
	_ =	sdelay $0xe  }
0x99: {  	s1 =	spop (v2sf)  }
0x9a: {  	s30 =	sxor.u32 $0x80000000, s1  }
0x9b: {  	p0 =	slt.s32 s30, $0x1  }
.Ltmp7:
0x9c: {  	_ = 	snop;
	(pc) =	sbr.rel @p0 .LBB2_14-.Ltmp7, $4  }
0x9d: {  	v3 =	vsub.s32 v5, v3  }
0x9e: {  	[tilespmem:s0+$0x11680] =	vst v3  }
0x9f: {  	[tilespmem:s0+$0x117D0] =	vst v7;
	p1 =	slt.s32 s30, $0x4080  }
0xa0: {  	[tilespmem:s0+$0x11920] =	vst v4;
	s0 =	simm.s32 $0x0;
	s30 =	simm.s32 @!p1 $0x4080  }
.LBB2_11:
0xa1: {  	s2 =	simm.s32 $0x0  }
0xa2: {  	v4 =	vld [tilespmem:s2+$0x11680];
	_ =	sdelay $0x1  }
0xa3: {  	v5 =	vld [tilespmem:s2+$0x117D0];
	_ =	sdelay $0x1  }
0xa4: {  	v3 =	vmov s0  }
0xa5: {  	v4 =	vadd.s32 v3, v4  }
0xa6: {  	vm0 =	vlt.s32 v4, $0x407F  }
0xa7: {  	s1 =	simm.s32 $0x10;
	vm2 =	vlt.s32 v3, v5;
	v4 =	vnsel vm0, $0x407F, v4  }
0xa8: {  	v6 =	vld [tilespmem:s1+$0x11680];
	v4 =	vnsel vm2, $0x407F, v4  }
0xa9: {  	v5 =	vld [tilespmem:s1+$0x117D0];
	_ =	sdelay $0x3  }
0xaa: {  	v6 =	vadd.s32 v3, v6;
	v4 =	vld.idx.msk [tilespmem:v4+s23+$0x0], $0xffff  }
0xab: {  	vm0 =	vlt.s32 v6, $0x407F;
	vm1 =	vlt.s32 v3, v5;
	v5 =	vld [tilespmem:s2+$0x11920]  }
0xac: {  	v6 =	vnsel vm0, $0x407F, v6  }
0xad: {  	s14 =	simm.s32 $0x20;
	s18 =	simm.s32 $0xC0;
	vm0 =	vmmov vm2;
	v6 =	vnsel vm1, $0x407F, v6  }
.LBB2_12:
0xae: {  	p1 =	sne.s32 s18, $0x4C0;
	v7 =	vld [tilespmem:s14+$0x11680]  }
0xaf: {  	v4 =	vnsel vm0, $0xF149F2CA, v4;
	vm0 =	vmmov vm1  }
0xb0: {  	v8 =	vld [tilespmem:s14+$0x117D0];
	v4 =	vmax.f32 v5, v4  }
0xb1: {  	[tilespmem:s2+$0x11920] =	vst v4;
	s2 =	smov.u32 s1;
	s1 =	smov.u32 s14  }
.Ltmp8:
0xb2: {  	v4 =	vld.idx.msk [tilespmem:v6+s23+$0x0], $0xffff;
	(pc) =	sbr.rel @p1 .LBB2_12-.Ltmp8, $4  }
0xb3: {  	v6 =	vadd.s32 v3, v7  }
0xb4: {  	vm2 =	vlt.s32 v6, $0x407F;
	v5 =	vld [tilespmem:s2+$0x11920]  }
0xb5: {  	vm1 =	vlt.s32 v3, v8;
	v6 =	vnsel vm2, $0x407F, v6  }
0xb6: {  	s14 =	sshra.s32 s18, $0x2;
	s18 =	sadd.s32 $0x40, s18;
	v6 =	vnsel vm1, $0x407F, v6  }
0xb7: {  	v7 =	vld [tilespmem:s14+$0x11680];
	_ =	sdelay $0x1  }
0xb8: {  	v4 =	vnsel vm0, $0xF149F2CA, v4;
	v8 =	vld [tilespmem:s14+$0x117D0]  }
0xb9: {  	v4 =	vmax.f32 v5, v4  }
0xba: {  	[tilespmem:s2+$0x11920] =	vst v4  }
0xbb: {  	v4 =	vld.idx.msk [tilespmem:v6+s23+$0x0], $0xffff;
	v62 =	vadd.s32 v3, v7  }
0xbc: {  	v63 =	vld [tilespmem:s1+$0x11920];
	vm13 =	vlt.s32 v62, $0x407F  }
0xbd: {  	vm2 =	vlt.s32 v3, v8;
	v3 =	vnsel vm13, $0x407F, v62  }
0xbe: {  	v3 =	vnsel vm2, $0x407F, v3  }
0xbf: {  	vm14 =	vmmov vm1  }
0xc0: {  	v4 =	vnsel vm14, $0xF149F2CA, v4  }
0xc1: {  	v4 =	vmax.f32 v63, v4  }
0xc2: {  	[tilespmem:s1+$0x11920] =	vst v4  }
0xc3: {  	v3 =	vld.idx.msk [tilespmem:v3+s23+$0x0], $0xffff  }
0xc4: {  	s0 =	sadd.s32 $0x1, s0;
	v4 =	vld [tilespmem:s14+$0x11920]  }
0xc5: {  	p1 =	sne.s32 s0, s30  }
.Ltmp9:
0xc6: {  	_ = 	snop;
	(pc) =	sbr.rel @p1 .LBB2_11-.Ltmp9, $4  }
0xc7: {  	vm15 =	vmmov vm2  }
0xc8: {  	v3 =	vnsel vm15, $0xF149F2CA, v3  }
0xc9: {  	v3 =	vmax.f32 v4, v3  }
0xca: {  	[tilespmem:s14+$0x11920] =	vst v3  }
.LBB2_14:
0xcb: {  	s0 =	simm.s32 $0x0;
	s1 =	simm.s32 $0x0  }
.LBB2_15:
0xcc: {  	s2 =	sshll.u32 s1, $0x4  }
0xcd: {  	v3 =	vld [tilespmem:s2+$0x5250]  }
0xce: {  	v4 =	vld [tilespmem:s2+$0x11920];
	_ =	sdelay $0x4  }
0xcf: {  	v3 =	vsub.f32 v3, v4;
	_ =	sdelay $0x1  }
0xd0: {  	v3 =	vmul.f32 $1.442695020e+00, v3;
	_ =	sdelay $0x1  }
0xd1: {  	(erf) = vpow2.f32 v3;
	_ =	sdelay $0x1  }
0xd2: {  	v3 =	vmov s0  }
0xd3: {  	v4 =	vmov s2;
	v3 =	vand.u32 $0x1F, v3  }
0xd4: {  	v4 =	vshll.u32 v4, $0x5;
	v3 =	vbroadcast v3, $0x0  }
0xd5: {  	v5 =	vor.u32 v2, v4  }
0xd6: {  	v4 =	vor.u32 v5, v3;
	_ =	sdelay $0x2  }
0xd7: {  	v3 =	vpop (erf)  }
0xd8: {  	s31 =	simm.s32 $0x1;
	[tilespmem:s2+$0x11A70] =	vst v3  }
0xd9: {  	v7 =	vmov s31;
	s2 =	simm.s32 $0x2;
	v6 =	vld.idx.msk [tilespmem:v4+s3+$0x0], $0xffff  }
.LBB2_16:
0xda: {  	p1 =	sne.s32 s2, $0x1F;
	v7 =	vand.u32 $0x1F, v7  }
0xdb: {  	v7 =	vbroadcast v7, $0x0;
	_ =	sdelay $0x1  }
0xdc: {  	v8 =	vor.u32 v5, v7  }
.Ltmp10:
0xdd: {  	(pc) =	sbr.rel @p1 .LBB2_16-.Ltmp10, $3  }
0xde: {  	v6 =	vmul.f32 v6, v3;
	_ =	sdelay $0x1  }
0xdf: {  	[tilespmem:v4+s24+$0x0] =	vst.idx.msk $0xffff, v6;
	v4 =	vmov v8  }
0xe0: {  	v7 =	vmov s2;
	s2 =	sadd.s32 $0x1, s2;
	v6 =	vld.idx.msk [tilespmem:v8+s3+$0x0], $0xffff  }
0xe1: {  	v7 =	vand.u32 $0x1F, v7  }
0xe2: {  	v7 =	vbroadcast v7, $0x0;
	_ =	sdelay $0x1  }
0xe3: {  	v5 =	vor.u32 v5, v7;
	_ =	sdelay $0x1  }
0xe4: {  	v6 =	vmul.f32 v6, v3;
	_ =	sdelay $0x1  }
0xe5: {  	[tilespmem:v4+s24+$0x0] =	vst.idx.msk $0xffff, v6  }
0xe6: {  	v4 =	vld.idx.msk [tilespmem:v5+s3+$0x0], $0xffff  }
0xe7: {  	s1 =	sadd.s32 $0x1, s1  }
0xe8: {  	p1 =	sne.s32 s1, $0x14  }
.Ltmp11:
0xe9: {  	_ = 	snop;
	(pc) =	sbr.rel @p1 .LBB2_15-.Ltmp11, $3  }
0xea: {  	_ = 	snop  }
0xeb: {  	v3 =	vmul.f32 v4, v3;
	_ =	sdelay $0x1  }
0xec: {  	[tilespmem:v5+s24+$0x0] =	vst.idx.msk $0xffff, v3  }
.Ltmp12:
0xed: {  	(pc) =	sbr.rel @p0 .LBB2_31-.Ltmp12, $1  }
0xee: {  	_ =	sdelay $0x3  }
0xef: {  	s1 =	simm.s32 $0x0  }
0xf0: {  	v3 =	vld [tilespmem:s1+$0x11680]  }
0xf1: {  	v4 =	vld [tilespmem:s1+$0x117D0];
	_ =	sdelay $0x3  }
0xf2: {  	vm0 =	vlt.s32 v3, $0x407F  }
0xf3: {  	s0 =	simm.s32 $0x10;
	vm2 =	vgt.s32 v4, $0x0;
	v3 =	vnsel vm0, $0x407F, v3  }
0xf4: {  	v5 =	vld [tilespmem:s0+$0x11680];
	v3 =	vnsel vm2, $0x407F, v3  }
0xf5: {  	v4 =	vld [tilespmem:s0+$0x117D0];
	_ =	sdelay $0x3  }
0xf6: {  	vm0 =	vlt.s32 v5, $0x407F;
	v3 =	vld.idx.msk [tilespmem:v3+s19+$0x0], $0xffff  }
0xf7: {  	vm1 =	vgt.s32 v4, $0x0;
	v4 =	vnsel vm0, $0x407F, v5  }
0xf8: {  	s2 =	simm.s32 $0x20;
	s14 =	simm.s32 $0xC0;
	vm0 =	vmmov vm2;
	v4 =	vnsel vm1, $0x407F, v4  }
.LBB2_20:
0xf9: {  	p0 =	sne.s32 s14, $0x4C0;
	v5 =	vld [tilespmem:s2+$0x11680]  }
0xfa: {  	v6 =	vld [tilespmem:s2+$0x117D0]  }
0xfb: {  	v3 =	vnsel vm0, $0x0, v3;
	vm0 =	vmmov vm1  }
.Ltmp13:
0xfc: {  	[tilespmem:s1+$0x143C0] =	vst v3;
	s1 =	smov.u32 s0;
	s0 =	smov.u32 s2;
	(pc) =	sbr.rel @p0 .LBB2_20-.Ltmp13, $4  }
0xfd: {  	v3 =	vld.idx.msk [tilespmem:v4+s19+$0x0], $0xffff  }
0xfe: {  	vm2 =	vlt.s32 v5, $0x407F  }
0xff: {  	vm1 =	vgt.s32 v6, $0x0;
	v4 =	vnsel vm2, $0x407F, v5  }
0x100: {  	s2 =	sshra.s32 s14, $0x2;
	s14 =	sadd.s32 $0x40, s14;
	v4 =	vnsel vm1, $0x407F, v4  }
0x101: {  	v5 =	vld [tilespmem:s2+$0x11680]  }
0x102: {  	v6 =	vld [tilespmem:s2+$0x117D0];
	_ =	sdelay $0x1  }
0x103: {  	v3 =	vnsel vm0, $0x0, v3  }
0x104: {  	[tilespmem:s1+$0x143C0] =	vst v3  }
0x105: {  	v3 =	vld.idx.msk [tilespmem:v4+s19+$0x0], $0xffff;
	vm13 =	vlt.s32 v5, $0x407F  }
0x106: {  	vm2 =	vgt.s32 v6, $0x0;
	v63 =	vnsel vm13, $0x407F, v5  }
0x107: {  	v4 =	vnsel vm2, $0x407F, v63;
	_ =	sdelay $0x1  }
0x108: {  	vm14 =	vmmov vm1  }
0x109: {  	v3 =	vnsel vm14, $0x0, v3  }
0x10a: {  	[tilespmem:s0+$0x143C0] =	vst v3  }
0x10b: {  	v3 =	vld.idx.msk [tilespmem:v4+s19+$0x0], $0xffff;
	_ =	sdelay $0x3  }
0x10c: {  	vm15 =	vmmov vm2  }
0x10d: {  	v3 =	vnsel vm15, $0x0, v3  }
0x10e: {  	s1 =	simm.s32 $0x143C0;
	[tilespmem:s2+$0x143C0] =	vst v3  }
0x10f: {  	[tilespmem:s28], [sflag:$0x3] =	stream.indirect.gather [hbm4b:s4+s25], $0x20, s1, s25, $0xb8;
	[tilespmem:$0x1B640] =	vst v63  }
0x110: {  	s14 =	simm.s32 $0x17040;
	s2 =	simm.s32 $0x14410  }
0x111: {  	[tilespmem:s14], [sflag:$0x3] =	stream.indirect.gather [hbm4b:s4+s25], $0x20, s2, s25, $0xb8;
	[tilespmem:$0x1B640] =	vst v63  }
0x112: {  	s18 =	simm.s32 $0x14460;
	s20 =	simm.s32 $0x17A40;
	s21 =	simm.s32 $0x144B0  }
0x113: {  	[tilespmem:s20], [sflag:$0x3] =	stream.indirect.gather [hbm4b:s4+s25], $0x20, s18, s25, $0xb8;
	[tilespmem:$0x1B640] =	vst v63  }
0x114: {  	s31 =	simm.s32 $0x18440;
	p0 =	por $0x1, $0x1;
	s0 =	simm.s32 $0x0  }
0x115: {  	[tilespmem:s31], [sflag:$0x3] =	stream.indirect.gather [hbm4b:s4+s25], $0x20, s21, s25, $0xb8;
	[tilespmem:$0x1B640] =	vst v63  }
.LBB2_23:
0x116: {  	s1 =	sand.u32 $0x1, s0  }
0x117: {  	s2 =	sadd.s32 $0x3, s1  }
0x118: {  	_ =	swait.ge [sflag:s2], $0xA00  }
0x119: {  	[sflag:s2] =	ssyncset.done $0x0  }
0x11a: {  	[sflag:s2] =	ssyncadd.s32 $0xFFFFF600  }
0x11b: {  	_ =	swait.ge [sflag:s2], $0xA00  }
0x11c: {  	[sflag:s2] =	ssyncset.done $0x0  }
0x11d: {  	s31 =	sadd.s32 $0x1, s0;
	[sflag:s2] =	ssyncadd.s32 $0xFFFFF600  }
0x11e: {  	p1 =	sge.s32 s31, s30;
	_ =	swait.ge [sflag:s2], $0xA00  }
.Ltmp14:
0x11f: {  	[sflag:s2] =	ssyncset.done $0x0;
	(pc) =	sbr.rel @p1 .LBB2_27-.Ltmp14, $4  }
0x120: {  	[sflag:s2] =	ssyncadd.s32 $0xFFFFF600  }
0x121: {  	_ =	swait.ge [sflag:s2], $0xA00  }
0x122: {  	[sflag:s2] =	ssyncset.done $0x0  }
0x123: {  	[sflag:s2] =	ssyncadd.s32 $0xFFFFF600  }
0x124: {  	s2 =	simm.s32 $0x1  }
0x125: {  	s2 =	simm.s32 @!p0 $0x0  }
0x126: {  	s21 =	sand.u32 $0x1, s31;
	s2 =	smul.u32 $0x500, s2  }
0x127: {  	s14 =	smul.u32 $0x500, s21  }
0x128: {  	s2 =	sshrl.u32 s2, $0x2  }
0x129: {  	s18 =	sadd.s32 $0x143C0, s2;
	s2 =	sshrl.u32 s14, $0x2  }
0x12a: {  	v4 =	vmov s31;
	s20 =	simm.s32 $0x40;
	s14 =	sadd.s32 $0x143C0, s2;
	v3 =	vmov s18;
	s18 =	simm.s32 $0x0  }
.LBB2_25:
0x12b: {  	p1 =	sne.s32 s20, $0x4C0;
	v5 =	vld [tilespmem:s18+$0x11680];
	_ =	sdelay $0x1  }
0x12c: {  	v6 =	vld [tilespmem:s18+$0x117D0];
	_ =	sdelay $0x2  }
0x12d: {  	v5 =	vadd.s32 v4, v5  }
0x12e: {  	vm0 =	vlt.s32 v5, $0x407F  }
0x12f: {  	vm1 =	vlt.s32 v4, v6;
	v5 =	vnsel vm0, $0x407F, v5  }
0x130: {  	v5 =	vnsel vm1, $0x407F, v5;
	_ =	sdelay $0x4  }
0x131: {  	v5 =	vld.idx.msk [tilespmem:v5+s19+$0x0], $0xffff;
	_ =	sdelay $0x2  }
.Ltmp15:
0x132: {  	(pc) =	sbr.rel @p1 .LBB2_25-.Ltmp15, $3  }
0x133: {  	_ =	sdelay $0x1  }
0x134: {  	v5 =	vnsel vm1, $0x0, v5  }
0x135: {  	[tilespmem:v3+s18+$0x0 ss:$0x1] =	vst.idx.msk $0xffff, v5;
	s18 =	sshra.s32 s20, $0x2;
	s20 =	sadd.s32 $0x40, s20  }
0x136: {  	v5 =	vld [tilespmem:s18+$0x11680];
	_ =	sdelay $0x1  }
0x137: {  	v6 =	vld [tilespmem:s18+$0x117D0];
	_ =	sdelay $0x2  }
0x138: {  	v5 =	vadd.s32 v4, v5  }
0x139: {  	vm0 =	vlt.s32 v5, $0x407F  }
0x13a: {  	vm1 =	vlt.s32 v4, v6;
	v63 =	vnsel vm0, $0x407F, v5  }
0x13b: {  	v4 =	vnsel vm1, $0x407F, v63;
	_ =	sdelay $0x4  }
0x13c: {  	v4 =	vld.idx.msk [tilespmem:v4+s19+$0x0], $0xffff;
	_ =	sdelay $0x2  }
0x13d: {  	s20 =	smul.u32 $0xA000, s21;
	_ =	sdelay $0x1  }
0x13e: {  	s20 =	sshrl.u32 s20, $0x2;
	v4 =	vnsel vm1, $0x0, v4  }
0x13f: {  	s21 =	sadd.s32 $0x3, s21;
	[tilespmem:v3+s18+$0x0 ss:$0x1] =	vst.idx.msk $0xffff, v4;
	s18 =	sadd.s32 $0x16640, s20  }
0x140: {  	[tilespmem:s18], [sflag:s21] =	stream.indirect.gather [hbm4b:s4+s25], $0x20, s14, s25, $0xb8;
	[tilespmem:$0x1B640] =	vst v63  }
0x141: {  	s14 =	sadd.s32 $0x17040, s20;
	s18 =	sadd.s32 $0x14410, s2  }
0x142: {  	[tilespmem:s14], [sflag:s21] =	stream.indirect.gather [hbm4b:s4+s25], $0x20, s18, s25, $0xb8;
	[tilespmem:$0x1B640] =	vst v63  }
0x143: {  	s14 =	sadd.s32 $0x17A40, s20;
	s18 =	sadd.s32 $0x14460, s2  }
0x144: {  	[tilespmem:s14], [sflag:s21] =	stream.indirect.gather [hbm4b:s4+s25], $0x20, s18, s25, $0xb8;
	[tilespmem:$0x1B640] =	vst v63  }
0x145: {  	s18 =	sor.u32 $0x18440, s20;
	s20 =	sadd.s32 $0x144B0, s2  }
0x146: {  	[tilespmem:s18], [sflag:s21] =	stream.indirect.gather [hbm4b:s4+s25], $0x20, s20, s25, $0xb8;
	[tilespmem:$0x1B640] =	vst v63  }
.LBB2_27:
0x147: {  	v3 =	vmov s1  }
0x148: {  	v4 =	vmul.u32 $0x2800, v3;
	_ =	sdelay $0x1  }
0x149: {  	s1 =	simm.s32 $0x0;
	v3 =	vmov s0;
	s0 =	simm.s32 $0x0;
	v4 =	vbroadcast v4, $0x0  }
.LBB2_28:
0x14a: {  	s2 =	sshll.u32 s1, $0x4  }
0x14b: {  	v5 =	vld [tilespmem:s2+$0x11680];
	_ =	sdelay $0x1  }
0x14c: {  	v6 =	vld [tilespmem:s2+$0x117D0];
	_ =	sdelay $0x2  }
0x14d: {  	v5 =	vadd.s32 v3, v5  }
0x14e: {  	vm0 =	vlt.s32 v5, $0x407F  }
0x14f: {  	vm1 =	vlt.s32 v3, v6;
	v5 =	vnsel vm0, $0x407F, v5  }
0x150: {  	v5 =	vnsel vm1, $0x407F, v5;
	_ =	sdelay $0x3  }
0x151: {  	v6 =	vld [tilespmem:s2+$0x11920]  }
0x152: {  	v5 =	vld.idx.msk [tilespmem:v5+s23+$0x0], $0xffff;
	_ =	sdelay $0x4  }
0x153: {  	v5 =	vsub.f32 v5, v6;
	_ =	sdelay $0x1  }
0x154: {  	v5 =	vmul.f32 $1.442695020e+00, v5;
	_ =	sdelay $0x1  }
0x155: {  	(erf) = vpow2.f32 v5;
	_ =	sdelay $0x4  }
0x156: {  	v6 =	vmov s0;
	v5 =	vmov s2  }
0x157: {  	v9 =	vld [tilespmem:s2+$0x11A70];
	v7 =	vand.u32 $0x1F, v6;
	v5 =	vshll.u32 v5, $0x5  }
0x158: {  	v8 =	vbroadcast v7, $0x0;
	v6 =	vor.u32 v2, v5  }
0x159: {  	v7 =	vadd.s32 v4, v6  }
0x15a: {  	v10 =	vor.u32 v7, v8;
	v5 =	vpop (erf)  }
0x15b: {  	v8 =	vor.u32 v6, v8;
	v5 =	vnsel vm1, $0x0, v5  }
0x15c: {  	v9 =	vadd.f32 v5, v9;
	_ =	sdelay $0x1  }
0x15d: {  	[tilespmem:s2+$0x11A70] =	vst v9  }
0x15e: {  	s21 =	simm.s32 $0x1;
	v9 =	vld.idx.msk [tilespmem:v10+s28+$0x0], $0xffff  }
0x15f: {  	v11 =	vmov s21;
	s2 =	simm.s32 $0x2;
	v10 =	vld.idx.msk [tilespmem:v8+s24+$0x0], $0xffff  }
.LBB2_29:
0x160: {  	p1 =	sne.s32 s2, $0x1F;
	v11 =	vand.u32 $0x1F, v11  }
0x161: {  	v11 =	vbroadcast v11, $0x0;
	_ =	sdelay $0x1  }
0x162: {  	v9 =	vmul.f32 v9, v5;
	v12 =	vor.u32 v7, v11;
	_ =	sdelay $0x1  }
0x163: {  	v13 =	vor.u32 v6, v11;
	v9 =	vadd.f32 v9, v10  }
.Ltmp16:
0x164: {  	(pc) =	sbr.rel @p1 .LBB2_29-.Ltmp16, $3  }
0x165: {  	[tilespmem:v8+s24+$0x0] =	vst.idx.msk $0xffff, v9;
	v8 =	vmov v13  }
0x166: {  	v9 =	vld.idx.msk [tilespmem:v12+s28+$0x0], $0xffff;
	_ =	sdelay $0x1  }
0x167: {  	v11 =	vmov s2;
	s2 =	sadd.s32 $0x1, s2;
	v10 =	vld.idx.msk [tilespmem:v13+s24+$0x0], $0xffff  }
0x168: {  	v11 =	vand.u32 $0x1F, v11  }
0x169: {  	v11 =	vbroadcast v11, $0x0;
	_ =	sdelay $0x1  }
0x16a: {  	v9 =	vmul.f32 v9, v5;
	v7 =	vor.u32 v7, v11;
	_ =	sdelay $0x1  }
0x16b: {  	v6 =	vor.u32 v6, v11;
	v9 =	vadd.f32 v9, v10;
	_ =	sdelay $0x1  }
0x16c: {  	[tilespmem:v8+s24+$0x0] =	vst.idx.msk $0xffff, v9  }
0x16d: {  	v7 =	vld.idx.msk [tilespmem:v7+s28+$0x0], $0xffff;
	_ =	sdelay $0x1  }
0x16e: {  	v8 =	vld.idx.msk [tilespmem:v6+s24+$0x0], $0xffff  }
0x16f: {  	s1 =	sadd.s32 $0x1, s1  }
0x170: {  	p1 =	seq.s32 s1, $0x14  }
.Ltmp17:
0x171: {  	v5 =	vmul.f32 v7, v5;
	(pc) =	sbr.rel @!p1 .LBB2_28-.Ltmp17, $3  }
0x172: {  	_ = 	snop  }
0x173: {  	v5 =	vadd.f32 v5, v8;
	_ =	sdelay $0x1  }
0x174: {  	[tilespmem:v6+s24+$0x0] =	vst.idx.msk $0xffff, v5  }
0x175: {  	p1 =	seq.s32 s31, s30  }
.Ltmp18:
0x176: {  	_ = 	snop;
	(pc) =	sbr.rel @!p1 .LBB2_23-.Ltmp18, $4  }
.Ltmp19:
0x177: {  	_ = 	snop;
	(pc) =	sbr.rel @p1 .LBB2_31-.Ltmp19, $4  }
0x178: {  	_ = 	snop  }
0x179: {  	_ = 	snop  }
0x17a: {  	p0 =	por !p0, !p0;
	s0 =	smov.u32 s31  }
0x17b: {  	_ = 	snop  }
.LBB2_32:
0x17c: {  	_ =	sfence.sel $0x180000  }
0x17d: {  	[bflag:$0x0] =	sbarrier.arrive $0xFFFF  }
0x17e: {  	_ =	strace $0x9000004A  }
0x17f: {  	s0 =	stileid.u32;
	[bflag:$0x2] =	sbarrier.arrive $0xFFFF  }
0x180: {  	p0 =	sne.s32 s0, $0x0;
	s0 =	rddreg [dreg:$0x2]  }
0x181: {  	s0 =	sadd.s32 @!p0 $0x100000, s0  }
0x182: {  	[sflag:s0] =	ssyncadd.tile.s32 @!p0 $0x1;
	_ =	shalt  }
.Lfunc_end2:
_tile_overlayer_lowered:
.L_overlay_start_2:
0x183: {  	(tag) =	ssettag $0x2  }
0x184: {  	s0 =	rddreg [dreg:$0x0];
	s2 =	stileid.u32  }
0x185: {  	s1 =	rddreg [dreg:$0x1];
	p0 =	sne.s32 s2, $0x0  }
0x186: {  	s3 =	rddreg [dreg:$0x2];
	[bflag:$0x3] =	sbarrier.arrive $0xFFFF;
	s2 =	simm.s32 @!p0 $0x1C05  }
0x187: {  	[timem:s3], [sflag:s2] =	dma.local @!p0 [hbm:s0], s1  }
0x188: {  	s0 =	simm.s32 @!p0 $0x5  }
0x189: {  	_ =	swait.ge @!p0 [sflag:s0], s1  }
0x18a: {  	s1 =	ssub.s32 @!p0 $0x0, s1;
	[sflag:s0] =	ssyncset.done @!p0 $0x0  }
0x18b: {  	[sflag:s0] =	ssyncadd.s32 @!p0 s1  }
0x18c: {  	[bflag:$0x3] =	sbarrier.arrive $0xFFFF  }
0x18d: {  	_ =	shalt  }

// kernel: gather_offload_async_start
scs
__scs_entry_jumppad:
0x0: {  	(pc) =	sbr.rel $0x88, $3  }
0x1: {  	(tag) =	ssettag $0x0;
	lr =	simm.s32 $0x1  }
0x2: {  	[smem:$0x3F5F] =	sst lr;
	_ =	strace $0xD0000000  }
0x3: {  	_ = 	snop  }
0x4: {  	_ = 	snop  }
0x5: {  	_ = 	snop  }
0x6: {  	_ = 	snop  }
0x7: {  	_ = 	snop  }
__scs_overlays_trampoline_lowered:
0x8: {  	[smem:$0x3F6E] =	sst s0  }
0x9: {  	[smem:$0x3F6F] =	sst s1  }
0xa: {  	[smem:$0x3F70] =	sst s2  }
0xb: {  	[smem:$0x3F71] =	sst s3  }
0xc: {  	[smem:$0x3F72] =	sst s4  }
0xd: {  	[smem:$0x3F73] =	sst s5  }
0xe: {  	[smem:$0x3F74] =	sst s6  }
0xf: {  	[smem:$0x3F75] =	sst s7  }
0x10: {  	[smem:$0x3F76] =	sst s8  }
0x11: {  	[smem:$0x3F77] =	sst s9;
	s0 =	simm.s32 @!p0 $0x0  }
0x12: {  	s1 =	sld [smem:$0x3F5D];
	s0 =	simm.s32 @p0 $0x1  }
0x13: {  	[smem:$0x3F78] =	sst s0;
	s0 =	simm.s32 @!p1 $0x0  }
0x14: {  	s2 =	sld [smem:$0x3F5C];
	s0 =	simm.s32 @p1 $0x1  }
0x15: {  	[smem:$0x3F79] =	sst s0;
	s0 =	simm.s32 @!p2 $0x0  }
0x16: {  	s3 =	sld [smem:$0x3FDB];
	s0 =	simm.s32 @p2 $0x1  }
0x17: {  	s4 =	simm.s32 $0x1BF5;
	[smem:$0x3F7B] =	sst s0  }
0x18: {  	s0 =	sld [smem:$0x3F5E];
	_ =	swait.ge [sflag:s4], $0x0  }
0x19: {  	s7 =	sld [smem:$0x3F5F]  }
0x1a: {  	s8 =	sadd.s32 $0xFFFFE003, lr  }
0x1b: {  	s9 =	sadd.s32 $0xFFFFFEF7, lr;
	s5 =	simm.s32 $0xFFFFFFFF;
	p2 =	slt.u32 s8, $0xFFFFF086  }
0x1c: {  	p1 =	slt.u32 s9, $0xF7A;
	s5 =	simm.s32 @!p2 $0x0  }
0x1d: {  	s5 =	simm.s32 @p1 $0x1;
	p0 =	seq.s32 s7, s2  }
0x1e: {  	s7 =	smul.u32 @!p0 $0xF7A, s2;
	p2 =	seq.s32 @!p0 s5, $0x0  }
0x1f: {  	s9 =	smul.u32 $0xF7A, s1;
	s8 =	simm.s32 @!p0 $0x1BF5;
	p2 =	por !p2, p0  }
0x20: {  	[sflag:s8] =	ssyncset.s32 @!p0 $0xFFFFF086;
	s6 =	sadd.s32 @!p0 s3, s7;
	s7 =	simm.s32 @!p0 $0x108  }
0x21: {  	s3 =	sadd.s32 s3, s9;
	s6 =	sadd.s32 @!p0 $0x88, s6;
	s7 =	simm.s32 @p2 $0x1082  }
0x22: {  	[simem:s7], [sflag:s8] =	dma.local @!p0 [hbm:s6], $0xF7A  }
0x23: {  	s9 =	sor.u32 $0xD0000000, s2;
	s6 =	simm.s32 $0x108;
	_ =	swait.ge @!p0 [sflag:s8], $0x0  }
0x24: {  	s3 =	sadd.s32 $0x88, s3;
	s6 =	simm.s32 @!p1 $0x1082;
	[sflag:s4] =	ssyncset.s32 $0xFFFFF086  }
0x25: {  	[simem:s6], [sflag:s4] =	dma.local [hbm:s3], $0xF7A  }
0x26: {  	[smem:$0x3F5F] =	sst s1;
	(tag) =	ssettag s2;
	_ =	strace s9  }
0x27: {  	s1 =	sld [smem:$0x3F6F]  }
0x28: {  	s2 =	sld [smem:$0x3F70]  }
0x29: {  	s4 =	sld [smem:$0x3F72]  }
0x2a: {  	p0 =	seq.s32 s5, $0x0;
	s5 =	sld [smem:$0x3F73]  }
0x2b: {  	s6 =	sld [smem:$0x3F74]  }
0x2c: {  	s7 =	sld [smem:$0x3F75]  }
0x2d: {  	s3 =	simm.s32 $0x108;
	s8 =	sld [smem:$0x3F76]  }
0x2e: {  	s3 =	simm.s32 @!p0 $0x1082;
	s9 =	sld [smem:$0x3F77]  }
0x2f: {  	lr =	sadd.s32 s0, s3;
	s0 =	sld [smem:$0x3F6E]  }
0x30: {  	s3 =	sld [smem:$0x3F71]  }
0x31: {  	[smem:$0x3F7A] =	sst s10  }
0x32: {  	s10 =	sld [smem:$0x3F78];
	_ =	sdelay $0x3  }
0x33: {  	p0 =	seq.s32 s10, $0x1;
	s10 =	sld [smem:$0x3F7A];
	_ =	sdelay $0x3  }
0x34: {  	[smem:$0x3F7A] =	sst s10  }
0x35: {  	s10 =	sld [smem:$0x3F79];
	_ =	sdelay $0x3  }
0x36: {  	p1 =	seq.s32 s10, $0x1;
	s10 =	sld [smem:$0x3F7A];
	_ =	sdelay $0x3  }
0x37: {  	[smem:$0x3F7A] =	sst s10  }
0x38: {  	s10 =	sld [smem:$0x3F7B]  }
0x39: {  	_ = 	snop;
	(pc) =	sbr.ind lr, $3  }
0x3a: {  	_ = 	snop  }
0x3b: {  	_ = 	snop  }
0x3c: {  	p2 =	seq.s32 s10, $0x1;
	s10 =	sld [smem:$0x3F7A]  }
0x3d: {  	_ =	shalt  }
0x3e: {  	_ =	shalt  }
0x3f: {  	_ =	shalt  }
0x40: {  	_ =	shalt  }
0x41: {  	_ =	shalt  }
0x42: {  	_ =	shalt  }
0x43: {  	_ =	shalt  }
0x44: {  	_ =	shalt  }
0x45: {  	_ =	shalt  }
0x46: {  	_ =	shalt  }
0x47: {  	_ =	shalt  }
0x48: {  	_ =	shalt  }
0x49: {  	_ =	shalt  }
0x4a: {  	_ =	shalt  }
0x4b: {  	_ =	shalt  }
0x4c: {  	_ =	shalt  }
0x4d: {  	_ =	shalt  }
0x4e: {  	_ =	shalt  }
0x4f: {  	_ =	shalt  }
0x50: {  	_ =	shalt  }
0x51: {  	_ =	shalt  }
0x52: {  	_ =	shalt  }
0x53: {  	_ =	shalt  }
0x54: {  	_ =	shalt  }
0x55: {  	_ =	shalt  }
0x56: {  	_ =	shalt  }
0x57: {  	_ =	shalt  }
0x58: {  	_ =	shalt  }
0x59: {  	_ =	shalt  }
0x5a: {  	_ =	shalt  }
0x5b: {  	_ =	shalt  }
0x5c: {  	_ =	shalt  }
0x5d: {  	_ =	shalt  }
0x5e: {  	_ =	shalt  }
0x5f: {  	_ =	shalt  }
0x60: {  	_ =	shalt  }
0x61: {  	_ =	shalt  }
0x62: {  	_ =	shalt  }
0x63: {  	_ =	shalt  }
0x64: {  	_ =	shalt  }
0x65: {  	_ =	shalt  }
0x66: {  	_ =	shalt  }
0x67: {  	_ =	shalt  }
0x68: {  	_ =	shalt  }
0x69: {  	_ =	shalt  }
0x6a: {  	_ =	shalt  }
0x6b: {  	_ =	shalt  }
0x6c: {  	_ =	shalt  }
0x6d: {  	_ =	shalt  }
0x6e: {  	_ =	shalt  }
0x6f: {  	_ =	shalt  }
0x70: {  	_ =	shalt  }
0x71: {  	_ =	shalt  }
0x72: {  	_ =	shalt  }
0x73: {  	_ =	shalt  }
0x74: {  	_ =	shalt  }
0x75: {  	_ =	shalt  }
0x76: {  	_ =	shalt  }
0x77: {  	_ =	shalt  }
0x78: {  	_ =	shalt  }
0x79: {  	_ =	shalt  }
0x7a: {  	_ =	shalt  }
0x7b: {  	_ =	shalt  }
0x7c: {  	_ =	shalt  }
0x7d: {  	_ =	shalt  }
0x7e: {  	_ =	shalt  }
0x7f: {  	_ =	shalt  }
0x80: {  	_ =	shalt  }
0x81: {  	_ =	shalt  }
0x82: {  	_ =	shalt  }
0x83: {  	_ =	shalt  }
0x84: {  	_ =	shalt  }
0x85: {  	_ =	shalt  }
0x86: {  	_ =	shalt  }
0x87: {  	_ =	shalt  }
.Lfunc_end0:
.L_simem_size_0:
called_computation_lowered:
.L_overlay_start_0:
0x88: {  	s0 =	sld [smem:$0x3FD9]  }
0x89: {  	s1 =	sld [smem:$0x3FFE];
	_ =	sdelay $0x3  }
0x8a: {  	s0 =	sadd.s32 s1, s0  }
0x8b: {  	[smem:$0x3F86] =	sst s0  }
0x8c: {  	_ = 	snop  }
0x8d: {  	(tm) =	ssettm $0x1  }
0x8e: {  	s15 =	sld [smem:$0x3FFB];
	_ =	sdelay $0x3  }
0x8f: {  	_ =	strace s15  }
0x90: {  	s0 =	sld [smem:$0x3FFC];
	_ =	sdelay $0x3  }
0x91: {  	_ =	strace s0  }
0x92: {  	s0 =	sld [smem:$0x3FFD];
	_ =	sdelay $0x3  }
0x93: {  	_ =	strace s0  }
0x94: {  	_ =	strace $0x8FFFFFFF  }
0x95: {  	s16 =	sld [smem:$0x3FDB];
	_ =	sdelay $0x1  }
0x96: {  	s17 =	simm.s32 $_scs_section_size  }
0x97: {  	s2 =	simm.s32 $_size__tile_overlayer_lowered;
	s3 =	simm.s32 $_tile_overlayer_lowered  }
0x98: {  	s20 =	simm.s32 $0x1BFF;
	s19 =	sshll.u32 s3, $0x1;
	s0 =	sadd.s32 s17, s16  }
0x99: {  	s4 =	simm.s32 $0x0;
	s18 =	sshll.u32 s2, $0x1;
	s2 =	sadd.s32 s19, s0  }
0x9a: {  	[timem:s4], [sflag:s20] =	dma.local [hbm:s2], s18  }
0x9b: {  	_ =	swait.ge [sflag:s20], s18  }
0x9c: {  	s1 =	ssub.s32 $0x0, s18;
	[sflag:s20] =	ssyncset.done $0x0  }
0x9d: {  	[sflag:s20] =	ssyncadd.s32 s1;
	_ =	sdelay $0x1  }
0x9e: {  	s21 =	simm.s32 $0x1B8B  }
0x9f: {  	_ =	swait.ge [sflag:s21], $0x1  }
0xa0: {  	[sflag:s21] =	ssyncset.done $0x0  }
0xa1: {  	s23 =	simm.s32 $0x1B8E;
	s22 =	sld [smem:$0x3FFE];
	[sflag:s21] =	ssyncadd.s32 $0xFFFFFFFF  }
0xa2: {  	s24 =	simm.s32 $execute0_lowered;
	[smem:$0x3FD2] =	sst s23  }
0xa3: {  	s2 =	sshll.u32 s24, $0x1;
	_ =	strace $0x8000004C;
	[dreg:$0x1] =	wrdreg $0xFFFFFFFF  }
0xa4: {  	s25 =	simm.s32 $_size_execute0_lowered;
	s0 =	sadd.s32 s0, s2;
	[dreg:$0x0] =	wrdreg $0x0  }
0xa5: {  	s2 =	sshll.u32 s25, $0x1;
	[dreg:$0x2] =	wrdreg s0  }
0xa6: {  	[dreg:$0x3] =	wrdreg s2  }
0xa7: {  	[dreg:$0x4] =	wrdreg $0xC0  }
0xa8: {  	_ =	task [dreg:s4], $0x5FFFF  }
0xa9: {  	[dreg:$0x1] =	wrdreg $0xFFFFFFFF  }
0xaa: {  	[dreg:$0x0] =	wrdreg $0x60  }
0xab: {  	[dreg:$0x2] =	wrdreg s22  }
0xac: {  	[dreg:$0x3] =	wrdreg $0x9  }
0xad: {  	_ =	task.clear_ibuf [dreg:s4], $0x4FFFF;
	_ =	strace $0x9000004C  }
0xae: {  	s26 =	simm.s32 $0x9;
	_ =	strace $0x8000004E  }
0xaf: {  	_ =	swait.ge [sflag:s26], $0x1  }
0xb0: {  	[sflag:s26] =	ssyncadd.s32 $0xFFFFFFFF  }
0xb1: {  	_ =	strace $0x9000004E  }
0xb2: {  	_ =	sfence  }
0xb3: {  	s28 =	sld [smem:$0x0];
	_ =	sdelay $0x1  }
0xb4: {  	s29 =	srdreg.scid  }
0xb5: {  	s30 =	sshll.u32 s29, $0xD;
	s31 =	sshrl.u32 s29, $0x2  }
0xb6: {  	s1 =	sand.u32 $0x1, s29;
	s2 =	sand.u32 $0x4000, s30;
	s0 =	sadd.s32 s31, s28  }
0xb7: {  	s1 =	sor.u32 s2, s1;
	s0 =	sshll.u32 s0, $0x11  }
0xb8: {  	s0 =	sor.u32 s0, s1  }
0xb9: {  	s0 =	sadd.s32 $0x8F2B, s0  }
0xba: {  	[sflag:s0] =	ssyncadd.remote.s32 $0x1  }
0xbb: {  	_ =	sfence.sel $0xFFFF  }
0xbc: {  	[dreg:$0x0] =	wrdreg $0xFFFFFFFF;
	(pc) =	sbr.abs _section_cstart, $3  }
0xbd: {  	[dreg:$0x1] =	wrdreg $0xFFFFFFFF  }
0xbe: {  	_ =	task.clear_ibuf [dreg:s4], $0x2FFFF;
	_ =	strace $0x9FFFFFFF  }
0xbf: {  	(tm) =	ssettm $0x7FFFFFFF  }
tec
execute0_lowered:
.L_overlay_start_1:
0x0: {  	(tag) =	ssettag $0x1  }
0x1: {  	s5 =	rddreg [dreg:$0x0]  }
0x2: {  	s0 =	rddreg [dreg:$0x1]  }
0x3: {  	_ =	strace $0x8000004D;
	s1 =	stileid.u32;
	s6 =	simm.s32 $0x1  }
0x4: {  	s8 =	simm.s32 $0x2;
	s30 =	simm.s32 $0x3;
	s12 =	simm.s32 $0x0  }
0x5: {  	s9 =	simm.s32 $0x0;
	s10 =	simm.s32 $0x0;
	s4 =	sshll.u32 s1, $0x4  }
0x6: {  	s2 =	sadd.s32 $0x10000, s5;
	s3 =	sadd.s32 $0x19E00, s5;
	s7 =	ssub.s32 $0x2810, s4  }
0x7: {  	s5 =	sadd.s32 $0x1A400, s5;
	[sflag:s6] =	ssyncpa.u1 $0x0;
	s6 =	sshrl.u32 s7, $0x8  }
0x8: {  	[sflag:s8] =	ssyncpa.u1 $0x0;
	s11 =	smov.u32 s4;
	s31 =	sshll.u32 s6, $0x4  }
0x9: {  	[sflag:s30] =	ssyncpa.u1 $0x0;
	s7 =	sadd.s32 $0x2, s6;
	s8 =	sadd.s32 $0x30, s31  }
.LBB2_1:
0xa: {  	p0 =	sgt.u32 s10, s6  }
0xb: {  	s13 =	sxor.u32 @!p0 $0xFFFFFFFF, s9;
	s14 =	sshrl.u32 @!p0 s11, $0x3  }
0xc: {  	s15 =	sand.u32 @!p0 $0x7, s11;
	s13 =	sand.u32 @!p0 $0x10, s13;
	s14 =	sadd.s32 @!p0 s3, s14  }
0xd: {  	[tilespmem:s13], [sflag:$0x2] =	stream.linear.gather @!p0 [hbm4b:s14+s15], $0x10, $0x38;
	[tilespmem:$0x40] =	vst v63  }
0xe: {  	p0 =	seq.s32 s9, $0x0  }
0xf: {  	p1 =	sge.u32 @!p0 s10, s7  }
0x10: {  	p0 =	por p1, p0  }
0x11: {  	s13 =	simm.s32 @!p0 $0x2  }
0x12: {  	_ =	swait.ge @!p0 [sflag:s13], $0x10  }
0x13: {  	[sflag:s13] =	ssyncset.done @!p0 $0x0  }
0x14: {  	[sflag:s13] =	ssyncadd.s32 @!p0 $0xFFFFFFF0;
	s13 =	sand.u32 @!p0 $0x10, s9  }
0x15: {  	(ifvalue) =	ssetifvalue @!p0 $0x7FFFFFFF;
	v0 =	vld.msk @!p0 [tilespmem:s13+$0x0 ss:$0x1], $0xffff;
	_ =	sdelay $0x4  }
0x16: {  	vm0 =	vgt.s32 @!p0 v0, $0x0  }
0x17: {  	v0 =	vnsel @!p0 vm0, $0x0, v0  }
0x18: {  	v0 =	vmin.u32 @!p0 v0, $0x4E1FF;
	_ =	sdelay $0x3  }
0x19: {  	s14 =	simm.s32 @!p0 $0x0;
	s13 =	sor.u32 @!p0 $0x20, s13;
	(ifvalue) =	ssetifvalue @!p0 $0x7FFFFFFF;
	vm0 =	vmmov @!p0 $0xffff  }
0x1a: {  	[tilespmem:s13], [sflag:$0x1] =	stream.indirect_vreg.gather @!p0 [hbm4b:s2+s14], $0x1, v0, vm0, $0x4038;
	[tilespmem:$0x40] =	vst v63  }
0x1b: {  	s14 =	simm.s32 @!p0 $0x1  }
0x1c: {  	_ =	swait.ge @!p0 [sflag:s14], $0x10  }
0x1d: {  	s15 =	sshrl.u32 @!p0 s12, $0x3;
	[sflag:s14] =	ssyncset.done @!p0 $0x0  }
0x1e: {  	s12 =	sand.u32 @!p0 $0x7, s12;
	[sflag:s14] =	ssyncadd.s32 @!p0 $0xFFFFFFF0;
	s14 =	sadd.s32 @!p0 s5, s15  }
0x1f: {  	[hbm4b:s14+s12] =	stream.linear.scatter @!p0 [tilespmem:s13], [sflag:$0x3], $0x10, $0x38;
	[tilespmem:$0x40] =	vst v63  }
0x20: {  	s14 =	sadd.s32 $0x100, s11  }
0x21: {  	s9 =	sadd.s32 $0x10, s9;
	p1 =	sgt.s32 s14, $0x2817  }
0x22: {  	s14 =	smov.u32 @p1 s4;
	p1 =	sne.s32 s8, s9  }
.Ltmp0:
0x23: {  	p0 =	slt.u32 s10, $0x2;
	(pc) =	sbr.rel @p1 .LBB2_1-.Ltmp0, $4  }
0x24: {  	s13 =	simm.s32 @!p0 $0x3  }
0x25: {  	_ =	swait.ge @!p0 [sflag:s13], $0x10  }
0x26: {  	s12 =	smov.u32 s11;
	[sflag:s13] =	ssyncset.done @!p0 $0x0  }
0x27: {  	s10 =	sadd.s32 $0x1, s10;
	s11 =	smov.u32 s14;
	[sflag:s13] =	ssyncadd.s32 @!p0 $0xFFFFFFF0  }
0x28: {  	_ =	sfence.sel $0x180000  }
0x29: {  	s2 =	simm.s32 $0x2;
	[bflag:$0x0] =	sbarrier.arrive $0xFFFF  }
0x2a: {  	s30 =	simm.s32 $0x3;
	[sflag:s2] =	ssyncpa.u1 $0x1  }
0x2b: {  	s31 =	simm.s32 $0x1;
	[sflag:s30] =	ssyncpa.u1 $0x1  }
0x2c: {  	[sflag:s31] =	ssyncpa.u1 $0x1  }
0x2d: {  	p0 =	sne.s32 s1, $0x0;
	_ =	strace $0x9000004D  }
0x2e: {  	s0 =	sadd.s32 @!p0 $0x100000, s0;
	[bflag:$0x2] =	sbarrier.arrive $0xFFFF  }
0x2f: {  	[sflag:s0] =	ssyncadd.tile.s32 @!p0 $0x1;
	_ =	shalt  }
.Lfunc_end2:
_tile_overlayer_lowered:
.L_overlay_start_2:
0x30: {  	(tag) =	ssettag $0x2  }
0x31: {  	s0 =	rddreg [dreg:$0x0];
	s2 =	stileid.u32  }
0x32: {  	s1 =	rddreg [dreg:$0x1];
	p0 =	sne.s32 s2, $0x0  }
0x33: {  	s3 =	rddreg [dreg:$0x2];
	[bflag:$0x3] =	sbarrier.arrive $0xFFFF;
	s2 =	simm.s32 @!p0 $0x1C01  }
0x34: {  	[timem:s3], [sflag:s2] =	dma.local @!p0 [hbm:s0], s1  }
0x35: {  	s0 =	simm.s32 @!p0 $0x1  }
0x36: {  	_ =	swait.ge @!p0 [sflag:s0], s1  }
0x37: {  	s1 =	ssub.s32 @!p0 $0x0, s1;
	[sflag:s0] =	ssyncset.done @!p0 $0x0  }
0x38: {  	[sflag:s0] =	ssyncadd.s32 @!p0 s1  }
0x39: {  	[bflag:$0x3] =	sbarrier.arrive $0xFFFF  }
0x3a: {  	_ =	shalt  }

// kernel: kernel.5.cloned.1.call-start
scs
__scs_entry_jumppad:
0x0: {  	(pc) =	sbr.rel $0x88, $3  }
0x1: {  	(tag) =	ssettag $0x0;
	lr =	simm.s32 $0x1  }
0x2: {  	[smem:$0x3F5F] =	sst lr;
	_ =	strace $0xD0000000  }
0x3: {  	_ = 	snop  }
0x4: {  	_ = 	snop  }
0x5: {  	_ = 	snop  }
0x6: {  	_ = 	snop  }
0x7: {  	_ = 	snop  }
__scs_overlays_trampoline_lowered:
0x8: {  	[smem:$0x3F6E] =	sst s0  }
0x9: {  	[smem:$0x3F6F] =	sst s1  }
0xa: {  	[smem:$0x3F70] =	sst s2  }
0xb: {  	[smem:$0x3F71] =	sst s3  }
0xc: {  	[smem:$0x3F72] =	sst s4  }
0xd: {  	[smem:$0x3F73] =	sst s5  }
0xe: {  	[smem:$0x3F74] =	sst s6  }
0xf: {  	[smem:$0x3F75] =	sst s7  }
0x10: {  	[smem:$0x3F76] =	sst s8  }
0x11: {  	[smem:$0x3F77] =	sst s9;
	s0 =	simm.s32 @!p0 $0x0  }
0x12: {  	s1 =	sld [smem:$0x3F5D];
	s0 =	simm.s32 @p0 $0x1  }
0x13: {  	[smem:$0x3F78] =	sst s0;
	s0 =	simm.s32 @!p1 $0x0  }
0x14: {  	s2 =	sld [smem:$0x3F5C];
	s0 =	simm.s32 @p1 $0x1  }
0x15: {  	[smem:$0x3F79] =	sst s0;
	s0 =	simm.s32 @!p2 $0x0  }
0x16: {  	s3 =	sld [smem:$0x3FDB];
	s0 =	simm.s32 @p2 $0x1  }
0x17: {  	s4 =	simm.s32 $0x1BF5;
	[smem:$0x3F7B] =	sst s0  }
0x18: {  	s0 =	sld [smem:$0x3F5E];
	_ =	swait.ge [sflag:s4], $0x0  }
0x19: {  	s7 =	sld [smem:$0x3F5F]  }
0x1a: {  	s8 =	sadd.s32 $0xFFFFE003, lr  }
0x1b: {  	s9 =	sadd.s32 $0xFFFFFEF7, lr;
	s5 =	simm.s32 $0xFFFFFFFF;
	p2 =	slt.u32 s8, $0xFFFFF086  }
0x1c: {  	p1 =	slt.u32 s9, $0xF7A;
	s5 =	simm.s32 @!p2 $0x0  }
0x1d: {  	s5 =	simm.s32 @p1 $0x1;
	p0 =	seq.s32 s7, s2  }
0x1e: {  	s7 =	smul.u32 @!p0 $0xF7A, s2;
	p2 =	seq.s32 @!p0 s5, $0x0  }
0x1f: {  	s9 =	smul.u32 $0xF7A, s1;
	s8 =	simm.s32 @!p0 $0x1BF5;
	p2 =	por !p2, p0  }
0x20: {  	[sflag:s8] =	ssyncset.s32 @!p0 $0xFFFFF086;
	s6 =	sadd.s32 @!p0 s3, s7;
	s7 =	simm.s32 @!p0 $0x108  }
0x21: {  	s3 =	sadd.s32 s3, s9;
	s6 =	sadd.s32 @!p0 $0x88, s6;
	s7 =	simm.s32 @p2 $0x1082  }
0x22: {  	[simem:s7], [sflag:s8] =	dma.local @!p0 [hbm:s6], $0xF7A  }
0x23: {  	s9 =	sor.u32 $0xD0000000, s2;
	s6 =	simm.s32 $0x108;
	_ =	swait.ge @!p0 [sflag:s8], $0x0  }
0x24: {  	s3 =	sadd.s32 $0x88, s3;
	s6 =	simm.s32 @!p1 $0x1082;
	[sflag:s4] =	ssyncset.s32 $0xFFFFF086  }
0x25: {  	[simem:s6], [sflag:s4] =	dma.local [hbm:s3], $0xF7A  }
0x26: {  	[smem:$0x3F5F] =	sst s1;
	(tag) =	ssettag s2;
	_ =	strace s9  }
0x27: {  	s1 =	sld [smem:$0x3F6F]  }
0x28: {  	s2 =	sld [smem:$0x3F70]  }
0x29: {  	s4 =	sld [smem:$0x3F72]  }
0x2a: {  	p0 =	seq.s32 s5, $0x0;
	s5 =	sld [smem:$0x3F73]  }
0x2b: {  	s6 =	sld [smem:$0x3F74]  }
0x2c: {  	s7 =	sld [smem:$0x3F75]  }
0x2d: {  	s3 =	simm.s32 $0x108;
	s8 =	sld [smem:$0x3F76]  }
0x2e: {  	s3 =	simm.s32 @!p0 $0x1082;
	s9 =	sld [smem:$0x3F77]  }
0x2f: {  	lr =	sadd.s32 s0, s3;
	s0 =	sld [smem:$0x3F6E]  }
0x30: {  	s3 =	sld [smem:$0x3F71]  }
0x31: {  	[smem:$0x3F7A] =	sst s10  }
0x32: {  	s10 =	sld [smem:$0x3F78];
	_ =	sdelay $0x3  }
0x33: {  	p0 =	seq.s32 s10, $0x1;
	s10 =	sld [smem:$0x3F7A];
	_ =	sdelay $0x3  }
0x34: {  	[smem:$0x3F7A] =	sst s10  }
0x35: {  	s10 =	sld [smem:$0x3F79];
	_ =	sdelay $0x3  }
0x36: {  	p1 =	seq.s32 s10, $0x1;
	s10 =	sld [smem:$0x3F7A];
	_ =	sdelay $0x3  }
0x37: {  	[smem:$0x3F7A] =	sst s10  }
0x38: {  	s10 =	sld [smem:$0x3F7B]  }
0x39: {  	_ = 	snop;
	(pc) =	sbr.ind lr, $3  }
0x3a: {  	_ = 	snop  }
0x3b: {  	_ = 	snop  }
0x3c: {  	p2 =	seq.s32 s10, $0x1;
	s10 =	sld [smem:$0x3F7A]  }
0x3d: {  	_ =	shalt  }
0x3e: {  	_ =	shalt  }
0x3f: {  	_ =	shalt  }
0x40: {  	_ =	shalt  }
0x41: {  	_ =	shalt  }
0x42: {  	_ =	shalt  }
0x43: {  	_ =	shalt  }
0x44: {  	_ =	shalt  }
0x45: {  	_ =	shalt  }
0x46: {  	_ =	shalt  }
0x47: {  	_ =	shalt  }
0x48: {  	_ =	shalt  }
0x49: {  	_ =	shalt  }
0x4a: {  	_ =	shalt  }
0x4b: {  	_ =	shalt  }
0x4c: {  	_ =	shalt  }
0x4d: {  	_ =	shalt  }
0x4e: {  	_ =	shalt  }
0x4f: {  	_ =	shalt  }
0x50: {  	_ =	shalt  }
0x51: {  	_ =	shalt  }
0x52: {  	_ =	shalt  }
0x53: {  	_ =	shalt  }
0x54: {  	_ =	shalt  }
0x55: {  	_ =	shalt  }
0x56: {  	_ =	shalt  }
0x57: {  	_ =	shalt  }
0x58: {  	_ =	shalt  }
0x59: {  	_ =	shalt  }
0x5a: {  	_ =	shalt  }
0x5b: {  	_ =	shalt  }
0x5c: {  	_ =	shalt  }
0x5d: {  	_ =	shalt  }
0x5e: {  	_ =	shalt  }
0x5f: {  	_ =	shalt  }
0x60: {  	_ =	shalt  }
0x61: {  	_ =	shalt  }
0x62: {  	_ =	shalt  }
0x63: {  	_ =	shalt  }
0x64: {  	_ =	shalt  }
0x65: {  	_ =	shalt  }
0x66: {  	_ =	shalt  }
0x67: {  	_ =	shalt  }
0x68: {  	_ =	shalt  }
0x69: {  	_ =	shalt  }
0x6a: {  	_ =	shalt  }
0x6b: {  	_ =	shalt  }
0x6c: {  	_ =	shalt  }
0x6d: {  	_ =	shalt  }
0x6e: {  	_ =	shalt  }
0x6f: {  	_ =	shalt  }
0x70: {  	_ =	shalt  }
0x71: {  	_ =	shalt  }
0x72: {  	_ =	shalt  }
0x73: {  	_ =	shalt  }
0x74: {  	_ =	shalt  }
0x75: {  	_ =	shalt  }
0x76: {  	_ =	shalt  }
0x77: {  	_ =	shalt  }
0x78: {  	_ =	shalt  }
0x79: {  	_ =	shalt  }
0x7a: {  	_ =	shalt  }
0x7b: {  	_ =	shalt  }
0x7c: {  	_ =	shalt  }
0x7d: {  	_ =	shalt  }
0x7e: {  	_ =	shalt  }
0x7f: {  	_ =	shalt  }
0x80: {  	_ =	shalt  }
0x81: {  	_ =	shalt  }
0x82: {  	_ =	shalt  }
0x83: {  	_ =	shalt  }
0x84: {  	_ =	shalt  }
0x85: {  	_ =	shalt  }
0x86: {  	_ =	shalt  }
0x87: {  	_ =	shalt  }
.Lfunc_end0:
.L_simem_size_0:
called_computation.2_lowered:
.L_overlay_start_0:
0x88: {  	s2 =	sld [smem:$0x3FD9]  }
0x89: {  	s3 =	sld [smem:$0x3FFE];
	_ =	sdelay $0x1  }
0x8a: {  	s1 =	srdreg.scid  }
0x8b: {  	s0 =	sand.u32 $0x1, s1  }
0x8c: {  	s17 =	sshll.u32 s0, $0xA;
	s2 =	sadd.s32 s3, s2  }
0x8d: {  	s2 =	sadd.s32 s2, s17  }
0x8e: {  	[smem:$0x3F86] =	sst s2  }
0x8f: {  	_ = 	snop  }
0x90: {  	s2 =	sld [smem:$0x3FD0];
	(tm) =	ssettm $0x1  }
0x91: {  	s18 =	sld [smem:$0x3FFB];
	_ =	sdelay $0x3  }
0x92: {  	_ =	strace s18  }
0x93: {  	s3 =	sld [smem:$0x3FFC];
	_ =	sdelay $0x3  }
0x94: {  	_ =	strace s3  }
0x95: {  	s3 =	sld [smem:$0x3FFD];
	_ =	sdelay $0x3  }
0x96: {  	_ =	strace s3  }
0x97: {  	_ =	strace $0x8FFFFFFF  }
0x98: {  	s19 =	sld [smem:$0x3FDB];
	_ =	sdelay $0x1  }
0x99: {  	s4 =	simm.s32 $_scs_section_size  }
0x9a: {  	s5 =	simm.s32 $_size__tile_overlayer_lowered;
	s6 =	simm.s32 $_tile_overlayer_lowered  }
0x9b: {  	s22 =	simm.s32 $0x1BFF;
	s21 =	sshll.u32 s6, $0x1;
	s3 =	sadd.s32 s4, s19  }
0x9c: {  	s7 =	simm.s32 $0x0;
	s20 =	sshll.u32 s5, $0x1;
	s5 =	sadd.s32 s21, s3  }
0x9d: {  	[timem:s7], [sflag:s22] =	dma.local [hbm:s5], s20  }
0x9e: {  	_ =	swait.ge [sflag:s22], s20  }
0x9f: {  	s4 =	ssub.s32 $0x0, s20;
	[sflag:s22] =	ssyncset.done $0x0  }
0xa0: {  	[sflag:s22] =	ssyncadd.s32 s4;
	_ =	sdelay $0x1  }
0xa1: {  	s23 =	simm.s32 $0x1B8B  }
0xa2: {  	_ =	swait.ge [sflag:s23], $0x1  }
0xa3: {  	[sflag:s23] =	ssyncset.done $0x0  }
0xa4: {  	s25 =	simm.s32 $0x1B8E;
	s24 =	sld [smem:$0x3FFE];
	[sflag:s23] =	ssyncadd.s32 $0xFFFFFFFF  }
0xa5: {  	s26 =	simm.s32 $execute0_lowered;
	[smem:$0x3FD2] =	sst s25  }
0xa6: {  	s5 =	sshll.u32 s26, $0x1;
	_ =	strace $0x80000046;
	[dreg:$0x1] =	wrdreg $0xFFFFFFFF  }
0xa7: {  	s28 =	simm.s32 $_size_execute0_lowered;
	s3 =	sadd.s32 s3, s5;
	[dreg:$0x0] =	wrdreg $0x0  }
0xa8: {  	s5 =	sshll.u32 s28, $0x1;
	[dreg:$0x2] =	wrdreg s3  }
0xa9: {  	[dreg:$0x3] =	wrdreg s5  }
0xaa: {  	[dreg:$0x4] =	wrdreg $0xC0  }
0xab: {  	_ =	task [dreg:s7], $0x5FFFF  }
0xac: {  	[dreg:$0x1] =	wrdreg $0xFFFFFFFF  }
0xad: {  	[dreg:$0x0] =	wrdreg $0x60  }
0xae: {  	[dreg:$0x2] =	wrdreg s24  }
0xaf: {  	[dreg:$0x3] =	wrdreg s2  }
0xb0: {  	[dreg:$0x4] =	wrdreg $0x9  }
0xb1: {  	_ =	task.clear_ibuf [dreg:s7], $0x5FFFF;
	_ =	strace $0x90000046  }
0xb2: {  	s29 =	simm.s32 $0x9;
	_ =	strace $0x80000048  }
0xb3: {  	_ =	swait.ge [sflag:s29], $0x1  }
0xb4: {  	[sflag:s29] =	ssyncadd.s32 $0xFFFFFFFF  }
0xb5: {  	_ =	strace $0x90000048  }
0xb6: {  	_ =	sfence  }
0xb7: {  	s30 =	sld [smem:$0x0];
	_ =	sdelay $0x2  }
0xb8: {  	s31 =	sshll.u32 s1, $0xD;
	s1 =	sshrl.u32 s1, $0x2  }
0xb9: {  	s3 =	sand.u32 $0x4000, s31;
	s1 =	sadd.s32 s1, s30  }
0xba: {  	s0 =	sor.u32 s3, s0;
	s1 =	sshll.u32 s1, $0x11  }
0xbb: {  	s0 =	sor.u32 s1, s0  }
0xbc: {  	s0 =	sadd.s32 $0x8F2B, s0  }
0xbd: {  	[sflag:s0] =	ssyncadd.remote.s32 $0x1  }
0xbe: {  	_ =	sfence.sel $0xFFFF  }
0xbf: {  	[dreg:$0x0] =	wrdreg $0xFFFFFFFF;
	(pc) =	sbr.abs _section_cstart, $3  }
0xc0: {  	[dreg:$0x1] =	wrdreg $0xFFFFFFFF  }
0xc1: {  	_ =	task.clear_ibuf [dreg:s7], $0x2FFFF;
	_ =	strace $0x9FFFFFFF  }
0xc2: {  	(tm) =	ssettm $0x7FFFFFFF  }
0xc3: {  	_ =	shalt  }
tec
execute0_lowered:
.L_overlay_start_1:
0x0: {  	(tag) =	ssettag $0x1  }
0x1: {  	s0 =	rddreg [dreg:$0x0]  }
0x2: {  	s1 =	srdreg.scid;
	s2 =	stileid.u32  }
0x3: {  	s3 =	simm.s32 $0x0;
	s15 =	simm.s32 $0x5;
	s16 =	simm.s32 $0x2900  }
0x4: {  	s17 =	simm.s32 $0x5100;
	s19 =	simm.s32 $0x5500;
	s22 =	simm.s32 $0x14640  }
0x5: {  	s23 =	simm.s32 $0xD600;
	s24 =	simm.s32 $0x11BC0;
	s25 =	simm.s32 $0x50  }
0x6: {  	s28 =	simm.s32 $0x16640;
	s1 =	sand.u32 $0x1, s1;
	s2 =	sshll.u32 s2, $0x1  }
0x7: {  	s26 =	simm.s32 $0x11A70;
	s29 =	simm.s32 $0x0;
	s2 =	sor.u32 s1, s2  }
0x8: {  	[smem:$0x7FF] =	sst s3;
	s4 =	sadd.s32 $0x10600, s0;
	s14 =	smul.u32 $0x140, s2  }
0x9: {  	s5 =	sadd.s32 $0x4C00, s0;
	s1 =	ssub.s32 $0x2, s1;
	s2 =	smul.u32 $0x500, s2  }
.Ltmp0:
0xa: {  	s6 =	sadd.s32 $0x5A00, s0;
	s31 =	sshrl.u32 s1, $0x1;
	(pc) =	sbr.rel .LBB2_1-.Ltmp0, $4  }
0xb: {  	_ =	strace $0x80000047;
	s1 =	ssub.s32 s1, s31;
	s7 =	sshrl.u32 s14, $0x3  }
0xc: {  	s11 =	sadd.s32 s2, s0;
	s8 =	sadd.s32 s4, s2;
	s0 =	sadd.s32 s7, s0  }
0xd: {  	v0 =	vlaneseq.u32;
	s13 =	smax.u32 s1, $0x1;
	s11 =	sadd.s32 $0x1AC00, s11;
	s7 =	sadd.s32 $0x10000, s0  }
0xe: {  	v2 =	vmul.u32 $0x20, v0;
	v1 =	vmov s14;
	s9 =	sadd.s32 $0x5200, s0;
	s10 =	sadd.s32 $0x1A600, s0;
	s12 =	sadd.s32 $0x24C00, s0  }
.LBB2_31:
0xf: {  	[hbm4b:s11+s3] =	stream.linear.scatter [tilespmem:s24], [sflag:$0x5], $0x2800, $0x38;
	[tilespmem:$0x1B640] =	vst v63  }
0x10: {  	s29 =	sadd.s32 $0x1, s29;
	_ =	swait.ge [sflag:s15], $0x2800  }
0x11: {  	p0 =	sne.s32 s29, s13;
	[sflag:s15] =	ssyncset.done $0x0  }
.Ltmp1:
0x12: {  	[sflag:s15] =	ssyncadd.s32 $0xFFFFD800;
	(pc) =	sbr.rel @!p0 .LBB2_32-.Ltmp1, $4  }
0x13: {  	[hbm4b:s12+s3] =	stream.linear.scatter [tilespmem:s26], [sflag:$0x5], $0x140, $0x38;
	[tilespmem:$0x1B640] =	vst v63  }
0x14: {  	_ =	swait.ge [sflag:s15], $0x140  }
0x15: {  	[sflag:s15] =	ssyncset.done $0x0  }
0x16: {  	[sflag:s15] =	ssyncadd.s32 $0xFFFFFEC0  }
.LBB2_1:
0x17: {  	s0 =	simm.s32 $0x53A0  }
0x18: {  	[tilespmem:s0], [sflag:$0x5] =	stream.linear.gather [hbm4b:s7+s3], $0x158, $0x38;
	[tilespmem:$0x1B640] =	vst v63  }
0x19: {  	_ =	swait.ge [sflag:s15], $0x158  }
0x1a: {  	[sflag:s15] =	ssyncset.done $0x0  }
0x1b: {  	[sflag:s15] =	ssyncadd.s32 $0xFFFFFEA8  }
0x1c: {  	[tilespmem:s3], [sflag:$0x5] =	stream.linear.gather [hbm4b:s8+s3], $0x2800, $0x38;
	[tilespmem:$0x1B640] =	vst v63  }
0x1d: {  	_ =	swait.ge [sflag:s15], $0x2800  }
0x1e: {  	[sflag:s15] =	ssyncset.done $0x0  }
0x1f: {  	[sflag:s15] =	ssyncadd.s32 $0xFFFFD800  }
0x20: {  	[tilespmem:s16], [sflag:$0x5] =	stream.linear.gather [hbm4b:s5+s3], $0x2800, $0x38;
	[tilespmem:$0x1B640] =	vst v63  }
0x21: {  	_ =	swait.ge [sflag:s15], $0x2800  }
0x22: {  	[sflag:s15] =	ssyncset.done $0x0  }
0x23: {  	[sflag:s15] =	ssyncadd.s32 $0xFFFFD800  }
0x24: {  	[tilespmem:s17], [sflag:$0x5] =	stream.linear.gather [hbm4b:s9+s3], $0x140, $0x38;
	[tilespmem:$0x1B640] =	vst v63  }
0x25: {  	_ =	swait.ge [sflag:s15], $0x140  }
0x26: {  	[sflag:s15] =	ssyncset.done $0x0  }
0x27: {  	s18 =	simm.s32 $0x5250;
	[sflag:s15] =	ssyncadd.s32 $0xFFFFFEC0  }
0x28: {  	[tilespmem:s18], [sflag:$0x5] =	stream.linear.gather [hbm4b:s10+s3], $0x140, $0x38;
	[tilespmem:$0x1B640] =	vst v63  }
0x29: {  	_ =	swait.ge [sflag:s15], $0x140  }
0x2a: {  	[sflag:s15] =	ssyncset.done $0x0  }
0x2b: {  	[sflag:s15] =	ssyncadd.s32 $0xFFFFFEC0  }
0x2c: {  	v3 =	vld [tilespmem:$0x53A0];
	_ =	sdelay $0x4  }
0x2d: {  	v3 =	vxor.u32 $0x80000000, v3  }
0x2e: {  	(xrf0) =	vmin.scan.msk.u32 $0xffff, v3  }
0x2f: {  	v3 =	vld [tilespmem:$0x54E0];
	_ =	sdelay $0x4  }
0x30: {  	v3 =	vxor.u32 $0x80000000, v3;
	v4, _, _ =	vpop (xrf0)  }
0x31: {  	(xrf0) =	vmin.scan.msk.u32 $0xffff, v3;
	(v2sf) =	vpush v4, $0xF;
	_ =	sdelay $0x5  }
0x32: {  	v3, _, _ =	vpop (xrf0)  }
0x33: {  	(v2sf) =	vpush v3, $0xF;
	_ =	sdelay $0x7  }
0x34: {  	s1 =	spop (v2sf)  }
0x35: {  	s0 =	sxor.u32 $0x80000000, s1  }
0x36: {  	p1 =	sgt.s32 s1, $0xFFFFFFFF;
	s1 =	sand.u32 $0x7F, s1;
	p0 =	slt.s32 s0, $0x1  }
0x37: {  	s2 =	sshra.s32 s0, $0x1F;
	p4 =	sne.s32 s1, $0x0;
	p0 =	por p1, p0  }
0x38: {  	s20 =	sshrl.u32 s2, $0x19;
	p0 =	por !p4, !p0  }
0x39: {  	s2 =	simm.s32 $0x1;
	s1 =	sadd.s32 s20, s0;
	p0 =	por !p0, !p0  }
0x3a: {  	s1 =	sshrl.u32 s1, $0x7;
	s2 =	simm.s32 @!p0 $0x0  }
0x3b: {  	s14 =	spop (v2sf);
	s2 =	ssub.s32 s1, s2  }
0x3c: {  	s1 =	sxor.u32 $0x80000000, s14;
	s30 =	sshll.u32 s2, $0x7  }
0x3d: {  	s2 =	ssub.s32 s1, s30  }
0x3e: {  	s20 =	sshrl.u32 s30, $0x3;
	s2 =	sadd.s32 $0x7F, s2  }
0x3f: {  	s21 =	sshra.s32 s2, $0x1F;
	s18 =	sand.u32 $0x7F, s2;
	p5 =	slt.s32 s2, $0x1  }
0x40: {  	s14 =	sshrl.u32 s21, $0x19;
	p6 =	sne.s32 s18, $0x0;
	s18 =	rddreg [dreg:$0x1]  }
0x41: {  	s14 =	sadd.s32 s14, s2;
	s2 =	sadd.s32 s18, s20;
	p0 =	por !p5, !p6  }
0x42: {  	[tilespmem:s19], [sflag:$0x5] =	stream.linear.gather [hbm4b:s2+s3], $0x4080, $0x38;
	[tilespmem:$0x1B640] =	vst v63  }
0x43: {  	s2 =	sshra.s32 s14, $0x7;
	p0 =	por !p0, !p0;
	s14 =	simm.s32 $0x1  }
0x44: {  	s14 =	simm.s32 @!p0 $0x0  }
0x45: {  	_ =	swait.ge [sflag:s15], $0x4080;
	s31 =	ssub.s32 s2, s14  }
0x46: {  	s21 =	simm.s32 $0x9580;
	[sflag:s15] =	ssyncset.done $0x0;
	p0 =	slt.s32 s31, $0x1  }
.Ltmp2:
0x47: {  	s20 =	sadd.s32 s6, s20;
	[sflag:s15] =	ssyncadd.s32 $0xFFFFBF80;
	(pc) =	sbr.rel @p0 .LBB2_8-.Ltmp2, $4  }
0x48: {  	[tilespmem:s21], [sflag:$0x5] =	stream.linear.gather [hbm4b:s20+s3], $0x4080, $0x38;
	[tilespmem:$0x1B640] =	vst v63  }
0x49: {  	_ =	swait.ge [sflag:s15], $0x4080  }
0x4a: {  	[sflag:s15] =	ssyncset.done $0x0  }
0x4b: {  	[sflag:s15] =	ssyncadd.s32 $0xFFFFBF80  }
0x4c: {  	s2 =	simm.s32 $0x80;
	p0 =	slt.s32 s31, $0x81  }
0x4d: {  	[tilespmem:s22], [sflag:$0x1] =	stream.indirect.gather [hbm4b:s4+s2], $0x20, s19, s2, $0xb8;
	[tilespmem:$0x1B640] =	vst v63  }
0x4e: {  	v3 =	vmov s0;
	v4 =	vmov s1;
	s0 =	simm.s32 $0x0;
	s31 =	simm.s32 @!p0 $0x81  }
.LBB2_3:
0x4f: {  	s1 =	smov.u32 s0;
	s2 =	sand.u32 $0x1, s0;
	s0 =	sadd.s32 $0x1, s0  }
0x50: {  	s14 =	sadd.s32 $0x1, s2;
	p0 =	sge.s32 s0, s31;
	s1 =	sshll.u32 s1, $0x7  }
0x51: {  	s2 =	sshll.u32 s2, $0xC;
	_ =	swait.ge [sflag:s14], $0x1000;
	s18 =	sand.u32 @!p0 $0x1, s0  }
0x52: {  	s21 =	sshll.u32 @!p0 s0, $0x9;
	[sflag:s14] =	ssyncset.done $0x0;
	s20 =	sshll.u32 @!p0 s18, $0xC  }
0x53: {  	[sflag:s14] =	ssyncadd.s32 $0xFFFFF000;
	s14 =	sor.u32 @!p0 $0x14640, s20;
	s20 =	sshra.s32 @!p0 s21, $0x2  }
0x54: {  	s18 =	sadd.s32 @!p0 $0x1, s18;
	s21 =	simm.s32 @!p0 $0x80;
	s20 =	sadd.s32 @!p0 $0x5500, s20  }
0x55: {  	[tilespmem:s14], [sflag:s18] =	stream.indirect.gather @!p0 [hbm4b:s4+s21], $0x20, s20, s21, $0xb8;
	[tilespmem:$0x1B640] =	vst v63  }
0x56: {  	v5 =	vmov s2;
	v6 =	vmov s1;
	s21 =	simm.s32 $0x0  }
.LBB2_4:
0x57: {  	_ =	sdelay $0x2  }
0x58: {  	s14 =	sshll.u32 s21, $0x4  }
0x59: {  	s2 =	sadd.s32 s1, s14;
	v7 =	vld.idx.msk [tilespmem:v6+s14+$0x9580 ss:$0x1], $0xffff  }
0x5a: {  	s18 =	sadd.s32 s30, s2  }
0x5b: {  	v11 =	vld.idx.msk [tilespmem:v6+s14+$0x5500 ss:$0x1], $0xffff;
	v8 =	vor.u32 s18, v0  }
0x5c: {  	s18 =	simm.s32 $0x0;
	vm0 =	vge.s32 v8, v3;
	vm1 =	vlt.s32 v8, v4;
	v8 =	vmov s14  }
0x5d: {  	v12 =	vmov s18;
	v8 =	vshll.u32 v8, $0x5  }
0x5e: {  	vm0 =	vmand vm0, vm1;
	v7 =	vsub.s32 v7, v1;
	v8 =	vor.u32 v2, v8  }
0x5f: {  	v13 =	vnsel vm0, $0x140, v7;
	v9 =	vadd.s32 v5, v8;
	v7 =	vand.u32 $0x18, v12  }
0x60: {  	v8 =	vand.u32 $0x7, v12;
	v10 =	vshll.u32 v13, $0x5;
	v12 =	vor.u32 v9, v7  }
0x61: {  	v12 =	vor.u32 v8, v12;
	v7 =	vor.u32 v10, v7  }
0x62: {  	s20 =	simm.s32 $0x1;
	v15 =	vor.u32 v8, v7  }
0x63: {  	v7 =	vld.idx.msk [tilespmem:v11+s16+$0x0], $0xffff;
	v11 =	vmov s20  }
0x64: {  	v8 =	vld.idx.msk [tilespmem:v13+s17+$0x0], $0xffff;
	v13 =	vand.u32 $0x18, v11  }
0x65: {  	v16 =	vand.u32 $0x7, v11;
	v14 =	vor.u32 v9, v13  }
0x66: {  	v17 =	vor.u32 v10, v13;
	v11 =	vld.idx.msk [tilespmem:v12+s22+$0x0], $0xffff;
	v14 =	vor.u32 v16, v14  }
0x67: {  	v13 =	vld.idx.msk [tilespmem:v15+s3+$0x0], $0xffff;
	v15 =	vor.u32 v16, v17  }
0x68: {  	s14 =	simm.s32 $0x2;
	v12 =	vimm.f32 $0.0e+00  }
.LBB2_5:
0x69: {  	v16 =	vmov s14;
	p0 =	sne.s32 s14, $0x1F  }
.Ltmp3:
0x6a: {  	s14 =	sadd.s32 $0x1, s14;
	v17 =	vand.u32 $0x18, v16;
	(pc) =	sbr.rel @p0 .LBB2_5-.Ltmp3, $4  }
0x6b: {  	v16 =	vand.u32 $0x7, v16;
	v19 =	vmov v11;
	v18 =	vor.u32 v9, v17;
	v11 =	vld.idx.msk [tilespmem:v14+s22+$0x0], $0xffff  }
0x6c: {  	v17 =	vor.u32 v10, v17;
	v14 =	vor.u32 v16, v18;
	v18 =	vmul.f32 v13, v19;
	v13 =	vld.idx.msk [tilespmem:v15+s3+$0x0], $0xffff  }
0x6d: {  	v15 =	vor.u32 v16, v17  }
0x6e: {  	v12 =	vadd.f32 v18, v12  }
0x6f: {  	_ =	sdelay $0x3  }
0x70: {  	v9 =	vld.idx.msk [tilespmem:v14+s22+$0x0], $0xffff  }
0x71: {  	v10 =	vld.idx.msk [tilespmem:v15+s3+$0x0], $0xffff;
	_ =	sdelay $0x2  }
0x72: {  	v11 =	vmul.f32 v13, v11;
	_ =	sdelay $0x1  }
0x73: {  	v11 =	vadd.f32 v11, v12;
	v9 =	vmul.f32 v10, v9;
	_ =	sdelay $0x1  }
0x74: {  	v9 =	vadd.f32 v9, v11;
	_ =	sdelay $0x1  }
0x75: {  	v9 =	vsub.f32 $0.0e+00, v9;
	_ =	sdelay $0x1  }
0x76: {  	v9 =	vmul.f32 $1.442695020e+00, v9;
	_ =	sdelay $0x1  }
0x77: {  	(erf) = vpow2.f32 v9;
	_ =	sdelay $0x8  }
0x78: {  	v9 =	vpop (erf)  }
0x79: {  	v9 =	vadd.f32 $1.000000000e+00, v9;
	_ =	sdelay $0x1  }
0x7a: {  	(erf) = vrcp.f32 v9;
	_ =	sdelay $0x7  }
0x7b: {  	v7 =	vadd.f32 v8, v7  }
0x7c: {  	v8 =	vpop (erf)  }
0x7d: {  	s21 =	sadd.s32 $0x1, s21;
	v7 =	vmul.f32 v8, v7  }
0x7e: {  	p0 =	seq.s32 s21, $0x8  }
.Ltmp4:
0x7f: {  	v8 =	vmul.f32 $2.000000030e-01, v7;
	(pc) =	sbr.rel @!p0 .LBB2_4-.Ltmp4, $4  }
0x80: {  	vm1 =	vge.f32 v7, $0.0e+00  }
0x81: {  	v7 =	vsel vm1, v7, v8  }
0x82: {  	v7 =	vnsel vm0, $0xF149F2CA, v7  }
0x83: {  	[tilespmem:s2+$0xD600] =	vst v7  }
0x84: {  	p0 =	sne.s32 s0, s31  }
.Ltmp5:
0x85: {  	_ = 	snop;
	(pc) =	sbr.rel @p0 .LBB2_3-.Ltmp5, $1  }
0x86: {  	_ =	sdelay $0x3  }
.LBB2_8:
0x87: {  	s0 =	simm.s32 $0x0  }
0x88: {  	v5 =	vld [tilespmem:s0+$0x53A0]  }
0x89: {  	v7 =	vld [tilespmem:s0+$0x53A1];
	_ =	sdelay $0x1  }
0x8a: {  	v3 =	vmov s30;
	v6 =	vimm.s32 $0x0;
	s1 =	simm.s32 $0x40;
	v4 =	vld [tilespmem:s0+$0x5250]  }
.LBB2_9:
0x8b: {  	p0 =	sne.s32 s1, $0x4C0  }
.Ltmp6:
0x8c: {  	s2 =	sshra.s32 s1, $0x2;
	v8 =	vsub.s32 v5, v3;
	(pc) =	sbr.rel @p0 .LBB2_9-.Ltmp6, $4  }
0x8d: {  	v9 =	vsub.s32 v7, v5;
	v5 =	vld [tilespmem:s2+$0x53A0];
	[tilespmem:s0+$0x11680] =	vst v8  }
0x8e: {  	v7 =	vld [tilespmem:s2+$0x53A1];
	[tilespmem:s0+$0x117D0] =	vst v9  }
0x8f: {  	vm0 =	vgt.s32 v6, v9;
	[tilespmem:s0+$0x11920] =	vst v4  }
0x90: {  	s1 =	sadd.s32 $0x40, s1;
	s0 =	smov.u32 s2;
	v4 =	vld [tilespmem:s2+$0x5250];
	v6 =	vsel vm0, v6, v9  }
0x91: {  	_ =	sdelay $0x1  }
0x92: {  	v7 =	vsub.s32 v7, v5  }
0x93: {  	vm0 =	vgt.s32 v6, v7  }
0x94: {  	v6 =	vsel vm0, v6, v7  }
0x95: {  	v6 =	vxor.u32 $0x80000000, v6  }
0x96: {  	(xrf0) =	vmax.scan.msk.u32 $0xffff, v6;
	_ =	sdelay $0x5  }
0x97: {  	v6, _, _ =	vpop (xrf0)  }
0x98: {  	(v2sf) =	vpush v6, $0xF;
	_ =	sdelay $0xe  }
0x99: {  	s1 =	spop (v2sf)  }
0x9a: {  	s30 =	sxor.u32 $0x80000000, s1  }
0x9b: {  	p0 =	slt.s32 s30, $0x1  }
.Ltmp7:
0x9c: {  	_ = 	snop;
	(pc) =	sbr.rel @p0 .LBB2_14-.Ltmp7, $4  }
0x9d: {  	v3 =	vsub.s32 v5, v3  }
0x9e: {  	[tilespmem:s0+$0x11680] =	vst v3  }
0x9f: {  	[tilespmem:s0+$0x117D0] =	vst v7;
	p1 =	slt.s32 s30, $0x4080  }
0xa0: {  	[tilespmem:s0+$0x11920] =	vst v4;
	s0 =	simm.s32 $0x0;
	s30 =	simm.s32 @!p1 $0x4080  }
.LBB2_11:
0xa1: {  	s2 =	simm.s32 $0x0  }
0xa2: {  	v4 =	vld [tilespmem:s2+$0x11680];
	_ =	sdelay $0x1  }
0xa3: {  	v5 =	vld [tilespmem:s2+$0x117D0];
	_ =	sdelay $0x1  }
0xa4: {  	v3 =	vmov s0  }
0xa5: {  	v4 =	vadd.s32 v3, v4  }
0xa6: {  	vm0 =	vlt.s32 v4, $0x407F  }
0xa7: {  	s1 =	simm.s32 $0x10;
	vm2 =	vlt.s32 v3, v5;
	v4 =	vnsel vm0, $0x407F, v4  }
0xa8: {  	v6 =	vld [tilespmem:s1+$0x11680];
	v4 =	vnsel vm2, $0x407F, v4  }
0xa9: {  	v5 =	vld [tilespmem:s1+$0x117D0];
	_ =	sdelay $0x3  }
0xaa: {  	v6 =	vadd.s32 v3, v6;
	v4 =	vld.idx.msk [tilespmem:v4+s23+$0x0], $0xffff  }
0xab: {  	vm0 =	vlt.s32 v6, $0x407F;
	vm1 =	vlt.s32 v3, v5;
	v5 =	vld [tilespmem:s2+$0x11920]  }
0xac: {  	v6 =	vnsel vm0, $0x407F, v6  }
0xad: {  	s14 =	simm.s32 $0x20;
	s18 =	simm.s32 $0xC0;
	vm0 =	vmmov vm2;
	v6 =	vnsel vm1, $0x407F, v6  }
.LBB2_12:
0xae: {  	p1 =	sne.s32 s18, $0x4C0;
	v7 =	vld [tilespmem:s14+$0x11680]  }
0xaf: {  	v4 =	vnsel vm0, $0xF149F2CA, v4;
	vm0 =	vmmov vm1  }
0xb0: {  	v8 =	vld [tilespmem:s14+$0x117D0];
	v4 =	vmax.f32 v5, v4  }
0xb1: {  	[tilespmem:s2+$0x11920] =	vst v4;
	s2 =	smov.u32 s1;
	s1 =	smov.u32 s14  }
.Ltmp8:
0xb2: {  	v4 =	vld.idx.msk [tilespmem:v6+s23+$0x0], $0xffff;
	(pc) =	sbr.rel @p1 .LBB2_12-.Ltmp8, $4  }
0xb3: {  	v6 =	vadd.s32 v3, v7  }
0xb4: {  	vm2 =	vlt.s32 v6, $0x407F;
	v5 =	vld [tilespmem:s2+$0x11920]  }
0xb5: {  	vm1 =	vlt.s32 v3, v8;
	v6 =	vnsel vm2, $0x407F, v6  }
0xb6: {  	s14 =	sshra.s32 s18, $0x2;
	s18 =	sadd.s32 $0x40, s18;
	v6 =	vnsel vm1, $0x407F, v6  }
0xb7: {  	v7 =	vld [tilespmem:s14+$0x11680];
	_ =	sdelay $0x1  }
0xb8: {  	v4 =	vnsel vm0, $0xF149F2CA, v4;
	v8 =	vld [tilespmem:s14+$0x117D0]  }
0xb9: {  	v4 =	vmax.f32 v5, v4  }
0xba: {  	[tilespmem:s2+$0x11920] =	vst v4  }
0xbb: {  	v4 =	vld.idx.msk [tilespmem:v6+s23+$0x0], $0xffff;
	v62 =	vadd.s32 v3, v7  }
0xbc: {  	v63 =	vld [tilespmem:s1+$0x11920];
	vm13 =	vlt.s32 v62, $0x407F  }
0xbd: {  	vm2 =	vlt.s32 v3, v8;
	v3 =	vnsel vm13, $0x407F, v62  }
0xbe: {  	v3 =	vnsel vm2, $0x407F, v3  }
0xbf: {  	vm14 =	vmmov vm1  }
0xc0: {  	v4 =	vnsel vm14, $0xF149F2CA, v4  }
0xc1: {  	v4 =	vmax.f32 v63, v4  }
0xc2: {  	[tilespmem:s1+$0x11920] =	vst v4  }
0xc3: {  	v3 =	vld.idx.msk [tilespmem:v3+s23+$0x0], $0xffff  }
0xc4: {  	s0 =	sadd.s32 $0x1, s0;
	v4 =	vld [tilespmem:s14+$0x11920]  }
0xc5: {  	p1 =	sne.s32 s0, s30  }
.Ltmp9:
0xc6: {  	_ = 	snop;
	(pc) =	sbr.rel @p1 .LBB2_11-.Ltmp9, $4  }
0xc7: {  	vm15 =	vmmov vm2  }
0xc8: {  	v3 =	vnsel vm15, $0xF149F2CA, v3  }
0xc9: {  	v3 =	vmax.f32 v4, v3  }
0xca: {  	[tilespmem:s14+$0x11920] =	vst v3  }
.LBB2_14:
0xcb: {  	s0 =	simm.s32 $0x0;
	s1 =	simm.s32 $0x0  }
.LBB2_15:
0xcc: {  	s2 =	sshll.u32 s1, $0x4  }
0xcd: {  	v3 =	vld [tilespmem:s2+$0x5250]  }
0xce: {  	v4 =	vld [tilespmem:s2+$0x11920];
	_ =	sdelay $0x4  }
0xcf: {  	v3 =	vsub.f32 v3, v4;
	_ =	sdelay $0x1  }
0xd0: {  	v3 =	vmul.f32 $1.442695020e+00, v3;
	_ =	sdelay $0x1  }
0xd1: {  	(erf) = vpow2.f32 v3;
	_ =	sdelay $0x1  }
0xd2: {  	v3 =	vmov s0  }
0xd3: {  	v4 =	vmov s2;
	v3 =	vand.u32 $0x1F, v3  }
0xd4: {  	v4 =	vshll.u32 v4, $0x5;
	v3 =	vbroadcast v3, $0x0  }
0xd5: {  	v5 =	vor.u32 v2, v4  }
0xd6: {  	v4 =	vor.u32 v5, v3;
	_ =	sdelay $0x2  }
0xd7: {  	v3 =	vpop (erf)  }
0xd8: {  	s31 =	simm.s32 $0x1;
	[tilespmem:s2+$0x11A70] =	vst v3  }
0xd9: {  	v7 =	vmov s31;
	s2 =	simm.s32 $0x2;
	v6 =	vld.idx.msk [tilespmem:v4+s3+$0x0], $0xffff  }
.LBB2_16:
0xda: {  	p1 =	sne.s32 s2, $0x1F;
	v7 =	vand.u32 $0x1F, v7  }
0xdb: {  	v7 =	vbroadcast v7, $0x0;
	_ =	sdelay $0x1  }
0xdc: {  	v8 =	vor.u32 v5, v7  }
.Ltmp10:
0xdd: {  	(pc) =	sbr.rel @p1 .LBB2_16-.Ltmp10, $3  }
0xde: {  	v6 =	vmul.f32 v6, v3;
	_ =	sdelay $0x1  }
0xdf: {  	[tilespmem:v4+s24+$0x0] =	vst.idx.msk $0xffff, v6;
	v4 =	vmov v8  }
0xe0: {  	v7 =	vmov s2;
	s2 =	sadd.s32 $0x1, s2;
	v6 =	vld.idx.msk [tilespmem:v8+s3+$0x0], $0xffff  }
0xe1: {  	v7 =	vand.u32 $0x1F, v7  }
0xe2: {  	v7 =	vbroadcast v7, $0x0;
	_ =	sdelay $0x1  }
0xe3: {  	v5 =	vor.u32 v5, v7;
	_ =	sdelay $0x1  }
0xe4: {  	v6 =	vmul.f32 v6, v3;
	_ =	sdelay $0x1  }
0xe5: {  	[tilespmem:v4+s24+$0x0] =	vst.idx.msk $0xffff, v6  }
0xe6: {  	v4 =	vld.idx.msk [tilespmem:v5+s3+$0x0], $0xffff  }
0xe7: {  	s1 =	sadd.s32 $0x1, s1  }
0xe8: {  	p1 =	sne.s32 s1, $0x14  }
.Ltmp11:
0xe9: {  	_ = 	snop;
	(pc) =	sbr.rel @p1 .LBB2_15-.Ltmp11, $3  }
0xea: {  	_ = 	snop  }
0xeb: {  	v3 =	vmul.f32 v4, v3;
	_ =	sdelay $0x1  }
0xec: {  	[tilespmem:v5+s24+$0x0] =	vst.idx.msk $0xffff, v3  }
.Ltmp12:
0xed: {  	(pc) =	sbr.rel @p0 .LBB2_31-.Ltmp12, $1  }
0xee: {  	_ =	sdelay $0x3  }
0xef: {  	s1 =	simm.s32 $0x0  }
0xf0: {  	v3 =	vld [tilespmem:s1+$0x11680]  }
0xf1: {  	v4 =	vld [tilespmem:s1+$0x117D0];
	_ =	sdelay $0x3  }
0xf2: {  	vm0 =	vlt.s32 v3, $0x407F  }
0xf3: {  	s0 =	simm.s32 $0x10;
	vm2 =	vgt.s32 v4, $0x0;
	v3 =	vnsel vm0, $0x407F, v3  }
0xf4: {  	v5 =	vld [tilespmem:s0+$0x11680];
	v3 =	vnsel vm2, $0x407F, v3  }
0xf5: {  	v4 =	vld [tilespmem:s0+$0x117D0];
	_ =	sdelay $0x3  }
0xf6: {  	vm0 =	vlt.s32 v5, $0x407F;
	v3 =	vld.idx.msk [tilespmem:v3+s19+$0x0], $0xffff  }
0xf7: {  	vm1 =	vgt.s32 v4, $0x0;
	v4 =	vnsel vm0, $0x407F, v5  }
0xf8: {  	s2 =	simm.s32 $0x20;
	s14 =	simm.s32 $0xC0;
	vm0 =	vmmov vm2;
	v4 =	vnsel vm1, $0x407F, v4  }
.LBB2_20:
0xf9: {  	p0 =	sne.s32 s14, $0x4C0;
	v5 =	vld [tilespmem:s2+$0x11680]  }
0xfa: {  	v6 =	vld [tilespmem:s2+$0x117D0]  }
0xfb: {  	v3 =	vnsel vm0, $0x0, v3;
	vm0 =	vmmov vm1  }
.Ltmp13:
0xfc: {  	[tilespmem:s1+$0x143C0] =	vst v3;
	s1 =	smov.u32 s0;
	s0 =	smov.u32 s2;
	(pc) =	sbr.rel @p0 .LBB2_20-.Ltmp13, $4  }
0xfd: {  	v3 =	vld.idx.msk [tilespmem:v4+s19+$0x0], $0xffff  }
0xfe: {  	vm2 =	vlt.s32 v5, $0x407F  }
0xff: {  	vm1 =	vgt.s32 v6, $0x0;
	v4 =	vnsel vm2, $0x407F, v5  }
0x100: {  	s2 =	sshra.s32 s14, $0x2;
	s14 =	sadd.s32 $0x40, s14;
	v4 =	vnsel vm1, $0x407F, v4  }
0x101: {  	v5 =	vld [tilespmem:s2+$0x11680]  }
0x102: {  	v6 =	vld [tilespmem:s2+$0x117D0];
	_ =	sdelay $0x1  }
0x103: {  	v3 =	vnsel vm0, $0x0, v3  }
0x104: {  	[tilespmem:s1+$0x143C0] =	vst v3  }
0x105: {  	v3 =	vld.idx.msk [tilespmem:v4+s19+$0x0], $0xffff;
	vm13 =	vlt.s32 v5, $0x407F  }
0x106: {  	vm2 =	vgt.s32 v6, $0x0;
	v63 =	vnsel vm13, $0x407F, v5  }
0x107: {  	v4 =	vnsel vm2, $0x407F, v63;
	_ =	sdelay $0x1  }
0x108: {  	vm14 =	vmmov vm1  }
0x109: {  	v3 =	vnsel vm14, $0x0, v3  }
0x10a: {  	[tilespmem:s0+$0x143C0] =	vst v3  }
0x10b: {  	v3 =	vld.idx.msk [tilespmem:v4+s19+$0x0], $0xffff;
	_ =	sdelay $0x3  }
0x10c: {  	vm15 =	vmmov vm2  }
0x10d: {  	v3 =	vnsel vm15, $0x0, v3  }
0x10e: {  	s1 =	simm.s32 $0x143C0;
	[tilespmem:s2+$0x143C0] =	vst v3  }
0x10f: {  	[tilespmem:s28], [sflag:$0x3] =	stream.indirect.gather [hbm4b:s4+s25], $0x20, s1, s25, $0xb8;
	[tilespmem:$0x1B640] =	vst v63  }
0x110: {  	s14 =	simm.s32 $0x17040;
	s2 =	simm.s32 $0x14410  }
0x111: {  	[tilespmem:s14], [sflag:$0x3] =	stream.indirect.gather [hbm4b:s4+s25], $0x20, s2, s25, $0xb8;
	[tilespmem:$0x1B640] =	vst v63  }
0x112: {  	s18 =	simm.s32 $0x14460;
	s20 =	simm.s32 $0x17A40;
	s21 =	simm.s32 $0x144B0  }
0x113: {  	[tilespmem:s20], [sflag:$0x3] =	stream.indirect.gather [hbm4b:s4+s25], $0x20, s18, s25, $0xb8;
	[tilespmem:$0x1B640] =	vst v63  }
0x114: {  	s31 =	simm.s32 $0x18440;
	p0 =	por $0x1, $0x1;
	s0 =	simm.s32 $0x0  }
0x115: {  	[tilespmem:s31], [sflag:$0x3] =	stream.indirect.gather [hbm4b:s4+s25], $0x20, s21, s25, $0xb8;
	[tilespmem:$0x1B640] =	vst v63  }
.LBB2_23:
0x116: {  	s1 =	sand.u32 $0x1, s0  }
0x117: {  	s2 =	sadd.s32 $0x3, s1  }
0x118: {  	_ =	swait.ge [sflag:s2], $0xA00  }
0x119: {  	[sflag:s2] =	ssyncset.done $0x0  }
0x11a: {  	[sflag:s2] =	ssyncadd.s32 $0xFFFFF600  }
0x11b: {  	_ =	swait.ge [sflag:s2], $0xA00  }
0x11c: {  	[sflag:s2] =	ssyncset.done $0x0  }
0x11d: {  	s31 =	sadd.s32 $0x1, s0;
	[sflag:s2] =	ssyncadd.s32 $0xFFFFF600  }
0x11e: {  	p1 =	sge.s32 s31, s30;
	_ =	swait.ge [sflag:s2], $0xA00  }
.Ltmp14:
0x11f: {  	[sflag:s2] =	ssyncset.done $0x0;
	(pc) =	sbr.rel @p1 .LBB2_27-.Ltmp14, $4  }
0x120: {  	[sflag:s2] =	ssyncadd.s32 $0xFFFFF600  }
0x121: {  	_ =	swait.ge [sflag:s2], $0xA00  }
0x122: {  	[sflag:s2] =	ssyncset.done $0x0  }
0x123: {  	[sflag:s2] =	ssyncadd.s32 $0xFFFFF600  }
0x124: {  	s2 =	simm.s32 $0x1  }
0x125: {  	s2 =	simm.s32 @!p0 $0x0  }
0x126: {  	s21 =	sand.u32 $0x1, s31;
	s2 =	smul.u32 $0x500, s2  }
0x127: {  	s14 =	smul.u32 $0x500, s21  }
0x128: {  	s2 =	sshrl.u32 s2, $0x2  }
0x129: {  	s18 =	sadd.s32 $0x143C0, s2;
	s2 =	sshrl.u32 s14, $0x2  }
0x12a: {  	v4 =	vmov s31;
	s20 =	simm.s32 $0x40;
	s14 =	sadd.s32 $0x143C0, s2;
	v3 =	vmov s18;
	s18 =	simm.s32 $0x0  }
.LBB2_25:
0x12b: {  	p1 =	sne.s32 s20, $0x4C0;
	v5 =	vld [tilespmem:s18+$0x11680];
	_ =	sdelay $0x1  }
0x12c: {  	v6 =	vld [tilespmem:s18+$0x117D0];
	_ =	sdelay $0x2  }
0x12d: {  	v5 =	vadd.s32 v4, v5  }
0x12e: {  	vm0 =	vlt.s32 v5, $0x407F  }
0x12f: {  	vm1 =	vlt.s32 v4, v6;
	v5 =	vnsel vm0, $0x407F, v5  }
0x130: {  	v5 =	vnsel vm1, $0x407F, v5;
	_ =	sdelay $0x4  }
0x131: {  	v5 =	vld.idx.msk [tilespmem:v5+s19+$0x0], $0xffff;
	_ =	sdelay $0x2  }
.Ltmp15:
0x132: {  	(pc) =	sbr.rel @p1 .LBB2_25-.Ltmp15, $3  }
0x133: {  	_ =	sdelay $0x1  }
0x134: {  	v5 =	vnsel vm1, $0x0, v5  }
0x135: {  	[tilespmem:v3+s18+$0x0 ss:$0x1] =	vst.idx.msk $0xffff, v5;
	s18 =	sshra.s32 s20, $0x2;
	s20 =	sadd.s32 $0x40, s20  }
0x136: {  	v5 =	vld [tilespmem:s18+$0x11680];
	_ =	sdelay $0x1  }
0x137: {  	v6 =	vld [tilespmem:s18+$0x117D0];
	_ =	sdelay $0x2  }
0x138: {  	v5 =	vadd.s32 v4, v5  }
0x139: {  	vm0 =	vlt.s32 v5, $0x407F  }
0x13a: {  	vm1 =	vlt.s32 v4, v6;
	v63 =	vnsel vm0, $0x407F, v5  }
0x13b: {  	v4 =	vnsel vm1, $0x407F, v63;
	_ =	sdelay $0x4  }
0x13c: {  	v4 =	vld.idx.msk [tilespmem:v4+s19+$0x0], $0xffff;
	_ =	sdelay $0x2  }
0x13d: {  	s20 =	smul.u32 $0xA000, s21;
	_ =	sdelay $0x1  }
0x13e: {  	s20 =	sshrl.u32 s20, $0x2;
	v4 =	vnsel vm1, $0x0, v4  }
0x13f: {  	s21 =	sadd.s32 $0x3, s21;
	[tilespmem:v3+s18+$0x0 ss:$0x1] =	vst.idx.msk $0xffff, v4;
	s18 =	sadd.s32 $0x16640, s20  }
0x140: {  	[tilespmem:s18], [sflag:s21] =	stream.indirect.gather [hbm4b:s4+s25], $0x20, s14, s25, $0xb8;
	[tilespmem:$0x1B640] =	vst v63  }
0x141: {  	s14 =	sadd.s32 $0x17040, s20;
	s18 =	sadd.s32 $0x14410, s2  }
0x142: {  	[tilespmem:s14], [sflag:s21] =	stream.indirect.gather [hbm4b:s4+s25], $0x20, s18, s25, $0xb8;
	[tilespmem:$0x1B640] =	vst v63  }
0x143: {  	s14 =	sadd.s32 $0x17A40, s20;
	s18 =	sadd.s32 $0x14460, s2  }
0x144: {  	[tilespmem:s14], [sflag:s21] =	stream.indirect.gather [hbm4b:s4+s25], $0x20, s18, s25, $0xb8;
	[tilespmem:$0x1B640] =	vst v63  }
0x145: {  	s18 =	sor.u32 $0x18440, s20;
	s20 =	sadd.s32 $0x144B0, s2  }
0x146: {  	[tilespmem:s18], [sflag:s21] =	stream.indirect.gather [hbm4b:s4+s25], $0x20, s20, s25, $0xb8;
	[tilespmem:$0x1B640] =	vst v63  }
.LBB2_27:
0x147: {  	v3 =	vmov s1  }
0x148: {  	v4 =	vmul.u32 $0x2800, v3;
	_ =	sdelay $0x1  }
0x149: {  	s1 =	simm.s32 $0x0;
	v3 =	vmov s0;
	s0 =	simm.s32 $0x0;
	v4 =	vbroadcast v4, $0x0  }
.LBB2_28:
0x14a: {  	s2 =	sshll.u32 s1, $0x4  }
0x14b: {  	v5 =	vld [tilespmem:s2+$0x11680];
	_ =	sdelay $0x1  }
0x14c: {  	v6 =	vld [tilespmem:s2+$0x117D0];
	_ =	sdelay $0x2  }
0x14d: {  	v5 =	vadd.s32 v3, v5  }
0x14e: {  	vm0 =	vlt.s32 v5, $0x407F  }
0x14f: {  	vm1 =	vlt.s32 v3, v6;
	v5 =	vnsel vm0, $0x407F, v5  }
0x150: {  	v5 =	vnsel vm1, $0x407F, v5;
	_ =	sdelay $0x3  }
0x151: {  	v6 =	vld [tilespmem:s2+$0x11920]  }
0x152: {  	v5 =	vld.idx.msk [tilespmem:v5+s23+$0x0], $0xffff;
	_ =	sdelay $0x4  }
0x153: {  	v5 =	vsub.f32 v5, v6;
	_ =	sdelay $0x1  }
0x154: {  	v5 =	vmul.f32 $1.442695020e+00, v5;
	_ =	sdelay $0x1  }
0x155: {  	(erf) = vpow2.f32 v5;
	_ =	sdelay $0x4  }
0x156: {  	v6 =	vmov s0;
	v5 =	vmov s2  }
0x157: {  	v9 =	vld [tilespmem:s2+$0x11A70];
	v7 =	vand.u32 $0x1F, v6;
	v5 =	vshll.u32 v5, $0x5  }
0x158: {  	v8 =	vbroadcast v7, $0x0;
	v6 =	vor.u32 v2, v5  }
0x159: {  	v7 =	vadd.s32 v4, v6  }
0x15a: {  	v10 =	vor.u32 v7, v8;
	v5 =	vpop (erf)  }
0x15b: {  	v8 =	vor.u32 v6, v8;
	v5 =	vnsel vm1, $0x0, v5  }
0x15c: {  	v9 =	vadd.f32 v5, v9;
	_ =	sdelay $0x1  }
0x15d: {  	[tilespmem:s2+$0x11A70] =	vst v9  }
0x15e: {  	s21 =	simm.s32 $0x1;
	v9 =	vld.idx.msk [tilespmem:v10+s28+$0x0], $0xffff  }
0x15f: {  	v11 =	vmov s21;
	s2 =	simm.s32 $0x2;
	v10 =	vld.idx.msk [tilespmem:v8+s24+$0x0], $0xffff  }
.LBB2_29:
0x160: {  	p1 =	sne.s32 s2, $0x1F;
	v11 =	vand.u32 $0x1F, v11  }
0x161: {  	v11 =	vbroadcast v11, $0x0;
	_ =	sdelay $0x1  }
0x162: {  	v9 =	vmul.f32 v9, v5;
	v12 =	vor.u32 v7, v11;
	_ =	sdelay $0x1  }
0x163: {  	v13 =	vor.u32 v6, v11;
	v9 =	vadd.f32 v9, v10  }
.Ltmp16:
0x164: {  	(pc) =	sbr.rel @p1 .LBB2_29-.Ltmp16, $3  }
0x165: {  	[tilespmem:v8+s24+$0x0] =	vst.idx.msk $0xffff, v9;
	v8 =	vmov v13  }
0x166: {  	v9 =	vld.idx.msk [tilespmem:v12+s28+$0x0], $0xffff;
	_ =	sdelay $0x1  }
0x167: {  	v11 =	vmov s2;
	s2 =	sadd.s32 $0x1, s2;
	v10 =	vld.idx.msk [tilespmem:v13+s24+$0x0], $0xffff  }
0x168: {  	v11 =	vand.u32 $0x1F, v11  }
0x169: {  	v11 =	vbroadcast v11, $0x0;
	_ =	sdelay $0x1  }
0x16a: {  	v9 =	vmul.f32 v9, v5;
	v7 =	vor.u32 v7, v11;
	_ =	sdelay $0x1  }
0x16b: {  	v6 =	vor.u32 v6, v11;
	v9 =	vadd.f32 v9, v10;
	_ =	sdelay $0x1  }
0x16c: {  	[tilespmem:v8+s24+$0x0] =	vst.idx.msk $0xffff, v9  }
0x16d: {  	v7 =	vld.idx.msk [tilespmem:v7+s28+$0x0], $0xffff;
	_ =	sdelay $0x1  }
0x16e: {  	v8 =	vld.idx.msk [tilespmem:v6+s24+$0x0], $0xffff  }
0x16f: {  	s1 =	sadd.s32 $0x1, s1  }
0x170: {  	p1 =	seq.s32 s1, $0x14  }
.Ltmp17:
0x171: {  	v5 =	vmul.f32 v7, v5;
	(pc) =	sbr.rel @!p1 .LBB2_28-.Ltmp17, $3  }
0x172: {  	_ = 	snop  }
0x173: {  	v5 =	vadd.f32 v5, v8;
	_ =	sdelay $0x1  }
0x174: {  	[tilespmem:v6+s24+$0x0] =	vst.idx.msk $0xffff, v5  }
0x175: {  	p1 =	seq.s32 s31, s30  }
.Ltmp18:
0x176: {  	_ = 	snop;
	(pc) =	sbr.rel @!p1 .LBB2_23-.Ltmp18, $4  }
.Ltmp19:
0x177: {  	_ = 	snop;
	(pc) =	sbr.rel @p1 .LBB2_31-.Ltmp19, $4  }
0x178: {  	_ = 	snop  }
0x179: {  	_ = 	snop  }
0x17a: {  	p0 =	por !p0, !p0;
	s0 =	smov.u32 s31  }
0x17b: {  	_ = 	snop  }
.LBB2_32:
0x17c: {  	_ =	sfence.sel $0x180000  }
0x17d: {  	[bflag:$0x0] =	sbarrier.arrive $0xFFFF  }
0x17e: {  	_ =	strace $0x90000047  }
0x17f: {  	s0 =	stileid.u32;
	[bflag:$0x2] =	sbarrier.arrive $0xFFFF  }
0x180: {  	p0 =	sne.s32 s0, $0x0;
	s0 =	rddreg [dreg:$0x2]  }
0x181: {  	s0 =	sadd.s32 @!p0 $0x100000, s0  }
0x182: {  	[sflag:s0] =	ssyncadd.tile.s32 @!p0 $0x1;
	_ =	shalt  }
.Lfunc_end2:
_tile_overlayer_lowered:
.L_overlay_start_2:
0x183: {  	(tag) =	ssettag $0x2  }
0x184: {  	s0 =	rddreg [dreg:$0x0];
	s2 =	stileid.u32  }
0x185: {  	s1 =	rddreg [dreg:$0x1];
	p0 =	sne.s32 s2, $0x0  }
0x186: {  	s3 =	rddreg [dreg:$0x2];
	[bflag:$0x3] =	sbarrier.arrive $0xFFFF;
	s2 =	simm.s32 @!p0 $0x1C05  }
0x187: {  	[timem:s3], [sflag:s2] =	dma.local @!p0 [hbm:s0], s1  }
0x188: {  	s0 =	simm.s32 @!p0 $0x5  }
0x189: {  	_ =	swait.ge @!p0 [sflag:s0], s1  }
0x18a: {  	s1 =	ssub.s32 @!p0 $0x0, s1;
	[sflag:s0] =	ssyncset.done @!p0 $0x0  }
0x18b: {  	[sflag:s0] =	ssyncadd.s32 @!p0 s1  }
0x18c: {  	[bflag:$0x3] =	sbarrier.arrive $0xFFFF  }
0x18d: {  	_ =	shalt  }

</sc_bundles>
